<compile_context>
chip_gen: v7x
topology: tpu7x:2x2x1
jax: 0.10.2.dev20260603
libtpu: 0.0.44.dev20260713+nightly
codegen_flags: <defaults>
</compile_context>

<pallas_src>
import functools

import jax
import jax.numpy as jnp
from jax import lax
from jax.experimental import pallas as pl
from jax.experimental.pallas import tpu as pltpu
from jax.experimental.pallas import tpu_sc as plsc

NUM_Q = 8
K = 8192
D = 32
B = 16
N = 1024
T = B * N
TBLK = 256
GRID = T // TBLK
KC = 2048
NKC = K // KC

DP = 128

NC, NS = 2, 16
NW = NC * NS
TPW = T // NW
CHUNK = 128
NCHUNK = TPW // CHUNK
L = 16


def _layer_body(r_ref, r2_ref, cbt_ref, ind_out, stat_out):
    rr = r_ref[...]
    r2 = r2_ref[...]
    run_val = jnp.full((TBLK, 128), jnp.inf, dtype=jnp.float32)
    run_idx = jnp.zeros((TBLK, 128), dtype=jnp.int32)
    for kc in range(NKC):
        cbt = cbt_ref[:, kc * KC:(kc + 1) * KC]
        c2 = jnp.sum(cbt * cbt, axis=0, keepdims=True)
        m = lax.dot_general(rr, cbt, (((1,), (0,)), ((), ())),
                            preferred_element_type=jnp.float32)
        val = (r2 - (m + m)) + c2
        idx = lax.broadcasted_iota(jnp.int32, (TBLK, KC), 1) + kc * KC
        w = KC
        while w > 128:
            w //= 2
            v1, v2 = val[:, :w], val[:, w:]
            i1, i2 = idx[:, :w], idx[:, w:]
            take = v2 < v1
            val = jnp.where(take, v2, v1)
            idx = jnp.where(take, i2, i1)
        take = val < run_val
        run_val = jnp.where(take, val, run_val)
        run_idx = jnp.where(take, idx, run_idx)

    minv = jnp.min(run_val, axis=1, keepdims=True)
    ind = jnp.min(jnp.where(run_val <= minv, run_idx, K), axis=1)
    ind_out[...] = ind.reshape(1, 1, TBLK)

    partial = jnp.sum(minv)

    @pl.when(pl.program_id(0) == 0)
    def _():
        stat_out[...] = jnp.zeros_like(stat_out)

    stat_out[...] += partial


_TOK_SPEC = pl.BlockSpec((TBLK, D), lambda i: (i, 0))
_R2_SPEC = pl.BlockSpec((TBLK, 1), lambda i: (i, 0))
_CBT_SPEC = pl.BlockSpec((D, K), lambda i: (0, 0))
_IND_SPEC = pl.BlockSpec((1, 1, TBLK), lambda i: (i, 0, 0))
_STAT_SPEC = pl.BlockSpec((8, 128), lambda i: (0, 0))
_IND_SHAPE = jax.ShapeDtypeStruct((GRID, 1, TBLK), jnp.int32)
_STAT_SHAPE = jax.ShapeDtypeStruct((8, 128), jnp.float32)

_layer_call = pl.pallas_call(
    _layer_body,
    grid=(GRID,),
    in_specs=[_TOK_SPEC, _R2_SPEC, _CBT_SPEC],
    out_specs=[_IND_SPEC, _STAT_SPEC],
    out_shape=[_IND_SHAPE, _STAT_SHAPE],
)


def _sc_body(final, cb_hbm, idx_hbm, r_hbm, x_hbm, o_hbm,
             idx_v, rows_v, r_v, x_v, o_v, sem):
    wid = lax.axis_index("s") * NC + lax.axis_index("c")
    pltpu.sync_copy(idx_hbm.at[wid], idx_v)
    for j in range(NCHUNK):
        base = (wid * NCHUNK + j) * CHUNK
        cp = pltpu.async_copy(cb_hbm.at[idx_v.at[j]], rows_v, sem)
        pltpu.sync_copy(r_hbm.at[pl.ds(base, CHUNK)], r_v)
        if final:
            pltpu.sync_copy(x_hbm.at[pl.ds(base, CHUNK)], x_v)
        cp.wait()

        def _tok(t, _):
            for h in range(D // L):
                sl = pl.ds(h * L, L)
                q = rows_v[t, sl]
                if final:
                    o_v[t, sl] = (x_v[t, sl] - r_v[t, sl]) + q
                else:
                    o_v[t, sl] = r_v[t, sl] - q
            return 0

        lax.fori_loop(0, CHUNK, _tok, 0)
        pltpu.sync_copy(o_v, o_hbm.at[pl.ds(base, CHUNK)])


@functools.lru_cache(maxsize=2)
def _sc_call(final):
    mesh = plsc.VectorSubcoreMesh(
        core_axis_name="c", subcore_axis_name="s",
        num_cores=NC, num_subcores=NS)
    return functools.partial(
        pl.kernel,
        out_type=jax.ShapeDtypeStruct((T, D), jnp.float32),
        mesh=mesh,
        scratch_types=[
            pltpu.VMEM((NCHUNK, CHUNK), jnp.int32),
            pltpu.VMEM((CHUNK, DP), jnp.float32),
            pltpu.VMEM((CHUNK, D), jnp.float32),
            pltpu.VMEM((CHUNK, D), jnp.float32),
            pltpu.VMEM((CHUNK, D), jnp.float32),
            pltpu.SemaphoreType.DMA,
        ],
    )(functools.partial(_sc_body, final))


def kernel(x, codebooks):
    xf = x.reshape(T, D)
    cbt = jnp.transpose(codebooks, (0, 2, 1))
    cbp = jnp.pad(codebooks, ((0, 0), (0, 0), (0, DP - D)))

    inds = []
    stats = []
    r = xf
    for i in range(NUM_Q):
        r2 = jnp.sum(r ** 2, axis=1, keepdims=True)
        ind3, stat = _layer_call(r, r2, cbt[i])
        ind_flat = ind3.reshape(T)
        idx = ind_flat.reshape(NW, NCHUNK, CHUNK)
        if i < NUM_Q - 1:
            r = _sc_call(False)(cbp[i], idx, r, r)
        else:
            out = _sc_call(True)(cbp[i], idx, r, xf)
        inds.append(ind_flat)
        stats.append(stat[0, 0])

    quantized = out.reshape(B, N, D)
    indices = jnp.stack(inds).reshape(NUM_Q, B, N)
    losses = jnp.stack(stats) / float(T * D)
    return quantized, indices, losses

# --- scband reference (transcript-rebuilt; emitter-appended) ---
"""Pipeline reference for scband-residual-vq-46162308497955 (READ-ONLY COPY).

The authoritative reference and input builder live on the scoring server;
editing this copy changes nothing except your own understanding.
"""

import jax, jax.numpy as jnp
import numpy as np

NUM_Q = 8
K = 8192
D = 32
B = 16
N = 1024
COMMIT = 1.0


def setup_inputs(seed: int = 0) -> dict:
    key = jax.random.key(seed)
    kx, kc = jax.random.split(key)
    x = jax.random.normal(kx, (B, N, D), dtype=jnp.float32)
    # one codebook per residual quantizer layer (learned params)
    codebooks = jax.random.normal(kc, (NUM_Q, K, D), dtype=jnp.float32)
    return {"x": x, "codebooks": codebooks}


def _vq_layer(x, embed):
    # x: [B, N, D], embed: [K, D]
    flat = x.reshape(-1, x.shape[-1])
    dist = (jnp.sum(flat ** 2, axis=1, keepdims=True)
            - 2.0 * flat @ embed.T
            + jnp.sum(embed ** 2, axis=1)[None, :])
    ind = jnp.argmin(dist, axis=1)
    quantize = jnp.take(embed, ind, axis=0).reshape(x.shape)
    loss = COMMIT * jnp.mean((jax.lax.stop_gradient(quantize) - x) ** 2)
    # straight-through estimator
    quantize = x + jax.lax.stop_gradient(quantize - x)
    return quantize, ind.reshape(x.shape[:-1]), loss


def reference(x, codebooks):
    residual = x
    quantized_output = jnp.zeros_like(x)
    all_indices = []
    all_losses = []
    for i in range(NUM_Q):
        quantized, ind, loss = _vq_layer(residual, codebooks[i])
        residual = residual - quantized
        quantized_output = quantized_output + quantized
        all_indices.append(ind)
        all_losses.append(loss)
    all_losses = jnp.stack(all_losses)
    all_indices = jnp.stack(all_indices)
    return (quantized_output, all_indices, all_losses)

if __name__ == "__main__":
    import jax
    _d = setup_inputs()
    print(jax.jit(kernel)(*tuple(_d.values())))

</pallas_src>

<mosaic_0001>
#map = affine_map<(d0, d1) -> (0, 0)>
#map1 = affine_map<(d0, d1) -> (0, 0, 0)>
module attributes {stable_mosaic.version = 14 : i64} {
  func.func @_sc_body(%arg0: i32, %arg1: i32, %arg2: memref<8192x128xf32, #tpu.memory_space<hbm>>, %arg3: memref<32x4x128xi32, #tpu.memory_space<hbm>>, %arg4: memref<16384x32xf32, #tpu.memory_space<hbm>>, %arg5: memref<16384x32xf32, #tpu.memory_space<hbm>>, %arg6: memref<16384x32xf32, #tpu.memory_space<hbm>>, %arg7: memref<4x128xi32, #tpu.memory_space<vmem>>, %arg8: memref<128x128xf32, #tpu.memory_space<vmem>>, %arg9: memref<128x32xf32, #tpu.memory_space<vmem>>, %arg10: memref<128x32xf32, #tpu.memory_space<vmem>>, %arg11: memref<128x32xf32, #tpu.memory_space<vmem>>, %arg12: memref<!tpu.dma_semaphore, #tpu.memory_space<semaphore_mem>>) attributes {dimension_semantics = [#tpu.dimension_semantics<core_parallel>, #tpu.dimension_semantics<subcore_parallel>], iteration_bounds = array<i64: 2, 16>, scalar_prefetch = 0 : i64, scratch_operands = 6 : i64, tpu.core_type = #tpu.core_type<sc_vector_subcore>, window_params = [{transform_indices = #map}, {transform_indices = #map1}, {transform_indices = #map}, {transform_indices = #map}, {transform_indices = #map}]} {
    %mul3A = arith.constant 2 : i32
    %mul3A_0 = arith.muli %arg1, %mul3A : i32
    %add3A = arith.addi %mul3A_0, %arg0 : i32
    "tpu.region"() ({
      %run_scoped3A = tpu.sem_alloc : memref<!tpu.dma_semaphore, #tpu.memory_space<semaphore_mem>>
      %dma_start3A_106 = arith.constant 0 : i32
      %dma_start3A_107 = arith.constant 0 : i32
      %dma_start3A_108 = tpu.memref_slice %arg3[%add3A, %dma_start3A_106, %dma_start3A_107] : memref<32x4x128xi32, #tpu.memory_space<hbm>> -> memref<1x4x128xi32, #tpu.memory_space<hbm>>
      %dma_start3A_109 = tpu.memref_squeeze %dma_start3A_108 : memref<1x4x128xi32, #tpu.memory_space<hbm>> -> memref<4x128xi32, #tpu.memory_space<hbm>>
      %dma_start3A_110 = arith.constant 0 : i32
      %dma_start3A_111 = arith.constant 0 : i32
      %dma_start3A_112 = tpu.memref_slice %arg3[%add3A, %dma_start3A_110, %dma_start3A_111] : memref<32x4x128xi32, #tpu.memory_space<hbm>> -> memref<1x4x128xi32, #tpu.memory_space<hbm>>
      %dma_start3A_113 = tpu.memref_squeeze %dma_start3A_112 : memref<1x4x128xi32, #tpu.memory_space<hbm>> -> memref<4x128xi32, #tpu.memory_space<hbm>>
      tpu.enqueue_dma source(%dma_start3A_113 : memref<4x128xi32, #tpu.memory_space<hbm>>) target(%arg7 : memref<4x128xi32, #tpu.memory_space<vmem>>) target_semaphore(%run_scoped3A : memref<!tpu.dma_semaphore, #tpu.memory_space<semaphore_mem>>)
      %dma_wait3A_114 = arith.constant 0 : i32
      %dma_wait3A_115 = arith.constant 0 : i32
      %dma_wait3A_116 = tpu.memref_slice %arg3[%add3A, %dma_wait3A_114, %dma_wait3A_115] : memref<32x4x128xi32, #tpu.memory_space<hbm>> -> memref<1x4x128xi32, #tpu.memory_space<hbm>>
      %dma_wait3A_117 = tpu.memref_squeeze %dma_wait3A_116 : memref<1x4x128xi32, #tpu.memory_space<hbm>> -> memref<4x128xi32, #tpu.memory_space<hbm>>
      %dma_wait3A_118 = arith.constant 0 : i32
      %dma_wait3A_119 = arith.constant 0 : i32
      %dma_wait3A_120 = tpu.memref_slice %arg3[%add3A, %dma_wait3A_118, %dma_wait3A_119] : memref<32x4x128xi32, #tpu.memory_space<hbm>> -> memref<1x4x128xi32, #tpu.memory_space<hbm>>
      %dma_wait3A_121 = tpu.memref_squeeze %dma_wait3A_120 : memref<1x4x128xi32, #tpu.memory_space<hbm>> -> memref<4x128xi32, #tpu.memory_space<hbm>>
      tpu.wait_dma2 semaphore(%run_scoped3A : memref<!tpu.dma_semaphore, #tpu.memory_space<semaphore_mem>>) src(%dma_wait3A_121 : memref<4x128xi32, #tpu.memory_space<hbm>>) dst(%arg7 : memref<4x128xi32, #tpu.memory_space<vmem>>)
      tpu.yield
    }) : () -> ()
    %mul3A_1 = arith.constant 4 : i32
    %mul3A_2 = arith.muli %add3A, %mul3A_1 : i32
    %add3A_3 = arith.constant 0 : i32
    %add3A_4 = arith.addi %mul3A_2, %add3A_3 : i32
    %mul3A_5 = arith.constant 128 : i32
    %mul3A_6 = arith.muli %add3A_4, %mul3A_5 : i32
    %dma_start3A = arith.constant 0 : i32
    %dma_start3A_7 = arith.constant 0 : i32
    %dma_start3A_8 = tpu.memref_slice %arg7[%dma_start3A, %dma_start3A_7] : memref<4x128xi32, #tpu.memory_space<vmem>> -> memref<1x128xi32, #tpu.memory_space<vmem>>
    %dma_start3A_9 = tpu.memref_squeeze %dma_start3A_8 : memref<1x128xi32, #tpu.memory_space<vmem>> -> memref<128xi32, #tpu.memory_space<vmem>>
    %dma_start3A_10 = arith.constant 0 : i32
    %dma_start3A_11 = arith.constant 0 : i32
    %dma_start3A_12 = tpu.memref_slice %arg2[%dma_start3A_10, %dma_start3A_11] : memref<8192x128xf32, #tpu.memory_space<hbm>> -> memref<8192x128xf32, #tpu.memory_space<hbm>>
    tpu.enqueue_indirect_dma source(%dma_start3A_12 : memref<8192x128xf32, #tpu.memory_space<hbm>>) target(%arg8 : memref<128x128xf32, #tpu.memory_space<vmem>>) offsets(%dma_start3A_9 : memref<128xi32, #tpu.memory_space<vmem>>) semaphore(%arg12 : memref<!tpu.dma_semaphore, #tpu.memory_space<semaphore_mem>>)
    "tpu.region"() ({
      %run_scoped3A = tpu.sem_alloc : memref<!tpu.dma_semaphore, #tpu.memory_space<semaphore_mem>>
      %dma_start3A_106 = arith.constant 0 : i32
      %dma_start3A_107 = tpu.memref_slice %arg4[%mul3A_6, %dma_start3A_106] : memref<16384x32xf32, #tpu.memory_space<hbm>> -> memref<128x32xf32, #tpu.memory_space<hbm>>
      %dma_start3A_108 = arith.constant 0 : i32
      %dma_start3A_109 = tpu.memref_slice %arg4[%mul3A_6, %dma_start3A_108] : memref<16384x32xf32, #tpu.memory_space<hbm>> -> memref<128x32xf32, #tpu.memory_space<hbm>>
      tpu.enqueue_dma source(%dma_start3A_109 : memref<128x32xf32, #tpu.memory_space<hbm>>) target(%arg9 : memref<128x32xf32, #tpu.memory_space<vmem>>) target_semaphore(%run_scoped3A : memref<!tpu.dma_semaphore, #tpu.memory_space<semaphore_mem>>)
      %dma_wait3A_110 = arith.constant 0 : i32
      %dma_wait3A_111 = tpu.memref_slice %arg4[%mul3A_6, %dma_wait3A_110] : memref<16384x32xf32, #tpu.memory_space<hbm>> -> memref<128x32xf32, #tpu.memory_space<hbm>>
      %dma_wait3A_112 = arith.constant 0 : i32
      %dma_wait3A_113 = tpu.memref_slice %arg4[%mul3A_6, %dma_wait3A_112] : memref<16384x32xf32, #tpu.memory_space<hbm>> -> memref<128x32xf32, #tpu.memory_space<hbm>>
      tpu.wait_dma2 semaphore(%run_scoped3A : memref<!tpu.dma_semaphore, #tpu.memory_space<semaphore_mem>>) src(%dma_wait3A_113 : memref<128x32xf32, #tpu.memory_space<hbm>>) dst(%arg9 : memref<128x32xf32, #tpu.memory_space<vmem>>)
      tpu.yield
    }) : () -> ()
    %dma_wait3A = arith.constant 0 : i32
    %dma_wait3A_13 = arith.constant 0 : i32
    %dma_wait3A_14 = tpu.memref_slice %arg7[%dma_wait3A, %dma_wait3A_13] : memref<4x128xi32, #tpu.memory_space<vmem>> -> memref<1x128xi32, #tpu.memory_space<vmem>>
    %dma_wait3A_15 = tpu.memref_squeeze %dma_wait3A_14 : memref<1x128xi32, #tpu.memory_space<vmem>> -> memref<128xi32, #tpu.memory_space<vmem>>
    %dma_wait3A_16 = arith.constant 0 : i32
    %dma_wait3A_17 = arith.constant 0 : i32
    %dma_wait3A_18 = tpu.memref_slice %arg2[%dma_wait3A_16, %dma_wait3A_17] : memref<8192x128xf32, #tpu.memory_space<hbm>> -> memref<8192x128xf32, #tpu.memory_space<hbm>>
    tpu.wait_indirect_dma semaphore(%arg12 : memref<!tpu.dma_semaphore, #tpu.memory_space<semaphore_mem>>) src(%dma_wait3A_18 : memref<8192x128xf32, #tpu.memory_space<hbm>>) dst(%arg8 : memref<128x128xf32, #tpu.memory_space<vmem>>)
    %scan3A = arith.constant 0 : i32
    %scan3A_19 = arith.constant 0 : i32
    %scan3A_20 = arith.constant 128 : i32
    %scan3A_21 = arith.addi %scan3A_19, %scan3A_20 : i32
    %scan3A_22 = arith.constant 1 : i32
    %scan3A_23 = scf.for %scan3A_106 = %scan3A_19 to %scan3A_21 step %scan3A_22 iter_args(%scan3A_107 = %scan3A) -> (i32)  : i32 {
      %get3A = arith.index_cast %scan3A_106 : i32 to index
      %get3A_108 = arith.constant 0 : index
      %get3A_109 = tpu.vector_load %arg8[%get3A, %get3A_108] {strides = array<i32>} : memref<128x128xf32, #tpu.memory_space<vmem>>, vector<1x16xf32>,
      %get3A_110 = vector.shape_cast %get3A_109 : vector<1x16xf32> to vector<16xf32>
      %get3A_111 = arith.index_cast %scan3A_106 : i32 to index
      %get3A_112 = arith.constant 0 : index
      %get3A_113 = tpu.vector_load %arg9[%get3A_111, %get3A_112] {strides = array<i32>} : memref<128x32xf32, #tpu.memory_space<vmem>>, vector<1x16xf32>,
      %get3A_114 = vector.shape_cast %get3A_113 : vector<1x16xf32> to vector<16xf32>
      %sub3A = arith.subf %get3A_114, %get3A_110 : vector<16xf32>
      %swap3A = arith.index_cast %scan3A_106 : i32 to index
      %swap3A_115 = arith.constant 0 : index
      %swap3A_116 = tpu.vector_load %arg11[%swap3A, %swap3A_115] {strides = array<i32>} : memref<128x32xf32, #tpu.memory_space<vmem>>, vector<1x16xf32>,
      %swap3A_117 = vector.shape_cast %swap3A_116 : vector<1x16xf32> to vector<16xf32>
      %swap3A_118 = vector.shape_cast %sub3A : vector<16xf32> to vector<1x16xf32>
      tpu.vector_store %arg11[%swap3A, %swap3A_115], %swap3A_118 {strides = array<i32>} : memref<128x32xf32, #tpu.memory_space<vmem>>, vector<1x16xf32>,
      %get3A_119 = arith.index_cast %scan3A_106 : i32 to index
      %get3A_120 = arith.constant 16 : index
      %get3A_121 = tpu.vector_load %arg8[%get3A_119, %get3A_120] {strides = array<i32>} : memref<128x128xf32, #tpu.memory_space<vmem>>, vector<1x16xf32>,
      %get3A_122 = vector.shape_cast %get3A_121 : vector<1x16xf32> to vector<16xf32>
      %get3A_123 = arith.index_cast %scan3A_106 : i32 to index
      %get3A_124 = arith.constant 16 : index
      %get3A_125 = tpu.vector_load %arg9[%get3A_123, %get3A_124] {strides = array<i32>} : memref<128x32xf32, #tpu.memory_space<vmem>>, vector<1x16xf32>,
      %get3A_126 = vector.shape_cast %get3A_125 : vector<1x16xf32> to vector<16xf32>
      %sub3A_127 = arith.subf %get3A_126, %get3A_122 : vector<16xf32>
      %swap3A_128 = arith.index_cast %scan3A_106 : i32 to index
      %swap3A_129 = arith.constant 16 : index
      %swap3A_130 = tpu.vector_load %arg11[%swap3A_128, %swap3A_129] {strides = array<i32>} : memref<128x32xf32, #tpu.memory_space<vmem>>, vector<1x16xf32>,
      %swap3A_131 = vector.shape_cast %swap3A_130 : vector<1x16xf32> to vector<16xf32>
      %swap3A_132 = vector.shape_cast %sub3A_127 : vector<16xf32> to vector<1x16xf32>
      tpu.vector_store %arg11[%swap3A_128, %swap3A_129], %swap3A_132 {strides = array<i32>} : memref<128x32xf32, #tpu.memory_space<vmem>>, vector<1x16xf32>,
      %scan3A_133 = arith.constant 0 : i32
      scf.yield %scan3A_133 : i32
    }
    %scan3A_24 = arith.constant 128 : i32
    "tpu.region"() ({
      %run_scoped3A = tpu.sem_alloc : memref<!tpu.dma_semaphore, #tpu.memory_space<semaphore_mem>>
      %dma_start3A_106 = arith.constant 0 : i32
      %dma_start3A_107 = tpu.memref_slice %arg6[%mul3A_6, %dma_start3A_106] : memref<16384x32xf32, #tpu.memory_space<hbm>> -> memref<128x32xf32, #tpu.memory_space<hbm>>
      %dma_start3A_108 = arith.constant 0 : i32
      %dma_start3A_109 = tpu.memref_slice %arg6[%mul3A_6, %dma_start3A_108] : memref<16384x32xf32, #tpu.memory_space<hbm>> -> memref<128x32xf32, #tpu.memory_space<hbm>>
      tpu.enqueue_dma source(%arg11 : memref<128x32xf32, #tpu.memory_space<vmem>>) target(%dma_start3A_109 : memref<128x32xf32, #tpu.memory_space<hbm>>) target_semaphore(%run_scoped3A : memref<!tpu.dma_semaphore, #tpu.memory_space<semaphore_mem>>)
      %dma_wait3A_110 = arith.constant 0 : i32
      %dma_wait3A_111 = tpu.memref_slice %arg6[%mul3A_6, %dma_wait3A_110] : memref<16384x32xf32, #tpu.memory_space<hbm>> -> memref<128x32xf32, #tpu.memory_space<hbm>>
      %dma_wait3A_112 = arith.constant 0 : i32
      %dma_wait3A_113 = tpu.memref_slice %arg6[%mul3A_6, %dma_wait3A_112] : memref<16384x32xf32, #tpu.memory_space<hbm>> -> memref<128x32xf32, #tpu.memory_space<hbm>>
      tpu.wait_dma2 semaphore(%run_scoped3A : memref<!tpu.dma_semaphore, #tpu.memory_space<semaphore_mem>>) src(%arg11 : memref<128x32xf32, #tpu.memory_space<vmem>>) dst(%dma_wait3A_113 : memref<128x32xf32, #tpu.memory_space<hbm>>)
      tpu.yield
    }) : () -> ()
    %mul3A_25 = arith.constant 4 : i32
    %mul3A_26 = arith.muli %add3A, %mul3A_25 : i32
    %add3A_27 = arith.constant 1 : i32
    %add3A_28 = arith.addi %mul3A_26, %add3A_27 : i32
    %mul3A_29 = arith.constant 128 : i32
    %mul3A_30 = arith.muli %add3A_28, %mul3A_29 : i32
    %dma_start3A_31 = arith.constant 1 : i32
    %dma_start3A_32 = arith.constant 0 : i32
    %dma_start3A_33 = tpu.memref_slice %arg7[%dma_start3A_31, %dma_start3A_32] : memref<4x128xi32, #tpu.memory_space<vmem>> -> memref<1x128xi32, #tpu.memory_space<vmem>>
    %dma_start3A_34 = tpu.memref_squeeze %dma_start3A_33 : memref<1x128xi32, #tpu.memory_space<vmem>> -> memref<128xi32, #tpu.memory_space<vmem>>
    %dma_start3A_35 = arith.constant 0 : i32
    %dma_start3A_36 = arith.constant 0 : i32
    %dma_start3A_37 = tpu.memref_slice %arg2[%dma_start3A_35, %dma_start3A_36] : memref<8192x128xf32, #tpu.memory_space<hbm>> -> memref<8192x128xf32, #tpu.memory_space<hbm>>
    tpu.enqueue_indirect_dma source(%dma_start3A_37 : memref<8192x128xf32, #tpu.memory_space<hbm>>) target(%arg8 : memref<128x128xf32, #tpu.memory_space<vmem>>) offsets(%dma_start3A_34 : memref<128xi32, #tpu.memory_space<vmem>>) semaphore(%arg12 : memref<!tpu.dma_semaphore, #tpu.memory_space<semaphore_mem>>)
    "tpu.region"() ({
      %run_scoped3A = tpu.sem_alloc : memref<!tpu.dma_semaphore, #tpu.memory_space<semaphore_mem>>
      %dma_start3A_106 = arith.constant 0 : i32
      %dma_start3A_107 = tpu.memref_slice %arg4[%mul3A_30, %dma_start3A_106] : memref<16384x32xf32, #tpu.memory_space<hbm>> -> memref<128x32xf32, #tpu.memory_space<hbm>>
      %dma_start3A_108 = arith.constant 0 : i32
      %dma_start3A_109 = tpu.memref_slice %arg4[%mul3A_30, %dma_start3A_108] : memref<16384x32xf32, #tpu.memory_space<hbm>> -> memref<128x32xf32, #tpu.memory_space<hbm>>
      tpu.enqueue_dma source(%dma_start3A_109 : memref<128x32xf32, #tpu.memory_space<hbm>>) target(%arg9 : memref<128x32xf32, #tpu.memory_space<vmem>>) target_semaphore(%run_scoped3A : memref<!tpu.dma_semaphore, #tpu.memory_space<semaphore_mem>>)
      %dma_wait3A_110 = arith.constant 0 : i32
      %dma_wait3A_111 = tpu.memref_slice %arg4[%mul3A_30, %dma_wait3A_110] : memref<16384x32xf32, #tpu.memory_space<hbm>> -> memref<128x32xf32, #tpu.memory_space<hbm>>
      %dma_wait3A_112 = arith.constant 0 : i32
      %dma_wait3A_113 = tpu.memref_slice %arg4[%mul3A_30, %dma_wait3A_112] : memref<16384x32xf32, #tpu.memory_space<hbm>> -> memref<128x32xf32, #tpu.memory_space<hbm>>
      tpu.wait_dma2 semaphore(%run_scoped3A : memref<!tpu.dma_semaphore, #tpu.memory_space<semaphore_mem>>) src(%dma_wait3A_113 : memref<128x32xf32, #tpu.memory_space<hbm>>) dst(%arg9 : memref<128x32xf32, #tpu.memory_space<vmem>>)
      tpu.yield
    }) : () -> ()
    %dma_wait3A_38 = arith.constant 1 : i32
    %dma_wait3A_39 = arith.constant 0 : i32
    %dma_wait3A_40 = tpu.memref_slice %arg7[%dma_wait3A_38, %dma_wait3A_39] : memref<4x128xi32, #tpu.memory_space<vmem>> -> memref<1x128xi32, #tpu.memory_space<vmem>>
    %dma_wait3A_41 = tpu.memref_squeeze %dma_wait3A_40 : memref<1x128xi32, #tpu.memory_space<vmem>> -> memref<128xi32, #tpu.memory_space<vmem>>
    %dma_wait3A_42 = arith.constant 0 : i32
    %dma_wait3A_43 = arith.constant 0 : i32
    %dma_wait3A_44 = tpu.memref_slice %arg2[%dma_wait3A_42, %dma_wait3A_43] : memref<8192x128xf32, #tpu.memory_space<hbm>> -> memref<8192x128xf32, #tpu.memory_space<hbm>>
    tpu.wait_indirect_dma semaphore(%arg12 : memref<!tpu.dma_semaphore, #tpu.memory_space<semaphore_mem>>) src(%dma_wait3A_44 : memref<8192x128xf32, #tpu.memory_space<hbm>>) dst(%arg8 : memref<128x128xf32, #tpu.memory_space<vmem>>)
    %scan3A_45 = arith.constant 0 : i32
    %scan3A_46 = arith.constant 0 : i32
    %scan3A_47 = arith.constant 128 : i32
    %scan3A_48 = arith.addi %scan3A_46, %scan3A_47 : i32
    %scan3A_49 = arith.constant 1 : i32
    %scan3A_50 = scf.for %scan3A_106 = %scan3A_46 to %scan3A_48 step %scan3A_49 iter_args(%scan3A_107 = %scan3A_45) -> (i32)  : i32 {
      %get3A = arith.index_cast %scan3A_106 : i32 to index
      %get3A_108 = arith.constant 0 : index
      %get3A_109 = tpu.vector_load %arg8[%get3A, %get3A_108] {strides = array<i32>} : memref<128x128xf32, #tpu.memory_space<vmem>>, vector<1x16xf32>,
      %get3A_110 = vector.shape_cast %get3A_109 : vector<1x16xf32> to vector<16xf32>
      %get3A_111 = arith.index_cast %scan3A_106 : i32 to index
      %get3A_112 = arith.constant 0 : index
      %get3A_113 = tpu.vector_load %arg9[%get3A_111, %get3A_112] {strides = array<i32>} : memref<128x32xf32, #tpu.memory_space<vmem>>, vector<1x16xf32>,
      %get3A_114 = vector.shape_cast %get3A_113 : vector<1x16xf32> to vector<16xf32>
      %sub3A = arith.subf %get3A_114, %get3A_110 : vector<16xf32>
      %swap3A = arith.index_cast %scan3A_106 : i32 to index
      %swap3A_115 = arith.constant 0 : index
      %swap3A_116 = tpu.vector_load %arg11[%swap3A, %swap3A_115] {strides = array<i32>} : memref<128x32xf32, #tpu.memory_space<vmem>>, vector<1x16xf32>,
      %swap3A_117 = vector.shape_cast %swap3A_116 : vector<1x16xf32> to vector<16xf32>
      %swap3A_118 = vector.shape_cast %sub3A : vector<16xf32> to vector<1x16xf32>
      tpu.vector_store %arg11[%swap3A, %swap3A_115], %swap3A_118 {strides = array<i32>} : memref<128x32xf32, #tpu.memory_space<vmem>>, vector<1x16xf32>,
      %get3A_119 = arith.index_cast %scan3A_106 : i32 to index
      %get3A_120 = arith.constant 16 : index
      %get3A_121 = tpu.vector_load %arg8[%get3A_119, %get3A_120] {strides = array<i32>} : memref<128x128xf32, #tpu.memory_space<vmem>>, vector<1x16xf32>,
      %get3A_122 = vector.shape_cast %get3A_121 : vector<1x16xf32> to vector<16xf32>
      %get3A_123 = arith.index_cast %scan3A_106 : i32 to index
      %get3A_124 = arith.constant 16 : index
      %get3A_125 = tpu.vector_load %arg9[%get3A_123, %get3A_124] {strides = array<i32>} : memref<128x32xf32, #tpu.memory_space<vmem>>, vector<1x16xf32>,
      %get3A_126 = vector.shape_cast %get3A_125 : vector<1x16xf32> to vector<16xf32>
      %sub3A_127 = arith.subf %get3A_126, %get3A_122 : vector<16xf32>
      %swap3A_128 = arith.index_cast %scan3A_106 : i32 to index
      %swap3A_129 = arith.constant 16 : index
      %swap3A_130 = tpu.vector_load %arg11[%swap3A_128, %swap3A_129] {strides = array<i32>} : memref<128x32xf32, #tpu.memory_space<vmem>>, vector<1x16xf32>,
      %swap3A_131 = vector.shape_cast %swap3A_130 : vector<1x16xf32> to vector<16xf32>
      %swap3A_132 = vector.shape_cast %sub3A_127 : vector<16xf32> to vector<1x16xf32>
      tpu.vector_store %arg11[%swap3A_128, %swap3A_129], %swap3A_132 {strides = array<i32>} : memref<128x32xf32, #tpu.memory_space<vmem>>, vector<1x16xf32>,
      %scan3A_133 = arith.constant 0 : i32
      scf.yield %scan3A_133 : i32
    }
    %scan3A_51 = arith.constant 128 : i32
    "tpu.region"() ({
      %run_scoped3A = tpu.sem_alloc : memref<!tpu.dma_semaphore, #tpu.memory_space<semaphore_mem>>
      %dma_start3A_106 = arith.constant 0 : i32
      %dma_start3A_107 = tpu.memref_slice %arg6[%mul3A_30, %dma_start3A_106] : memref<16384x32xf32, #tpu.memory_space<hbm>> -> memref<128x32xf32, #tpu.memory_space<hbm>>
      %dma_start3A_108 = arith.constant 0 : i32
      %dma_start3A_109 = tpu.memref_slice %arg6[%mul3A_30, %dma_start3A_108] : memref<16384x32xf32, #tpu.memory_space<hbm>> -> memref<128x32xf32, #tpu.memory_space<hbm>>
      tpu.enqueue_dma source(%arg11 : memref<128x32xf32, #tpu.memory_space<vmem>>) target(%dma_start3A_109 : memref<128x32xf32, #tpu.memory_space<hbm>>) target_semaphore(%run_scoped3A : memref<!tpu.dma_semaphore, #tpu.memory_space<semaphore_mem>>)
      %dma_wait3A_110 = arith.constant 0 : i32
      %dma_wait3A_111 = tpu.memref_slice %arg6[%mul3A_30, %dma_wait3A_110] : memref<16384x32xf32, #tpu.memory_space<hbm>> -> memref<128x32xf32, #tpu.memory_space<hbm>>
      %dma_wait3A_112 = arith.constant 0 : i32
      %dma_wait3A_113 = tpu.memref_slice %arg6[%mul3A_30, %dma_wait3A_112] : memref<16384x32xf32, #tpu.memory_space<hbm>> -> memref<128x32xf32, #tpu.memory_space<hbm>>
      tpu.wait_dma2 semaphore(%run_scoped3A : memref<!tpu.dma_semaphore, #tpu.memory_space<semaphore_mem>>) src(%arg11 : memref<128x32xf32, #tpu.memory_space<vmem>>) dst(%dma_wait3A_113 : memref<128x32xf32, #tpu.memory_space<hbm>>)
      tpu.yield
    }) : () -> ()
    %mul3A_52 = arith.constant 4 : i32
    %mul3A_53 = arith.muli %add3A, %mul3A_52 : i32
    %add3A_54 = arith.constant 2 : i32
    %add3A_55 = arith.addi %mul3A_53, %add3A_54 : i32
    %mul3A_56 = arith.constant 128 : i32
    %mul3A_57 = arith.muli %add3A_55, %mul3A_56 : i32
    %dma_start3A_58 = arith.constant 2 : i32
    %dma_start3A_59 = arith.constant 0 : i32
    %dma_start3A_60 = tpu.memref_slice %arg7[%dma_start3A_58, %dma_start3A_59] : memref<4x128xi32, #tpu.memory_space<vmem>> -> memref<1x128xi32, #tpu.memory_space<vmem>>
    %dma_start3A_61 = tpu.memref_squeeze %dma_start3A_60 : memref<1x128xi32, #tpu.memory_space<vmem>> -> memref<128xi32, #tpu.memory_space<vmem>>
    %dma_start3A_62 = arith.constant 0 : i32
    %dma_start3A_63 = arith.constant 0 : i32
    %dma_start3A_64 = tpu.memref_slice %arg2[%dma_start3A_62, %dma_start3A_63] : memref<8192x128xf32, #tpu.memory_space<hbm>> -> memref<8192x128xf32, #tpu.memory_space<hbm>>
    tpu.enqueue_indirect_dma source(%dma_start3A_64 : memref<8192x128xf32, #tpu.memory_space<hbm>>) target(%arg8 : memref<128x128xf32, #tpu.memory_space<vmem>>) offsets(%dma_start3A_61 : memref<128xi32, #tpu.memory_space<vmem>>) semaphore(%arg12 : memref<!tpu.dma_semaphore, #tpu.memory_space<semaphore_mem>>)
    "tpu.region"() ({
      %run_scoped3A = tpu.sem_alloc : memref<!tpu.dma_semaphore, #tpu.memory_space<semaphore_mem>>
      %dma_start3A_106 = arith.constant 0 : i32
      %dma_start3A_107 = tpu.memref_slice %arg4[%mul3A_57, %dma_start3A_106] : memref<16384x32xf32, #tpu.memory_space<hbm>> -> memref<128x32xf32, #tpu.memory_space<hbm>>
      %dma_start3A_108 = arith.constant 0 : i32
      %dma_start3A_109 = tpu.memref_slice %arg4[%mul3A_57, %dma_start3A_108] : memref<16384x32xf32, #tpu.memory_space<hbm>> -> memref<128x32xf32, #tpu.memory_space<hbm>>
      tpu.enqueue_dma source(%dma_start3A_109 : memref<128x32xf32, #tpu.memory_space<hbm>>) target(%arg9 : memref<128x32xf32, #tpu.memory_space<vmem>>) target_semaphore(%run_scoped3A : memref<!tpu.dma_semaphore, #tpu.memory_space<semaphore_mem>>)
      %dma_wait3A_110 = arith.constant 0 : i32
      %dma_wait3A_111 = tpu.memref_slice %arg4[%mul3A_57, %dma_wait3A_110] : memref<16384x32xf32, #tpu.memory_space<hbm>> -> memref<128x32xf32, #tpu.memory_space<hbm>>
      %dma_wait3A_112 = arith.constant 0 : i32
      %dma_wait3A_113 = tpu.memref_slice %arg4[%mul3A_57, %dma_wait3A_112] : memref<16384x32xf32, #tpu.memory_space<hbm>> -> memref<128x32xf32, #tpu.memory_space<hbm>>
      tpu.wait_dma2 semaphore(%run_scoped3A : memref<!tpu.dma_semaphore, #tpu.memory_space<semaphore_mem>>) src(%dma_wait3A_113 : memref<128x32xf32, #tpu.memory_space<hbm>>) dst(%arg9 : memref<128x32xf32, #tpu.memory_space<vmem>>)
      tpu.yield
    }) : () -> ()
    %dma_wait3A_65 = arith.constant 2 : i32
    %dma_wait3A_66 = arith.constant 0 : i32
    %dma_wait3A_67 = tpu.memref_slice %arg7[%dma_wait3A_65, %dma_wait3A_66] : memref<4x128xi32, #tpu.memory_space<vmem>> -> memref<1x128xi32, #tpu.memory_space<vmem>>
    %dma_wait3A_68 = tpu.memref_squeeze %dma_wait3A_67 : memref<1x128xi32, #tpu.memory_space<vmem>> -> memref<128xi32, #tpu.memory_space<vmem>>
    %dma_wait3A_69 = arith.constant 0 : i32
    %dma_wait3A_70 = arith.constant 0 : i32
    %dma_wait3A_71 = tpu.memref_slice %arg2[%dma_wait3A_69, %dma_wait3A_70] : memref<8192x128xf32, #tpu.memory_space<hbm>> -> memref<8192x128xf32, #tpu.memory_space<hbm>>
    tpu.wait_indirect_dma semaphore(%arg12 : memref<!tpu.dma_semaphore, #tpu.memory_space<semaphore_mem>>) src(%dma_wait3A_71 : memref<8192x128xf32, #tpu.memory_space<hbm>>) dst(%arg8 : memref<128x128xf32, #tpu.memory_space<vmem>>)
    %scan3A_72 = arith.constant 0 : i32
    %scan3A_73 = arith.constant 0 : i32
    %scan3A_74 = arith.constant 128 : i32
    %scan3A_75 = arith.addi %scan3A_73, %scan3A_74 : i32
    %scan3A_76 = arith.constant 1 : i32
    %scan3A_77 = scf.for %scan3A_106 = %scan3A_73 to %scan3A_75 step %scan3A_76 iter_args(%scan3A_107 = %scan3A_72) -> (i32)  : i32 {
      %get3A = arith.index_cast %scan3A_106 : i32 to index
      %get3A_108 = arith.constant 0 : index
      %get3A_109 = tpu.vector_load %arg8[%get3A, %get3A_108] {strides = array<i32>} : memref<128x128xf32, #tpu.memory_space<vmem>>, vector<1x16xf32>,
      %get3A_110 = vector.shape_cast %get3A_109 : vector<1x16xf32> to vector<16xf32>
      %get3A_111 = arith.index_cast %scan3A_106 : i32 to index
      %get3A_112 = arith.constant 0 : index
      %get3A_113 = tpu.vector_load %arg9[%get3A_111, %get3A_112] {strides = array<i32>} : memref<128x32xf32, #tpu.memory_space<vmem>>, vector<1x16xf32>,
      %get3A_114 = vector.shape_cast %get3A_113 : vector<1x16xf32> to vector<16xf32>
      %sub3A = arith.subf %get3A_114, %get3A_110 : vector<16xf32>
      %swap3A = arith.index_cast %scan3A_106 : i32 to index
      %swap3A_115 = arith.constant 0 : index
      %swap3A_116 = tpu.vector_load %arg11[%swap3A, %swap3A_115] {strides = array<i32>} : memref<128x32xf32, #tpu.memory_space<vmem>>, vector<1x16xf32>,
      %swap3A_117 = vector.shape_cast %swap3A_116 : vector<1x16xf32> to vector<16xf32>
      %swap3A_118 = vector.shape_cast %sub3A : vector<16xf32> to vector<1x16xf32>
      tpu.vector_store %arg11[%swap3A, %swap3A_115], %swap3A_118 {strides = array<i32>} : memref<128x32xf32, #tpu.memory_space<vmem>>, vector<1x16xf32>,
      %get3A_119 = arith.index_cast %scan3A_106 : i32 to index
      %get3A_120 = arith.constant 16 : index
      %get3A_121 = tpu.vector_load %arg8[%get3A_119, %get3A_120] {strides = array<i32>} : memref<128x128xf32, #tpu.memory_space<vmem>>, vector<1x16xf32>,
      %get3A_122 = vector.shape_cast %get3A_121 : vector<1x16xf32> to vector<16xf32>
      %get3A_123 = arith.index_cast %scan3A_106 : i32 to index
      %get3A_124 = arith.constant 16 : index
      %get3A_125 = tpu.vector_load %arg9[%get3A_123, %get3A_124] {strides = array<i32>} : memref<128x32xf32, #tpu.memory_space<vmem>>, vector<1x16xf32>,
      %get3A_126 = vector.shape_cast %get3A_125 : vector<1x16xf32> to vector<16xf32>
      %sub3A_127 = arith.subf %get3A_126, %get3A_122 : vector<16xf32>
      %swap3A_128 = arith.index_cast %scan3A_106 : i32 to index
      %swap3A_129 = arith.constant 16 : index
      %swap3A_130 = tpu.vector_load %arg11[%swap3A_128, %swap3A_129] {strides = array<i32>} : memref<128x32xf32, #tpu.memory_space<vmem>>, vector<1x16xf32>,
      %swap3A_131 = vector.shape_cast %swap3A_130 : vector<1x16xf32> to vector<16xf32>
      %swap3A_132 = vector.shape_cast %sub3A_127 : vector<16xf32> to vector<1x16xf32>
      tpu.vector_store %arg11[%swap3A_128, %swap3A_129], %swap3A_132 {strides = array<i32>} : memref<128x32xf32, #tpu.memory_space<vmem>>, vector<1x16xf32>,
      %scan3A_133 = arith.constant 0 : i32
      scf.yield %scan3A_133 : i32
    }
    %scan3A_78 = arith.constant 128 : i32
    "tpu.region"() ({
      %run_scoped3A = tpu.sem_alloc : memref<!tpu.dma_semaphore, #tpu.memory_space<semaphore_mem>>
      %dma_start3A_106 = arith.constant 0 : i32
      %dma_start3A_107 = tpu.memref_slice %arg6[%mul3A_57, %dma_start3A_106] : memref<16384x32xf32, #tpu.memory_space<hbm>> -> memref<128x32xf32, #tpu.memory_space<hbm>>
      %dma_start3A_108 = arith.constant 0 : i32
      %dma_start3A_109 = tpu.memref_slice %arg6[%mul3A_57, %dma_start3A_108] : memref<16384x32xf32, #tpu.memory_space<hbm>> -> memref<128x32xf32, #tpu.memory_space<hbm>>
      tpu.enqueue_dma source(%arg11 : memref<128x32xf32, #tpu.memory_space<vmem>>) target(%dma_start3A_109 : memref<128x32xf32, #tpu.memory_space<hbm>>) target_semaphore(%run_scoped3A : memref<!tpu.dma_semaphore, #tpu.memory_space<semaphore_mem>>)
      %dma_wait3A_110 = arith.constant 0 : i32
      %dma_wait3A_111 = tpu.memref_slice %arg6[%mul3A_57, %dma_wait3A_110] : memref<16384x32xf32, #tpu.memory_space<hbm>> -> memref<128x32xf32, #tpu.memory_space<hbm>>
      %dma_wait3A_112 = arith.constant 0 : i32
      %dma_wait3A_113 = tpu.memref_slice %arg6[%mul3A_57, %dma_wait3A_112] : memref<16384x32xf32, #tpu.memory_space<hbm>> -> memref<128x32xf32, #tpu.memory_space<hbm>>
      tpu.wait_dma2 semaphore(%run_scoped3A : memref<!tpu.dma_semaphore, #tpu.memory_space<semaphore_mem>>) src(%arg11 : memref<128x32xf32, #tpu.memory_space<vmem>>) dst(%dma_wait3A_113 : memref<128x32xf32, #tpu.memory_space<hbm>>)
      tpu.yield
    }) : () -> ()
    %mul3A_79 = arith.constant 4 : i32
    %mul3A_80 = arith.muli %add3A, %mul3A_79 : i32
    %add3A_81 = arith.constant 3 : i32
    %add3A_82 = arith.addi %mul3A_80, %add3A_81 : i32
    %mul3A_83 = arith.constant 128 : i32
    %mul3A_84 = arith.muli %add3A_82, %mul3A_83 : i32
    %dma_start3A_85 = arith.constant 3 : i32
    %dma_start3A_86 = arith.constant 0 : i32
    %dma_start3A_87 = tpu.memref_slice %arg7[%dma_start3A_85, %dma_start3A_86] : memref<4x128xi32, #tpu.memory_space<vmem>> -> memref<1x128xi32, #tpu.memory_space<vmem>>
    %dma_start3A_88 = tpu.memref_squeeze %dma_start3A_87 : memref<1x128xi32, #tpu.memory_space<vmem>> -> memref<128xi32, #tpu.memory_space<vmem>>
    %dma_start3A_89 = arith.constant 0 : i32
    %dma_start3A_90 = arith.constant 0 : i32
    %dma_start3A_91 = tpu.memref_slice %arg2[%dma_start3A_89, %dma_start3A_90] : memref<8192x128xf32, #tpu.memory_space<hbm>> -> memref<8192x128xf32, #tpu.memory_space<hbm>>
    tpu.enqueue_indirect_dma source(%dma_start3A_91 : memref<8192x128xf32, #tpu.memory_space<hbm>>) target(%arg8 : memref<128x128xf32, #tpu.memory_space<vmem>>) offsets(%dma_start3A_88 : memref<128xi32, #tpu.memory_space<vmem>>) semaphore(%arg12 : memref<!tpu.dma_semaphore, #tpu.memory_space<semaphore_mem>>)
    "tpu.region"() ({
      %run_scoped3A = tpu.sem_alloc : memref<!tpu.dma_semaphore, #tpu.memory_space<semaphore_mem>>
      %dma_start3A_106 = arith.constant 0 : i32
      %dma_start3A_107 = tpu.memref_slice %arg4[%mul3A_84, %dma_start3A_106] : memref<16384x32xf32, #tpu.memory_space<hbm>> -> memref<128x32xf32, #tpu.memory_space<hbm>>
      %dma_start3A_108 = arith.constant 0 : i32
      %dma_start3A_109 = tpu.memref_slice %arg4[%mul3A_84, %dma_start3A_108] : memref<16384x32xf32, #tpu.memory_space<hbm>> -> memref<128x32xf32, #tpu.memory_space<hbm>>
      tpu.enqueue_dma source(%dma_start3A_109 : memref<128x32xf32, #tpu.memory_space<hbm>>) target(%arg9 : memref<128x32xf32, #tpu.memory_space<vmem>>) target_semaphore(%run_scoped3A : memref<!tpu.dma_semaphore, #tpu.memory_space<semaphore_mem>>)
      %dma_wait3A_110 = arith.constant 0 : i32
      %dma_wait3A_111 = tpu.memref_slice %arg4[%mul3A_84, %dma_wait3A_110] : memref<16384x32xf32, #tpu.memory_space<hbm>> -> memref<128x32xf32, #tpu.memory_space<hbm>>
      %dma_wait3A_112 = arith.constant 0 : i32
      %dma_wait3A_113 = tpu.memref_slice %arg4[%mul3A_84, %dma_wait3A_112] : memref<16384x32xf32, #tpu.memory_space<hbm>> -> memref<128x32xf32, #tpu.memory_space<hbm>>
      tpu.wait_dma2 semaphore(%run_scoped3A : memref<!tpu.dma_semaphore, #tpu.memory_space<semaphore_mem>>) src(%dma_wait3A_113 : memref<128x32xf32, #tpu.memory_space<hbm>>) dst(%arg9 : memref<128x32xf32, #tpu.memory_space<vmem>>)
      tpu.yield
    }) : () -> ()
    %dma_wait3A_92 = arith.constant 3 : i32
    %dma_wait3A_93 = arith.constant 0 : i32
    %dma_wait3A_94 = tpu.memref_slice %arg7[%dma_wait3A_92, %dma_wait3A_93] : memref<4x128xi32, #tpu.memory_space<vmem>> -> memref<1x128xi32, #tpu.memory_space<vmem>>
    %dma_wait3A_95 = tpu.memref_squeeze %dma_wait3A_94 : memref<1x128xi32, #tpu.memory_space<vmem>> -> memref<128xi32, #tpu.memory_space<vmem>>
    %dma_wait3A_96 = arith.constant 0 : i32
    %dma_wait3A_97 = arith.constant 0 : i32
    %dma_wait3A_98 = tpu.memref_slice %arg2[%dma_wait3A_96, %dma_wait3A_97] : memref<8192x128xf32, #tpu.memory_space<hbm>> -> memref<8192x128xf32, #tpu.memory_space<hbm>>
    tpu.wait_indirect_dma semaphore(%arg12 : memref<!tpu.dma_semaphore, #tpu.memory_space<semaphore_mem>>) src(%dma_wait3A_98 : memref<8192x128xf32, #tpu.memory_space<hbm>>) dst(%arg8 : memref<128x128xf32, #tpu.memory_space<vmem>>)
    %scan3A_99 = arith.constant 0 : i32
    %scan3A_100 = arith.constant 0 : i32
    %scan3A_101 = arith.constant 128 : i32
    %scan3A_102 = arith.addi %scan3A_100, %scan3A_101 : i32
    %scan3A_103 = arith.constant 1 : i32
    %scan3A_104 = scf.for %scan3A_106 = %scan3A_100 to %scan3A_102 step %scan3A_103 iter_args(%scan3A_107 = %scan3A_99) -> (i32)  : i32 {
      %get3A = arith.index_cast %scan3A_106 : i32 to index
      %get3A_108 = arith.constant 0 : index
      %get3A_109 = tpu.vector_load %arg8[%get3A, %get3A_108] {strides = array<i32>} : memref<128x128xf32, #tpu.memory_space<vmem>>, vector<1x16xf32>,
      %get3A_110 = vector.shape_cast %get3A_109 : vector<1x16xf32> to vector<16xf32>
      %get3A_111 = arith.index_cast %scan3A_106 : i32 to index
      %get3A_112 = arith.constant 0 : index
      %get3A_113 = tpu.vector_load %arg9[%get3A_111, %get3A_112] {strides = array<i32>} : memref<128x32xf32, #tpu.memory_space<vmem>>, vector<1x16xf32>,
      %get3A_114 = vector.shape_cast %get3A_113 : vector<1x16xf32> to vector<16xf32>
      %sub3A = arith.subf %get3A_114, %get3A_110 : vector<16xf32>
      %swap3A = arith.index_cast %scan3A_106 : i32 to index
      %swap3A_115 = arith.constant 0 : index
      %swap3A_116 = tpu.vector_load %arg11[%swap3A, %swap3A_115] {strides = array<i32>} : memref<128x32xf32, #tpu.memory_space<vmem>>, vector<1x16xf32>,
      %swap3A_117 = vector.shape_cast %swap3A_116 : vector<1x16xf32> to vector<16xf32>
      %swap3A_118 = vector.shape_cast %sub3A : vector<16xf32> to vector<1x16xf32>
      tpu.vector_store %arg11[%swap3A, %swap3A_115], %swap3A_118 {strides = array<i32>} : memref<128x32xf32, #tpu.memory_space<vmem>>, vector<1x16xf32>,
      %get3A_119 = arith.index_cast %scan3A_106 : i32 to index
      %get3A_120 = arith.constant 16 : index
      %get3A_121 = tpu.vector_load %arg8[%get3A_119, %get3A_120] {strides = array<i32>} : memref<128x128xf32, #tpu.memory_space<vmem>>, vector<1x16xf32>,
      %get3A_122 = vector.shape_cast %get3A_121 : vector<1x16xf32> to vector<16xf32>
      %get3A_123 = arith.index_cast %scan3A_106 : i32 to index
      %get3A_124 = arith.constant 16 : index
      %get3A_125 = tpu.vector_load %arg9[%get3A_123, %get3A_124] {strides = array<i32>} : memref<128x32xf32, #tpu.memory_space<vmem>>, vector<1x16xf32>,
      %get3A_126 = vector.shape_cast %get3A_125 : vector<1x16xf32> to vector<16xf32>
      %sub3A_127 = arith.subf %get3A_126, %get3A_122 : vector<16xf32>
      %swap3A_128 = arith.index_cast %scan3A_106 : i32 to index
      %swap3A_129 = arith.constant 16 : index
      %swap3A_130 = tpu.vector_load %arg11[%swap3A_128, %swap3A_129] {strides = array<i32>} : memref<128x32xf32, #tpu.memory_space<vmem>>, vector<1x16xf32>,
      %swap3A_131 = vector.shape_cast %swap3A_130 : vector<1x16xf32> to vector<16xf32>
      %swap3A_132 = vector.shape_cast %sub3A_127 : vector<16xf32> to vector<1x16xf32>
      tpu.vector_store %arg11[%swap3A_128, %swap3A_129], %swap3A_132 {strides = array<i32>} : memref<128x32xf32, #tpu.memory_space<vmem>>, vector<1x16xf32>,
      %scan3A_133 = arith.constant 0 : i32
      scf.yield %scan3A_133 : i32
    }
    %scan3A_105 = arith.constant 128 : i32
    "tpu.region"() ({
      %run_scoped3A = tpu.sem_alloc : memref<!tpu.dma_semaphore, #tpu.memory_space<semaphore_mem>>
      %dma_start3A_106 = arith.constant 0 : i32
      %dma_start3A_107 = tpu.memref_slice %arg6[%mul3A_84, %dma_start3A_106] : memref<16384x32xf32, #tpu.memory_space<hbm>> -> memref<128x32xf32, #tpu.memory_space<hbm>>
      %dma_start3A_108 = arith.constant 0 : i32
      %dma_start3A_109 = tpu.memref_slice %arg6[%mul3A_84, %dma_start3A_108] : memref<16384x32xf32, #tpu.memory_space<hbm>> -> memref<128x32xf32, #tpu.memory_space<hbm>>
      tpu.enqueue_dma source(%arg11 : memref<128x32xf32, #tpu.memory_space<vmem>>) target(%dma_start3A_109 : memref<128x32xf32, #tpu.memory_space<hbm>>) target_semaphore(%run_scoped3A : memref<!tpu.dma_semaphore, #tpu.memory_space<semaphore_mem>>)
      %dma_wait3A_110 = arith.constant 0 : i32
      %dma_wait3A_111 = tpu.memref_slice %arg6[%mul3A_84, %dma_wait3A_110] : memref<16384x32xf32, #tpu.memory_space<hbm>> -> memref<128x32xf32, #tpu.memory_space<hbm>>
      %dma_wait3A_112 = arith.constant 0 : i32
      %dma_wait3A_113 = tpu.memref_slice %arg6[%mul3A_84, %dma_wait3A_112] : memref<16384x32xf32, #tpu.memory_space<hbm>> -> memref<128x32xf32, #tpu.memory_space<hbm>>
      tpu.wait_dma2 semaphore(%run_scoped3A : memref<!tpu.dma_semaphore, #tpu.memory_space<semaphore_mem>>) src(%arg11 : memref<128x32xf32, #tpu.memory_space<vmem>>) dst(%dma_wait3A_113 : memref<128x32xf32, #tpu.memory_space<hbm>>)
      tpu.yield
    }) : () -> ()
    return
  }
}

#map = affine_map<(d0, d1) -> (0, 0)>
#map1 = affine_map<(d0, d1) -> (0, 0, 0)>
module attributes {stable_mosaic.version = 14 : i64} {
  func.func @_sc_body(%arg0: i32, %arg1: i32, %arg2: memref<8192x128xf32, #tpu.memory_space<hbm>>, %arg3: memref<32x4x128xi32, #tpu.memory_space<hbm>>, %arg4: memref<16384x32xf32, #tpu.memory_space<hbm>>, %arg5: memref<16384x32xf32, #tpu.memory_space<hbm>>, %arg6: memref<16384x32xf32, #tpu.memory_space<hbm>>, %arg7: memref<4x128xi32, #tpu.memory_space<vmem>>, %arg8: memref<128x128xf32, #tpu.memory_space<vmem>>, %arg9: memref<128x32xf32, #tpu.memory_space<vmem>>, %arg10: memref<128x32xf32, #tpu.memory_space<vmem>>, %arg11: memref<128x32xf32, #tpu.memory_space<vmem>>, %arg12: memref<!tpu.dma_semaphore, #tpu.memory_space<semaphore_mem>>) attributes {dimension_semantics = [#tpu.dimension_semantics<core_parallel>, #tpu.dimension_semantics<subcore_parallel>], iteration_bounds = array<i64: 2, 16>, scalar_prefetch = 0 : i64, scratch_operands = 6 : i64, tpu.core_type = #tpu.core_type<sc_vector_subcore>, window_params = [{transform_indices = #map}, {transform_indices = #map1}, {transform_indices = #map}, {transform_indices = #map}, {transform_indices = #map}]} {
    %mul3A = arith.constant 2 : i32
    %mul3A_0 = arith.muli %arg1, %mul3A : i32
    %add3A = arith.addi %mul3A_0, %arg0 : i32
    "tpu.region"() ({
      %run_scoped3A = tpu.sem_alloc : memref<!tpu.dma_semaphore, #tpu.memory_space<semaphore_mem>>
      %dma_start3A_106 = arith.constant 0 : i32
      %dma_start3A_107 = arith.constant 0 : i32
      %dma_start3A_108 = tpu.memref_slice %arg3[%add3A, %dma_start3A_106, %dma_start3A_107] : memref<32x4x128xi32, #tpu.memory_space<hbm>> -> memref<1x4x128xi32, #tpu.memory_space<hbm>>
      %dma_start3A_109 = tpu.memref_squeeze %dma_start3A_108 : memref<1x4x128xi32, #tpu.memory_space<hbm>> -> memref<4x128xi32, #tpu.memory_space<hbm>>
      %dma_start3A_110 = arith.constant 0 : i32
      %dma_start3A_111 = arith.constant 0 : i32
      %dma_start3A_112 = tpu.memref_slice %arg3[%add3A, %dma_start3A_110, %dma_start3A_111] : memref<32x4x128xi32, #tpu.memory_space<hbm>> -> memref<1x4x128xi32, #tpu.memory_space<hbm>>
      %dma_start3A_113 = tpu.memref_squeeze %dma_start3A_112 : memref<1x4x128xi32, #tpu.memory_space<hbm>> -> memref<4x128xi32, #tpu.memory_space<hbm>>
      tpu.enqueue_dma source(%dma_start3A_113 : memref<4x128xi32, #tpu.memory_space<hbm>>) target(%arg7 : memref<4x128xi32, #tpu.memory_space<vmem>>) target_semaphore(%run_scoped3A : memref<!tpu.dma_semaphore, #tpu.memory_space<semaphore_mem>>)
      %dma_wait3A_114 = arith.constant 0 : i32
      %dma_wait3A_115 = arith.constant 0 : i32
      %dma_wait3A_116 = tpu.memref_slice %arg3[%add3A, %dma_wait3A_114, %dma_wait3A_115] : memref<32x4x128xi32, #tpu.memory_space<hbm>> -> memref<1x4x128xi32, #tpu.memory_space<hbm>>
      %dma_wait3A_117 = tpu.memref_squeeze %dma_wait3A_116 : memref<1x4x128xi32, #tpu.memory_space<hbm>> -> memref<4x128xi32, #tpu.memory_space<hbm>>
      %dma_wait3A_118 = arith.constant 0 : i32
      %dma_wait3A_119 = arith.constant 0 : i32
      %dma_wait3A_120 = tpu.memref_slice %arg3[%add3A, %dma_wait3A_118, %dma_wait3A_119] : memref<32x4x128xi32, #tpu.memory_space<hbm>> -> memref<1x4x128xi32, #tpu.memory_space<hbm>>
      %dma_wait3A_121 = tpu.memref_squeeze %dma_wait3A_120 : memref<1x4x128xi32, #tpu.memory_space<hbm>> -> memref<4x128xi32, #tpu.memory_space<hbm>>
      tpu.wait_dma2 semaphore(%run_scoped3A : memref<!tpu.dma_semaphore, #tpu.memory_space<semaphore_mem>>) src(%dma_wait3A_121 : memref<4x128xi32, #tpu.memory_space<hbm>>) dst(%arg7 : memref<4x128xi32, #tpu.memory_space<vmem>>)
      tpu.yield
    }) : () -> ()
    %mul3A_1 = arith.constant 4 : i32
    %mul3A_2 = arith.muli %add3A, %mul3A_1 : i32
    %add3A_3 = arith.constant 0 : i32
    %add3A_4 = arith.addi %mul3A_2, %add3A_3 : i32
    %mul3A_5 = arith.constant 128 : i32
    %mul3A_6 = arith.muli %add3A_4, %mul3A_5 : i32
    %dma_start3A = arith.constant 0 : i32
    %dma_start3A_7 = arith.constant 0 : i32
    %dma_start3A_8 = tpu.memref_slice %arg7[%dma_start3A, %dma_start3A_7] : memref<4x128xi32, #tpu.memory_space<vmem>> -> memref<1x128xi32, #tpu.memory_space<vmem>>
    %dma_start3A_9 = tpu.memref_squeeze %dma_start3A_8 : memref<1x128xi32, #tpu.memory_space<vmem>> -> memref<128xi32, #tpu.memory_space<vmem>>
    %dma_start3A_10 = arith.constant 0 : i32
    %dma_start3A_11 = arith.constant 0 : i32
    %dma_start3A_12 = tpu.memref_slice %arg2[%dma_start3A_10, %dma_start3A_11] : memref<8192x128xf32, #tpu.memory_space<hbm>> -> memref<8192x128xf32, #tpu.memory_space<hbm>>
    tpu.enqueue_indirect_dma source(%dma_start3A_12 : memref<8192x128xf32, #tpu.memory_space<hbm>>) target(%arg8 : memref<128x128xf32, #tpu.memory_space<vmem>>) offsets(%dma_start3A_9 : memref<128xi32, #tpu.memory_space<vmem>>) semaphore(%arg12 : memref<!tpu.dma_semaphore, #tpu.memory_space<semaphore_mem>>)
    "tpu.region"() ({
      %run_scoped3A = tpu.sem_alloc : memref<!tpu.dma_semaphore, #tpu.memory_space<semaphore_mem>>
      %dma_start3A_106 = arith.constant 0 : i32
      %dma_start3A_107 = tpu.memref_slice %arg4[%mul3A_6, %dma_start3A_106] : memref<16384x32xf32, #tpu.memory_space<hbm>> -> memref<128x32xf32, #tpu.memory_space<hbm>>
      %dma_start3A_108 = arith.constant 0 : i32
      %dma_start3A_109 = tpu.memref_slice %arg4[%mul3A_6, %dma_start3A_108] : memref<16384x32xf32, #tpu.memory_space<hbm>> -> memref<128x32xf32, #tpu.memory_space<hbm>>
      tpu.enqueue_dma source(%dma_start3A_109 : memref<128x32xf32, #tpu.memory_space<hbm>>) target(%arg9 : memref<128x32xf32, #tpu.memory_space<vmem>>) target_semaphore(%run_scoped3A : memref<!tpu.dma_semaphore, #tpu.memory_space<semaphore_mem>>)
      %dma_wait3A_110 = arith.constant 0 : i32
      %dma_wait3A_111 = tpu.memref_slice %arg4[%mul3A_6, %dma_wait3A_110] : memref<16384x32xf32, #tpu.memory_space<hbm>> -> memref<128x32xf32, #tpu.memory_space<hbm>>
      %dma_wait3A_112 = arith.constant 0 : i32
      %dma_wait3A_113 = tpu.memref_slice %arg4[%mul3A_6, %dma_wait3A_112] : memref<16384x32xf32, #tpu.memory_space<hbm>> -> memref<128x32xf32, #tpu.memory_space<hbm>>
      tpu.wait_dma2 semaphore(%run_scoped3A : memref<!tpu.dma_semaphore, #tpu.memory_space<semaphore_mem>>) src(%dma_wait3A_113 : memref<128x32xf32, #tpu.memory_space<hbm>>) dst(%arg9 : memref<128x32xf32, #tpu.memory_space<vmem>>)
      tpu.yield
    }) : () -> ()
    %dma_wait3A = arith.constant 0 : i32
    %dma_wait3A_13 = arith.constant 0 : i32
    %dma_wait3A_14 = tpu.memref_slice %arg7[%dma_wait3A, %dma_wait3A_13] : memref<4x128xi32, #tpu.memory_space<vmem>> -> memref<1x128xi32, #tpu.memory_space<vmem>>
    %dma_wait3A_15 = tpu.memref_squeeze %dma_wait3A_14 : memref<1x128xi32, #tpu.memory_space<vmem>> -> memref<128xi32, #tpu.memory_space<vmem>>
    %dma_wait3A_16 = arith.constant 0 : i32
    %dma_wait3A_17 = arith.constant 0 : i32
    %dma_wait3A_18 = tpu.memref_slice %arg2[%dma_wait3A_16, %dma_wait3A_17] : memref<8192x128xf32, #tpu.memory_space<hbm>> -> memref<8192x128xf32, #tpu.memory_space<hbm>>
    tpu.wait_indirect_dma semaphore(%arg12 : memref<!tpu.dma_semaphore, #tpu.memory_space<semaphore_mem>>) src(%dma_wait3A_18 : memref<8192x128xf32, #tpu.memory_space<hbm>>) dst(%arg8 : memref<128x128xf32, #tpu.memory_space<vmem>>)
    %scan3A = arith.constant 0 : i32
    %scan3A_19 = arith.constant 0 : i32
    %scan3A_20 = arith.constant 128 : i32
    %scan3A_21 = arith.addi %scan3A_19, %scan3A_20 : i32
    %scan3A_22 = arith.constant 1 : i32
    %scan3A_23 = scf.for %scan3A_106 = %scan3A_19 to %scan3A_21 step %scan3A_22 iter_args(%scan3A_107 = %scan3A) -> (i32)  : i32 {
      %get3A = arith.index_cast %scan3A_106 : i32 to index
      %get3A_108 = arith.constant 0 : index
      %get3A_109 = tpu.vector_load %arg8[%get3A, %get3A_108] {strides = array<i32>} : memref<128x128xf32, #tpu.memory_space<vmem>>, vector<1x16xf32>,
      %get3A_110 = vector.shape_cast %get3A_109 : vector<1x16xf32> to vector<16xf32>
      %get3A_111 = arith.index_cast %scan3A_106 : i32 to index
      %get3A_112 = arith.constant 0 : index
      %get3A_113 = tpu.vector_load %arg9[%get3A_111, %get3A_112] {strides = array<i32>} : memref<128x32xf32, #tpu.memory_space<vmem>>, vector<1x16xf32>,
      %get3A_114 = vector.shape_cast %get3A_113 : vector<1x16xf32> to vector<16xf32>
      %sub3A = arith.subf %get3A_114, %get3A_110 : vector<16xf32>
      %swap3A = arith.index_cast %scan3A_106 : i32 to index
      %swap3A_115 = arith.constant 0 : index
      %swap3A_116 = tpu.vector_load %arg11[%swap3A, %swap3A_115] {strides = array<i32>} : memref<128x32xf32, #tpu.memory_space<vmem>>, vector<1x16xf32>,
      %swap3A_117 = vector.shape_cast %swap3A_116 : vector<1x16xf32> to vector<16xf32>
      %swap3A_118 = vector.shape_cast %sub3A : vector<16xf32> to vector<1x16xf32>
      tpu.vector_store %arg11[%swap3A, %swap3A_115], %swap3A_118 {strides = array<i32>} : memref<128x32xf32, #tpu.memory_space<vmem>>, vector<1x16xf32>,
      %get3A_119 = arith.index_cast %scan3A_106 : i32 to index
      %get3A_120 = arith.constant 16 : index
      %get3A_121 = tpu.vector_load %arg8[%get3A_119, %get3A_120] {strides = array<i32>} : memref<128x128xf32, #tpu.memory_space<vmem>>, vector<1x16xf32>,
      %get3A_122 = vector.shape_cast %get3A_121 : vector<1x16xf32> to vector<16xf32>
      %get3A_123 = arith.index_cast %scan3A_106 : i32 to index
      %get3A_124 = arith.constant 16 : index
      %get3A_125 = tpu.vector_load %arg9[%get3A_123, %get3A_124] {strides = array<i32>} : memref<128x32xf32, #tpu.memory_space<vmem>>, vector<1x16xf32>,
      %get3A_126 = vector.shape_cast %get3A_125 : vector<1x16xf32> to vector<16xf32>
      %sub3A_127 = arith.subf %get3A_126, %get3A_122 : vector<16xf32>
      %swap3A_128 = arith.index_cast %scan3A_106 : i32 to index
      %swap3A_129 = arith.constant 16 : index
      %swap3A_130 = tpu.vector_load %arg11[%swap3A_128, %swap3A_129] {strides = array<i32>} : memref<128x32xf32, #tpu.memory_space<vmem>>, vector<1x16xf32>,
      %swap3A_131 = vector.shape_cast %swap3A_130 : vector<1x16xf32> to vector<16xf32>
      %swap3A_132 = vector.shape_cast %sub3A_127 : vector<16xf32> to vector<1x16xf32>
      tpu.vector_store %arg11[%swap3A_128, %swap3A_129], %swap3A_132 {strides = array<i32>} : memref<128x32xf32, #tpu.memory_space<vmem>>, vector<1x16xf32>,
      %scan3A_133 = arith.constant 0 : i32
      scf.yield %scan3A_133 : i32
    }
    %scan3A_24 = arith.constant 128 : i32
    "tpu.region"() ({
      %run_scoped3A = tpu.sem_alloc : memref<!tpu.dma_semaphore, #tpu.memory_space<semaphore_mem>>
      %dma_start3A_106 = arith.constant 0 : i32
      %dma_start3A_107 = tpu.memref_slice %arg6[%mul3A_6, %dma_start3A_106] : memref<16384x32xf32, #tpu.memory_space<hbm>> -> memref<128x32xf32, #tpu.memory_space<hbm>>
      %dma_start3A_108 = arith.constant 0 : i32
      %dma_start3A_109 = tpu.memref_slice %arg6[%mul3A_6, %dma_start3A_108] : memref<16384x32xf32, #tpu.memory_space<hbm>> -> memref<128x32xf32, #tpu.memory_space<hbm>>
      tpu.enqueue_dma source(%arg11 : memref<128x32xf32, #tpu.memory_space<vmem>>) target(%dma_start3A_109 : memref<128x32xf32, #tpu.memory_space<hbm>>) target_semaphore(%run_scoped3A : memref<!tpu.dma_semaphore, #tpu.memory_space<semaphore_mem>>)
      %dma_wait3A_110 = arith.constant 0 : i32
      %dma_wait3A_111 = tpu.memref_slice %arg6[%mul3A_6, %dma_wait3A_110] : memref<16384x32xf32, #tpu.memory_space<hbm>> -> memref<128x32xf32, #tpu.memory_space<hbm>>
      %dma_wait3A_112 = arith.constant 0 : i32
      %dma_wait3A_113 = tpu.memref_slice %arg6[%mul3A_6, %dma_wait3A_112] : memref<16384x32xf32, #tpu.memory_space<hbm>> -> memref<128x32xf32, #tpu.memory_space<hbm>>
      tpu.wait_dma2 semaphore(%run_scoped3A : memref<!tpu.dma_semaphore, #tpu.memory_space<semaphore_mem>>) src(%arg11 : memref<128x32xf32, #tpu.memory_space<vmem>>) dst(%dma_wait3A_113 : memref<128x32xf32, #tpu.memory_space<hbm>>)
      tpu.yield
    }) : () -> ()
    %mul3A_25 = arith.constant 4 : i32
    %mul3A_26 = arith.muli %add3A, %mul3A_25 : i32
    %add3A_27 = arith.constant 1 : i32
    %add3A_28 = arith.addi %mul3A_26, %add3A_27 : i32
    %mul3A_29 = arith.constant 128 : i32
    %mul3A_30 = arith.muli %add3A_28, %mul3A_29 : i32
    %dma_start3A_31 = arith.constant 1 : i32
    %dma_start3A_32 = arith.constant 0 : i32
    %dma_start3A_33 = tpu.memref_slice %arg7[%dma_start3A_31, %dma_start3A_32] : memref<4x128xi32, #tpu.memory_space<vmem>> -> memref<1x128xi32, #tpu.memory_space<vmem>>
    %dma_start3A_34 = tpu.memref_squeeze %dma_start3A_33 : memref<1x128xi32, #tpu.memory_space<vmem>> -> memref<128xi32, #tpu.memory_space<vmem>>
    %dma_start3A_35 = arith.constant 0 : i32
    %dma_start3A_36 = arith.constant 0 : i32
    %dma_start3A_37 = tpu.memref_slice %arg2[%dma_start3A_35, %dma_start3A_36] : memref<8192x128xf32, #tpu.memory_space<hbm>> -> memref<8192x128xf32, #tpu.memory_space<hbm>>
    tpu.enqueue_indirect_dma source(%dma_start3A_37 : memref<8192x128xf32, #tpu.memory_space<hbm>>) target(%arg8 : memref<128x128xf32, #tpu.memory_space<vmem>>) offsets(%dma_start3A_34 : memref<128xi32, #tpu.memory_space<vmem>>) semaphore(%arg12 : memref<!tpu.dma_semaphore, #tpu.memory_space<semaphore_mem>>)
    "tpu.region"() ({
      %run_scoped3A = tpu.sem_alloc : memref<!tpu.dma_semaphore, #tpu.memory_space<semaphore_mem>>
      %dma_start3A_106 = arith.constant 0 : i32
      %dma_start3A_107 = tpu.memref_slice %arg4[%mul3A_30, %dma_start3A_106] : memref<16384x32xf32, #tpu.memory_space<hbm>> -> memref<128x32xf32, #tpu.memory_space<hbm>>
      %dma_start3A_108 = arith.constant 0 : i32
      %dma_start3A_109 = tpu.memref_slice %arg4[%mul3A_30, %dma_start3A_108] : memref<16384x32xf32, #tpu.memory_space<hbm>> -> memref<128x32xf32, #tpu.memory_space<hbm>>
      tpu.enqueue_dma source(%dma_start3A_109 : memref<128x32xf32, #tpu.memory_space<hbm>>) target(%arg9 : memref<128x32xf32, #tpu.memory_space<vmem>>) target_semaphore(%run_scoped3A : memref<!tpu.dma_semaphore, #tpu.memory_space<semaphore_mem>>)
      %dma_wait3A_110 = arith.constant 0 : i32
      %dma_wait3A_111 = tpu.memref_slice %arg4[%mul3A_30, %dma_wait3A_110] : memref<16384x32xf32, #tpu.memory_space<hbm>> -> memref<128x32xf32, #tpu.memory_space<hbm>>
      %dma_wait3A_112 = arith.constant 0 : i32
      %dma_wait3A_113 = tpu.memref_slice %arg4[%mul3A_30, %dma_wait3A_112] : memref<16384x32xf32, #tpu.memory_space<hbm>> -> memref<128x32xf32, #tpu.memory_space<hbm>>
      tpu.wait_dma2 semaphore(%run_scoped3A : memref<!tpu.dma_semaphore, #tpu.memory_space<semaphore_mem>>) src(%dma_wait3A_113 : memref<128x32xf32, #tpu.memory_space<hbm>>) dst(%arg9 : memref<128x32xf32, #tpu.memory_space<vmem>>)
      tpu.yield
    }) : () -> ()
    %dma_wait3A_38 = arith.constant 1 : i32
    %dma_wait3A_39 = arith.constant 0 : i32
    %dma_wait3A_40 = tpu.memref_slice %arg7[%dma_wait3A_38, %dma_wait3A_39] : memref<4x128xi32, #tpu.memory_space<vmem>> -> memref<1x128xi32, #tpu.memory_space<vmem>>
    %dma_wait3A_41 = tpu.memref_squeeze %dma_wait3A_40 : memref<1x128xi32, #tpu.memory_space<vmem>> -> memref<128xi32, #tpu.memory_space<vmem>>
    %dma_wait3A_42 = arith.constant 0 : i32
    %dma_wait3A_43 = arith.constant 0 : i32
    %dma_wait3A_44 = tpu.memref_slice %arg2[%dma_wait3A_42, %dma_wait3A_43] : memref<8192x128xf32, #tpu.memory_space<hbm>> -> memref<8192x128xf32, #tpu.memory_space<hbm>>
    tpu.wait_indirect_dma semaphore(%arg12 : memref<!tpu.dma_semaphore, #tpu.memory_space<semaphore_mem>>) src(%dma_wait3A_44 : memref<8192x128xf32, #tpu.memory_space<hbm>>) dst(%arg8 : memref<128x128xf32, #tpu.memory_space<vmem>>)
    %scan3A_45 = arith.constant 0 : i32
    %scan3A_46 = arith.constant 0 : i32
    %scan3A_47 = arith.constant 128 : i32
    %scan3A_48 = arith.addi %scan3A_46, %scan3A_47 : i32
    %scan3A_49 = arith.constant 1 : i32
    %scan3A_50 = scf.for %scan3A_106 = %scan3A_46 to %scan3A_48 step %scan3A_49 iter_args(%scan3A_107 = %scan3A_45) -> (i32)  : i32 {
      %get3A = arith.index_cast %scan3A_106 : i32 to index
      %get3A_108 = arith.constant 0 : index
      %get3A_109 = tpu.vector_load %arg8[%get3A, %get3A_108] {strides = array<i32>} : memref<128x128xf32, #tpu.memory_space<vmem>>, vector<1x16xf32>,
      %get3A_110 = vector.shape_cast %get3A_109 : vector<1x16xf32> to vector<16xf32>
      %get3A_111 = arith.index_cast %scan3A_106 : i32 to index
      %get3A_112 = arith.constant 0 : index
      %get3A_113 = tpu.vector_load %arg9[%get3A_111, %get3A_112] {strides = array<i32>} : memref<128x32xf32, #tpu.memory_space<vmem>>, vector<1x16xf32>,
      %get3A_114 = vector.shape_cast %get3A_113 : vector<1x16xf32> to vector<16xf32>
      %sub3A = arith.subf %get3A_114, %get3A_110 : vector<16xf32>
      %swap3A = arith.index_cast %scan3A_106 : i32 to index
      %swap3A_115 = arith.constant 0 : index
      %swap3A_116 = tpu.vector_load %arg11[%swap3A, %swap3A_115] {strides = array<i32>} : memref<128x32xf32, #tpu.memory_space<vmem>>, vector<1x16xf32>,
      %swap3A_117 = vector.shape_cast %swap3A_116 : vector<1x16xf32> to vector<16xf32>
      %swap3A_118 = vector.shape_cast %sub3A : vector<16xf32> to vector<1x16xf32>
      tpu.vector_store %arg11[%swap3A, %swap3A_115], %swap3A_118 {strides = array<i32>} : memref<128x32xf32, #tpu.memory_space<vmem>>, vector<1x16xf32>,
      %get3A_119 = arith.index_cast %scan3A_106 : i32 to index
      %get3A_120 = arith.constant 16 : index
      %get3A_121 = tpu.vector_load %arg8[%get3A_119, %get3A_120] {strides = array<i32>} : memref<128x128xf32, #tpu.memory_space<vmem>>, vector<1x16xf32>,
      %get3A_122 = vector.shape_cast %get3A_121 : vector<1x16xf32> to vector<16xf32>
      %get3A_123 = arith.index_cast %scan3A_106 : i32 to index
      %get3A_124 = arith.constant 16 : index
      %get3A_125 = tpu.vector_load %arg9[%get3A_123, %get3A_124] {strides = array<i32>} : memref<128x32xf32, #tpu.memory_space<vmem>>, vector<1x16xf32>,
      %get3A_126 = vector.shape_cast %get3A_125 : vector<1x16xf32> to vector<16xf32>
      %sub3A_127 = arith.subf %get3A_126, %get3A_122 : vector<16xf32>
      %swap3A_128 = arith.index_cast %scan3A_106 : i32 to index
      %swap3A_129 = arith.constant 16 : index
      %swap3A_130 = tpu.vector_load %arg11[%swap3A_128, %swap3A_129] {strides = array<i32>} : memref<128x32xf32, #tpu.memory_space<vmem>>, vector<1x16xf32>,
      %swap3A_131 = vector.shape_cast %swap3A_130 : vector<1x16xf32> to vector<16xf32>
      %swap3A_132 = vector.shape_cast %sub3A_127 : vector<16xf32> to vector<1x16xf32>
      tpu.vector_store %arg11[%swap3A_128, %swap3A_129], %swap3A_132 {strides = array<i32>} : memref<128x32xf32, #tpu.memory_space<vmem>>, vector<1x16xf32>,
      %scan3A_133 = arith.constant 0 : i32
      scf.yield %scan3A_133 : i32
    }
    %scan3A_51 = arith.constant 128 : i32
    "tpu.region"() ({
      %run_scoped3A = tpu.sem_alloc : memref<!tpu.dma_semaphore, #tpu.memory_space<semaphore_mem>>
      %dma_start3A_106 = arith.constant 0 : i32
      %dma_start3A_107 = tpu.memref_slice %arg6[%mul3A_30, %dma_start3A_106] : memref<16384x32xf32, #tpu.memory_space<hbm>> -> memref<128x32xf32, #tpu.memory_space<hbm>>
      %dma_start3A_108 = arith.constant 0 : i32
      %dma_start3A_109 = tpu.memref_slice %arg6[%mul3A_30, %dma_start3A_108] : memref<16384x32xf32, #tpu.memory_space<hbm>> -> memref<128x32xf32, #tpu.memory_space<hbm>>
      tpu.enqueue_dma source(%arg11 : memref<128x32xf32, #tpu.memory_space<vmem>>) target(%dma_start3A_109 : memref<128x32xf32, #tpu.memory_space<hbm>>) target_semaphore(%run_scoped3A : memref<!tpu.dma_semaphore, #tpu.memory_space<semaphore_mem>>)
      %dma_wait3A_110 = arith.constant 0 : i32
      %dma_wait3A_111 = tpu.memref_slice %arg6[%mul3A_30, %dma_wait3A_110] : memref<16384x32xf32, #tpu.memory_space<hbm>> -> memref<128x32xf32, #tpu.memory_space<hbm>>
      %dma_wait3A_112 = arith.constant 0 : i32
      %dma_wait3A_113 = tpu.memref_slice %arg6[%mul3A_30, %dma_wait3A_112] : memref<16384x32xf32, #tpu.memory_space<hbm>> -> memref<128x32xf32, #tpu.memory_space<hbm>>
      tpu.wait_dma2 semaphore(%run_scoped3A : memref<!tpu.dma_semaphore, #tpu.memory_space<semaphore_mem>>) src(%arg11 : memref<128x32xf32, #tpu.memory_space<vmem>>) dst(%dma_wait3A_113 : memref<128x32xf32, #tpu.memory_space<hbm>>)
      tpu.yield
    }) : () -> ()
    %mul3A_52 = arith.constant 4 : i32
    %mul3A_53 = arith.muli %add3A, %mul3A_52 : i32
    %add3A_54 = arith.constant 2 : i32
    %add3A_55 = arith.addi %mul3A_53, %add3A_54 : i32
    %mul3A_56 = arith.constant 128 : i32
    %mul3A_57 = arith.muli %add3A_55, %mul3A_56 : i32
    %dma_start3A_58 = arith.constant 2 : i32
    %dma_start3A_59 = arith.constant 0 : i32
    %dma_start3A_60 = tpu.memref_slice %arg7[%dma_start3A_58, %dma_start3A_59] : memref<4x128xi32, #tpu.memory_space<vmem>> -> memref<1x128xi32, #tpu.memory_space<vmem>>
    %dma_start3A_61 = tpu.memref_squeeze %dma_start3A_60 : memref<1x128xi32, #tpu.memory_space<vmem>> -> memref<128xi32, #tpu.memory_space<vmem>>
    %dma_start3A_62 = arith.constant 0 : i32
    %dma_start3A_63 = arith.constant 0 : i32
    %dma_start3A_64 = tpu.memref_slice %arg2[%dma_start3A_62, %dma_start3A_63] : memref<8192x128xf32, #tpu.memory_space<hbm>> -> memref<8192x128xf32, #tpu.memory_space<hbm>>
    tpu.enqueue_indirect_dma source(%dma_start3A_64 : memref<8192x128xf32, #tpu.memory_space<hbm>>) target(%arg8 : memref<128x128xf32, #tpu.memory_space<vmem>>) offsets(%dma_start3A_61 : memref<128xi32, #tpu.memory_space<vmem>>) semaphore(%arg12 : memref<!tpu.dma_semaphore, #tpu.memory_space<semaphore_mem>>)
    "tpu.region"() ({
      %run_scoped3A = tpu.sem_alloc : memref<!tpu.dma_semaphore, #tpu.memory_space<semaphore_mem>>
      %dma_start3A_106 = arith.constant 0 : i32
      %dma_start3A_107 = tpu.memref_slice %arg4[%mul3A_57, %dma_start3A_106] : memref<16384x32xf32, #tpu.memory_space<hbm>> -> memref<128x32xf32, #tpu.memory_space<hbm>>
      %dma_start3A_108 = arith.constant 0 : i32
      %dma_start3A_109 = tpu.memref_slice %arg4[%mul3A_57, %dma_start3A_108] : memref<16384x32xf32, #tpu.memory_space<hbm>> -> memref<128x32xf32, #tpu.memory_space<hbm>>
      tpu.enqueue_dma source(%dma_start3A_109 : memref<128x32xf32, #tpu.memory_space<hbm>>) target(%arg9 : memref<128x32xf32, #tpu.memory_space<vmem>>) target_semaphore(%run_scoped3A : memref<!tpu.dma_semaphore, #tpu.memory_space<semaphore_mem>>)
      %dma_wait3A_110 = arith.constant 0 : i32
      %dma_wait3A_111 = tpu.memref_slice %arg4[%mul3A_57, %dma_wait3A_110] : memref<16384x32xf32, #tpu.memory_space<hbm>> -> memref<128x32xf32, #tpu.memory_space<hbm>>
      %dma_wait3A_112 = arith.constant 0 : i32
      %dma_wait3A_113 = tpu.memref_slice %arg4[%mul3A_57, %dma_wait3A_112] : memref<16384x32xf32, #tpu.memory_space<hbm>> -> memref<128x32xf32, #tpu.memory_space<hbm>>
      tpu.wait_dma2 semaphore(%run_scoped3A : memref<!tpu.dma_semaphore, #tpu.memory_space<semaphore_mem>>) src(%dma_wait3A_113 : memref<128x32xf32, #tpu.memory_space<hbm>>) dst(%arg9 : memref<128x32xf32, #tpu.memory_space<vmem>>)
      tpu.yield
    }) : () -> ()
    %dma_wait3A_65 = arith.constant 2 : i32
    %dma_wait3A_66 = arith.constant 0 : i32
    %dma_wait3A_67 = tpu.memref_slice %arg7[%dma_wait3A_65, %dma_wait3A_66] : memref<4x128xi32, #tpu.memory_space<vmem>> -> memref<1x128xi32, #tpu.memory_space<vmem>>
    %dma_wait3A_68 = tpu.memref_squeeze %dma_wait3A_67 : memref<1x128xi32, #tpu.memory_space<vmem>> -> memref<128xi32, #tpu.memory_space<vmem>>
    %dma_wait3A_69 = arith.constant 0 : i32
    %dma_wait3A_70 = arith.constant 0 : i32
    %dma_wait3A_71 = tpu.memref_slice %arg2[%dma_wait3A_69, %dma_wait3A_70] : memref<8192x128xf32, #tpu.memory_space<hbm>> -> memref<8192x128xf32, #tpu.memory_space<hbm>>
    tpu.wait_indirect_dma semaphore(%arg12 : memref<!tpu.dma_semaphore, #tpu.memory_space<semaphore_mem>>) src(%dma_wait3A_71 : memref<8192x128xf32, #tpu.memory_space<hbm>>) dst(%arg8 : memref<128x128xf32, #tpu.memory_space<vmem>>)
    %scan3A_72 = arith.constant 0 : i32
    %scan3A_73 = arith.constant 0 : i32
    %scan3A_74 = arith.constant 128 : i32
    %scan3A_75 = arith.addi %scan3A_73, %scan3A_74 : i32
    %scan3A_76 = arith.constant 1 : i32
    %scan3A_77 = scf.for %scan3A_106 = %scan3A_73 to %scan3A_75 step %scan3A_76 iter_args(%scan3A_107 = %scan3A_72) -> (i32)  : i32 {
      %get3A = arith.index_cast %scan3A_106 : i32 to index
      %get3A_108 = arith.constant 0 : index
      %get3A_109 = tpu.vector_load %arg8[%get3A, %get3A_108] {strides = array<i32>} : memref<128x128xf32, #tpu.memory_space<vmem>>, vector<1x16xf32>,
      %get3A_110 = vector.shape_cast %get3A_109 : vector<1x16xf32> to vector<16xf32>
      %get3A_111 = arith.index_cast %scan3A_106 : i32 to index
      %get3A_112 = arith.constant 0 : index
      %get3A_113 = tpu.vector_load %arg9[%get3A_111, %get3A_112] {strides = array<i32>} : memref<128x32xf32, #tpu.memory_space<vmem>>, vector<1x16xf32>,
      %get3A_114 = vector.shape_cast %get3A_113 : vector<1x16xf32> to vector<16xf32>
      %sub3A = arith.subf %get3A_114, %get3A_110 : vector<16xf32>
      %swap3A = arith.index_cast %scan3A_106 : i32 to index
      %swap3A_115 = arith.constant 0 : index
      %swap3A_116 = tpu.vector_load %arg11[%swap3A, %swap3A_115] {strides = array<i32>} : memref<128x32xf32, #tpu.memory_space<vmem>>, vector<1x16xf32>,
      %swap3A_117 = vector.shape_cast %swap3A_116 : vector<1x16xf32> to vector<16xf32>
      %swap3A_118 = vector.shape_cast %sub3A : vector<16xf32> to vector<1x16xf32>
      tpu.vector_store %arg11[%swap3A, %swap3A_115], %swap3A_118 {strides = array<i32>} : memref<128x32xf32, #tpu.memory_space<vmem>>, vector<1x16xf32>,
      %get3A_119 = arith.index_cast %scan3A_106 : i32 to index
      %get3A_120 = arith.constant 16 : index
      %get3A_121 = tpu.vector_load %arg8[%get3A_119, %get3A_120] {strides = array<i32>} : memref<128x128xf32, #tpu.memory_space<vmem>>, vector<1x16xf32>,
      %get3A_122 = vector.shape_cast %get3A_121 : vector<1x16xf32> to vector<16xf32>
      %get3A_123 = arith.index_cast %scan3A_106 : i32 to index
      %get3A_124 = arith.constant 16 : index
      %get3A_125 = tpu.vector_load %arg9[%get3A_123, %get3A_124] {strides = array<i32>} : memref<128x32xf32, #tpu.memory_space<vmem>>, vector<1x16xf32>,
      %get3A_126 = vector.shape_cast %get3A_125 : vector<1x16xf32> to vector<16xf32>
      %sub3A_127 = arith.subf %get3A_126, %get3A_122 : vector<16xf32>
      %swap3A_128 = arith.index_cast %scan3A_106 : i32 to index
      %swap3A_129 = arith.constant 16 : index
      %swap3A_130 = tpu.vector_load %arg11[%swap3A_128, %swap3A_129] {strides = array<i32>} : memref<128x32xf32, #tpu.memory_space<vmem>>, vector<1x16xf32>,
      %swap3A_131 = vector.shape_cast %swap3A_130 : vector<1x16xf32> to vector<16xf32>
      %swap3A_132 = vector.shape_cast %sub3A_127 : vector<16xf32> to vector<1x16xf32>
      tpu.vector_store %arg11[%swap3A_128, %swap3A_129], %swap3A_132 {strides = array<i32>} : memref<128x32xf32, #tpu.memory_space<vmem>>, vector<1x16xf32>,
      %scan3A_133 = arith.constant 0 : i32
      scf.yield %scan3A_133 : i32
    }
    %scan3A_78 = arith.constant 128 : i32
    "tpu.region"() ({
      %run_scoped3A = tpu.sem_alloc : memref<!tpu.dma_semaphore, #tpu.memory_space<semaphore_mem>>
      %dma_start3A_106 = arith.constant 0 : i32
      %dma_start3A_107 = tpu.memref_slice %arg6[%mul3A_57, %dma_start3A_106] : memref<16384x32xf32, #tpu.memory_space<hbm>> -> memref<128x32xf32, #tpu.memory_space<hbm>>
      %dma_start3A_108 = arith.constant 0 : i32
      %dma_start3A_109 = tpu.memref_slice %arg6[%mul3A_57, %dma_start3A_108] : memref<16384x32xf32, #tpu.memory_space<hbm>> -> memref<128x32xf32, #tpu.memory_space<hbm>>
      tpu.enqueue_dma source(%arg11 : memref<128x32xf32, #tpu.memory_space<vmem>>) target(%dma_start3A_109 : memref<128x32xf32, #tpu.memory_space<hbm>>) target_semaphore(%run_scoped3A : memref<!tpu.dma_semaphore, #tpu.memory_space<semaphore_mem>>)
      %dma_wait3A_110 = arith.constant 0 : i32
      %dma_wait3A_111 = tpu.memref_slice %arg6[%mul3A_57, %dma_wait3A_110] : memref<16384x32xf32, #tpu.memory_space<hbm>> -> memref<128x32xf32, #tpu.memory_space<hbm>>
      %dma_wait3A_112 = arith.constant 0 : i32
      %dma_wait3A_113 = tpu.memref_slice %arg6[%mul3A_57, %dma_wait3A_112] : memref<16384x32xf32, #tpu.memory_space<hbm>> -> memref<128x32xf32, #tpu.memory_space<hbm>>
      tpu.wait_dma2 semaphore(%run_scoped3A : memref<!tpu.dma_semaphore, #tpu.memory_space<semaphore_mem>>) src(%arg11 : memref<128x32xf32, #tpu.memory_space<vmem>>) dst(%dma_wait3A_113 : memref<128x32xf32, #tpu.memory_space<hbm>>)
      tpu.yield
    }) : () -> ()
    %mul3A_79 = arith.constant 4 : i32
    %mul3A_80 = arith.muli %add3A, %mul3A_79 : i32
    %add3A_81 = arith.constant 3 : i32
    %add3A_82 = arith.addi %mul3A_80, %add3A_81 : i32
    %mul3A_83 = arith.constant 128 : i32
    %mul3A_84 = arith.muli %add3A_82, %mul3A_83 : i32
    %dma_start3A_85 = arith.constant 3 : i32
    %dma_start3A_86 = arith.constant 0 : i32
    %dma_start3A_87 = tpu.memref_slice %arg7[%dma_start3A_85, %dma_start3A_86] : memref<4x128xi32, #tpu.memory_space<vmem>> -> memref<1x128xi32, #tpu.memory_space<vmem>>
    %dma_start3A_88 = tpu.memref_squeeze %dma_start3A_87 : memref<1x128xi32, #tpu.memory_space<vmem>> -> memref<128xi32, #tpu.memory_space<vmem>>
    %dma_start3A_89 = arith.constant 0 : i32
    %dma_start3A_90 = arith.constant 0 : i32
    %dma_start3A_91 = tpu.memref_slice %arg2[%dma_start3A_89, %dma_start3A_90] : memref<8192x128xf32, #tpu.memory_space<hbm>> -> memref<8192x128xf32, #tpu.memory_space<hbm>>
    tpu.enqueue_indirect_dma source(%dma_start3A_91 : memref<8192x128xf32, #tpu.memory_space<hbm>>) target(%arg8 : memref<128x128xf32, #tpu.memory_space<vmem>>) offsets(%dma_start3A_88 : memref<128xi32, #tpu.memory_space<vmem>>) semaphore(%arg12 : memref<!tpu.dma_semaphore, #tpu.memory_space<semaphore_mem>>)
    "tpu.region"() ({
      %run_scoped3A = tpu.sem_alloc : memref<!tpu.dma_semaphore, #tpu.memory_space<semaphore_mem>>
      %dma_start3A_106 = arith.constant 0 : i32
      %dma_start3A_107 = tpu.memref_slice %arg4[%mul3A_84, %dma_start3A_106] : memref<16384x32xf32, #tpu.memory_space<hbm>> -> memref<128x32xf32, #tpu.memory_space<hbm>>
      %dma_start3A_108 = arith.constant 0 : i32
      %dma_start3A_109 = tpu.memref_slice %arg4[%mul3A_84, %dma_start3A_108] : memref<16384x32xf32, #tpu.memory_space<hbm>> -> memref<128x32xf32, #tpu.memory_space<hbm>>
      tpu.enqueue_dma source(%dma_start3A_109 : memref<128x32xf32, #tpu.memory_space<hbm>>) target(%arg9 : memref<128x32xf32, #tpu.memory_space<vmem>>) target_semaphore(%run_scoped3A : memref<!tpu.dma_semaphore, #tpu.memory_space<semaphore_mem>>)
      %dma_wait3A_110 = arith.constant 0 : i32
      %dma_wait3A_111 = tpu.memref_slice %arg4[%mul3A_84, %dma_wait3A_110] : memref<16384x32xf32, #tpu.memory_space<hbm>> -> memref<128x32xf32, #tpu.memory_space<hbm>>
      %dma_wait3A_112 = arith.constant 0 : i32
      %dma_wait3A_113 = tpu.memref_slice %arg4[%mul3A_84, %dma_wait3A_112] : memref<16384x32xf32, #tpu.memory_space<hbm>> -> memref<128x32xf32, #tpu.memory_space<hbm>>
      tpu.wait_dma2 semaphore(%run_scoped3A : memref<!tpu.dma_semaphore, #tpu.memory_space<semaphore_mem>>) src(%dma_wait3A_113 : memref<128x32xf32, #tpu.memory_space<hbm>>) dst(%arg9 : memref<128x32xf32, #tpu.memory_space<vmem>>)
      tpu.yield
    }) : () -> ()
    %dma_wait3A_92 = arith.constant 3 : i32
    %dma_wait3A_93 = arith.constant 0 : i32
    %dma_wait3A_94 = tpu.memref_slice %arg7[%dma_wait3A_92, %dma_wait3A_93] : memref<4x128xi32, #tpu.memory_space<vmem>> -> memref<1x128xi32, #tpu.memory_space<vmem>>
    %dma_wait3A_95 = tpu.memref_squeeze %dma_wait3A_94 : memref<1x128xi32, #tpu.memory_space<vmem>> -> memref<128xi32, #tpu.memory_space<vmem>>
    %dma_wait3A_96 = arith.constant 0 : i32
    %dma_wait3A_97 = arith.constant 0 : i32
    %dma_wait3A_98 = tpu.memref_slice %arg2[%dma_wait3A_96, %dma_wait3A_97] : memref<8192x128xf32, #tpu.memory_space<hbm>> -> memref<8192x128xf32, #tpu.memory_space<hbm>>
    tpu.wait_indirect_dma semaphore(%arg12 : memref<!tpu.dma_semaphore, #tpu.memory_space<semaphore_mem>>) src(%dma_wait3A_98 : memref<8192x128xf32, #tpu.memory_space<hbm>>) dst(%arg8 : memref<128x128xf32, #tpu.memory_space<vmem>>)
    %scan3A_99 = arith.constant 0 : i32
    %scan3A_100 = arith.constant 0 : i32
    %scan3A_101 = arith.constant 128 : i32
    %scan3A_102 = arith.addi %scan3A_100, %scan3A_101 : i32
    %scan3A_103 = arith.constant 1 : i32
    %scan3A_104 = scf.for %scan3A_106 = %scan3A_100 to %scan3A_102 step %scan3A_103 iter_args(%scan3A_107 = %scan3A_99) -> (i32)  : i32 {
      %get3A = arith.index_cast %scan3A_106 : i32 to index
      %get3A_108 = arith.constant 0 : index
      %get3A_109 = tpu.vector_load %arg8[%get3A, %get3A_108] {strides = array<i32>} : memref<128x128xf32, #tpu.memory_space<vmem>>, vector<1x16xf32>,
      %get3A_110 = vector.shape_cast %get3A_109 : vector<1x16xf32> to vector<16xf32>
      %get3A_111 = arith.index_cast %scan3A_106 : i32 to index
      %get3A_112 = arith.constant 0 : index
      %get3A_113 = tpu.vector_load %arg9[%get3A_111, %get3A_112] {strides = array<i32>} : memref<128x32xf32, #tpu.memory_space<vmem>>, vector<1x16xf32>,
      %get3A_114 = vector.shape_cast %get3A_113 : vector<1x16xf32> to vector<16xf32>
      %sub3A = arith.subf %get3A_114, %get3A_110 : vector<16xf32>
      %swap3A = arith.index_cast %scan3A_106 : i32 to index
      %swap3A_115 = arith.constant 0 : index
      %swap3A_116 = tpu.vector_load %arg11[%swap3A, %swap3A_115] {strides = array<i32>} : memref<128x32xf32, #tpu.memory_space<vmem>>, vector<1x16xf32>,
      %swap3A_117 = vector.shape_cast %swap3A_116 : vector<1x16xf32> to vector<16xf32>
      %swap3A_118 = vector.shape_cast %sub3A : vector<16xf32> to vector<1x16xf32>
      tpu.vector_store %arg11[%swap3A, %swap3A_115], %swap3A_118 {strides = array<i32>} : memref<128x32xf32, #tpu.memory_space<vmem>>, vector<1x16xf32>,
      %get3A_119 = arith.index_cast %scan3A_106 : i32 to index
      %get3A_120 = arith.constant 16 : index
      %get3A_121 = tpu.vector_load %arg8[%get3A_119, %get3A_120] {strides = array<i32>} : memref<128x128xf32, #tpu.memory_space<vmem>>, vector<1x16xf32>,
      %get3A_122 = vector.shape_cast %get3A_121 : vector<1x16xf32> to vector<16xf32>
      %get3A_123 = arith.index_cast %scan3A_106 : i32 to index
      %get3A_124 = arith.constant 16 : index
      %get3A_125 = tpu.vector_load %arg9[%get3A_123, %get3A_124] {strides = array<i32>} : memref<128x32xf32, #tpu.memory_space<vmem>>, vector<1x16xf32>,
      %get3A_126 = vector.shape_cast %get3A_125 : vector<1x16xf32> to vector<16xf32>
      %sub3A_127 = arith.subf %get3A_126, %get3A_122 : vector<16xf32>
      %swap3A_128 = arith.index_cast %scan3A_106 : i32 to index
      %swap3A_129 = arith.constant 16 : index
      %swap3A_130 = tpu.vector_load %arg11[%swap3A_128, %swap3A_129] {strides = array<i32>} : memref<128x32xf32, #tpu.memory_space<vmem>>, vector<1x16xf32>,
      %swap3A_131 = vector.shape_cast %swap3A_130 : vector<1x16xf32> to vector<16xf32>
      %swap3A_132 = vector.shape_cast %sub3A_127 : vector<16xf32> to vector<1x16xf32>
      tpu.vector_store %arg11[%swap3A_128, %swap3A_129], %swap3A_132 {strides = array<i32>} : memref<128x32xf32, #tpu.memory_space<vmem>>, vector<1x16xf32>,
      %scan3A_133 = arith.constant 0 : i32
      scf.yield %scan3A_133 : i32
    }
    %scan3A_105 = arith.constant 128 : i32
    "tpu.region"() ({
      %run_scoped3A = tpu.sem_alloc : memref<!tpu.dma_semaphore, #tpu.memory_space<semaphore_mem>>
      %dma_start3A_106 = arith.constant 0 : i32
      %dma_start3A_107 = tpu.memref_slice %arg6[%mul3A_84, %dma_start3A_106] : memref<16384x32xf32, #tpu.memory_space<hbm>> -> memref<128x32xf32, #tpu.memory_space<hbm>>
      %dma_start3A_108 = arith.constant 0 : i32
      %dma_start3A_109 = tpu.memref_slice %arg6[%mul3A_84, %dma_start3A_108] : memref<16384x32xf32, #tpu.memory_space<hbm>> -> memref<128x32xf32, #tpu.memory_space<hbm>>
      tpu.enqueue_dma source(%arg11 : memref<128x32xf32, #tpu.memory_space<vmem>>) target(%dma_start3A_109 : memref<128x32xf32, #tpu.memory_space<hbm>>) target_semaphore(%run_scoped3A : memref<!tpu.dma_semaphore, #tpu.memory_space<semaphore_mem>>)
      %dma_wait3A_110 = arith.constant 0 : i32
      %dma_wait3A_111 = tpu.memref_slice %arg6[%mul3A_84, %dma_wait3A_110] : memref<16384x32xf32, #tpu.memory_space<hbm>> -> memref<128x32xf32, #tpu.memory_space<hbm>>
      %dma_wait3A_112 = arith.constant 0 : i32
      %dma_wait3A_113 = tpu.memref_slice %arg6[%mul3A_84, %dma_wait3A_112] : memref<16384x32xf32, #tpu.memory_space<hbm>> -> memref<128x32xf32, #tpu.memory_space<hbm>>
      tpu.wait_dma2 semaphore(%run_scoped3A : memref<!tpu.dma_semaphore, #tpu.memory_space<semaphore_mem>>) src(%arg11 : memref<128x32xf32, #tpu.memory_space<vmem>>) dst(%dma_wait3A_113 : memref<128x32xf32, #tpu.memory_space<hbm>>)
      tpu.yield
    }) : () -> ()
    return
  }
}

#map = affine_map<(d0, d1) -> (0, 0)>
#map1 = affine_map<(d0, d1) -> (0, 0, 0)>
module attributes {stable_mosaic.version = 14 : i64} {
  func.func @_sc_body(%arg0: i32, %arg1: i32, %arg2: memref<8192x128xf32, #tpu.memory_space<hbm>>, %arg3: memref<32x4x128xi32, #tpu.memory_space<hbm>>, %arg4: memref<16384x32xf32, #tpu.memory_space<hbm>>, %arg5: memref<16384x32xf32, #tpu.memory_space<hbm>>, %arg6: memref<16384x32xf32, #tpu.memory_space<hbm>>, %arg7: memref<4x128xi32, #tpu.memory_space<vmem>>, %arg8: memref<128x128xf32, #tpu.memory_space<vmem>>, %arg9: memref<128x32xf32, #tpu.memory_space<vmem>>, %arg10: memref<128x32xf32, #tpu.memory_space<vmem>>, %arg11: memref<128x32xf32, #tpu.memory_space<vmem>>, %arg12: memref<!tpu.dma_semaphore, #tpu.memory_space<semaphore_mem>>) attributes {dimension_semantics = [#tpu.dimension_semantics<core_parallel>, #tpu.dimension_semantics<subcore_parallel>], iteration_bounds = array<i64: 2, 16>, scalar_prefetch = 0 : i64, scratch_operands = 6 : i64, tpu.core_type = #tpu.core_type<sc_vector_subcore>, window_params = [{transform_indices = #map}, {transform_indices = #map1}, {transform_indices = #map}, {transform_indices = #map}, {transform_indices = #map}]} {
    %mul3A = arith.constant 2 : i32
    %mul3A_0 = arith.muli %arg1, %mul3A : i32
    %add3A = arith.addi %mul3A_0, %arg0 : i32
    "tpu.region"() ({
      %run_scoped3A = tpu.sem_alloc : memref<!tpu.dma_semaphore, #tpu.memory_space<semaphore_mem>>
      %dma_start3A_106 = arith.constant 0 : i32
      %dma_start3A_107 = arith.constant 0 : i32
      %dma_start3A_108 = tpu.memref_slice %arg3[%add3A, %dma_start3A_106, %dma_start3A_107] : memref<32x4x128xi32, #tpu.memory_space<hbm>> -> memref<1x4x128xi32, #tpu.memory_space<hbm>>
      %dma_start3A_109 = tpu.memref_squeeze %dma_start3A_108 : memref<1x4x128xi32, #tpu.memory_space<hbm>> -> memref<4x128xi32, #tpu.memory_space<hbm>>
      %dma_start3A_110 = arith.constant 0 : i32
      %dma_start3A_111 = arith.constant 0 : i32
      %dma_start3A_112 = tpu.memref_slice %arg3[%add3A, %dma_start3A_110, %dma_start3A_111] : memref<32x4x128xi32, #tpu.memory_space<hbm>> -> memref<1x4x128xi32, #tpu.memory_space<hbm>>
      %dma_start3A_113 = tpu.memref_squeeze %dma_start3A_112 : memref<1x4x128xi32, #tpu.memory_space<hbm>> -> memref<4x128xi32, #tpu.memory_space<hbm>>
      tpu.enqueue_dma source(%dma_start3A_113 : memref<4x128xi32, #tpu.memory_space<hbm>>) target(%arg7 : memref<4x128xi32, #tpu.memory_space<vmem>>) target_semaphore(%run_scoped3A : memref<!tpu.dma_semaphore, #tpu.memory_space<semaphore_mem>>)
      %dma_wait3A_114 = arith.constant 0 : i32
      %dma_wait3A_115 = arith.constant 0 : i32
      %dma_wait3A_116 = tpu.memref_slice %arg3[%add3A, %dma_wait3A_114, %dma_wait3A_115] : memref<32x4x128xi32, #tpu.memory_space<hbm>> -> memref<1x4x128xi32, #tpu.memory_space<hbm>>
      %dma_wait3A_117 = tpu.memref_squeeze %dma_wait3A_116 : memref<1x4x128xi32, #tpu.memory_space<hbm>> -> memref<4x128xi32, #tpu.memory_space<hbm>>
      %dma_wait3A_118 = arith.constant 0 : i32
      %dma_wait3A_119 = arith.constant 0 : i32
      %dma_wait3A_120 = tpu.memref_slice %arg3[%add3A, %dma_wait3A_118, %dma_wait3A_119] : memref<32x4x128xi32, #tpu.memory_space<hbm>> -> memref<1x4x128xi32, #tpu.memory_space<hbm>>
      %dma_wait3A_121 = tpu.memref_squeeze %dma_wait3A_120 : memref<1x4x128xi32, #tpu.memory_space<hbm>> -> memref<4x128xi32, #tpu.memory_space<hbm>>
      tpu.wait_dma2 semaphore(%run_scoped3A : memref<!tpu.dma_semaphore, #tpu.memory_space<semaphore_mem>>) src(%dma_wait3A_121 : memref<4x128xi32, #tpu.memory_space<hbm>>) dst(%arg7 : memref<4x128xi32, #tpu.memory_space<vmem>>)
      tpu.yield
    }) : () -> ()
    %mul3A_1 = arith.constant 4 : i32
    %mul3A_2 = arith.muli %add3A, %mul3A_1 : i32
    %add3A_3 = arith.constant 0 : i32
    %add3A_4 = arith.addi %mul3A_2, %add3A_3 : i32
    %mul3A_5 = arith.constant 128 : i32
    %mul3A_6 = arith.muli %add3A_4, %mul3A_5 : i32
    %dma_start3A = arith.constant 0 : i32
    %dma_start3A_7 = arith.constant 0 : i32
    %dma_start3A_8 = tpu.memref_slice %arg7[%dma_start3A, %dma_start3A_7] : memref<4x128xi32, #tpu.memory_space<vmem>> -> memref<1x128xi32, #tpu.memory_space<vmem>>
    %dma_start3A_9 = tpu.memref_squeeze %dma_start3A_8 : memref<1x128xi32, #tpu.memory_space<vmem>> -> memref<128xi32, #tpu.memory_space<vmem>>
    %dma_start3A_10 = arith.constant 0 : i32
    %dma_start3A_11 = arith.constant 0 : i32
    %dma_start3A_12 = tpu.memref_slice %arg2[%dma_start3A_10, %dma_start3A_11] : memref<8192x128xf32, #tpu.memory_space<hbm>> -> memref<8192x128xf32, #tpu.memory_space<hbm>>
    tpu.enqueue_indirect_dma source(%dma_start3A_12 : memref<8192x128xf32, #tpu.memory_space<hbm>>) target(%arg8 : memref<128x128xf32, #tpu.memory_space<vmem>>) offsets(%dma_start3A_9 : memref<128xi32, #tpu.memory_space<vmem>>) semaphore(%arg12 : memref<!tpu.dma_semaphore, #tpu.memory_space<semaphore_mem>>)
    "tpu.region"() ({
      %run_scoped3A = tpu.sem_alloc : memref<!tpu.dma_semaphore, #tpu.memory_space<semaphore_mem>>
      %dma_start3A_106 = arith.constant 0 : i32
      %dma_start3A_107 = tpu.memref_slice %arg4[%mul3A_6, %dma_start3A_106] : memref<16384x32xf32, #tpu.memory_space<hbm>> -> memref<128x32xf32, #tpu.memory_space<hbm>>
      %dma_start3A_108 = arith.constant 0 : i32
      %dma_start3A_109 = tpu.memref_slice %arg4[%mul3A_6, %dma_start3A_108] : memref<16384x32xf32, #tpu.memory_space<hbm>> -> memref<128x32xf32, #tpu.memory_space<hbm>>
      tpu.enqueue_dma source(%dma_start3A_109 : memref<128x32xf32, #tpu.memory_space<hbm>>) target(%arg9 : memref<128x32xf32, #tpu.memory_space<vmem>>) target_semaphore(%run_scoped3A : memref<!tpu.dma_semaphore, #tpu.memory_space<semaphore_mem>>)
      %dma_wait3A_110 = arith.constant 0 : i32
      %dma_wait3A_111 = tpu.memref_slice %arg4[%mul3A_6, %dma_wait3A_110] : memref<16384x32xf32, #tpu.memory_space<hbm>> -> memref<128x32xf32, #tpu.memory_space<hbm>>
      %dma_wait3A_112 = arith.constant 0 : i32
      %dma_wait3A_113 = tpu.memref_slice %arg4[%mul3A_6, %dma_wait3A_112] : memref<16384x32xf32, #tpu.memory_space<hbm>> -> memref<128x32xf32, #tpu.memory_space<hbm>>
      tpu.wait_dma2 semaphore(%run_scoped3A : memref<!tpu.dma_semaphore, #tpu.memory_space<semaphore_mem>>) src(%dma_wait3A_113 : memref<128x32xf32, #tpu.memory_space<hbm>>) dst(%arg9 : memref<128x32xf32, #tpu.memory_space<vmem>>)
      tpu.yield
    }) : () -> ()
    %dma_wait3A = arith.constant 0 : i32
    %dma_wait3A_13 = arith.constant 0 : i32
    %dma_wait3A_14 = tpu.memref_slice %arg7[%dma_wait3A, %dma_wait3A_13] : memref<4x128xi32, #tpu.memory_space<vmem>> -> memref<1x128xi32, #tpu.memory_space<vmem>>
    %dma_wait3A_15 = tpu.memref_squeeze %dma_wait3A_14 : memref<1x128xi32, #tpu.memory_space<vmem>> -> memref<128xi32, #tpu.memory_space<vmem>>
    %dma_wait3A_16 = arith.constant 0 : i32
    %dma_wait3A_17 = arith.constant 0 : i32
    %dma_wait3A_18 = tpu.memref_slice %arg2[%dma_wait3A_16, %dma_wait3A_17] : memref<8192x128xf32, #tpu.memory_space<hbm>> -> memref<8192x128xf32, #tpu.memory_space<hbm>>
    tpu.wait_indirect_dma semaphore(%arg12 : memref<!tpu.dma_semaphore, #tpu.memory_space<semaphore_mem>>) src(%dma_wait3A_18 : memref<8192x128xf32, #tpu.memory_space<hbm>>) dst(%arg8 : memref<128x128xf32, #tpu.memory_space<vmem>>)
    %scan3A = arith.constant 0 : i32
    %scan3A_19 = arith.constant 0 : i32
    %scan3A_20 = arith.constant 128 : i32
    %scan3A_21 = arith.addi %scan3A_19, %scan3A_20 : i32
    %scan3A_22 = arith.constant 1 : i32
    %scan3A_23 = scf.for %scan3A_106 = %scan3A_19 to %scan3A_21 step %scan3A_22 iter_args(%scan3A_107 = %scan3A) -> (i32)  : i32 {
      %get3A = arith.index_cast %scan3A_106 : i32 to index
      %get3A_108 = arith.constant 0 : index
      %get3A_109 = tpu.vector_load %arg8[%get3A, %get3A_108] {strides = array<i32>} : memref<128x128xf32, #tpu.memory_space<vmem>>, vector<1x16xf32>,
      %get3A_110 = vector.shape_cast %get3A_109 : vector<1x16xf32> to vector<16xf32>
      %get3A_111 = arith.index_cast %scan3A_106 : i32 to index
      %get3A_112 = arith.constant 0 : index
      %get3A_113 = tpu.vector_load %arg9[%get3A_111, %get3A_112] {strides = array<i32>} : memref<128x32xf32, #tpu.memory_space<vmem>>, vector<1x16xf32>,
      %get3A_114 = vector.shape_cast %get3A_113 : vector<1x16xf32> to vector<16xf32>
      %sub3A = arith.subf %get3A_114, %get3A_110 : vector<16xf32>
      %swap3A = arith.index_cast %scan3A_106 : i32 to index
      %swap3A_115 = arith.constant 0 : index
      %swap3A_116 = tpu.vector_load %arg11[%swap3A, %swap3A_115] {strides = array<i32>} : memref<128x32xf32, #tpu.memory_space<vmem>>, vector<1x16xf32>,
      %swap3A_117 = vector.shape_cast %swap3A_116 : vector<1x16xf32> to vector<16xf32>
      %swap3A_118 = vector.shape_cast %sub3A : vector<16xf32> to vector<1x16xf32>
      tpu.vector_store %arg11[%swap3A, %swap3A_115], %swap3A_118 {strides = array<i32>} : memref<128x32xf32, #tpu.memory_space<vmem>>, vector<1x16xf32>,
      %get3A_119 = arith.index_cast %scan3A_106 : i32 to index
      %get3A_120 = arith.constant 16 : index
      %get3A_121 = tpu.vector_load %arg8[%get3A_119, %get3A_120] {strides = array<i32>} : memref<128x128xf32, #tpu.memory_space<vmem>>, vector<1x16xf32>,
      %get3A_122 = vector.shape_cast %get3A_121 : vector<1x16xf32> to vector<16xf32>
      %get3A_123 = arith.index_cast %scan3A_106 : i32 to index
      %get3A_124 = arith.constant 16 : index
      %get3A_125 = tpu.vector_load %arg9[%get3A_123, %get3A_124] {strides = array<i32>} : memref<128x32xf32, #tpu.memory_space<vmem>>, vector<1x16xf32>,
      %get3A_126 = vector.shape_cast %get3A_125 : vector<1x16xf32> to vector<16xf32>
      %sub3A_127 = arith.subf %get3A_126, %get3A_122 : vector<16xf32>
      %swap3A_128 = arith.index_cast %scan3A_106 : i32 to index
      %swap3A_129 = arith.constant 16 : index
      %swap3A_130 = tpu.vector_load %arg11[%swap3A_128, %swap3A_129] {strides = array<i32>} : memref<128x32xf32, #tpu.memory_space<vmem>>, vector<1x16xf32>,
      %swap3A_131 = vector.shape_cast %swap3A_130 : vector<1x16xf32> to vector<16xf32>
      %swap3A_132 = vector.shape_cast %sub3A_127 : vector<16xf32> to vector<1x16xf32>
      tpu.vector_store %arg11[%swap3A_128, %swap3A_129], %swap3A_132 {strides = array<i32>} : memref<128x32xf32, #tpu.memory_space<vmem>>, vector<1x16xf32>,
      %scan3A_133 = arith.constant 0 : i32
      scf.yield %scan3A_133 : i32
    }
    %scan3A_24 = arith.constant 128 : i32
    "tpu.region"() ({
      %run_scoped3A = tpu.sem_alloc : memref<!tpu.dma_semaphore, #tpu.memory_space<semaphore_mem>>
      %dma_start3A_106 = arith.constant 0 : i32
      %dma_start3A_107 = tpu.memref_slice %arg6[%mul3A_6, %dma_start3A_106] : memref<16384x32xf32, #tpu.memory_space<hbm>> -> memref<128x32xf32, #tpu.memory_space<hbm>>
      %dma_start3A_108 = arith.constant 0 : i32
      %dma_start3A_109 = tpu.memref_slice %arg6[%mul3A_6, %dma_start3A_108] : memref<16384x32xf32, #tpu.memory_space<hbm>> -> memref<128x32xf32, #tpu.memory_space<hbm>>
      tpu.enqueue_dma source(%arg11 : memref<128x32xf32, #tpu.memory_space<vmem>>) target(%dma_start3A_109 : memref<128x32xf32, #tpu.memory_space<hbm>>) target_semaphore(%run_scoped3A : memref<!tpu.dma_semaphore, #tpu.memory_space<semaphore_mem>>)
      %dma_wait3A_110 = arith.constant 0 : i32
      %dma_wait3A_111 = tpu.memref_slice %arg6[%mul3A_6, %dma_wait3A_110] : memref<16384x32xf32, #tpu.memory_space<hbm>> -> memref<128x32xf32, #tpu.memory_space<hbm>>
      %dma_wait3A_112 = arith.constant 0 : i32
      %dma_wait3A_113 = tpu.memref_slice %arg6[%mul3A_6, %dma_wait3A_112] : memref<16384x32xf32, #tpu.memory_space<hbm>> -> memref<128x32xf32, #tpu.memory_space<hbm>>
      tpu.wait_dma2 semaphore(%run_scoped3A : memref<!tpu.dma_semaphore, #tpu.memory_space<semaphore_mem>>) src(%arg11 : memref<128x32xf32, #tpu.memory_space<vmem>>) dst(%dma_wait3A_113 : memref<128x32xf32, #tpu.memory_space<hbm>>)
      tpu.yield
    }) : () -> ()
    %mul3A_25 = arith.constant 4 : i32
    %mul3A_26 = arith.muli %add3A, %mul3A_25 : i32
    %add3A_27 = arith.constant 1 : i32
    %add3A_28 = arith.addi %mul3A_26, %add3A_27 : i32
    %mul3A_29 = arith.constant 128 : i32
    %mul3A_30 = arith.muli %add3A_28, %mul3A_29 : i32
    %dma_start3A_31 = arith.constant 1 : i32
    %dma_start3A_32 = arith.constant 0 : i32
    %dma_start3A_33 = tpu.memref_slice %arg7[%dma_start3A_31, %dma_start3A_32] : memref<4x128xi32, #tpu.memory_space<vmem>> -> memref<1x128xi32, #tpu.memory_space<vmem>>
    %dma_start3A_34 = tpu.memref_squeeze %dma_start3A_33 : memref<1x128xi32, #tpu.memory_space<vmem>> -> memref<128xi32, #tpu.memory_space<vmem>>
    %dma_start3A_35 = arith.constant 0 : i32
    %dma_start3A_36 = arith.constant 0 : i32
    %dma_start3A_37 = tpu.memref_slice %arg2[%dma_start3A_35, %dma_start3A_36] : memref<8192x128xf32, #tpu.memory_space<hbm>> -> memref<8192x128xf32, #tpu.memory_space<hbm>>
    tpu.enqueue_indirect_dma source(%dma_start3A_37 : memref<8192x128xf32, #tpu.memory_space<hbm>>) target(%arg8 : memref<128x128xf32, #tpu.memory_space<vmem>>) offsets(%dma_start3A_34 : memref<128xi32, #tpu.memory_space<vmem>>) semaphore(%arg12 : memref<!tpu.dma_semaphore, #tpu.memory_space<semaphore_mem>>)
    "tpu.region"() ({
      %run_scoped3A = tpu.sem_alloc : memref<!tpu.dma_semaphore, #tpu.memory_space<semaphore_mem>>
      %dma_start3A_106 = arith.constant 0 : i32
      %dma_start3A_107 = tpu.memref_slice %arg4[%mul3A_30, %dma_start3A_106] : memref<16384x32xf32, #tpu.memory_space<hbm>> -> memref<128x32xf32, #tpu.memory_space<hbm>>
      %dma_start3A_108 = arith.constant 0 : i32
      %dma_start3A_109 = tpu.memref_slice %arg4[%mul3A_30, %dma_start3A_108] : memref<16384x32xf32, #tpu.memory_space<hbm>> -> memref<128x32xf32, #tpu.memory_space<hbm>>
      tpu.enqueue_dma source(%dma_start3A_109 : memref<128x32xf32, #tpu.memory_space<hbm>>) target(%arg9 : memref<128x32xf32, #tpu.memory_space<vmem>>) target_semaphore(%run_scoped3A : memref<!tpu.dma_semaphore, #tpu.memory_space<semaphore_mem>>)
      %dma_wait3A_110 = arith.constant 0 : i32
      %dma_wait3A_111 = tpu.memref_slice %arg4[%mul3A_30, %dma_wait3A_110] : memref<16384x32xf32, #tpu.memory_space<hbm>> -> memref<128x32xf32, #tpu.memory_space<hbm>>
      %dma_wait3A_112 = arith.constant 0 : i32
      %dma_wait3A_113 = tpu.memref_slice %arg4[%mul3A_30, %dma_wait3A_112] : memref<16384x32xf32, #tpu.memory_space<hbm>> -> memref<128x32xf32, #tpu.memory_space<hbm>>
      tpu.wait_dma2 semaphore(%run_scoped3A : memref<!tpu.dma_semaphore, #tpu.memory_space<semaphore_mem>>) src(%dma_wait3A_113 : memref<128x32xf32, #tpu.memory_space<hbm>>) dst(%arg9 : memref<128x32xf32, #tpu.memory_space<vmem>>)
      tpu.yield
    }) : () -> ()
    %dma_wait3A_38 = arith.constant 1 : i32
    %dma_wait3A_39 = arith.constant 0 : i32
    %dma_wait3A_40 = tpu.memref_slice %arg7[%dma_wait3A_38, %dma_wait3A_39] : memref<4x128xi32, #tpu.memory_space<vmem>> -> memref<1x128xi32, #tpu.memory_space<vmem>>
    %dma_wait3A_41 = tpu.memref_squeeze %dma_wait3A_40 : memref<1x128xi32, #tpu.memory_space<vmem>> -> memref<128xi32, #tpu.memory_space<vmem>>
    %dma_wait3A_42 = arith.constant 0 : i32
    %dma_wait3A_43 = arith.constant 0 : i32
    %dma_wait3A_44 = tpu.memref_slice %arg2[%dma_wait3A_42, %dma_wait3A_43] : memref<8192x128xf32, #tpu.memory_space<hbm>> -> memref<8192x128xf32, #tpu.memory_space<hbm>>
    tpu.wait_indirect_dma semaphore(%arg12 : memref<!tpu.dma_semaphore, #tpu.memory_space<semaphore_mem>>) src(%dma_wait3A_44 : memref<8192x128xf32, #tpu.memory_space<hbm>>) dst(%arg8 : memref<128x128xf32, #tpu.memory_space<vmem>>)
    %scan3A_45 = arith.constant 0 : i32
    %scan3A_46 = arith.constant 0 : i32
    %scan3A_47 = arith.constant 128 : i32
    %scan3A_48 = arith.addi %scan3A_46, %scan3A_47 : i32
    %scan3A_49 = arith.constant 1 : i32
    %scan3A_50 = scf.for %scan3A_106 = %scan3A_46 to %scan3A_48 step %scan3A_49 iter_args(%scan3A_107 = %scan3A_45) -> (i32)  : i32 {
      %get3A = arith.index_cast %scan3A_106 : i32 to index
      %get3A_108 = arith.constant 0 : index
      %get3A_109 = tpu.vector_load %arg8[%get3A, %get3A_108] {strides = array<i32>} : memref<128x128xf32, #tpu.memory_space<vmem>>, vector<1x16xf32>,
      %get3A_110 = vector.shape_cast %get3A_109 : vector<1x16xf32> to vector<16xf32>
      %get3A_111 = arith.index_cast %scan3A_106 : i32 to index
      %get3A_112 = arith.constant 0 : index
      %get3A_113 = tpu.vector_load %arg9[%get3A_111, %get3A_112] {strides = array<i32>} : memref<128x32xf32, #tpu.memory_space<vmem>>, vector<1x16xf32>,
      %get3A_114 = vector.shape_cast %get3A_113 : vector<1x16xf32> to vector<16xf32>
      %sub3A = arith.subf %get3A_114, %get3A_110 : vector<16xf32>
      %swap3A = arith.index_cast %scan3A_106 : i32 to index
      %swap3A_115 = arith.constant 0 : index
      %swap3A_116 = tpu.vector_load %arg11[%swap3A, %swap3A_115] {strides = array<i32>} : memref<128x32xf32, #tpu.memory_space<vmem>>, vector<1x16xf32>,
      %swap3A_117 = vector.shape_cast %swap3A_116 : vector<1x16xf32> to vector<16xf32>
      %swap3A_118 = vector.shape_cast %sub3A : vector<16xf32> to vector<1x16xf32>
      tpu.vector_store %arg11[%swap3A, %swap3A_115], %swap3A_118 {strides = array<i32>} : memref<128x32xf32, #tpu.memory_space<vmem>>, vector<1x16xf32>,
      %get3A_119 = arith.index_cast %scan3A_106 : i32 to index
      %get3A_120 = arith.constant 16 : index
      %get3A_121 = tpu.vector_load %arg8[%get3A_119, %get3A_120] {strides = array<i32>} : memref<128x128xf32, #tpu.memory_space<vmem>>, vector<1x16xf32>,
      %get3A_122 = vector.shape_cast %get3A_121 : vector<1x16xf32> to vector<16xf32>
      %get3A_123 = arith.index_cast %scan3A_106 : i32 to index
      %get3A_124 = arith.constant 16 : index
      %get3A_125 = tpu.vector_load %arg9[%get3A_123, %get3A_124] {strides = array<i32>} : memref<128x32xf32, #tpu.memory_space<vmem>>, vector<1x16xf32>,
      %get3A_126 = vector.shape_cast %get3A_125 : vector<1x16xf32> to vector<16xf32>
      %sub3A_127 = arith.subf %get3A_126, %get3A_122 : vector<16xf32>
      %swap3A_128 = arith.index_cast %scan3A_106 : i32 to index
      %swap3A_129 = arith.constant 16 : index
      %swap3A_130 = tpu.vector_load %arg11[%swap3A_128, %swap3A_129] {strides = array<i32>} : memref<128x32xf32, #tpu.memory_space<vmem>>, vector<1x16xf32>,
      %swap3A_131 = vector.shape_cast %swap3A_130 : vector<1x16xf32> to vector<16xf32>
      %swap3A_132 = vector.shape_cast %sub3A_127 : vector<16xf32> to vector<1x16xf32>
      tpu.vector_store %arg11[%swap3A_128, %swap3A_129], %swap3A_132 {strides = array<i32>} : memref<128x32xf32, #tpu.memory_space<vmem>>, vector<1x16xf32>,
      %scan3A_133 = arith.constant 0 : i32
      scf.yield %scan3A_133 : i32
    }
    %scan3A_51 = arith.constant 128 : i32
    "tpu.region"() ({
      %run_scoped3A = tpu.sem_alloc : memref<!tpu.dma_semaphore, #tpu.memory_space<semaphore_mem>>
      %dma_start3A_106 = arith.constant 0 : i32
      %dma_start3A_107 = tpu.memref_slice %arg6[%mul3A_30, %dma_start3A_106] : memref<16384x32xf32, #tpu.memory_space<hbm>> -> memref<128x32xf32, #tpu.memory_space<hbm>>
      %dma_start3A_108 = arith.constant 0 : i32
      %dma_start3A_109 = tpu.memref_slice %arg6[%mul3A_30, %dma_start3A_108] : memref<16384x32xf32, #tpu.memory_space<hbm>> -> memref<128x32xf32, #tpu.memory_space<hbm>>
      tpu.enqueue_dma source(%arg11 : memref<128x32xf32, #tpu.memory_space<vmem>>) target(%dma_start3A_109 : memref<128x32xf32, #tpu.memory_space<hbm>>) target_semaphore(%run_scoped3A : memref<!tpu.dma_semaphore, #tpu.memory_space<semaphore_mem>>)
      %dma_wait3A_110 = arith.constant 0 : i32
      %dma_wait3A_111 = tpu.memref_slice %arg6[%mul3A_30, %dma_wait3A_110] : memref<16384x32xf32, #tpu.memory_space<hbm>> -> memref<128x32xf32, #tpu.memory_space<hbm>>
      %dma_wait3A_112 = arith.constant 0 : i32
      %dma_wait3A_113 = tpu.memref_slice %arg6[%mul3A_30, %dma_wait3A_112] : memref<16384x32xf32, #tpu.memory_space<hbm>> -> memref<128x32xf32, #tpu.memory_space<hbm>>
      tpu.wait_dma2 semaphore(%run_scoped3A : memref<!tpu.dma_semaphore, #tpu.memory_space<semaphore_mem>>) src(%arg11 : memref<128x32xf32, #tpu.memory_space<vmem>>) dst(%dma_wait3A_113 : memref<128x32xf32, #tpu.memory_space<hbm>>)
      tpu.yield
    }) : () -> ()
    %mul3A_52 = arith.constant 4 : i32
    %mul3A_53 = arith.muli %add3A, %mul3A_52 : i32
    %add3A_54 = arith.constant 2 : i32
    %add3A_55 = arith.addi %mul3A_53, %add3A_54 : i32
    %mul3A_56 = arith.constant 128 : i32
    %mul3A_57 = arith.muli %add3A_55, %mul3A_56 : i32
    %dma_start3A_58 = arith.constant 2 : i32
    %dma_start3A_59 = arith.constant 0 : i32
    %dma_start3A_60 = tpu.memref_slice %arg7[%dma_start3A_58, %dma_start3A_59] : memref<4x128xi32, #tpu.memory_space<vmem>> -> memref<1x128xi32, #tpu.memory_space<vmem>>
    %dma_start3A_61 = tpu.memref_squeeze %dma_start3A_60 : memref<1x128xi32, #tpu.memory_space<vmem>> -> memref<128xi32, #tpu.memory_space<vmem>>
    %dma_start3A_62 = arith.constant 0 : i32
    %dma_start3A_63 = arith.constant 0 : i32
    %dma_start3A_64 = tpu.memref_slice %arg2[%dma_start3A_62, %dma_start3A_63] : memref<8192x128xf32, #tpu.memory_space<hbm>> -> memref<8192x128xf32, #tpu.memory_space<hbm>>
    tpu.enqueue_indirect_dma source(%dma_start3A_64 : memref<8192x128xf32, #tpu.memory_space<hbm>>) target(%arg8 : memref<128x128xf32, #tpu.memory_space<vmem>>) offsets(%dma_start3A_61 : memref<128xi32, #tpu.memory_space<vmem>>) semaphore(%arg12 : memref<!tpu.dma_semaphore, #tpu.memory_space<semaphore_mem>>)
    "tpu.region"() ({
      %run_scoped3A = tpu.sem_alloc : memref<!tpu.dma_semaphore, #tpu.memory_space<semaphore_mem>>
      %dma_start3A_106 = arith.constant 0 : i32
      %dma_start3A_107 = tpu.memref_slice %arg4[%mul3A_57, %dma_start3A_106] : memref<16384x32xf32, #tpu.memory_space<hbm>> -> memref<128x32xf32, #tpu.memory_space<hbm>>
      %dma_start3A_108 = arith.constant 0 : i32
      %dma_start3A_109 = tpu.memref_slice %arg4[%mul3A_57, %dma_start3A_108] : memref<16384x32xf32, #tpu.memory_space<hbm>> -> memref<128x32xf32, #tpu.memory_space<hbm>>
      tpu.enqueue_dma source(%dma_start3A_109 : memref<128x32xf32, #tpu.memory_space<hbm>>) target(%arg9 : memref<128x32xf32, #tpu.memory_space<vmem>>) target_semaphore(%run_scoped3A : memref<!tpu.dma_semaphore, #tpu.memory_space<semaphore_mem>>)
      %dma_wait3A_110 = arith.constant 0 : i32
      %dma_wait3A_111 = tpu.memref_slice %arg4[%mul3A_57, %dma_wait3A_110] : memref<16384x32xf32, #tpu.memory_space<hbm>> -> memref<128x32xf32, #tpu.memory_space<hbm>>
      %dma_wait3A_112 = arith.constant 0 : i32
      %dma_wait3A_113 = tpu.memref_slice %arg4[%mul3A_57, %dma_wait3A_112] : memref<16384x32xf32, #tpu.memory_space<hbm>> -> memref<128x32xf32, #tpu.memory_space<hbm>>
      tpu.wait_dma2 semaphore(%run_scoped3A : memref<!tpu.dma_semaphore, #tpu.memory_space<semaphore_mem>>) src(%dma_wait3A_113 : memref<128x32xf32, #tpu.memory_space<hbm>>) dst(%arg9 : memref<128x32xf32, #tpu.memory_space<vmem>>)
      tpu.yield
    }) : () -> ()
    %dma_wait3A_65 = arith.constant 2 : i32
    %dma_wait3A_66 = arith.constant 0 : i32
    %dma_wait3A_67 = tpu.memref_slice %arg7[%dma_wait3A_65, %dma_wait3A_66] : memref<4x128xi32, #tpu.memory_space<vmem>> -> memref<1x128xi32, #tpu.memory_space<vmem>>
    %dma_wait3A_68 = tpu.memref_squeeze %dma_wait3A_67 : memref<1x128xi32, #tpu.memory_space<vmem>> -> memref<128xi32, #tpu.memory_space<vmem>>
    %dma_wait3A_69 = arith.constant 0 : i32
    %dma_wait3A_70 = arith.constant 0 : i32
    %dma_wait3A_71 = tpu.memref_slice %arg2[%dma_wait3A_69, %dma_wait3A_70] : memref<8192x128xf32, #tpu.memory_space<hbm>> -> memref<8192x128xf32, #tpu.memory_space<hbm>>
    tpu.wait_indirect_dma semaphore(%arg12 : memref<!tpu.dma_semaphore, #tpu.memory_space<semaphore_mem>>) src(%dma_wait3A_71 : memref<8192x128xf32, #tpu.memory_space<hbm>>) dst(%arg8 : memref<128x128xf32, #tpu.memory_space<vmem>>)
    %scan3A_72 = arith.constant 0 : i32
    %scan3A_73 = arith.constant 0 : i32
    %scan3A_74 = arith.constant 128 : i32
    %scan3A_75 = arith.addi %scan3A_73, %scan3A_74 : i32
    %scan3A_76 = arith.constant 1 : i32
    %scan3A_77 = scf.for %scan3A_106 = %scan3A_73 to %scan3A_75 step %scan3A_76 iter_args(%scan3A_107 = %scan3A_72) -> (i32)  : i32 {
      %get3A = arith.index_cast %scan3A_106 : i32 to index
      %get3A_108 = arith.constant 0 : index
      %get3A_109 = tpu.vector_load %arg8[%get3A, %get3A_108] {strides = array<i32>} : memref<128x128xf32, #tpu.memory_space<vmem>>, vector<1x16xf32>,
      %get3A_110 = vector.shape_cast %get3A_109 : vector<1x16xf32> to vector<16xf32>
      %get3A_111 = arith.index_cast %scan3A_106 : i32 to index
      %get3A_112 = arith.constant 0 : index
      %get3A_113 = tpu.vector_load %arg9[%get3A_111, %get3A_112] {strides = array<i32>} : memref<128x32xf32, #tpu.memory_space<vmem>>, vector<1x16xf32>,
      %get3A_114 = vector.shape_cast %get3A_113 : vector<1x16xf32> to vector<16xf32>
      %sub3A = arith.subf %get3A_114, %get3A_110 : vector<16xf32>
      %swap3A = arith.index_cast %scan3A_106 : i32 to index
      %swap3A_115 = arith.constant 0 : index
      %swap3A_116 = tpu.vector_load %arg11[%swap3A, %swap3A_115] {strides = array<i32>} : memref<128x32xf32, #tpu.memory_space<vmem>>, vector<1x16xf32>,
      %swap3A_117 = vector.shape_cast %swap3A_116 : vector<1x16xf32> to vector<16xf32>
      %swap3A_118 = vector.shape_cast %sub3A : vector<16xf32> to vector<1x16xf32>
      tpu.vector_store %arg11[%swap3A, %swap3A_115], %swap3A_118 {strides = array<i32>} : memref<128x32xf32, #tpu.memory_space<vmem>>, vector<1x16xf32>,
      %get3A_119 = arith.index_cast %scan3A_106 : i32 to index
      %get3A_120 = arith.constant 16 : index
      %get3A_121 = tpu.vector_load %arg8[%get3A_119, %get3A_120] {strides = array<i32>} : memref<128x128xf32, #tpu.memory_space<vmem>>, vector<1x16xf32>,
      %get3A_122 = vector.shape_cast %get3A_121 : vector<1x16xf32> to vector<16xf32>
      %get3A_123 = arith.index_cast %scan3A_106 : i32 to index
      %get3A_124 = arith.constant 16 : index
      %get3A_125 = tpu.vector_load %arg9[%get3A_123, %get3A_124] {strides = array<i32>} : memref<128x32xf32, #tpu.memory_space<vmem>>, vector<1x16xf32>,
      %get3A_126 = vector.shape_cast %get3A_125 : vector<1x16xf32> to vector<16xf32>
      %sub3A_127 = arith.subf %get3A_126, %get3A_122 : vector<16xf32>
      %swap3A_128 = arith.index_cast %scan3A_106 : i32 to index
      %swap3A_129 = arith.constant 16 : index
      %swap3A_130 = tpu.vector_load %arg11[%swap3A_128, %swap3A_129] {strides = array<i32>} : memref<128x32xf32, #tpu.memory_space<vmem>>, vector<1x16xf32>,
      %swap3A_131 = vector.shape_cast %swap3A_130 : vector<1x16xf32> to vector<16xf32>
      %swap3A_132 = vector.shape_cast %sub3A_127 : vector<16xf32> to vector<1x16xf32>
      tpu.vector_store %arg11[%swap3A_128, %swap3A_129], %swap3A_132 {strides = array<i32>} : memref<128x32xf32, #tpu.memory_space<vmem>>, vector<1x16xf32>,
      %scan3A_133 = arith.constant 0 : i32
      scf.yield %scan3A_133 : i32
    }
    %scan3A_78 = arith.constant 128 : i32
    "tpu.region"() ({
      %run_scoped3A = tpu.sem_alloc : memref<!tpu.dma_semaphore, #tpu.memory_space<semaphore_mem>>
      %dma_start3A_106 = arith.constant 0 : i32
      %dma_start3A_107 = tpu.memref_slice %arg6[%mul3A_57, %dma_start3A_106] : memref<16384x32xf32, #tpu.memory_space<hbm>> -> memref<128x32xf32, #tpu.memory_space<hbm>>
      %dma_start3A_108 = arith.constant 0 : i32
      %dma_start3A_109 = tpu.memref_slice %arg6[%mul3A_57, %dma_start3A_108] : memref<16384x32xf32, #tpu.memory_space<hbm>> -> memref<128x32xf32, #tpu.memory_space<hbm>>
      tpu.enqueue_dma source(%arg11 : memref<128x32xf32, #tpu.memory_space<vmem>>) target(%dma_start3A_109 : memref<128x32xf32, #tpu.memory_space<hbm>>) target_semaphore(%run_scoped3A : memref<!tpu.dma_semaphore, #tpu.memory_space<semaphore_mem>>)
      %dma_wait3A_110 = arith.constant 0 : i32
      %dma_wait3A_111 = tpu.memref_slice %arg6[%mul3A_57, %dma_wait3A_110] : memref<16384x32xf32, #tpu.memory_space<hbm>> -> memref<128x32xf32, #tpu.memory_space<hbm>>
      %dma_wait3A_112 = arith.constant 0 : i32
      %dma_wait3A_113 = tpu.memref_slice %arg6[%mul3A_57, %dma_wait3A_112] : memref<16384x32xf32, #tpu.memory_space<hbm>> -> memref<128x32xf32, #tpu.memory_space<hbm>>
      tpu.wait_dma2 semaphore(%run_scoped3A : memref<!tpu.dma_semaphore, #tpu.memory_space<semaphore_mem>>) src(%arg11 : memref<128x32xf32, #tpu.memory_space<vmem>>) dst(%dma_wait3A_113 : memref<128x32xf32, #tpu.memory_space<hbm>>)
      tpu.yield
    }) : () -> ()
    %mul3A_79 = arith.constant 4 : i32
    %mul3A_80 = arith.muli %add3A, %mul3A_79 : i32
    %add3A_81 = arith.constant 3 : i32
    %add3A_82 = arith.addi %mul3A_80, %add3A_81 : i32
    %mul3A_83 = arith.constant 128 : i32
    %mul3A_84 = arith.muli %add3A_82, %mul3A_83 : i32
    %dma_start3A_85 = arith.constant 3 : i32
    %dma_start3A_86 = arith.constant 0 : i32
    %dma_start3A_87 = tpu.memref_slice %arg7[%dma_start3A_85, %dma_start3A_86] : memref<4x128xi32, #tpu.memory_space<vmem>> -> memref<1x128xi32, #tpu.memory_space<vmem>>
    %dma_start3A_88 = tpu.memref_squeeze %dma_start3A_87 : memref<1x128xi32, #tpu.memory_space<vmem>> -> memref<128xi32, #tpu.memory_space<vmem>>
    %dma_start3A_89 = arith.constant 0 : i32
    %dma_start3A_90 = arith.constant 0 : i32
    %dma_start3A_91 = tpu.memref_slice %arg2[%dma_start3A_89, %dma_start3A_90] : memref<8192x128xf32, #tpu.memory_space<hbm>> -> memref<8192x128xf32, #tpu.memory_space<hbm>>
    tpu.enqueue_indirect_dma source(%dma_start3A_91 : memref<8192x128xf32, #tpu.memory_space<hbm>>) target(%arg8 : memref<128x128xf32, #tpu.memory_space<vmem>>) offsets(%dma_start3A_88 : memref<128xi32, #tpu.memory_space<vmem>>) semaphore(%arg12 : memref<!tpu.dma_semaphore, #tpu.memory_space<semaphore_mem>>)
    "tpu.region"() ({
      %run_scoped3A = tpu.sem_alloc : memref<!tpu.dma_semaphore, #tpu.memory_space<semaphore_mem>>
      %dma_start3A_106 = arith.constant 0 : i32
      %dma_start3A_107 = tpu.memref_slice %arg4[%mul3A_84, %dma_start3A_106] : memref<16384x32xf32, #tpu.memory_space<hbm>> -> memref<128x32xf32, #tpu.memory_space<hbm>>
      %dma_start3A_108 = arith.constant 0 : i32
      %dma_start3A_109 = tpu.memref_slice %arg4[%mul3A_84, %dma_start3A_108] : memref<16384x32xf32, #tpu.memory_space<hbm>> -> memref<128x32xf32, #tpu.memory_space<hbm>>
      tpu.enqueue_dma source(%dma_start3A_109 : memref<128x32xf32, #tpu.memory_space<hbm>>) target(%arg9 : memref<128x32xf32, #tpu.memory_space<vmem>>) target_semaphore(%run_scoped3A : memref<!tpu.dma_semaphore, #tpu.memory_space<semaphore_mem>>)
      %dma_wait3A_110 = arith.constant 0 : i32
      %dma_wait3A_111 = tpu.memref_slice %arg4[%mul3A_84, %dma_wait3A_110] : memref<16384x32xf32, #tpu.memory_space<hbm>> -> memref<128x32xf32, #tpu.memory_space<hbm>>
      %dma_wait3A_112 = arith.constant 0 : i32
      %dma_wait3A_113 = tpu.memref_slice %arg4[%mul3A_84, %dma_wait3A_112] : memref<16384x32xf32, #tpu.memory_space<hbm>> -> memref<128x32xf32, #tpu.memory_space<hbm>>
      tpu.wait_dma2 semaphore(%run_scoped3A : memref<!tpu.dma_semaphore, #tpu.memory_space<semaphore_mem>>) src(%dma_wait3A_113 : memref<128x32xf32, #tpu.memory_space<hbm>>) dst(%arg9 : memref<128x32xf32, #tpu.memory_space<vmem>>)
      tpu.yield
    }) : () -> ()
    %dma_wait3A_92 = arith.constant 3 : i32
    %dma_wait3A_93 = arith.constant 0 : i32
    %dma_wait3A_94 = tpu.memref_slice %arg7[%dma_wait3A_92, %dma_wait3A_93] : memref<4x128xi32, #tpu.memory_space<vmem>> -> memref<1x128xi32, #tpu.memory_space<vmem>>
    %dma_wait3A_95 = tpu.memref_squeeze %dma_wait3A_94 : memref<1x128xi32, #tpu.memory_space<vmem>> -> memref<128xi32, #tpu.memory_space<vmem>>
    %dma_wait3A_96 = arith.constant 0 : i32
    %dma_wait3A_97 = arith.constant 0 : i32
    %dma_wait3A_98 = tpu.memref_slice %arg2[%dma_wait3A_96, %dma_wait3A_97] : memref<8192x128xf32, #tpu.memory_space<hbm>> -> memref<8192x128xf32, #tpu.memory_space<hbm>>
    tpu.wait_indirect_dma semaphore(%arg12 : memref<!tpu.dma_semaphore, #tpu.memory_space<semaphore_mem>>) src(%dma_wait3A_98 : memref<8192x128xf32, #tpu.memory_space<hbm>>) dst(%arg8 : memref<128x128xf32, #tpu.memory_space<vmem>>)
    %scan3A_99 = arith.constant 0 : i32
    %scan3A_100 = arith.constant 0 : i32
    %scan3A_101 = arith.constant 128 : i32
    %scan3A_102 = arith.addi %scan3A_100, %scan3A_101 : i32
    %scan3A_103 = arith.constant 1 : i32
    %scan3A_104 = scf.for %scan3A_106 = %scan3A_100 to %scan3A_102 step %scan3A_103 iter_args(%scan3A_107 = %scan3A_99) -> (i32)  : i32 {
      %get3A = arith.index_cast %scan3A_106 : i32 to index
      %get3A_108 = arith.constant 0 : index
      %get3A_109 = tpu.vector_load %arg8[%get3A, %get3A_108] {strides = array<i32>} : memref<128x128xf32, #tpu.memory_space<vmem>>, vector<1x16xf32>,
      %get3A_110 = vector.shape_cast %get3A_109 : vector<1x16xf32> to vector<16xf32>
      %get3A_111 = arith.index_cast %scan3A_106 : i32 to index
      %get3A_112 = arith.constant 0 : index
      %get3A_113 = tpu.vector_load %arg9[%get3A_111, %get3A_112] {strides = array<i32>} : memref<128x32xf32, #tpu.memory_space<vmem>>, vector<1x16xf32>,
      %get3A_114 = vector.shape_cast %get3A_113 : vector<1x16xf32> to vector<16xf32>
      %sub3A = arith.subf %get3A_114, %get3A_110 : vector<16xf32>
      %swap3A = arith.index_cast %scan3A_106 : i32 to index
      %swap3A_115 = arith.constant 0 : index
      %swap3A_116 = tpu.vector_load %arg11[%swap3A, %swap3A_115] {strides = array<i32>} : memref<128x32xf32, #tpu.memory_space<vmem>>, vector<1x16xf32>,
      %swap3A_117 = vector.shape_cast %swap3A_116 : vector<1x16xf32> to vector<16xf32>
      %swap3A_118 = vector.shape_cast %sub3A : vector<16xf32> to vector<1x16xf32>
      tpu.vector_store %arg11[%swap3A, %swap3A_115], %swap3A_118 {strides = array<i32>} : memref<128x32xf32, #tpu.memory_space<vmem>>, vector<1x16xf32>,
      %get3A_119 = arith.index_cast %scan3A_106 : i32 to index
      %get3A_120 = arith.constant 16 : index
      %get3A_121 = tpu.vector_load %arg8[%get3A_119, %get3A_120] {strides = array<i32>} : memref<128x128xf32, #tpu.memory_space<vmem>>, vector<1x16xf32>,
      %get3A_122 = vector.shape_cast %get3A_121 : vector<1x16xf32> to vector<16xf32>
      %get3A_123 = arith.index_cast %scan3A_106 : i32 to index
      %get3A_124 = arith.constant 16 : index
      %get3A_125 = tpu.vector_load %arg9[%get3A_123, %get3A_124] {strides = array<i32>} : memref<128x32xf32, #tpu.memory_space<vmem>>, vector<1x16xf32>,
      %get3A_126 = vector.shape_cast %get3A_125 : vector<1x16xf32> to vector<16xf32>
      %sub3A_127 = arith.subf %get3A_126, %get3A_122 : vector<16xf32>
      %swap3A_128 = arith.index_cast %scan3A_106 : i32 to index
      %swap3A_129 = arith.constant 16 : index
      %swap3A_130 = tpu.vector_load %arg11[%swap3A_128, %swap3A_129] {strides = array<i32>} : memref<128x32xf32, #tpu.memory_space<vmem>>, vector<1x16xf32>,
      %swap3A_131 = vector.shape_cast %swap3A_130 : vector<1x16xf32> to vector<16xf32>
      %swap3A_132 = vector.shape_cast %sub3A_127 : vector<16xf32> to vector<1x16xf32>
      tpu.vector_store %arg11[%swap3A_128, %swap3A_129], %swap3A_132 {strides = array<i32>} : memref<128x32xf32, #tpu.memory_space<vmem>>, vector<1x16xf32>,
      %scan3A_133 = arith.constant 0 : i32
      scf.yield %scan3A_133 : i32
    }
    %scan3A_105 = arith.constant 128 : i32
    "tpu.region"() ({
      %run_scoped3A = tpu.sem_alloc : memref<!tpu.dma_semaphore, #tpu.memory_space<semaphore_mem>>
      %dma_start3A_106 = arith.constant 0 : i32
      %dma_start3A_107 = tpu.memref_slice %arg6[%mul3A_84, %dma_start3A_106] : memref<16384x32xf32, #tpu.memory_space<hbm>> -> memref<128x32xf32, #tpu.memory_space<hbm>>
      %dma_start3A_108 = arith.constant 0 : i32
      %dma_start3A_109 = tpu.memref_slice %arg6[%mul3A_84, %dma_start3A_108] : memref<16384x32xf32, #tpu.memory_space<hbm>> -> memref<128x32xf32, #tpu.memory_space<hbm>>
      tpu.enqueue_dma source(%arg11 : memref<128x32xf32, #tpu.memory_space<vmem>>) target(%dma_start3A_109 : memref<128x32xf32, #tpu.memory_space<hbm>>) target_semaphore(%run_scoped3A : memref<!tpu.dma_semaphore, #tpu.memory_space<semaphore_mem>>)
      %dma_wait3A_110 = arith.constant 0 : i32
      %dma_wait3A_111 = tpu.memref_slice %arg6[%mul3A_84, %dma_wait3A_110] : memref<16384x32xf32, #tpu.memory_space<hbm>> -> memref<128x32xf32, #tpu.memory_space<hbm>>
      %dma_wait3A_112 = arith.constant 0 : i32
      %dma_wait3A_113 = tpu.memref_slice %arg6[%mul3A_84, %dma_wait3A_112] : memref<16384x32xf32, #tpu.memory_space<hbm>> -> memref<128x32xf32, #tpu.memory_space<hbm>>
      tpu.wait_dma2 semaphore(%run_scoped3A : memref<!tpu.dma_semaphore, #tpu.memory_space<semaphore_mem>>) src(%arg11 : memref<128x32xf32, #tpu.memory_space<vmem>>) dst(%dma_wait3A_113 : memref<128x32xf32, #tpu.memory_space<hbm>>)
      tpu.yield
    }) : () -> ()
    return
  }
}

#map = affine_map<(d0, d1) -> (0, 0)>
#map1 = affine_map<(d0, d1) -> (0, 0, 0)>
module attributes {stable_mosaic.version = 14 : i64} {
  func.func @_sc_body(%arg0: i32, %arg1: i32, %arg2: memref<8192x128xf32, #tpu.memory_space<hbm>>, %arg3: memref<32x4x128xi32, #tpu.memory_space<hbm>>, %arg4: memref<16384x32xf32, #tpu.memory_space<hbm>>, %arg5: memref<16384x32xf32, #tpu.memory_space<hbm>>, %arg6: memref<16384x32xf32, #tpu.memory_space<hbm>>, %arg7: memref<4x128xi32, #tpu.memory_space<vmem>>, %arg8: memref<128x128xf32, #tpu.memory_space<vmem>>, %arg9: memref<128x32xf32, #tpu.memory_space<vmem>>, %arg10: memref<128x32xf32, #tpu.memory_space<vmem>>, %arg11: memref<128x32xf32, #tpu.memory_space<vmem>>, %arg12: memref<!tpu.dma_semaphore, #tpu.memory_space<semaphore_mem>>) attributes {dimension_semantics = [#tpu.dimension_semantics<core_parallel>, #tpu.dimension_semantics<subcore_parallel>], iteration_bounds = array<i64: 2, 16>, scalar_prefetch = 0 : i64, scratch_operands = 6 : i64, tpu.core_type = #tpu.core_type<sc_vector_subcore>, window_params = [{transform_indices = #map}, {transform_indices = #map1}, {transform_indices = #map}, {transform_indices = #map}, {transform_indices = #map}]} {
    %mul3A = arith.constant 2 : i32
    %mul3A_0 = arith.muli %arg1, %mul3A : i32
    %add3A = arith.addi %mul3A_0, %arg0 : i32
    "tpu.region"() ({
      %run_scoped3A = tpu.sem_alloc : memref<!tpu.dma_semaphore, #tpu.memory_space<semaphore_mem>>
      %dma_start3A_106 = arith.constant 0 : i32
      %dma_start3A_107 = arith.constant 0 : i32
      %dma_start3A_108 = tpu.memref_slice %arg3[%add3A, %dma_start3A_106, %dma_start3A_107] : memref<32x4x128xi32, #tpu.memory_space<hbm>> -> memref<1x4x128xi32, #tpu.memory_space<hbm>>
      %dma_start3A_109 = tpu.memref_squeeze %dma_start3A_108 : memref<1x4x128xi32, #tpu.memory_space<hbm>> -> memref<4x128xi32, #tpu.memory_space<hbm>>
      %dma_start3A_110 = arith.constant 0 : i32
      %dma_start3A_111 = arith.constant 0 : i32
      %dma_start3A_112 = tpu.memref_slice %arg3[%add3A, %dma_start3A_110, %dma_start3A_111] : memref<32x4x128xi32, #tpu.memory_space<hbm>> -> memref<1x4x128xi32, #tpu.memory_space<hbm>>
      %dma_start3A_113 = tpu.memref_squeeze %dma_start3A_112 : memref<1x4x128xi32, #tpu.memory_space<hbm>> -> memref<4x128xi32, #tpu.memory_space<hbm>>
      tpu.enqueue_dma source(%dma_start3A_113 : memref<4x128xi32, #tpu.memory_space<hbm>>) target(%arg7 : memref<4x128xi32, #tpu.memory_space<vmem>>) target_semaphore(%run_scoped3A : memref<!tpu.dma_semaphore, #tpu.memory_space<semaphore_mem>>)
      %dma_wait3A_114 = arith.constant 0 : i32
      %dma_wait3A_115 = arith.constant 0 : i32
      %dma_wait3A_116 = tpu.memref_slice %arg3[%add3A, %dma_wait3A_114, %dma_wait3A_115] : memref<32x4x128xi32, #tpu.memory_space<hbm>> -> memref<1x4x128xi32, #tpu.memory_space<hbm>>
      %dma_wait3A_117 = tpu.memref_squeeze %dma_wait3A_116 : memref<1x4x128xi32, #tpu.memory_space<hbm>> -> memref<4x128xi32, #tpu.memory_space<hbm>>
      %dma_wait3A_118 = arith.constant 0 : i32
      %dma_wait3A_119 = arith.constant 0 : i32
      %dma_wait3A_120 = tpu.memref_slice %arg3[%add3A, %dma_wait3A_118, %dma_wait3A_119] : memref<32x4x128xi32, #tpu.memory_space<hbm>> -> memref<1x4x128xi32, #tpu.memory_space<hbm>>
      %dma_wait3A_121 = tpu.memref_squeeze %dma_wait3A_120 : memref<1x4x128xi32, #tpu.memory_space<hbm>> -> memref<4x128xi32, #tpu.memory_space<hbm>>
      tpu.wait_dma2 semaphore(%run_scoped3A : memref<!tpu.dma_semaphore, #tpu.memory_space<semaphore_mem>>) src(%dma_wait3A_121 : memref<4x128xi32, #tpu.memory_space<hbm>>) dst(%arg7 : memref<4x128xi32, #tpu.memory_space<vmem>>)
      tpu.yield
    }) : () -> ()
    %mul3A_1 = arith.constant 4 : i32
    %mul3A_2 = arith.muli %add3A, %mul3A_1 : i32
    %add3A_3 = arith.constant 0 : i32
    %add3A_4 = arith.addi %mul3A_2, %add3A_3 : i32
    %mul3A_5 = arith.constant 128 : i32
    %mul3A_6 = arith.muli %add3A_4, %mul3A_5 : i32
    %dma_start3A = arith.constant 0 : i32
    %dma_start3A_7 = arith.constant 0 : i32
    %dma_start3A_8 = tpu.memref_slice %arg7[%dma_start3A, %dma_start3A_7] : memref<4x128xi32, #tpu.memory_space<vmem>> -> memref<1x128xi32, #tpu.memory_space<vmem>>
    %dma_start3A_9 = tpu.memref_squeeze %dma_start3A_8 : memref<1x128xi32, #tpu.memory_space<vmem>> -> memref<128xi32, #tpu.memory_space<vmem>>
    %dma_start3A_10 = arith.constant 0 : i32
    %dma_start3A_11 = arith.constant 0 : i32
    %dma_start3A_12 = tpu.memref_slice %arg2[%dma_start3A_10, %dma_start3A_11] : memref<8192x128xf32, #tpu.memory_space<hbm>> -> memref<8192x128xf32, #tpu.memory_space<hbm>>
    tpu.enqueue_indirect_dma source(%dma_start3A_12 : memref<8192x128xf32, #tpu.memory_space<hbm>>) target(%arg8 : memref<128x128xf32, #tpu.memory_space<vmem>>) offsets(%dma_start3A_9 : memref<128xi32, #tpu.memory_space<vmem>>) semaphore(%arg12 : memref<!tpu.dma_semaphore, #tpu.memory_space<semaphore_mem>>)
    "tpu.region"() ({
      %run_scoped3A = tpu.sem_alloc : memref<!tpu.dma_semaphore, #tpu.memory_space<semaphore_mem>>
      %dma_start3A_106 = arith.constant 0 : i32
      %dma_start3A_107 = tpu.memref_slice %arg4[%mul3A_6, %dma_start3A_106] : memref<16384x32xf32, #tpu.memory_space<hbm>> -> memref<128x32xf32, #tpu.memory_space<hbm>>
      %dma_start3A_108 = arith.constant 0 : i32
      %dma_start3A_109 = tpu.memref_slice %arg4[%mul3A_6, %dma_start3A_108] : memref<16384x32xf32, #tpu.memory_space<hbm>> -> memref<128x32xf32, #tpu.memory_space<hbm>>
      tpu.enqueue_dma source(%dma_start3A_109 : memref<128x32xf32, #tpu.memory_space<hbm>>) target(%arg9 : memref<128x32xf32, #tpu.memory_space<vmem>>) target_semaphore(%run_scoped3A : memref<!tpu.dma_semaphore, #tpu.memory_space<semaphore_mem>>)
      %dma_wait3A_110 = arith.constant 0 : i32
      %dma_wait3A_111 = tpu.memref_slice %arg4[%mul3A_6, %dma_wait3A_110] : memref<16384x32xf32, #tpu.memory_space<hbm>> -> memref<128x32xf32, #tpu.memory_space<hbm>>
      %dma_wait3A_112 = arith.constant 0 : i32
      %dma_wait3A_113 = tpu.memref_slice %arg4[%mul3A_6, %dma_wait3A_112] : memref<16384x32xf32, #tpu.memory_space<hbm>> -> memref<128x32xf32, #tpu.memory_space<hbm>>
      tpu.wait_dma2 semaphore(%run_scoped3A : memref<!tpu.dma_semaphore, #tpu.memory_space<semaphore_mem>>) src(%dma_wait3A_113 : memref<128x32xf32, #tpu.memory_space<hbm>>) dst(%arg9 : memref<128x32xf32, #tpu.memory_space<vmem>>)
      tpu.yield
    }) : () -> ()
    %dma_wait3A = arith.constant 0 : i32
    %dma_wait3A_13 = arith.constant 0 : i32
    %dma_wait3A_14 = tpu.memref_slice %arg7[%dma_wait3A, %dma_wait3A_13] : memref<4x128xi32, #tpu.memory_space<vmem>> -> memref<1x128xi32, #tpu.memory_space<vmem>>
    %dma_wait3A_15 = tpu.memref_squeeze %dma_wait3A_14 : memref<1x128xi32, #tpu.memory_space<vmem>> -> memref<128xi32, #tpu.memory_space<vmem>>
    %dma_wait3A_16 = arith.constant 0 : i32
    %dma_wait3A_17 = arith.constant 0 : i32
    %dma_wait3A_18 = tpu.memref_slice %arg2[%dma_wait3A_16, %dma_wait3A_17] : memref<8192x128xf32, #tpu.memory_space<hbm>> -> memref<8192x128xf32, #tpu.memory_space<hbm>>
    tpu.wait_indirect_dma semaphore(%arg12 : memref<!tpu.dma_semaphore, #tpu.memory_space<semaphore_mem>>) src(%dma_wait3A_18 : memref<8192x128xf32, #tpu.memory_space<hbm>>) dst(%arg8 : memref<128x128xf32, #tpu.memory_space<vmem>>)
    %scan3A = arith.constant 0 : i32
    %scan3A_19 = arith.constant 0 : i32
    %scan3A_20 = arith.constant 128 : i32
    %scan3A_21 = arith.addi %scan3A_19, %scan3A_20 : i32
    %scan3A_22 = arith.constant 1 : i32
    %scan3A_23 = scf.for %scan3A_106 = %scan3A_19 to %scan3A_21 step %scan3A_22 iter_args(%scan3A_107 = %scan3A) -> (i32)  : i32 {
      %get3A = arith.index_cast %scan3A_106 : i32 to index
      %get3A_108 = arith.constant 0 : index
      %get3A_109 = tpu.vector_load %arg8[%get3A, %get3A_108] {strides = array<i32>} : memref<128x128xf32, #tpu.memory_space<vmem>>, vector<1x16xf32>,
      %get3A_110 = vector.shape_cast %get3A_109 : vector<1x16xf32> to vector<16xf32>
      %get3A_111 = arith.index_cast %scan3A_106 : i32 to index
      %get3A_112 = arith.constant 0 : index
      %get3A_113 = tpu.vector_load %arg9[%get3A_111, %get3A_112] {strides = array<i32>} : memref<128x32xf32, #tpu.memory_space<vmem>>, vector<1x16xf32>,
      %get3A_114 = vector.shape_cast %get3A_113 : vector<1x16xf32> to vector<16xf32>
      %sub3A = arith.subf %get3A_114, %get3A_110 : vector<16xf32>
      %swap3A = arith.index_cast %scan3A_106 : i32 to index
      %swap3A_115 = arith.constant 0 : index
      %swap3A_116 = tpu.vector_load %arg11[%swap3A, %swap3A_115] {strides = array<i32>} : memref<128x32xf32, #tpu.memory_space<vmem>>, vector<1x16xf32>,
      %swap3A_117 = vector.shape_cast %swap3A_116 : vector<1x16xf32> to vector<16xf32>
      %swap3A_118 = vector.shape_cast %sub3A : vector<16xf32> to vector<1x16xf32>
      tpu.vector_store %arg11[%swap3A, %swap3A_115], %swap3A_118 {strides = array<i32>} : memref<128x32xf32, #tpu.memory_space<vmem>>, vector<1x16xf32>,
      %get3A_119 = arith.index_cast %scan3A_106 : i32 to index
      %get3A_120 = arith.constant 16 : index
      %get3A_121 = tpu.vector_load %arg8[%get3A_119, %get3A_120] {strides = array<i32>} : memref<128x128xf32, #tpu.memory_space<vmem>>, vector<1x16xf32>,
      %get3A_122 = vector.shape_cast %get3A_121 : vector<1x16xf32> to vector<16xf32>
      %get3A_123 = arith.index_cast %scan3A_106 : i32 to index
      %get3A_124 = arith.constant 16 : index
      %get3A_125 = tpu.vector_load %arg9[%get3A_123, %get3A_124] {strides = array<i32>} : memref<128x32xf32, #tpu.memory_space<vmem>>, vector<1x16xf32>,
      %get3A_126 = vector.shape_cast %get3A_125 : vector<1x16xf32> to vector<16xf32>
      %sub3A_127 = arith.subf %get3A_126, %get3A_122 : vector<16xf32>
      %swap3A_128 = arith.index_cast %scan3A_106 : i32 to index
      %swap3A_129 = arith.constant 16 : index
      %swap3A_130 = tpu.vector_load %arg11[%swap3A_128, %swap3A_129] {strides = array<i32>} : memref<128x32xf32, #tpu.memory_space<vmem>>, vector<1x16xf32>,
      %swap3A_131 = vector.shape_cast %swap3A_130 : vector<1x16xf32> to vector<16xf32>
      %swap3A_132 = vector.shape_cast %sub3A_127 : vector<16xf32> to vector<1x16xf32>
      tpu.vector_store %arg11[%swap3A_128, %swap3A_129], %swap3A_132 {strides = array<i32>} : memref<128x32xf32, #tpu.memory_space<vmem>>, vector<1x16xf32>,
      %scan3A_133 = arith.constant 0 : i32
      scf.yield %scan3A_133 : i32
    }
    %scan3A_24 = arith.constant 128 : i32
    "tpu.region"() ({
      %run_scoped3A = tpu.sem_alloc : memref<!tpu.dma_semaphore, #tpu.memory_space<semaphore_mem>>
      %dma_start3A_106 = arith.constant 0 : i32
      %dma_start3A_107 = tpu.memref_slice %arg6[%mul3A_6, %dma_start3A_106] : memref<16384x32xf32, #tpu.memory_space<hbm>> -> memref<128x32xf32, #tpu.memory_space<hbm>>
      %dma_start3A_108 = arith.constant 0 : i32
      %dma_start3A_109 = tpu.memref_slice %arg6[%mul3A_6, %dma_start3A_108] : memref<16384x32xf32, #tpu.memory_space<hbm>> -> memref<128x32xf32, #tpu.memory_space<hbm>>
      tpu.enqueue_dma source(%arg11 : memref<128x32xf32, #tpu.memory_space<vmem>>) target(%dma_start3A_109 : memref<128x32xf32, #tpu.memory_space<hbm>>) target_semaphore(%run_scoped3A : memref<!tpu.dma_semaphore, #tpu.memory_space<semaphore_mem>>)
      %dma_wait3A_110 = arith.constant 0 : i32
      %dma_wait3A_111 = tpu.memref_slice %arg6[%mul3A_6, %dma_wait3A_110] : memref<16384x32xf32, #tpu.memory_space<hbm>> -> memref<128x32xf32, #tpu.memory_space<hbm>>
      %dma_wait3A_112 = arith.constant 0 : i32
      %dma_wait3A_113 = tpu.memref_slice %arg6[%mul3A_6, %dma_wait3A_112] : memref<16384x32xf32, #tpu.memory_space<hbm>> -> memref<128x32xf32, #tpu.memory_space<hbm>>
      tpu.wait_dma2 semaphore(%run_scoped3A : memref<!tpu.dma_semaphore, #tpu.memory_space<semaphore_mem>>) src(%arg11 : memref<128x32xf32, #tpu.memory_space<vmem>>) dst(%dma_wait3A_113 : memref<128x32xf32, #tpu.memory_space<hbm>>)
      tpu.yield
    }) : () -> ()
    %mul3A_25 = arith.constant 4 : i32
    %mul3A_26 = arith.muli %add3A, %mul3A_25 : i32
    %add3A_27 = arith.constant 1 : i32
    %add3A_28 = arith.addi %mul3A_26, %add3A_27 : i32
    %mul3A_29 = arith.constant 128 : i32
    %mul3A_30 = arith.muli %add3A_28, %mul3A_29 : i32
    %dma_start3A_31 = arith.constant 1 : i32
    %dma_start3A_32 = arith.constant 0 : i32
    %dma_start3A_33 = tpu.memref_slice %arg7[%dma_start3A_31, %dma_start3A_32] : memref<4x128xi32, #tpu.memory_space<vmem>> -> memref<1x128xi32, #tpu.memory_space<vmem>>
    %dma_start3A_34 = tpu.memref_squeeze %dma_start3A_33 : memref<1x128xi32, #tpu.memory_space<vmem>> -> memref<128xi32, #tpu.memory_space<vmem>>
    %dma_start3A_35 = arith.constant 0 : i32
    %dma_start3A_36 = arith.constant 0 : i32
    %dma_start3A_37 = tpu.memref_slice %arg2[%dma_start3A_35, %dma_start3A_36] : memref<8192x128xf32, #tpu.memory_space<hbm>> -> memref<8192x128xf32, #tpu.memory_space<hbm>>
    tpu.enqueue_indirect_dma source(%dma_start3A_37 : memref<8192x128xf32, #tpu.memory_space<hbm>>) target(%arg8 : memref<128x128xf32, #tpu.memory_space<vmem>>) offsets(%dma_start3A_34 : memref<128xi32, #tpu.memory_space<vmem>>) semaphore(%arg12 : memref<!tpu.dma_semaphore, #tpu.memory_space<semaphore_mem>>)
    "tpu.region"() ({
      %run_scoped3A = tpu.sem_alloc : memref<!tpu.dma_semaphore, #tpu.memory_space<semaphore_mem>>
      %dma_start3A_106 = arith.constant 0 : i32
      %dma_start3A_107 = tpu.memref_slice %arg4[%mul3A_30, %dma_start3A_106] : memref<16384x32xf32, #tpu.memory_space<hbm>> -> memref<128x32xf32, #tpu.memory_space<hbm>>
      %dma_start3A_108 = arith.constant 0 : i32
      %dma_start3A_109 = tpu.memref_slice %arg4[%mul3A_30, %dma_start3A_108] : memref<16384x32xf32, #tpu.memory_space<hbm>> -> memref<128x32xf32, #tpu.memory_space<hbm>>
      tpu.enqueue_dma source(%dma_start3A_109 : memref<128x32xf32, #tpu.memory_space<hbm>>) target(%arg9 : memref<128x32xf32, #tpu.memory_space<vmem>>) target_semaphore(%run_scoped3A : memref<!tpu.dma_semaphore, #tpu.memory_space<semaphore_mem>>)
      %dma_wait3A_110 = arith.constant 0 : i32
      %dma_wait3A_111 = tpu.memref_slice %arg4[%mul3A_30, %dma_wait3A_110] : memref<16384x32xf32, #tpu.memory_space<hbm>> -> memref<128x32xf32, #tpu.memory_space<hbm>>
      %dma_wait3A_112 = arith.constant 0 : i32
      %dma_wait3A_113 = tpu.memref_slice %arg4[%mul3A_30, %dma_wait3A_112] : memref<16384x32xf32, #tpu.memory_space<hbm>> -> memref<128x32xf32, #tpu.memory_space<hbm>>
      tpu.wait_dma2 semaphore(%run_scoped3A : memref<!tpu.dma_semaphore, #tpu.memory_space<semaphore_mem>>) src(%dma_wait3A_113 : memref<128x32xf32, #tpu.memory_space<hbm>>) dst(%arg9 : memref<128x32xf32, #tpu.memory_space<vmem>>)
      tpu.yield
    }) : () -> ()
    %dma_wait3A_38 = arith.constant 1 : i32
    %dma_wait3A_39 = arith.constant 0 : i32
    %dma_wait3A_40 = tpu.memref_slice %arg7[%dma_wait3A_38, %dma_wait3A_39] : memref<4x128xi32, #tpu.memory_space<vmem>> -> memref<1x128xi32, #tpu.memory_space<vmem>>
    %dma_wait3A_41 = tpu.memref_squeeze %dma_wait3A_40 : memref<1x128xi32, #tpu.memory_space<vmem>> -> memref<128xi32, #tpu.memory_space<vmem>>
    %dma_wait3A_42 = arith.constant 0 : i32
    %dma_wait3A_43 = arith.constant 0 : i32
    %dma_wait3A_44 = tpu.memref_slice %arg2[%dma_wait3A_42, %dma_wait3A_43] : memref<8192x128xf32, #tpu.memory_space<hbm>> -> memref<8192x128xf32, #tpu.memory_space<hbm>>
    tpu.wait_indirect_dma semaphore(%arg12 : memref<!tpu.dma_semaphore, #tpu.memory_space<semaphore_mem>>) src(%dma_wait3A_44 : memref<8192x128xf32, #tpu.memory_space<hbm>>) dst(%arg8 : memref<128x128xf32, #tpu.memory_space<vmem>>)
    %scan3A_45 = arith.constant 0 : i32
    %scan3A_46 = arith.constant 0 : i32
    %scan3A_47 = arith.constant 128 : i32
    %scan3A_48 = arith.addi %scan3A_46, %scan3A_47 : i32
    %scan3A_49 = arith.constant 1 : i32
    %scan3A_50 = scf.for %scan3A_106 = %scan3A_46 to %scan3A_48 step %scan3A_49 iter_args(%scan3A_107 = %scan3A_45) -> (i32)  : i32 {
      %get3A = arith.index_cast %scan3A_106 : i32 to index
      %get3A_108 = arith.constant 0 : index
      %get3A_109 = tpu.vector_load %arg8[%get3A, %get3A_108] {strides = array<i32>} : memref<128x128xf32, #tpu.memory_space<vmem>>, vector<1x16xf32>,
      %get3A_110 = vector.shape_cast %get3A_109 : vector<1x16xf32> to vector<16xf32>
      %get3A_111 = arith.index_cast %scan3A_106 : i32 to index
      %get3A_112 = arith.constant 0 : index
      %get3A_113 = tpu.vector_load %arg9[%get3A_111, %get3A_112] {strides = array<i32>} : memref<128x32xf32, #tpu.memory_space<vmem>>, vector<1x16xf32>,
      %get3A_114 = vector.shape_cast %get3A_113 : vector<1x16xf32> to vector<16xf32>
      %sub3A = arith.subf %get3A_114, %get3A_110 : vector<16xf32>
      %swap3A = arith.index_cast %scan3A_106 : i32 to index
      %swap3A_115 = arith.constant 0 : index
      %swap3A_116 = tpu.vector_load %arg11[%swap3A, %swap3A_115] {strides = array<i32>} : memref<128x32xf32, #tpu.memory_space<vmem>>, vector<1x16xf32>,
      %swap3A_117 = vector.shape_cast %swap3A_116 : vector<1x16xf32> to vector<16xf32>
      %swap3A_118 = vector.shape_cast %sub3A : vector<16xf32> to vector<1x16xf32>
      tpu.vector_store %arg11[%swap3A, %swap3A_115], %swap3A_118 {strides = array<i32>} : memref<128x32xf32, #tpu.memory_space<vmem>>, vector<1x16xf32>,
      %get3A_119 = arith.index_cast %scan3A_106 : i32 to index
      %get3A_120 = arith.constant 16 : index
      %get3A_121 = tpu.vector_load %arg8[%get3A_119, %get3A_120] {strides = array<i32>} : memref<128x128xf32, #tpu.memory_space<vmem>>, vector<1x16xf32>,
      %get3A_122 = vector.shape_cast %get3A_121 : vector<1x16xf32> to vector<16xf32>
      %get3A_123 = arith.index_cast %scan3A_106 : i32 to index
      %get3A_124 = arith.constant 16 : index
      %get3A_125 = tpu.vector_load %arg9[%get3A_123, %get3A_124] {strides = array<i32>} : memref<128x32xf32, #tpu.memory_space<vmem>>, vector<1x16xf32>,
      %get3A_126 = vector.shape_cast %get3A_125 : vector<1x16xf32> to vector<16xf32>
      %sub3A_127 = arith.subf %get3A_126, %get3A_122 : vector<16xf32>
      %swap3A_128 = arith.index_cast %scan3A_106 : i32 to index
      %swap3A_129 = arith.constant 16 : index
      %swap3A_130 = tpu.vector_load %arg11[%swap3A_128, %swap3A_129] {strides = array<i32>} : memref<128x32xf32, #tpu.memory_space<vmem>>, vector<1x16xf32>,
      %swap3A_131 = vector.shape_cast %swap3A_130 : vector<1x16xf32> to vector<16xf32>
      %swap3A_132 = vector.shape_cast %sub3A_127 : vector<16xf32> to vector<1x16xf32>
      tpu.vector_store %arg11[%swap3A_128, %swap3A_129], %swap3A_132 {strides = array<i32>} : memref<128x32xf32, #tpu.memory_space<vmem>>, vector<1x16xf32>,
      %scan3A_133 = arith.constant 0 : i32
      scf.yield %scan3A_133 : i32
    }
    %scan3A_51 = arith.constant 128 : i32
    "tpu.region"() ({
      %run_scoped3A = tpu.sem_alloc : memref<!tpu.dma_semaphore, #tpu.memory_space<semaphore_mem>>
      %dma_start3A_106 = arith.constant 0 : i32
      %dma_start3A_107 = tpu.memref_slice %arg6[%mul3A_30, %dma_start3A_106] : memref<16384x32xf32, #tpu.memory_space<hbm>> -> memref<128x32xf32, #tpu.memory_space<hbm>>
      %dma_start3A_108 = arith.constant 0 : i32
      %dma_start3A_109 = tpu.memref_slice %arg6[%mul3A_30, %dma_start3A_108] : memref<16384x32xf32, #tpu.memory_space<hbm>> -> memref<128x32xf32, #tpu.memory_space<hbm>>
      tpu.enqueue_dma source(%arg11 : memref<128x32xf32, #tpu.memory_space<vmem>>) target(%dma_start3A_109 : memref<128x32xf32, #tpu.memory_space<hbm>>) target_semaphore(%run_scoped3A : memref<!tpu.dma_semaphore, #tpu.memory_space<semaphore_mem>>)
      %dma_wait3A_110 = arith.constant 0 : i32
      %dma_wait3A_111 = tpu.memref_slice %arg6[%mul3A_30, %dma_wait3A_110] : memref<16384x32xf32, #tpu.memory_space<hbm>> -> memref<128x32xf32, #tpu.memory_space<hbm>>
      %dma_wait3A_112 = arith.constant 0 : i32
      %dma_wait3A_113 = tpu.memref_slice %arg6[%mul3A_30, %dma_wait3A_112] : memref<16384x32xf32, #tpu.memory_space<hbm>> -> memref<128x32xf32, #tpu.memory_space<hbm>>
      tpu.wait_dma2 semaphore(%run_scoped3A : memref<!tpu.dma_semaphore, #tpu.memory_space<semaphore_mem>>) src(%arg11 : memref<128x32xf32, #tpu.memory_space<vmem>>) dst(%dma_wait3A_113 : memref<128x32xf32, #tpu.memory_space<hbm>>)
      tpu.yield
    }) : () -> ()
    %mul3A_52 = arith.constant 4 : i32
    %mul3A_53 = arith.muli %add3A, %mul3A_52 : i32
    %add3A_54 = arith.constant 2 : i32
    %add3A_55 = arith.addi %mul3A_53, %add3A_54 : i32
    %mul3A_56 = arith.constant 128 : i32
    %mul3A_57 = arith.muli %add3A_55, %mul3A_56 : i32
    %dma_start3A_58 = arith.constant 2 : i32
    %dma_start3A_59 = arith.constant 0 : i32
    %dma_start3A_60 = tpu.memref_slice %arg7[%dma_start3A_58, %dma_start3A_59] : memref<4x128xi32, #tpu.memory_space<vmem>> -> memref<1x128xi32, #tpu.memory_space<vmem>>
    %dma_start3A_61 = tpu.memref_squeeze %dma_start3A_60 : memref<1x128xi32, #tpu.memory_space<vmem>> -> memref<128xi32, #tpu.memory_space<vmem>>
    %dma_start3A_62 = arith.constant 0 : i32
    %dma_start3A_63 = arith.constant 0 : i32
    %dma_start3A_64 = tpu.memref_slice %arg2[%dma_start3A_62, %dma_start3A_63] : memref<8192x128xf32, #tpu.memory_space<hbm>> -> memref<8192x128xf32, #tpu.memory_space<hbm>>
    tpu.enqueue_indirect_dma source(%dma_start3A_64 : memref<8192x128xf32, #tpu.memory_space<hbm>>) target(%arg8 : memref<128x128xf32, #tpu.memory_space<vmem>>) offsets(%dma_start3A_61 : memref<128xi32, #tpu.memory_space<vmem>>) semaphore(%arg12 : memref<!tpu.dma_semaphore, #tpu.memory_space<semaphore_mem>>)
    "tpu.region"() ({
      %run_scoped3A = tpu.sem_alloc : memref<!tpu.dma_semaphore, #tpu.memory_space<semaphore_mem>>
      %dma_start3A_106 = arith.constant 0 : i32
      %dma_start3A_107 = tpu.memref_slice %arg4[%mul3A_57, %dma_start3A_106] : memref<16384x32xf32, #tpu.memory_space<hbm>> -> memref<128x32xf32, #tpu.memory_space<hbm>>
      %dma_start3A_108 = arith.constant 0 : i32
      %dma_start3A_109 = tpu.memref_slice %arg4[%mul3A_57, %dma_start3A_108] : memref<16384x32xf32, #tpu.memory_space<hbm>> -> memref<128x32xf32, #tpu.memory_space<hbm>>
      tpu.enqueue_dma source(%dma_start3A_109 : memref<128x32xf32, #tpu.memory_space<hbm>>) target(%arg9 : memref<128x32xf32, #tpu.memory_space<vmem>>) target_semaphore(%run_scoped3A : memref<!tpu.dma_semaphore, #tpu.memory_space<semaphore_mem>>)
      %dma_wait3A_110 = arith.constant 0 : i32
      %dma_wait3A_111 = tpu.memref_slice %arg4[%mul3A_57, %dma_wait3A_110] : memref<16384x32xf32, #tpu.memory_space<hbm>> -> memref<128x32xf32, #tpu.memory_space<hbm>>
      %dma_wait3A_112 = arith.constant 0 : i32
      %dma_wait3A_113 = tpu.memref_slice %arg4[%mul3A_57, %dma_wait3A_112] : memref<16384x32xf32, #tpu.memory_space<hbm>> -> memref<128x32xf32, #tpu.memory_space<hbm>>
      tpu.wait_dma2 semaphore(%run_scoped3A : memref<!tpu.dma_semaphore, #tpu.memory_space<semaphore_mem>>) src(%dma_wait3A_113 : memref<128x32xf32, #tpu.memory_space<hbm>>) dst(%arg9 : memref<128x32xf32, #tpu.memory_space<vmem>>)
      tpu.yield
    }) : () -> ()
    %dma_wait3A_65 = arith.constant 2 : i32
    %dma_wait3A_66 = arith.constant 0 : i32
    %dma_wait3A_67 = tpu.memref_slice %arg7[%dma_wait3A_65, %dma_wait3A_66] : memref<4x128xi32, #tpu.memory_space<vmem>> -> memref<1x128xi32, #tpu.memory_space<vmem>>
    %dma_wait3A_68 = tpu.memref_squeeze %dma_wait3A_67 : memref<1x128xi32, #tpu.memory_space<vmem>> -> memref<128xi32, #tpu.memory_space<vmem>>
    %dma_wait3A_69 = arith.constant 0 : i32
    %dma_wait3A_70 = arith.constant 0 : i32
    %dma_wait3A_71 = tpu.memref_slice %arg2[%dma_wait3A_69, %dma_wait3A_70] : memref<8192x128xf32, #tpu.memory_space<hbm>> -> memref<8192x128xf32, #tpu.memory_space<hbm>>
    tpu.wait_indirect_dma semaphore(%arg12 : memref<!tpu.dma_semaphore, #tpu.memory_space<semaphore_mem>>) src(%dma_wait3A_71 : memref<8192x128xf32, #tpu.memory_space<hbm>>) dst(%arg8 : memref<128x128xf32, #tpu.memory_space<vmem>>)
    %scan3A_72 = arith.constant 0 : i32
    %scan3A_73 = arith.constant 0 : i32
    %scan3A_74 = arith.constant 128 : i32
    %scan3A_75 = arith.addi %scan3A_73, %scan3A_74 : i32
    %scan3A_76 = arith.constant 1 : i32
    %scan3A_77 = scf.for %scan3A_106 = %scan3A_73 to %scan3A_75 step %scan3A_76 iter_args(%scan3A_107 = %scan3A_72) -> (i32)  : i32 {
      %get3A = arith.index_cast %scan3A_106 : i32 to index
      %get3A_108 = arith.constant 0 : index
      %get3A_109 = tpu.vector_load %arg8[%get3A, %get3A_108] {strides = array<i32>} : memref<128x128xf32, #tpu.memory_space<vmem>>, vector<1x16xf32>,
      %get3A_110 = vector.shape_cast %get3A_109 : vector<1x16xf32> to vector<16xf32>
      %get3A_111 = arith.index_cast %scan3A_106 : i32 to index
      %get3A_112 = arith.constant 0 : index
      %get3A_113 = tpu.vector_load %arg9[%get3A_111, %get3A_112] {strides = array<i32>} : memref<128x32xf32, #tpu.memory_space<vmem>>, vector<1x16xf32>,
      %get3A_114 = vector.shape_cast %get3A_113 : vector<1x16xf32> to vector<16xf32>
      %sub3A = arith.subf %get3A_114, %get3A_110 : vector<16xf32>
      %swap3A = arith.index_cast %scan3A_106 : i32 to index
      %swap3A_115 = arith.constant 0 : index
      %swap3A_116 = tpu.vector_load %arg11[%swap3A, %swap3A_115] {strides = array<i32>} : memref<128x32xf32, #tpu.memory_space<vmem>>, vector<1x16xf32>,
      %swap3A_117 = vector.shape_cast %swap3A_116 : vector<1x16xf32> to vector<16xf32>
      %swap3A_118 = vector.shape_cast %sub3A : vector<16xf32> to vector<1x16xf32>
      tpu.vector_store %arg11[%swap3A, %swap3A_115], %swap3A_118 {strides = array<i32>} : memref<128x32xf32, #tpu.memory_space<vmem>>, vector<1x16xf32>,
      %get3A_119 = arith.index_cast %scan3A_106 : i32 to index
      %get3A_120 = arith.constant 16 : index
      %get3A_121 = tpu.vector_load %arg8[%get3A_119, %get3A_120] {strides = array<i32>} : memref<128x128xf32, #tpu.memory_space<vmem>>, vector<1x16xf32>,
      %get3A_122 = vector.shape_cast %get3A_121 : vector<1x16xf32> to vector<16xf32>
      %get3A_123 = arith.index_cast %scan3A_106 : i32 to index
      %get3A_124 = arith.constant 16 : index
      %get3A_125 = tpu.vector_load %arg9[%get3A_123, %get3A_124] {strides = array<i32>} : memref<128x32xf32, #tpu.memory_space<vmem>>, vector<1x16xf32>,
      %get3A_126 = vector.shape_cast %get3A_125 : vector<1x16xf32> to vector<16xf32>
      %sub3A_127 = arith.subf %get3A_126, %get3A_122 : vector<16xf32>
      %swap3A_128 = arith.index_cast %scan3A_106 : i32 to index
      %swap3A_129 = arith.constant 16 : index
      %swap3A_130 = tpu.vector_load %arg11[%swap3A_128, %swap3A_129] {strides = array<i32>} : memref<128x32xf32, #tpu.memory_space<vmem>>, vector<1x16xf32>,
      %swap3A_131 = vector.shape_cast %swap3A_130 : vector<1x16xf32> to vector<16xf32>
      %swap3A_132 = vector.shape_cast %sub3A_127 : vector<16xf32> to vector<1x16xf32>
      tpu.vector_store %arg11[%swap3A_128, %swap3A_129], %swap3A_132 {strides = array<i32>} : memref<128x32xf32, #tpu.memory_space<vmem>>, vector<1x16xf32>,
      %scan3A_133 = arith.constant 0 : i32
      scf.yield %scan3A_133 : i32
    }
    %scan3A_78 = arith.constant 128 : i32
    "tpu.region"() ({
      %run_scoped3A = tpu.sem_alloc : memref<!tpu.dma_semaphore, #tpu.memory_space<semaphore_mem>>
      %dma_start3A_106 = arith.constant 0 : i32
      %dma_start3A_107 = tpu.memref_slice %arg6[%mul3A_57, %dma_start3A_106] : memref<16384x32xf32, #tpu.memory_space<hbm>> -> memref<128x32xf32, #tpu.memory_space<hbm>>
      %dma_start3A_108 = arith.constant 0 : i32
      %dma_start3A_109 = tpu.memref_slice %arg6[%mul3A_57, %dma_start3A_108] : memref<16384x32xf32, #tpu.memory_space<hbm>> -> memref<128x32xf32, #tpu.memory_space<hbm>>
      tpu.enqueue_dma source(%arg11 : memref<128x32xf32, #tpu.memory_space<vmem>>) target(%dma_start3A_109 : memref<128x32xf32, #tpu.memory_space<hbm>>) target_semaphore(%run_scoped3A : memref<!tpu.dma_semaphore, #tpu.memory_space<semaphore_mem>>)
      %dma_wait3A_110 = arith.constant 0 : i32
      %dma_wait3A_111 = tpu.memref_slice %arg6[%mul3A_57, %dma_wait3A_110] : memref<16384x32xf32, #tpu.memory_space<hbm>> -> memref<128x32xf32, #tpu.memory_space<hbm>>
      %dma_wait3A_112 = arith.constant 0 : i32
      %dma_wait3A_113 = tpu.memref_slice %arg6[%mul3A_57, %dma_wait3A_112] : memref<16384x32xf32, #tpu.memory_space<hbm>> -> memref<128x32xf32, #tpu.memory_space<hbm>>
      tpu.wait_dma2 semaphore(%run_scoped3A : memref<!tpu.dma_semaphore, #tpu.memory_space<semaphore_mem>>) src(%arg11 : memref<128x32xf32, #tpu.memory_space<vmem>>) dst(%dma_wait3A_113 : memref<128x32xf32, #tpu.memory_space<hbm>>)
      tpu.yield
    }) : () -> ()
    %mul3A_79 = arith.constant 4 : i32
    %mul3A_80 = arith.muli %add3A, %mul3A_79 : i32
    %add3A_81 = arith.constant 3 : i32
    %add3A_82 = arith.addi %mul3A_80, %add3A_81 : i32
    %mul3A_83 = arith.constant 128 : i32
    %mul3A_84 = arith.muli %add3A_82, %mul3A_83 : i32
    %dma_start3A_85 = arith.constant 3 : i32
    %dma_start3A_86 = arith.constant 0 : i32
    %dma_start3A_87 = tpu.memref_slice %arg7[%dma_start3A_85, %dma_start3A_86] : memref<4x128xi32, #tpu.memory_space<vmem>> -> memref<1x128xi32, #tpu.memory_space<vmem>>
    %dma_start3A_88 = tpu.memref_squeeze %dma_start3A_87 : memref<1x128xi32, #tpu.memory_space<vmem>> -> memref<128xi32, #tpu.memory_space<vmem>>
    %dma_start3A_89 = arith.constant 0 : i32
    %dma_start3A_90 = arith.constant 0 : i32
    %dma_start3A_91 = tpu.memref_slice %arg2[%dma_start3A_89, %dma_start3A_90] : memref<8192x128xf32, #tpu.memory_space<hbm>> -> memref<8192x128xf32, #tpu.memory_space<hbm>>
    tpu.enqueue_indirect_dma source(%dma_start3A_91 : memref<8192x128xf32, #tpu.memory_space<hbm>>) target(%arg8 : memref<128x128xf32, #tpu.memory_space<vmem>>) offsets(%dma_start3A_88 : memref<128xi32, #tpu.memory_space<vmem>>) semaphore(%arg12 : memref<!tpu.dma_semaphore, #tpu.memory_space<semaphore_mem>>)
    "tpu.region"() ({
      %run_scoped3A = tpu.sem_alloc : memref<!tpu.dma_semaphore, #tpu.memory_space<semaphore_mem>>
      %dma_start3A_106 = arith.constant 0 : i32
      %dma_start3A_107 = tpu.memref_slice %arg4[%mul3A_84, %dma_start3A_106] : memref<16384x32xf32, #tpu.memory_space<hbm>> -> memref<128x32xf32, #tpu.memory_space<hbm>>
      %dma_start3A_108 = arith.constant 0 : i32
      %dma_start3A_109 = tpu.memref_slice %arg4[%mul3A_84, %dma_start3A_108] : memref<16384x32xf32, #tpu.memory_space<hbm>> -> memref<128x32xf32, #tpu.memory_space<hbm>>
      tpu.enqueue_dma source(%dma_start3A_109 : memref<128x32xf32, #tpu.memory_space<hbm>>) target(%arg9 : memref<128x32xf32, #tpu.memory_space<vmem>>) target_semaphore(%run_scoped3A : memref<!tpu.dma_semaphore, #tpu.memory_space<semaphore_mem>>)
      %dma_wait3A_110 = arith.constant 0 : i32
      %dma_wait3A_111 = tpu.memref_slice %arg4[%mul3A_84, %dma_wait3A_110] : memref<16384x32xf32, #tpu.memory_space<hbm>> -> memref<128x32xf32, #tpu.memory_space<hbm>>
      %dma_wait3A_112 = arith.constant 0 : i32
      %dma_wait3A_113 = tpu.memref_slice %arg4[%mul3A_84, %dma_wait3A_112] : memref<16384x32xf32, #tpu.memory_space<hbm>> -> memref<128x32xf32, #tpu.memory_space<hbm>>
      tpu.wait_dma2 semaphore(%run_scoped3A : memref<!tpu.dma_semaphore, #tpu.memory_space<semaphore_mem>>) src(%dma_wait3A_113 : memref<128x32xf32, #tpu.memory_space<hbm>>) dst(%arg9 : memref<128x32xf32, #tpu.memory_space<vmem>>)
      tpu.yield
    }) : () -> ()
    %dma_wait3A_92 = arith.constant 3 : i32
    %dma_wait3A_93 = arith.constant 0 : i32
    %dma_wait3A_94 = tpu.memref_slice %arg7[%dma_wait3A_92, %dma_wait3A_93] : memref<4x128xi32, #tpu.memory_space<vmem>> -> memref<1x128xi32, #tpu.memory_space<vmem>>
    %dma_wait3A_95 = tpu.memref_squeeze %dma_wait3A_94 : memref<1x128xi32, #tpu.memory_space<vmem>> -> memref<128xi32, #tpu.memory_space<vmem>>
    %dma_wait3A_96 = arith.constant 0 : i32
    %dma_wait3A_97 = arith.constant 0 : i32
    %dma_wait3A_98 = tpu.memref_slice %arg2[%dma_wait3A_96, %dma_wait3A_97] : memref<8192x128xf32, #tpu.memory_space<hbm>> -> memref<8192x128xf32, #tpu.memory_space<hbm>>
    tpu.wait_indirect_dma semaphore(%arg12 : memref<!tpu.dma_semaphore, #tpu.memory_space<semaphore_mem>>) src(%dma_wait3A_98 : memref<8192x128xf32, #tpu.memory_space<hbm>>) dst(%arg8 : memref<128x128xf32, #tpu.memory_space<vmem>>)
    %scan3A_99 = arith.constant 0 : i32
    %scan3A_100 = arith.constant 0 : i32
    %scan3A_101 = arith.constant 128 : i32
    %scan3A_102 = arith.addi %scan3A_100, %scan3A_101 : i32
    %scan3A_103 = arith.constant 1 : i32
    %scan3A_104 = scf.for %scan3A_106 = %scan3A_100 to %scan3A_102 step %scan3A_103 iter_args(%scan3A_107 = %scan3A_99) -> (i32)  : i32 {
      %get3A = arith.index_cast %scan3A_106 : i32 to index
      %get3A_108 = arith.constant 0 : index
      %get3A_109 = tpu.vector_load %arg8[%get3A, %get3A_108] {strides = array<i32>} : memref<128x128xf32, #tpu.memory_space<vmem>>, vector<1x16xf32>,
      %get3A_110 = vector.shape_cast %get3A_109 : vector<1x16xf32> to vector<16xf32>
      %get3A_111 = arith.index_cast %scan3A_106 : i32 to index
      %get3A_112 = arith.constant 0 : index
      %get3A_113 = tpu.vector_load %arg9[%get3A_111, %get3A_112] {strides = array<i32>} : memref<128x32xf32, #tpu.memory_space<vmem>>, vector<1x16xf32>,
      %get3A_114 = vector.shape_cast %get3A_113 : vector<1x16xf32> to vector<16xf32>
      %sub3A = arith.subf %get3A_114, %get3A_110 : vector<16xf32>
      %swap3A = arith.index_cast %scan3A_106 : i32 to index
      %swap3A_115 = arith.constant 0 : index
      %swap3A_116 = tpu.vector_load %arg11[%swap3A, %swap3A_115] {strides = array<i32>} : memref<128x32xf32, #tpu.memory_space<vmem>>, vector<1x16xf32>,
      %swap3A_117 = vector.shape_cast %swap3A_116 : vector<1x16xf32> to vector<16xf32>
      %swap3A_118 = vector.shape_cast %sub3A : vector<16xf32> to vector<1x16xf32>
      tpu.vector_store %arg11[%swap3A, %swap3A_115], %swap3A_118 {strides = array<i32>} : memref<128x32xf32, #tpu.memory_space<vmem>>, vector<1x16xf32>,
      %get3A_119 = arith.index_cast %scan3A_106 : i32 to index
      %get3A_120 = arith.constant 16 : index
      %get3A_121 = tpu.vector_load %arg8[%get3A_119, %get3A_120] {strides = array<i32>} : memref<128x128xf32, #tpu.memory_space<vmem>>, vector<1x16xf32>,
      %get3A_122 = vector.shape_cast %get3A_121 : vector<1x16xf32> to vector<16xf32>
      %get3A_123 = arith.index_cast %scan3A_106 : i32 to index
      %get3A_124 = arith.constant 16 : index
      %get3A_125 = tpu.vector_load %arg9[%get3A_123, %get3A_124] {strides = array<i32>} : memref<128x32xf32, #tpu.memory_space<vmem>>, vector<1x16xf32>,
      %get3A_126 = vector.shape_cast %get3A_125 : vector<1x16xf32> to vector<16xf32>
      %sub3A_127 = arith.subf %get3A_126, %get3A_122 : vector<16xf32>
      %swap3A_128 = arith.index_cast %scan3A_106 : i32 to index
      %swap3A_129 = arith.constant 16 : index
      %swap3A_130 = tpu.vector_load %arg11[%swap3A_128, %swap3A_129] {strides = array<i32>} : memref<128x32xf32, #tpu.memory_space<vmem>>, vector<1x16xf32>,
      %swap3A_131 = vector.shape_cast %swap3A_130 : vector<1x16xf32> to vector<16xf32>
      %swap3A_132 = vector.shape_cast %sub3A_127 : vector<16xf32> to vector<1x16xf32>
      tpu.vector_store %arg11[%swap3A_128, %swap3A_129], %swap3A_132 {strides = array<i32>} : memref<128x32xf32, #tpu.memory_space<vmem>>, vector<1x16xf32>,
      %scan3A_133 = arith.constant 0 : i32
      scf.yield %scan3A_133 : i32
    }
    %scan3A_105 = arith.constant 128 : i32
    "tpu.region"() ({
      %run_scoped3A = tpu.sem_alloc : memref<!tpu.dma_semaphore, #tpu.memory_space<semaphore_mem>>
      %dma_start3A_106 = arith.constant 0 : i32
      %dma_start3A_107 = tpu.memref_slice %arg6[%mul3A_84, %dma_start3A_106] : memref<16384x32xf32, #tpu.memory_space<hbm>> -> memref<128x32xf32, #tpu.memory_space<hbm>>
      %dma_start3A_108 = arith.constant 0 : i32
      %dma_start3A_109 = tpu.memref_slice %arg6[%mul3A_84, %dma_start3A_108] : memref<16384x32xf32, #tpu.memory_space<hbm>> -> memref<128x32xf32, #tpu.memory_space<hbm>>
      tpu.enqueue_dma source(%arg11 : memref<128x32xf32, #tpu.memory_space<vmem>>) target(%dma_start3A_109 : memref<128x32xf32, #tpu.memory_space<hbm>>) target_semaphore(%run_scoped3A : memref<!tpu.dma_semaphore, #tpu.memory_space<semaphore_mem>>)
      %dma_wait3A_110 = arith.constant 0 : i32
      %dma_wait3A_111 = tpu.memref_slice %arg6[%mul3A_84, %dma_wait3A_110] : memref<16384x32xf32, #tpu.memory_space<hbm>> -> memref<128x32xf32, #tpu.memory_space<hbm>>
      %dma_wait3A_112 = arith.constant 0 : i32
      %dma_wait3A_113 = tpu.memref_slice %arg6[%mul3A_84, %dma_wait3A_112] : memref<16384x32xf32, #tpu.memory_space<hbm>> -> memref<128x32xf32, #tpu.memory_space<hbm>>
      tpu.wait_dma2 semaphore(%run_scoped3A : memref<!tpu.dma_semaphore, #tpu.memory_space<semaphore_mem>>) src(%arg11 : memref<128x32xf32, #tpu.memory_space<vmem>>) dst(%dma_wait3A_113 : memref<128x32xf32, #tpu.memory_space<hbm>>)
      tpu.yield
    }) : () -> ()
    return
  }
}

#map = affine_map<(d0, d1) -> (0, 0)>
#map1 = affine_map<(d0, d1) -> (0, 0, 0)>
module attributes {stable_mosaic.version = 14 : i64} {
  func.func @_sc_body(%arg0: i32, %arg1: i32, %arg2: memref<8192x128xf32, #tpu.memory_space<hbm>>, %arg3: memref<32x4x128xi32, #tpu.memory_space<hbm>>, %arg4: memref<16384x32xf32, #tpu.memory_space<hbm>>, %arg5: memref<16384x32xf32, #tpu.memory_space<hbm>>, %arg6: memref<16384x32xf32, #tpu.memory_space<hbm>>, %arg7: memref<4x128xi32, #tpu.memory_space<vmem>>, %arg8: memref<128x128xf32, #tpu.memory_space<vmem>>, %arg9: memref<128x32xf32, #tpu.memory_space<vmem>>, %arg10: memref<128x32xf32, #tpu.memory_space<vmem>>, %arg11: memref<128x32xf32, #tpu.memory_space<vmem>>, %arg12: memref<!tpu.dma_semaphore, #tpu.memory_space<semaphore_mem>>) attributes {dimension_semantics = [#tpu.dimension_semantics<core_parallel>, #tpu.dimension_semantics<subcore_parallel>], iteration_bounds = array<i64: 2, 16>, scalar_prefetch = 0 : i64, scratch_operands = 6 : i64, tpu.core_type = #tpu.core_type<sc_vector_subcore>, window_params = [{transform_indices = #map}, {transform_indices = #map1}, {transform_indices = #map}, {transform_indices = #map}, {transform_indices = #map}]} {
    %mul3A = arith.constant 2 : i32
    %mul3A_0 = arith.muli %arg1, %mul3A : i32
    %add3A = arith.addi %mul3A_0, %arg0 : i32
    "tpu.region"() ({
      %run_scoped3A = tpu.sem_alloc : memref<!tpu.dma_semaphore, #tpu.memory_space<semaphore_mem>>
      %dma_start3A_106 = arith.constant 0 : i32
      %dma_start3A_107 = arith.constant 0 : i32
      %dma_start3A_108 = tpu.memref_slice %arg3[%add3A, %dma_start3A_106, %dma_start3A_107] : memref<32x4x128xi32, #tpu.memory_space<hbm>> -> memref<1x4x128xi32, #tpu.memory_space<hbm>>
      %dma_start3A_109 = tpu.memref_squeeze %dma_start3A_108 : memref<1x4x128xi32, #tpu.memory_space<hbm>> -> memref<4x128xi32, #tpu.memory_space<hbm>>
      %dma_start3A_110 = arith.constant 0 : i32
      %dma_start3A_111 = arith.constant 0 : i32
      %dma_start3A_112 = tpu.memref_slice %arg3[%add3A, %dma_start3A_110, %dma_start3A_111] : memref<32x4x128xi32, #tpu.memory_space<hbm>> -> memref<1x4x128xi32, #tpu.memory_space<hbm>>
      %dma_start3A_113 = tpu.memref_squeeze %dma_start3A_112 : memref<1x4x128xi32, #tpu.memory_space<hbm>> -> memref<4x128xi32, #tpu.memory_space<hbm>>
      tpu.enqueue_dma source(%dma_start3A_113 : memref<4x128xi32, #tpu.memory_space<hbm>>) target(%arg7 : memref<4x128xi32, #tpu.memory_space<vmem>>) target_semaphore(%run_scoped3A : memref<!tpu.dma_semaphore, #tpu.memory_space<semaphore_mem>>)
      %dma_wait3A_114 = arith.constant 0 : i32
      %dma_wait3A_115 = arith.constant 0 : i32
      %dma_wait3A_116 = tpu.memref_slice %arg3[%add3A, %dma_wait3A_114, %dma_wait3A_115] : memref<32x4x128xi32, #tpu.memory_space<hbm>> -> memref<1x4x128xi32, #tpu.memory_space<hbm>>
      %dma_wait3A_117 = tpu.memref_squeeze %dma_wait3A_116 : memref<1x4x128xi32, #tpu.memory_space<hbm>> -> memref<4x128xi32, #tpu.memory_space<hbm>>
      %dma_wait3A_118 = arith.constant 0 : i32
      %dma_wait3A_119 = arith.constant 0 : i32
      %dma_wait3A_120 = tpu.memref_slice %arg3[%add3A, %dma_wait3A_118, %dma_wait3A_119] : memref<32x4x128xi32, #tpu.memory_space<hbm>> -> memref<1x4x128xi32, #tpu.memory_space<hbm>>
      %dma_wait3A_121 = tpu.memref_squeeze %dma_wait3A_120 : memref<1x4x128xi32, #tpu.memory_space<hbm>> -> memref<4x128xi32, #tpu.memory_space<hbm>>
      tpu.wait_dma2 semaphore(%run_scoped3A : memref<!tpu.dma_semaphore, #tpu.memory_space<semaphore_mem>>) src(%dma_wait3A_121 : memref<4x128xi32, #tpu.memory_space<hbm>>) dst(%arg7 : memref<4x128xi32, #tpu.memory_space<vmem>>)
      tpu.yield
    }) : () -> ()
    %mul3A_1 = arith.constant 4 : i32
    %mul3A_2 = arith.muli %add3A, %mul3A_1 : i32
    %add3A_3 = arith.constant 0 : i32
    %add3A_4 = arith.addi %mul3A_2, %add3A_3 : i32
    %mul3A_5 = arith.constant 128 : i32
    %mul3A_6 = arith.muli %add3A_4, %mul3A_5 : i32
    %dma_start3A = arith.constant 0 : i32
    %dma_start3A_7 = arith.constant 0 : i32
    %dma_start3A_8 = tpu.memref_slice %arg7[%dma_start3A, %dma_start3A_7] : memref<4x128xi32, #tpu.memory_space<vmem>> -> memref<1x128xi32, #tpu.memory_space<vmem>>
    %dma_start3A_9 = tpu.memref_squeeze %dma_start3A_8 : memref<1x128xi32, #tpu.memory_space<vmem>> -> memref<128xi32, #tpu.memory_space<vmem>>
    %dma_start3A_10 = arith.constant 0 : i32
    %dma_start3A_11 = arith.constant 0 : i32
    %dma_start3A_12 = tpu.memref_slice %arg2[%dma_start3A_10, %dma_start3A_11] : memref<8192x128xf32, #tpu.memory_space<hbm>> -> memref<8192x128xf32, #tpu.memory_space<hbm>>
    tpu.enqueue_indirect_dma source(%dma_start3A_12 : memref<8192x128xf32, #tpu.memory_space<hbm>>) target(%arg8 : memref<128x128xf32, #tpu.memory_space<vmem>>) offsets(%dma_start3A_9 : memref<128xi32, #tpu.memory_space<vmem>>) semaphore(%arg12 : memref<!tpu.dma_semaphore, #tpu.memory_space<semaphore_mem>>)
    "tpu.region"() ({
      %run_scoped3A = tpu.sem_alloc : memref<!tpu.dma_semaphore, #tpu.memory_space<semaphore_mem>>
      %dma_start3A_106 = arith.constant 0 : i32
      %dma_start3A_107 = tpu.memref_slice %arg4[%mul3A_6, %dma_start3A_106] : memref<16384x32xf32, #tpu.memory_space<hbm>> -> memref<128x32xf32, #tpu.memory_space<hbm>>
      %dma_start3A_108 = arith.constant 0 : i32
      %dma_start3A_109 = tpu.memref_slice %arg4[%mul3A_6, %dma_start3A_108] : memref<16384x32xf32, #tpu.memory_space<hbm>> -> memref<128x32xf32, #tpu.memory_space<hbm>>
      tpu.enqueue_dma source(%dma_start3A_109 : memref<128x32xf32, #tpu.memory_space<hbm>>) target(%arg9 : memref<128x32xf32, #tpu.memory_space<vmem>>) target_semaphore(%run_scoped3A : memref<!tpu.dma_semaphore, #tpu.memory_space<semaphore_mem>>)
      %dma_wait3A_110 = arith.constant 0 : i32
      %dma_wait3A_111 = tpu.memref_slice %arg4[%mul3A_6, %dma_wait3A_110] : memref<16384x32xf32, #tpu.memory_space<hbm>> -> memref<128x32xf32, #tpu.memory_space<hbm>>
      %dma_wait3A_112 = arith.constant 0 : i32
      %dma_wait3A_113 = tpu.memref_slice %arg4[%mul3A_6, %dma_wait3A_112] : memref<16384x32xf32, #tpu.memory_space<hbm>> -> memref<128x32xf32, #tpu.memory_space<hbm>>
      tpu.wait_dma2 semaphore(%run_scoped3A : memref<!tpu.dma_semaphore, #tpu.memory_space<semaphore_mem>>) src(%dma_wait3A_113 : memref<128x32xf32, #tpu.memory_space<hbm>>) dst(%arg9 : memref<128x32xf32, #tpu.memory_space<vmem>>)
      tpu.yield
    }) : () -> ()
    %dma_wait3A = arith.constant 0 : i32
    %dma_wait3A_13 = arith.constant 0 : i32
    %dma_wait3A_14 = tpu.memref_slice %arg7[%dma_wait3A, %dma_wait3A_13] : memref<4x128xi32, #tpu.memory_space<vmem>> -> memref<1x128xi32, #tpu.memory_space<vmem>>
    %dma_wait3A_15 = tpu.memref_squeeze %dma_wait3A_14 : memref<1x128xi32, #tpu.memory_space<vmem>> -> memref<128xi32, #tpu.memory_space<vmem>>
    %dma_wait3A_16 = arith.constant 0 : i32
    %dma_wait3A_17 = arith.constant 0 : i32
    %dma_wait3A_18 = tpu.memref_slice %arg2[%dma_wait3A_16, %dma_wait3A_17] : memref<8192x128xf32, #tpu.memory_space<hbm>> -> memref<8192x128xf32, #tpu.memory_space<hbm>>
    tpu.wait_indirect_dma semaphore(%arg12 : memref<!tpu.dma_semaphore, #tpu.memory_space<semaphore_mem>>) src(%dma_wait3A_18 : memref<8192x128xf32, #tpu.memory_space<hbm>>) dst(%arg8 : memref<128x128xf32, #tpu.memory_space<vmem>>)
    %scan3A = arith.constant 0 : i32
    %scan3A_19 = arith.constant 0 : i32
    %scan3A_20 = arith.constant 128 : i32
    %scan3A_21 = arith.addi %scan3A_19, %scan3A_20 : i32
    %scan3A_22 = arith.constant 1 : i32
    %scan3A_23 = scf.for %scan3A_106 = %scan3A_19 to %scan3A_21 step %scan3A_22 iter_args(%scan3A_107 = %scan3A) -> (i32)  : i32 {
      %get3A = arith.index_cast %scan3A_106 : i32 to index
      %get3A_108 = arith.constant 0 : index
      %get3A_109 = tpu.vector_load %arg8[%get3A, %get3A_108] {strides = array<i32>} : memref<128x128xf32, #tpu.memory_space<vmem>>, vector<1x16xf32>,
      %get3A_110 = vector.shape_cast %get3A_109 : vector<1x16xf32> to vector<16xf32>
      %get3A_111 = arith.index_cast %scan3A_106 : i32 to index
      %get3A_112 = arith.constant 0 : index
      %get3A_113 = tpu.vector_load %arg9[%get3A_111, %get3A_112] {strides = array<i32>} : memref<128x32xf32, #tpu.memory_space<vmem>>, vector<1x16xf32>,
      %get3A_114 = vector.shape_cast %get3A_113 : vector<1x16xf32> to vector<16xf32>
      %sub3A = arith.subf %get3A_114, %get3A_110 : vector<16xf32>
      %swap3A = arith.index_cast %scan3A_106 : i32 to index
      %swap3A_115 = arith.constant 0 : index
      %swap3A_116 = tpu.vector_load %arg11[%swap3A, %swap3A_115] {strides = array<i32>} : memref<128x32xf32, #tpu.memory_space<vmem>>, vector<1x16xf32>,
      %swap3A_117 = vector.shape_cast %swap3A_116 : vector<1x16xf32> to vector<16xf32>
      %swap3A_118 = vector.shape_cast %sub3A : vector<16xf32> to vector<1x16xf32>
      tpu.vector_store %arg11[%swap3A, %swap3A_115], %swap3A_118 {strides = array<i32>} : memref<128x32xf32, #tpu.memory_space<vmem>>, vector<1x16xf32>,
      %get3A_119 = arith.index_cast %scan3A_106 : i32 to index
      %get3A_120 = arith.constant 16 : index
      %get3A_121 = tpu.vector_load %arg8[%get3A_119, %get3A_120] {strides = array<i32>} : memref<128x128xf32, #tpu.memory_space<vmem>>, vector<1x16xf32>,
      %get3A_122 = vector.shape_cast %get3A_121 : vector<1x16xf32> to vector<16xf32>
      %get3A_123 = arith.index_cast %scan3A_106 : i32 to index
      %get3A_124 = arith.constant 16 : index
      %get3A_125 = tpu.vector_load %arg9[%get3A_123, %get3A_124] {strides = array<i32>} : memref<128x32xf32, #tpu.memory_space<vmem>>, vector<1x16xf32>,
      %get3A_126 = vector.shape_cast %get3A_125 : vector<1x16xf32> to vector<16xf32>
      %sub3A_127 = arith.subf %get3A_126, %get3A_122 : vector<16xf32>
      %swap3A_128 = arith.index_cast %scan3A_106 : i32 to index
      %swap3A_129 = arith.constant 16 : index
      %swap3A_130 = tpu.vector_load %arg11[%swap3A_128, %swap3A_129] {strides = array<i32>} : memref<128x32xf32, #tpu.memory_space<vmem>>, vector<1x16xf32>,
      %swap3A_131 = vector.shape_cast %swap3A_130 : vector<1x16xf32> to vector<16xf32>
      %swap3A_132 = vector.shape_cast %sub3A_127 : vector<16xf32> to vector<1x16xf32>
      tpu.vector_store %arg11[%swap3A_128, %swap3A_129], %swap3A_132 {strides = array<i32>} : memref<128x32xf32, #tpu.memory_space<vmem>>, vector<1x16xf32>,
      %scan3A_133 = arith.constant 0 : i32
      scf.yield %scan3A_133 : i32
    }
    %scan3A_24 = arith.constant 128 : i32
    "tpu.region"() ({
      %run_scoped3A = tpu.sem_alloc : memref<!tpu.dma_semaphore, #tpu.memory_space<semaphore_mem>>
      %dma_start3A_106 = arith.constant 0 : i32
      %dma_start3A_107 = tpu.memref_slice %arg6[%mul3A_6, %dma_start3A_106] : memref<16384x32xf32, #tpu.memory_space<hbm>> -> memref<128x32xf32, #tpu.memory_space<hbm>>
      %dma_start3A_108 = arith.constant 0 : i32
      %dma_start3A_109 = tpu.memref_slice %arg6[%mul3A_6, %dma_start3A_108] : memref<16384x32xf32, #tpu.memory_space<hbm>> -> memref<128x32xf32, #tpu.memory_space<hbm>>
      tpu.enqueue_dma source(%arg11 : memref<128x32xf32, #tpu.memory_space<vmem>>) target(%dma_start3A_109 : memref<128x32xf32, #tpu.memory_space<hbm>>) target_semaphore(%run_scoped3A : memref<!tpu.dma_semaphore, #tpu.memory_space<semaphore_mem>>)
      %dma_wait3A_110 = arith.constant 0 : i32
      %dma_wait3A_111 = tpu.memref_slice %arg6[%mul3A_6, %dma_wait3A_110] : memref<16384x32xf32, #tpu.memory_space<hbm>> -> memref<128x32xf32, #tpu.memory_space<hbm>>
      %dma_wait3A_112 = arith.constant 0 : i32
      %dma_wait3A_113 = tpu.memref_slice %arg6[%mul3A_6, %dma_wait3A_112] : memref<16384x32xf32, #tpu.memory_space<hbm>> -> memref<128x32xf32, #tpu.memory_space<hbm>>
      tpu.wait_dma2 semaphore(%run_scoped3A : memref<!tpu.dma_semaphore, #tpu.memory_space<semaphore_mem>>) src(%arg11 : memref<128x32xf32, #tpu.memory_space<vmem>>) dst(%dma_wait3A_113 : memref<128x32xf32, #tpu.memory_space<hbm>>)
      tpu.yield
    }) : () -> ()
    %mul3A_25 = arith.constant 4 : i32
    %mul3A_26 = arith.muli %add3A, %mul3A_25 : i32
    %add3A_27 = arith.constant 1 : i32
    %add3A_28 = arith.addi %mul3A_26, %add3A_27 : i32
    %mul3A_29 = arith.constant 128 : i32
    %mul3A_30 = arith.muli %add3A_28, %mul3A_29 : i32
    %dma_start3A_31 = arith.constant 1 : i32
    %dma_start3A_32 = arith.constant 0 : i32
    %dma_start3A_33 = tpu.memref_slice %arg7[%dma_start3A_31, %dma_start3A_32] : memref<4x128xi32, #tpu.memory_space<vmem>> -> memref<1x128xi32, #tpu.memory_space<vmem>>
    %dma_start3A_34 = tpu.memref_squeeze %dma_start3A_33 : memref<1x128xi32, #tpu.memory_space<vmem>> -> memref<128xi32, #tpu.memory_space<vmem>>
    %dma_start3A_35 = arith.constant 0 : i32
    %dma_start3A_36 = arith.constant 0 : i32
    %dma_start3A_37 = tpu.memref_slice %arg2[%dma_start3A_35, %dma_start3A_36] : memref<8192x128xf32, #tpu.memory_space<hbm>> -> memref<8192x128xf32, #tpu.memory_space<hbm>>
    tpu.enqueue_indirect_dma source(%dma_start3A_37 : memref<8192x128xf32, #tpu.memory_space<hbm>>) target(%arg8 : memref<128x128xf32, #tpu.memory_space<vmem>>) offsets(%dma_start3A_34 : memref<128xi32, #tpu.memory_space<vmem>>) semaphore(%arg12 : memref<!tpu.dma_semaphore, #tpu.memory_space<semaphore_mem>>)
    "tpu.region"() ({
      %run_scoped3A = tpu.sem_alloc : memref<!tpu.dma_semaphore, #tpu.memory_space<semaphore_mem>>
      %dma_start3A_106 = arith.constant 0 : i32
      %dma_start3A_107 = tpu.memref_slice %arg4[%mul3A_30, %dma_start3A_106] : memref<16384x32xf32, #tpu.memory_space<hbm>> -> memref<128x32xf32, #tpu.memory_space<hbm>>
      %dma_start3A_108 = arith.constant 0 : i32
      %dma_start3A_109 = tpu.memref_slice %arg4[%mul3A_30, %dma_start3A_108] : memref<16384x32xf32, #tpu.memory_space<hbm>> -> memref<128x32xf32, #tpu.memory_space<hbm>>
      tpu.enqueue_dma source(%dma_start3A_109 : memref<128x32xf32, #tpu.memory_space<hbm>>) target(%arg9 : memref<128x32xf32, #tpu.memory_space<vmem>>) target_semaphore(%run_scoped3A : memref<!tpu.dma_semaphore, #tpu.memory_space<semaphore_mem>>)
      %dma_wait3A_110 = arith.constant 0 : i32
      %dma_wait3A_111 = tpu.memref_slice %arg4[%mul3A_30, %dma_wait3A_110] : memref<16384x32xf32, #tpu.memory_space<hbm>> -> memref<128x32xf32, #tpu.memory_space<hbm>>
      %dma_wait3A_112 = arith.constant 0 : i32
      %dma_wait3A_113 = tpu.memref_slice %arg4[%mul3A_30, %dma_wait3A_112] : memref<16384x32xf32, #tpu.memory_space<hbm>> -> memref<128x32xf32, #tpu.memory_space<hbm>>
      tpu.wait_dma2 semaphore(%run_scoped3A : memref<!tpu.dma_semaphore, #tpu.memory_space<semaphore_mem>>) src(%dma_wait3A_113 : memref<128x32xf32, #tpu.memory_space<hbm>>) dst(%arg9 : memref<128x32xf32, #tpu.memory_space<vmem>>)
      tpu.yield
    }) : () -> ()
    %dma_wait3A_38 = arith.constant 1 : i32
    %dma_wait3A_39 = arith.constant 0 : i32
    %dma_wait3A_40 = tpu.memref_slice %arg7[%dma_wait3A_38, %dma_wait3A_39] : memref<4x128xi32, #tpu.memory_space<vmem>> -> memref<1x128xi32, #tpu.memory_space<vmem>>
    %dma_wait3A_41 = tpu.memref_squeeze %dma_wait3A_40 : memref<1x128xi32, #tpu.memory_space<vmem>> -> memref<128xi32, #tpu.memory_space<vmem>>
    %dma_wait3A_42 = arith.constant 0 : i32
    %dma_wait3A_43 = arith.constant 0 : i32
    %dma_wait3A_44 = tpu.memref_slice %arg2[%dma_wait3A_42, %dma_wait3A_43] : memref<8192x128xf32, #tpu.memory_space<hbm>> -> memref<8192x128xf32, #tpu.memory_space<hbm>>
    tpu.wait_indirect_dma semaphore(%arg12 : memref<!tpu.dma_semaphore, #tpu.memory_space<semaphore_mem>>) src(%dma_wait3A_44 : memref<8192x128xf32, #tpu.memory_space<hbm>>) dst(%arg8 : memref<128x128xf32, #tpu.memory_space<vmem>>)
    %scan3A_45 = arith.constant 0 : i32
    %scan3A_46 = arith.constant 0 : i32
    %scan3A_47 = arith.constant 128 : i32
    %scan3A_48 = arith.addi %scan3A_46, %scan3A_47 : i32
    %scan3A_49 = arith.constant 1 : i32
    %scan3A_50 = scf.for %scan3A_106 = %scan3A_46 to %scan3A_48 step %scan3A_49 iter_args(%scan3A_107 = %scan3A_45) -> (i32)  : i32 {
      %get3A = arith.index_cast %scan3A_106 : i32 to index
      %get3A_108 = arith.constant 0 : index
      %get3A_109 = tpu.vector_load %arg8[%get3A, %get3A_108] {strides = array<i32>} : memref<128x128xf32, #tpu.memory_space<vmem>>, vector<1x16xf32>,
      %get3A_110 = vector.shape_cast %get3A_109 : vector<1x16xf32> to vector<16xf32>
      %get3A_111 = arith.index_cast %scan3A_106 : i32 to index
      %get3A_112 = arith.constant 0 : index
      %get3A_113 = tpu.vector_load %arg9[%get3A_111, %get3A_112] {strides = array<i32>} : memref<128x32xf32, #tpu.memory_space<vmem>>, vector<1x16xf32>,
      %get3A_114 = vector.shape_cast %get3A_113 : vector<1x16xf32> to vector<16xf32>
      %sub3A = arith.subf %get3A_114, %get3A_110 : vector<16xf32>
      %swap3A = arith.index_cast %scan3A_106 : i32 to index
      %swap3A_115 = arith.constant 0 : index
      %swap3A_116 = tpu.vector_load %arg11[%swap3A, %swap3A_115] {strides = array<i32>} : memref<128x32xf32, #tpu.memory_space<vmem>>, vector<1x16xf32>,
      %swap3A_117 = vector.shape_cast %swap3A_116 : vector<1x16xf32> to vector<16xf32>
      %swap3A_118 = vector.shape_cast %sub3A : vector<16xf32> to vector<1x16xf32>
      tpu.vector_store %arg11[%swap3A, %swap3A_115], %swap3A_118 {strides = array<i32>} : memref<128x32xf32, #tpu.memory_space<vmem>>, vector<1x16xf32>,
      %get3A_119 = arith.index_cast %scan3A_106 : i32 to index
      %get3A_120 = arith.constant 16 : index
      %get3A_121 = tpu.vector_load %arg8[%get3A_119, %get3A_120] {strides = array<i32>} : memref<128x128xf32, #tpu.memory_space<vmem>>, vector<1x16xf32>,
      %get3A_122 = vector.shape_cast %get3A_121 : vector<1x16xf32> to vector<16xf32>
      %get3A_123 = arith.index_cast %scan3A_106 : i32 to index
      %get3A_124 = arith.constant 16 : index
      %get3A_125 = tpu.vector_load %arg9[%get3A_123, %get3A_124] {strides = array<i32>} : memref<128x32xf32, #tpu.memory_space<vmem>>, vector<1x16xf32>,
      %get3A_126 = vector.shape_cast %get3A_125 : vector<1x16xf32> to vector<16xf32>
      %sub3A_127 = arith.subf %get3A_126, %get3A_122 : vector<16xf32>
      %swap3A_128 = arith.index_cast %scan3A_106 : i32 to index
      %swap3A_129 = arith.constant 16 : index
      %swap3A_130 = tpu.vector_load %arg11[%swap3A_128, %swap3A_129] {strides = array<i32>} : memref<128x32xf32, #tpu.memory_space<vmem>>, vector<1x16xf32>,
      %swap3A_131 = vector.shape_cast %swap3A_130 : vector<1x16xf32> to vector<16xf32>
      %swap3A_132 = vector.shape_cast %sub3A_127 : vector<16xf32> to vector<1x16xf32>
      tpu.vector_store %arg11[%swap3A_128, %swap3A_129], %swap3A_132 {strides = array<i32>} : memref<128x32xf32, #tpu.memory_space<vmem>>, vector<1x16xf32>,
      %scan3A_133 = arith.constant 0 : i32
      scf.yield %scan3A_133 : i32
    }
    %scan3A_51 = arith.constant 128 : i32
    "tpu.region"() ({
      %run_scoped3A = tpu.sem_alloc : memref<!tpu.dma_semaphore, #tpu.memory_space<semaphore_mem>>
      %dma_start3A_106 = arith.constant 0 : i32
      %dma_start3A_107 = tpu.memref_slice %arg6[%mul3A_30, %dma_start3A_106] : memref<16384x32xf32, #tpu.memory_space<hbm>> -> memref<128x32xf32, #tpu.memory_space<hbm>>
      %dma_start3A_108 = arith.constant 0 : i32
      %dma_start3A_109 = tpu.memref_slice %arg6[%mul3A_30, %dma_start3A_108] : memref<16384x32xf32, #tpu.memory_space<hbm>> -> memref<128x32xf32, #tpu.memory_space<hbm>>
      tpu.enqueue_dma source(%arg11 : memref<128x32xf32, #tpu.memory_space<vmem>>) target(%dma_start3A_109 : memref<128x32xf32, #tpu.memory_space<hbm>>) target_semaphore(%run_scoped3A : memref<!tpu.dma_semaphore, #tpu.memory_space<semaphore_mem>>)
      %dma_wait3A_110 = arith.constant 0 : i32
      %dma_wait3A_111 = tpu.memref_slice %arg6[%mul3A_30, %dma_wait3A_110] : memref<16384x32xf32, #tpu.memory_space<hbm>> -> memref<128x32xf32, #tpu.memory_space<hbm>>
      %dma_wait3A_112 = arith.constant 0 : i32
      %dma_wait3A_113 = tpu.memref_slice %arg6[%mul3A_30, %dma_wait3A_112] : memref<16384x32xf32, #tpu.memory_space<hbm>> -> memref<128x32xf32, #tpu.memory_space<hbm>>
      tpu.wait_dma2 semaphore(%run_scoped3A : memref<!tpu.dma_semaphore, #tpu.memory_space<semaphore_mem>>) src(%arg11 : memref<128x32xf32, #tpu.memory_space<vmem>>) dst(%dma_wait3A_113 : memref<128x32xf32, #tpu.memory_space<hbm>>)
      tpu.yield
    }) : () -> ()
    %mul3A_52 = arith.constant 4 : i32
    %mul3A_53 = arith.muli %add3A, %mul3A_52 : i32
    %add3A_54 = arith.constant 2 : i32
    %add3A_55 = arith.addi %mul3A_53, %add3A_54 : i32
    %mul3A_56 = arith.constant 128 : i32
    %mul3A_57 = arith.muli %add3A_55, %mul3A_56 : i32
    %dma_start3A_58 = arith.constant 2 : i32
    %dma_start3A_59 = arith.constant 0 : i32
    %dma_start3A_60 = tpu.memref_slice %arg7[%dma_start3A_58, %dma_start3A_59] : memref<4x128xi32, #tpu.memory_space<vmem>> -> memref<1x128xi32, #tpu.memory_space<vmem>>
    %dma_start3A_61 = tpu.memref_squeeze %dma_start3A_60 : memref<1x128xi32, #tpu.memory_space<vmem>> -> memref<128xi32, #tpu.memory_space<vmem>>
    %dma_start3A_62 = arith.constant 0 : i32
    %dma_start3A_63 = arith.constant 0 : i32
    %dma_start3A_64 = tpu.memref_slice %arg2[%dma_start3A_62, %dma_start3A_63] : memref<8192x128xf32, #tpu.memory_space<hbm>> -> memref<8192x128xf32, #tpu.memory_space<hbm>>
    tpu.enqueue_indirect_dma source(%dma_start3A_64 : memref<8192x128xf32, #tpu.memory_space<hbm>>) target(%arg8 : memref<128x128xf32, #tpu.memory_space<vmem>>) offsets(%dma_start3A_61 : memref<128xi32, #tpu.memory_space<vmem>>) semaphore(%arg12 : memref<!tpu.dma_semaphore, #tpu.memory_space<semaphore_mem>>)
    "tpu.region"() ({
      %run_scoped3A = tpu.sem_alloc : memref<!tpu.dma_semaphore, #tpu.memory_space<semaphore_mem>>
      %dma_start3A_106 = arith.constant 0 : i32
      %dma_start3A_107 = tpu.memref_slice %arg4[%mul3A_57, %dma_start3A_106] : memref<16384x32xf32, #tpu.memory_space<hbm>> -> memref<128x32xf32, #tpu.memory_space<hbm>>
      %dma_start3A_108 = arith.constant 0 : i32
      %dma_start3A_109 = tpu.memref_slice %arg4[%mul3A_57, %dma_start3A_108] : memref<16384x32xf32, #tpu.memory_space<hbm>> -> memref<128x32xf32, #tpu.memory_space<hbm>>
      tpu.enqueue_dma source(%dma_start3A_109 : memref<128x32xf32, #tpu.memory_space<hbm>>) target(%arg9 : memref<128x32xf32, #tpu.memory_space<vmem>>) target_semaphore(%run_scoped3A : memref<!tpu.dma_semaphore, #tpu.memory_space<semaphore_mem>>)
      %dma_wait3A_110 = arith.constant 0 : i32
      %dma_wait3A_111 = tpu.memref_slice %arg4[%mul3A_57, %dma_wait3A_110] : memref<16384x32xf32, #tpu.memory_space<hbm>> -> memref<128x32xf32, #tpu.memory_space<hbm>>
      %dma_wait3A_112 = arith.constant 0 : i32
      %dma_wait3A_113 = tpu.memref_slice %arg4[%mul3A_57, %dma_wait3A_112] : memref<16384x32xf32, #tpu.memory_space<hbm>> -> memref<128x32xf32, #tpu.memory_space<hbm>>
      tpu.wait_dma2 semaphore(%run_scoped3A : memref<!tpu.dma_semaphore, #tpu.memory_space<semaphore_mem>>) src(%dma_wait3A_113 : memref<128x32xf32, #tpu.memory_space<hbm>>) dst(%arg9 : memref<128x32xf32, #tpu.memory_space<vmem>>)
      tpu.yield
    }) : () -> ()
    %dma_wait3A_65 = arith.constant 2 : i32
    %dma_wait3A_66 = arith.constant 0 : i32
    %dma_wait3A_67 = tpu.memref_slice %arg7[%dma_wait3A_65, %dma_wait3A_66] : memref<4x128xi32, #tpu.memory_space<vmem>> -> memref<1x128xi32, #tpu.memory_space<vmem>>
    %dma_wait3A_68 = tpu.memref_squeeze %dma_wait3A_67 : memref<1x128xi32, #tpu.memory_space<vmem>> -> memref<128xi32, #tpu.memory_space<vmem>>
    %dma_wait3A_69 = arith.constant 0 : i32
    %dma_wait3A_70 = arith.constant 0 : i32
    %dma_wait3A_71 = tpu.memref_slice %arg2[%dma_wait3A_69, %dma_wait3A_70] : memref<8192x128xf32, #tpu.memory_space<hbm>> -> memref<8192x128xf32, #tpu.memory_space<hbm>>
    tpu.wait_indirect_dma semaphore(%arg12 : memref<!tpu.dma_semaphore, #tpu.memory_space<semaphore_mem>>) src(%dma_wait3A_71 : memref<8192x128xf32, #tpu.memory_space<hbm>>) dst(%arg8 : memref<128x128xf32, #tpu.memory_space<vmem>>)
    %scan3A_72 = arith.constant 0 : i32
    %scan3A_73 = arith.constant 0 : i32
    %scan3A_74 = arith.constant 128 : i32
    %scan3A_75 = arith.addi %scan3A_73, %scan3A_74 : i32
    %scan3A_76 = arith.constant 1 : i32
    %scan3A_77 = scf.for %scan3A_106 = %scan3A_73 to %scan3A_75 step %scan3A_76 iter_args(%scan3A_107 = %scan3A_72) -> (i32)  : i32 {
      %get3A = arith.index_cast %scan3A_106 : i32 to index
      %get3A_108 = arith.constant 0 : index
      %get3A_109 = tpu.vector_load %arg8[%get3A, %get3A_108] {strides = array<i32>} : memref<128x128xf32, #tpu.memory_space<vmem>>, vector<1x16xf32>,
      %get3A_110 = vector.shape_cast %get3A_109 : vector<1x16xf32> to vector<16xf32>
      %get3A_111 = arith.index_cast %scan3A_106 : i32 to index
      %get3A_112 = arith.constant 0 : index
      %get3A_113 = tpu.vector_load %arg9[%get3A_111, %get3A_112] {strides = array<i32>} : memref<128x32xf32, #tpu.memory_space<vmem>>, vector<1x16xf32>,
      %get3A_114 = vector.shape_cast %get3A_113 : vector<1x16xf32> to vector<16xf32>
      %sub3A = arith.subf %get3A_114, %get3A_110 : vector<16xf32>
      %swap3A = arith.index_cast %scan3A_106 : i32 to index
      %swap3A_115 = arith.constant 0 : index
      %swap3A_116 = tpu.vector_load %arg11[%swap3A, %swap3A_115] {strides = array<i32>} : memref<128x32xf32, #tpu.memory_space<vmem>>, vector<1x16xf32>,
      %swap3A_117 = vector.shape_cast %swap3A_116 : vector<1x16xf32> to vector<16xf32>
      %swap3A_118 = vector.shape_cast %sub3A : vector<16xf32> to vector<1x16xf32>
      tpu.vector_store %arg11[%swap3A, %swap3A_115], %swap3A_118 {strides = array<i32>} : memref<128x32xf32, #tpu.memory_space<vmem>>, vector<1x16xf32>,
      %get3A_119 = arith.index_cast %scan3A_106 : i32 to index
      %get3A_120 = arith.constant 16 : index
      %get3A_121 = tpu.vector_load %arg8[%get3A_119, %get3A_120] {strides = array<i32>} : memref<128x128xf32, #tpu.memory_space<vmem>>, vector<1x16xf32>,
      %get3A_122 = vector.shape_cast %get3A_121 : vector<1x16xf32> to vector<16xf32>
      %get3A_123 = arith.index_cast %scan3A_106 : i32 to index
      %get3A_124 = arith.constant 16 : index
      %get3A_125 = tpu.vector_load %arg9[%get3A_123, %get3A_124] {strides = array<i32>} : memref<128x32xf32, #tpu.memory_space<vmem>>, vector<1x16xf32>,
      %get3A_126 = vector.shape_cast %get3A_125 : vector<1x16xf32> to vector<16xf32>
      %sub3A_127 = arith.subf %get3A_126, %get3A_122 : vector<16xf32>
      %swap3A_128 = arith.index_cast %scan3A_106 : i32 to index
      %swap3A_129 = arith.constant 16 : index
      %swap3A_130 = tpu.vector_load %arg11[%swap3A_128, %swap3A_129] {strides = array<i32>} : memref<128x32xf32, #tpu.memory_space<vmem>>, vector<1x16xf32>,
      %swap3A_131 = vector.shape_cast %swap3A_130 : vector<1x16xf32> to vector<16xf32>
      %swap3A_132 = vector.shape_cast %sub3A_127 : vector<16xf32> to vector<1x16xf32>
      tpu.vector_store %arg11[%swap3A_128, %swap3A_129], %swap3A_132 {strides = array<i32>} : memref<128x32xf32, #tpu.memory_space<vmem>>, vector<1x16xf32>,
      %scan3A_133 = arith.constant 0 : i32
      scf.yield %scan3A_133 : i32
    }
    %scan3A_78 = arith.constant 128 : i32
    "tpu.region"() ({
      %run_scoped3A = tpu.sem_alloc : memref<!tpu.dma_semaphore, #tpu.memory_space<semaphore_mem>>
      %dma_start3A_106 = arith.constant 0 : i32
      %dma_start3A_107 = tpu.memref_slice %arg6[%mul3A_57, %dma_start3A_106] : memref<16384x32xf32, #tpu.memory_space<hbm>> -> memref<128x32xf32, #tpu.memory_space<hbm>>
      %dma_start3A_108 = arith.constant 0 : i32
      %dma_start3A_109 = tpu.memref_slice %arg6[%mul3A_57, %dma_start3A_108] : memref<16384x32xf32, #tpu.memory_space<hbm>> -> memref<128x32xf32, #tpu.memory_space<hbm>>
      tpu.enqueue_dma source(%arg11 : memref<128x32xf32, #tpu.memory_space<vmem>>) target(%dma_start3A_109 : memref<128x32xf32, #tpu.memory_space<hbm>>) target_semaphore(%run_scoped3A : memref<!tpu.dma_semaphore, #tpu.memory_space<semaphore_mem>>)
      %dma_wait3A_110 = arith.constant 0 : i32
      %dma_wait3A_111 = tpu.memref_slice %arg6[%mul3A_57, %dma_wait3A_110] : memref<16384x32xf32, #tpu.memory_space<hbm>> -> memref<128x32xf32, #tpu.memory_space<hbm>>
      %dma_wait3A_112 = arith.constant 0 : i32
      %dma_wait3A_113 = tpu.memref_slice %arg6[%mul3A_57, %dma_wait3A_112] : memref<16384x32xf32, #tpu.memory_space<hbm>> -> memref<128x32xf32, #tpu.memory_space<hbm>>
      tpu.wait_dma2 semaphore(%run_scoped3A : memref<!tpu.dma_semaphore, #tpu.memory_space<semaphore_mem>>) src(%arg11 : memref<128x32xf32, #tpu.memory_space<vmem>>) dst(%dma_wait3A_113 : memref<128x32xf32, #tpu.memory_space<hbm>>)
      tpu.yield
    }) : () -> ()
    %mul3A_79 = arith.constant 4 : i32
    %mul3A_80 = arith.muli %add3A, %mul3A_79 : i32
    %add3A_81 = arith.constant 3 : i32
    %add3A_82 = arith.addi %mul3A_80, %add3A_81 : i32
    %mul3A_83 = arith.constant 128 : i32
    %mul3A_84 = arith.muli %add3A_82, %mul3A_83 : i32
    %dma_start3A_85 = arith.constant 3 : i32
    %dma_start3A_86 = arith.constant 0 : i32
    %dma_start3A_87 = tpu.memref_slice %arg7[%dma_start3A_85, %dma_start3A_86] : memref<4x128xi32, #tpu.memory_space<vmem>> -> memref<1x128xi32, #tpu.memory_space<vmem>>
    %dma_start3A_88 = tpu.memref_squeeze %dma_start3A_87 : memref<1x128xi32, #tpu.memory_space<vmem>> -> memref<128xi32, #tpu.memory_space<vmem>>
    %dma_start3A_89 = arith.constant 0 : i32
    %dma_start3A_90 = arith.constant 0 : i32
    %dma_start3A_91 = tpu.memref_slice %arg2[%dma_start3A_89, %dma_start3A_90] : memref<8192x128xf32, #tpu.memory_space<hbm>> -> memref<8192x128xf32, #tpu.memory_space<hbm>>
    tpu.enqueue_indirect_dma source(%dma_start3A_91 : memref<8192x128xf32, #tpu.memory_space<hbm>>) target(%arg8 : memref<128x128xf32, #tpu.memory_space<vmem>>) offsets(%dma_start3A_88 : memref<128xi32, #tpu.memory_space<vmem>>) semaphore(%arg12 : memref<!tpu.dma_semaphore, #tpu.memory_space<semaphore_mem>>)
    "tpu.region"() ({
      %run_scoped3A = tpu.sem_alloc : memref<!tpu.dma_semaphore, #tpu.memory_space<semaphore_mem>>
      %dma_start3A_106 = arith.constant 0 : i32
      %dma_start3A_107 = tpu.memref_slice %arg4[%mul3A_84, %dma_start3A_106] : memref<16384x32xf32, #tpu.memory_space<hbm>> -> memref<128x32xf32, #tpu.memory_space<hbm>>
      %dma_start3A_108 = arith.constant 0 : i32
      %dma_start3A_109 = tpu.memref_slice %arg4[%mul3A_84, %dma_start3A_108] : memref<16384x32xf32, #tpu.memory_space<hbm>> -> memref<128x32xf32, #tpu.memory_space<hbm>>
      tpu.enqueue_dma source(%dma_start3A_109 : memref<128x32xf32, #tpu.memory_space<hbm>>) target(%arg9 : memref<128x32xf32, #tpu.memory_space<vmem>>) target_semaphore(%run_scoped3A : memref<!tpu.dma_semaphore, #tpu.memory_space<semaphore_mem>>)
      %dma_wait3A_110 = arith.constant 0 : i32
      %dma_wait3A_111 = tpu.memref_slice %arg4[%mul3A_84, %dma_wait3A_110] : memref<16384x32xf32, #tpu.memory_space<hbm>> -> memref<128x32xf32, #tpu.memory_space<hbm>>
      %dma_wait3A_112 = arith.constant 0 : i32
      %dma_wait3A_113 = tpu.memref_slice %arg4[%mul3A_84, %dma_wait3A_112] : memref<16384x32xf32, #tpu.memory_space<hbm>> -> memref<128x32xf32, #tpu.memory_space<hbm>>
      tpu.wait_dma2 semaphore(%run_scoped3A : memref<!tpu.dma_semaphore, #tpu.memory_space<semaphore_mem>>) src(%dma_wait3A_113 : memref<128x32xf32, #tpu.memory_space<hbm>>) dst(%arg9 : memref<128x32xf32, #tpu.memory_space<vmem>>)
      tpu.yield
    }) : () -> ()
    %dma_wait3A_92 = arith.constant 3 : i32
    %dma_wait3A_93 = arith.constant 0 : i32
    %dma_wait3A_94 = tpu.memref_slice %arg7[%dma_wait3A_92, %dma_wait3A_93] : memref<4x128xi32, #tpu.memory_space<vmem>> -> memref<1x128xi32, #tpu.memory_space<vmem>>
    %dma_wait3A_95 = tpu.memref_squeeze %dma_wait3A_94 : memref<1x128xi32, #tpu.memory_space<vmem>> -> memref<128xi32, #tpu.memory_space<vmem>>
    %dma_wait3A_96 = arith.constant 0 : i32
    %dma_wait3A_97 = arith.constant 0 : i32
    %dma_wait3A_98 = tpu.memref_slice %arg2[%dma_wait3A_96, %dma_wait3A_97] : memref<8192x128xf32, #tpu.memory_space<hbm>> -> memref<8192x128xf32, #tpu.memory_space<hbm>>
    tpu.wait_indirect_dma semaphore(%arg12 : memref<!tpu.dma_semaphore, #tpu.memory_space<semaphore_mem>>) src(%dma_wait3A_98 : memref<8192x128xf32, #tpu.memory_space<hbm>>) dst(%arg8 : memref<128x128xf32, #tpu.memory_space<vmem>>)
    %scan3A_99 = arith.constant 0 : i32
    %scan3A_100 = arith.constant 0 : i32
    %scan3A_101 = arith.constant 128 : i32
    %scan3A_102 = arith.addi %scan3A_100, %scan3A_101 : i32
    %scan3A_103 = arith.constant 1 : i32
    %scan3A_104 = scf.for %scan3A_106 = %scan3A_100 to %scan3A_102 step %scan3A_103 iter_args(%scan3A_107 = %scan3A_99) -> (i32)  : i32 {
      %get3A = arith.index_cast %scan3A_106 : i32 to index
      %get3A_108 = arith.constant 0 : index
      %get3A_109 = tpu.vector_load %arg8[%get3A, %get3A_108] {strides = array<i32>} : memref<128x128xf32, #tpu.memory_space<vmem>>, vector<1x16xf32>,
      %get3A_110 = vector.shape_cast %get3A_109 : vector<1x16xf32> to vector<16xf32>
      %get3A_111 = arith.index_cast %scan3A_106 : i32 to index
      %get3A_112 = arith.constant 0 : index
      %get3A_113 = tpu.vector_load %arg9[%get3A_111, %get3A_112] {strides = array<i32>} : memref<128x32xf32, #tpu.memory_space<vmem>>, vector<1x16xf32>,
      %get3A_114 = vector.shape_cast %get3A_113 : vector<1x16xf32> to vector<16xf32>
      %sub3A = arith.subf %get3A_114, %get3A_110 : vector<16xf32>
      %swap3A = arith.index_cast %scan3A_106 : i32 to index
      %swap3A_115 = arith.constant 0 : index
      %swap3A_116 = tpu.vector_load %arg11[%swap3A, %swap3A_115] {strides = array<i32>} : memref<128x32xf32, #tpu.memory_space<vmem>>, vector<1x16xf32>,
      %swap3A_117 = vector.shape_cast %swap3A_116 : vector<1x16xf32> to vector<16xf32>
      %swap3A_118 = vector.shape_cast %sub3A : vector<16xf32> to vector<1x16xf32>
      tpu.vector_store %arg11[%swap3A, %swap3A_115], %swap3A_118 {strides = array<i32>} : memref<128x32xf32, #tpu.memory_space<vmem>>, vector<1x16xf32>,
      %get3A_119 = arith.index_cast %scan3A_106 : i32 to index
      %get3A_120 = arith.constant 16 : index
      %get3A_121 = tpu.vector_load %arg8[%get3A_119, %get3A_120] {strides = array<i32>} : memref<128x128xf32, #tpu.memory_space<vmem>>, vector<1x16xf32>,
      %get3A_122 = vector.shape_cast %get3A_121 : vector<1x16xf32> to vector<16xf32>
      %get3A_123 = arith.index_cast %scan3A_106 : i32 to index
      %get3A_124 = arith.constant 16 : index
      %get3A_125 = tpu.vector_load %arg9[%get3A_123, %get3A_124] {strides = array<i32>} : memref<128x32xf32, #tpu.memory_space<vmem>>, vector<1x16xf32>,
      %get3A_126 = vector.shape_cast %get3A_125 : vector<1x16xf32> to vector<16xf32>
      %sub3A_127 = arith.subf %get3A_126, %get3A_122 : vector<16xf32>
      %swap3A_128 = arith.index_cast %scan3A_106 : i32 to index
      %swap3A_129 = arith.constant 16 : index
      %swap3A_130 = tpu.vector_load %arg11[%swap3A_128, %swap3A_129] {strides = array<i32>} : memref<128x32xf32, #tpu.memory_space<vmem>>, vector<1x16xf32>,
      %swap3A_131 = vector.shape_cast %swap3A_130 : vector<1x16xf32> to vector<16xf32>
      %swap3A_132 = vector.shape_cast %sub3A_127 : vector<16xf32> to vector<1x16xf32>
      tpu.vector_store %arg11[%swap3A_128, %swap3A_129], %swap3A_132 {strides = array<i32>} : memref<128x32xf32, #tpu.memory_space<vmem>>, vector<1x16xf32>,
      %scan3A_133 = arith.constant 0 : i32
      scf.yield %scan3A_133 : i32
    }
    %scan3A_105 = arith.constant 128 : i32
    "tpu.region"() ({
      %run_scoped3A = tpu.sem_alloc : memref<!tpu.dma_semaphore, #tpu.memory_space<semaphore_mem>>
      %dma_start3A_106 = arith.constant 0 : i32
      %dma_start3A_107 = tpu.memref_slice %arg6[%mul3A_84, %dma_start3A_106] : memref<16384x32xf32, #tpu.memory_space<hbm>> -> memref<128x32xf32, #tpu.memory_space<hbm>>
      %dma_start3A_108 = arith.constant 0 : i32
      %dma_start3A_109 = tpu.memref_slice %arg6[%mul3A_84, %dma_start3A_108] : memref<16384x32xf32, #tpu.memory_space<hbm>> -> memref<128x32xf32, #tpu.memory_space<hbm>>
      tpu.enqueue_dma source(%arg11 : memref<128x32xf32, #tpu.memory_space<vmem>>) target(%dma_start3A_109 : memref<128x32xf32, #tpu.memory_space<hbm>>) target_semaphore(%run_scoped3A : memref<!tpu.dma_semaphore, #tpu.memory_space<semaphore_mem>>)
      %dma_wait3A_110 = arith.constant 0 : i32
      %dma_wait3A_111 = tpu.memref_slice %arg6[%mul3A_84, %dma_wait3A_110] : memref<16384x32xf32, #tpu.memory_space<hbm>> -> memref<128x32xf32, #tpu.memory_space<hbm>>
      %dma_wait3A_112 = arith.constant 0 : i32
      %dma_wait3A_113 = tpu.memref_slice %arg6[%mul3A_84, %dma_wait3A_112] : memref<16384x32xf32, #tpu.memory_space<hbm>> -> memref<128x32xf32, #tpu.memory_space<hbm>>
      tpu.wait_dma2 semaphore(%run_scoped3A : memref<!tpu.dma_semaphore, #tpu.memory_space<semaphore_mem>>) src(%arg11 : memref<128x32xf32, #tpu.memory_space<vmem>>) dst(%dma_wait3A_113 : memref<128x32xf32, #tpu.memory_space<hbm>>)
      tpu.yield
    }) : () -> ()
    return
  }
}

#map = affine_map<(d0, d1) -> (0, 0)>
#map1 = affine_map<(d0, d1) -> (0, 0, 0)>
module attributes {stable_mosaic.version = 14 : i64} {
  func.func @_sc_body(%arg0: i32, %arg1: i32, %arg2: memref<8192x128xf32, #tpu.memory_space<hbm>>, %arg3: memref<32x4x128xi32, #tpu.memory_space<hbm>>, %arg4: memref<16384x32xf32, #tpu.memory_space<hbm>>, %arg5: memref<16384x32xf32, #tpu.memory_space<hbm>>, %arg6: memref<16384x32xf32, #tpu.memory_space<hbm>>, %arg7: memref<4x128xi32, #tpu.memory_space<vmem>>, %arg8: memref<128x128xf32, #tpu.memory_space<vmem>>, %arg9: memref<128x32xf32, #tpu.memory_space<vmem>>, %arg10: memref<128x32xf32, #tpu.memory_space<vmem>>, %arg11: memref<128x32xf32, #tpu.memory_space<vmem>>, %arg12: memref<!tpu.dma_semaphore, #tpu.memory_space<semaphore_mem>>) attributes {dimension_semantics = [#tpu.dimension_semantics<core_parallel>, #tpu.dimension_semantics<subcore_parallel>], iteration_bounds = array<i64: 2, 16>, scalar_prefetch = 0 : i64, scratch_operands = 6 : i64, tpu.core_type = #tpu.core_type<sc_vector_subcore>, window_params = [{transform_indices = #map}, {transform_indices = #map1}, {transform_indices = #map}, {transform_indices = #map}, {transform_indices = #map}]} {
    %mul3A = arith.constant 2 : i32
    %mul3A_0 = arith.muli %arg1, %mul3A : i32
    %add3A = arith.addi %mul3A_0, %arg0 : i32
    "tpu.region"() ({
      %run_scoped3A = tpu.sem_alloc : memref<!tpu.dma_semaphore, #tpu.memory_space<semaphore_mem>>
      %dma_start3A_106 = arith.constant 0 : i32
      %dma_start3A_107 = arith.constant 0 : i32
      %dma_start3A_108 = tpu.memref_slice %arg3[%add3A, %dma_start3A_106, %dma_start3A_107] : memref<32x4x128xi32, #tpu.memory_space<hbm>> -> memref<1x4x128xi32, #tpu.memory_space<hbm>>
      %dma_start3A_109 = tpu.memref_squeeze %dma_start3A_108 : memref<1x4x128xi32, #tpu.memory_space<hbm>> -> memref<4x128xi32, #tpu.memory_space<hbm>>
      %dma_start3A_110 = arith.constant 0 : i32
      %dma_start3A_111 = arith.constant 0 : i32
      %dma_start3A_112 = tpu.memref_slice %arg3[%add3A, %dma_start3A_110, %dma_start3A_111] : memref<32x4x128xi32, #tpu.memory_space<hbm>> -> memref<1x4x128xi32, #tpu.memory_space<hbm>>
      %dma_start3A_113 = tpu.memref_squeeze %dma_start3A_112 : memref<1x4x128xi32, #tpu.memory_space<hbm>> -> memref<4x128xi32, #tpu.memory_space<hbm>>
      tpu.enqueue_dma source(%dma_start3A_113 : memref<4x128xi32, #tpu.memory_space<hbm>>) target(%arg7 : memref<4x128xi32, #tpu.memory_space<vmem>>) target_semaphore(%run_scoped3A : memref<!tpu.dma_semaphore, #tpu.memory_space<semaphore_mem>>)
      %dma_wait3A_114 = arith.constant 0 : i32
      %dma_wait3A_115 = arith.constant 0 : i32
      %dma_wait3A_116 = tpu.memref_slice %arg3[%add3A, %dma_wait3A_114, %dma_wait3A_115] : memref<32x4x128xi32, #tpu.memory_space<hbm>> -> memref<1x4x128xi32, #tpu.memory_space<hbm>>
      %dma_wait3A_117 = tpu.memref_squeeze %dma_wait3A_116 : memref<1x4x128xi32, #tpu.memory_space<hbm>> -> memref<4x128xi32, #tpu.memory_space<hbm>>
      %dma_wait3A_118 = arith.constant 0 : i32
      %dma_wait3A_119 = arith.constant 0 : i32
      %dma_wait3A_120 = tpu.memref_slice %arg3[%add3A, %dma_wait3A_118, %dma_wait3A_119] : memref<32x4x128xi32, #tpu.memory_space<hbm>> -> memref<1x4x128xi32, #tpu.memory_space<hbm>>
      %dma_wait3A_121 = tpu.memref_squeeze %dma_wait3A_120 : memref<1x4x128xi32, #tpu.memory_space<hbm>> -> memref<4x128xi32, #tpu.memory_space<hbm>>
      tpu.wait_dma2 semaphore(%run_scoped3A : memref<!tpu.dma_semaphore, #tpu.memory_space<semaphore_mem>>) src(%dma_wait3A_121 : memref<4x128xi32, #tpu.memory_space<hbm>>) dst(%arg7 : memref<4x128xi32, #tpu.memory_space<vmem>>)
      tpu.yield
    }) : () -> ()
    %mul3A_1 = arith.constant 4 : i32
    %mul3A_2 = arith.muli %add3A, %mul3A_1 : i32
    %add3A_3 = arith.constant 0 : i32
    %add3A_4 = arith.addi %mul3A_2, %add3A_3 : i32
    %mul3A_5 = arith.constant 128 : i32
    %mul3A_6 = arith.muli %add3A_4, %mul3A_5 : i32
    %dma_start3A = arith.constant 0 : i32
    %dma_start3A_7 = arith.constant 0 : i32
    %dma_start3A_8 = tpu.memref_slice %arg7[%dma_start3A, %dma_start3A_7] : memref<4x128xi32, #tpu.memory_space<vmem>> -> memref<1x128xi32, #tpu.memory_space<vmem>>
    %dma_start3A_9 = tpu.memref_squeeze %dma_start3A_8 : memref<1x128xi32, #tpu.memory_space<vmem>> -> memref<128xi32, #tpu.memory_space<vmem>>
    %dma_start3A_10 = arith.constant 0 : i32
    %dma_start3A_11 = arith.constant 0 : i32
    %dma_start3A_12 = tpu.memref_slice %arg2[%dma_start3A_10, %dma_start3A_11] : memref<8192x128xf32, #tpu.memory_space<hbm>> -> memref<8192x128xf32, #tpu.memory_space<hbm>>
    tpu.enqueue_indirect_dma source(%dma_start3A_12 : memref<8192x128xf32, #tpu.memory_space<hbm>>) target(%arg8 : memref<128x128xf32, #tpu.memory_space<vmem>>) offsets(%dma_start3A_9 : memref<128xi32, #tpu.memory_space<vmem>>) semaphore(%arg12 : memref<!tpu.dma_semaphore, #tpu.memory_space<semaphore_mem>>)
    "tpu.region"() ({
      %run_scoped3A = tpu.sem_alloc : memref<!tpu.dma_semaphore, #tpu.memory_space<semaphore_mem>>
      %dma_start3A_106 = arith.constant 0 : i32
      %dma_start3A_107 = tpu.memref_slice %arg4[%mul3A_6, %dma_start3A_106] : memref<16384x32xf32, #tpu.memory_space<hbm>> -> memref<128x32xf32, #tpu.memory_space<hbm>>
      %dma_start3A_108 = arith.constant 0 : i32
      %dma_start3A_109 = tpu.memref_slice %arg4[%mul3A_6, %dma_start3A_108] : memref<16384x32xf32, #tpu.memory_space<hbm>> -> memref<128x32xf32, #tpu.memory_space<hbm>>
      tpu.enqueue_dma source(%dma_start3A_109 : memref<128x32xf32, #tpu.memory_space<hbm>>) target(%arg9 : memref<128x32xf32, #tpu.memory_space<vmem>>) target_semaphore(%run_scoped3A : memref<!tpu.dma_semaphore, #tpu.memory_space<semaphore_mem>>)
      %dma_wait3A_110 = arith.constant 0 : i32
      %dma_wait3A_111 = tpu.memref_slice %arg4[%mul3A_6, %dma_wait3A_110] : memref<16384x32xf32, #tpu.memory_space<hbm>> -> memref<128x32xf32, #tpu.memory_space<hbm>>
      %dma_wait3A_112 = arith.constant 0 : i32
      %dma_wait3A_113 = tpu.memref_slice %arg4[%mul3A_6, %dma_wait3A_112] : memref<16384x32xf32, #tpu.memory_space<hbm>> -> memref<128x32xf32, #tpu.memory_space<hbm>>
      tpu.wait_dma2 semaphore(%run_scoped3A : memref<!tpu.dma_semaphore, #tpu.memory_space<semaphore_mem>>) src(%dma_wait3A_113 : memref<128x32xf32, #tpu.memory_space<hbm>>) dst(%arg9 : memref<128x32xf32, #tpu.memory_space<vmem>>)
      tpu.yield
    }) : () -> ()
    %dma_wait3A = arith.constant 0 : i32
    %dma_wait3A_13 = arith.constant 0 : i32
    %dma_wait3A_14 = tpu.memref_slice %arg7[%dma_wait3A, %dma_wait3A_13] : memref<4x128xi32, #tpu.memory_space<vmem>> -> memref<1x128xi32, #tpu.memory_space<vmem>>
    %dma_wait3A_15 = tpu.memref_squeeze %dma_wait3A_14 : memref<1x128xi32, #tpu.memory_space<vmem>> -> memref<128xi32, #tpu.memory_space<vmem>>
    %dma_wait3A_16 = arith.constant 0 : i32
    %dma_wait3A_17 = arith.constant 0 : i32
    %dma_wait3A_18 = tpu.memref_slice %arg2[%dma_wait3A_16, %dma_wait3A_17] : memref<8192x128xf32, #tpu.memory_space<hbm>> -> memref<8192x128xf32, #tpu.memory_space<hbm>>
    tpu.wait_indirect_dma semaphore(%arg12 : memref<!tpu.dma_semaphore, #tpu.memory_space<semaphore_mem>>) src(%dma_wait3A_18 : memref<8192x128xf32, #tpu.memory_space<hbm>>) dst(%arg8 : memref<128x128xf32, #tpu.memory_space<vmem>>)
    %scan3A = arith.constant 0 : i32
    %scan3A_19 = arith.constant 0 : i32
    %scan3A_20 = arith.constant 128 : i32
    %scan3A_21 = arith.addi %scan3A_19, %scan3A_20 : i32
    %scan3A_22 = arith.constant 1 : i32
    %scan3A_23 = scf.for %scan3A_106 = %scan3A_19 to %scan3A_21 step %scan3A_22 iter_args(%scan3A_107 = %scan3A) -> (i32)  : i32 {
      %get3A = arith.index_cast %scan3A_106 : i32 to index
      %get3A_108 = arith.constant 0 : index
      %get3A_109 = tpu.vector_load %arg8[%get3A, %get3A_108] {strides = array<i32>} : memref<128x128xf32, #tpu.memory_space<vmem>>, vector<1x16xf32>,
      %get3A_110 = vector.shape_cast %get3A_109 : vector<1x16xf32> to vector<16xf32>
      %get3A_111 = arith.index_cast %scan3A_106 : i32 to index
      %get3A_112 = arith.constant 0 : index
      %get3A_113 = tpu.vector_load %arg9[%get3A_111, %get3A_112] {strides = array<i32>} : memref<128x32xf32, #tpu.memory_space<vmem>>, vector<1x16xf32>,
      %get3A_114 = vector.shape_cast %get3A_113 : vector<1x16xf32> to vector<16xf32>
      %sub3A = arith.subf %get3A_114, %get3A_110 : vector<16xf32>
      %swap3A = arith.index_cast %scan3A_106 : i32 to index
      %swap3A_115 = arith.constant 0 : index
      %swap3A_116 = tpu.vector_load %arg11[%swap3A, %swap3A_115] {strides = array<i32>} : memref<128x32xf32, #tpu.memory_space<vmem>>, vector<1x16xf32>,
      %swap3A_117 = vector.shape_cast %swap3A_116 : vector<1x16xf32> to vector<16xf32>
      %swap3A_118 = vector.shape_cast %sub3A : vector<16xf32> to vector<1x16xf32>
      tpu.vector_store %arg11[%swap3A, %swap3A_115], %swap3A_118 {strides = array<i32>} : memref<128x32xf32, #tpu.memory_space<vmem>>, vector<1x16xf32>,
      %get3A_119 = arith.index_cast %scan3A_106 : i32 to index
      %get3A_120 = arith.constant 16 : index
      %get3A_121 = tpu.vector_load %arg8[%get3A_119, %get3A_120] {strides = array<i32>} : memref<128x128xf32, #tpu.memory_space<vmem>>, vector<1x16xf32>,
      %get3A_122 = vector.shape_cast %get3A_121 : vector<1x16xf32> to vector<16xf32>
      %get3A_123 = arith.index_cast %scan3A_106 : i32 to index
      %get3A_124 = arith.constant 16 : index
      %get3A_125 = tpu.vector_load %arg9[%get3A_123, %get3A_124] {strides = array<i32>} : memref<128x32xf32, #tpu.memory_space<vmem>>, vector<1x16xf32>,
      %get3A_126 = vector.shape_cast %get3A_125 : vector<1x16xf32> to vector<16xf32>
      %sub3A_127 = arith.subf %get3A_126, %get3A_122 : vector<16xf32>
      %swap3A_128 = arith.index_cast %scan3A_106 : i32 to index
      %swap3A_129 = arith.constant 16 : index
      %swap3A_130 = tpu.vector_load %arg11[%swap3A_128, %swap3A_129] {strides = array<i32>} : memref<128x32xf32, #tpu.memory_space<vmem>>, vector<1x16xf32>,
      %swap3A_131 = vector.shape_cast %swap3A_130 : vector<1x16xf32> to vector<16xf32>
      %swap3A_132 = vector.shape_cast %sub3A_127 : vector<16xf32> to vector<1x16xf32>
      tpu.vector_store %arg11[%swap3A_128, %swap3A_129], %swap3A_132 {strides = array<i32>} : memref<128x32xf32, #tpu.memory_space<vmem>>, vector<1x16xf32>,
      %scan3A_133 = arith.constant 0 : i32
      scf.yield %scan3A_133 : i32
    }
    %scan3A_24 = arith.constant 128 : i32
    "tpu.region"() ({
      %run_scoped3A = tpu.sem_alloc : memref<!tpu.dma_semaphore, #tpu.memory_space<semaphore_mem>>
      %dma_start3A_106 = arith.constant 0 : i32
      %dma_start3A_107 = tpu.memref_slice %arg6[%mul3A_6, %dma_start3A_106] : memref<16384x32xf32, #tpu.memory_space<hbm>> -> memref<128x32xf32, #tpu.memory_space<hbm>>
      %dma_start3A_108 = arith.constant 0 : i32
      %dma_start3A_109 = tpu.memref_slice %arg6[%mul3A_6, %dma_start3A_108] : memref<16384x32xf32, #tpu.memory_space<hbm>> -> memref<128x32xf32, #tpu.memory_space<hbm>>
      tpu.enqueue_dma source(%arg11 : memref<128x32xf32, #tpu.memory_space<vmem>>) target(%dma_start3A_109 : memref<128x32xf32, #tpu.memory_space<hbm>>) target_semaphore(%run_scoped3A : memref<!tpu.dma_semaphore, #tpu.memory_space<semaphore_mem>>)
      %dma_wait3A_110 = arith.constant 0 : i32
      %dma_wait3A_111 = tpu.memref_slice %arg6[%mul3A_6, %dma_wait3A_110] : memref<16384x32xf32, #tpu.memory_space<hbm>> -> memref<128x32xf32, #tpu.memory_space<hbm>>
      %dma_wait3A_112 = arith.constant 0 : i32
      %dma_wait3A_113 = tpu.memref_slice %arg6[%mul3A_6, %dma_wait3A_112] : memref<16384x32xf32, #tpu.memory_space<hbm>> -> memref<128x32xf32, #tpu.memory_space<hbm>>
      tpu.wait_dma2 semaphore(%run_scoped3A : memref<!tpu.dma_semaphore, #tpu.memory_space<semaphore_mem>>) src(%arg11 : memref<128x32xf32, #tpu.memory_space<vmem>>) dst(%dma_wait3A_113 : memref<128x32xf32, #tpu.memory_space<hbm>>)
      tpu.yield
    }) : () -> ()
    %mul3A_25 = arith.constant 4 : i32
    %mul3A_26 = arith.muli %add3A, %mul3A_25 : i32
    %add3A_27 = arith.constant 1 : i32
    %add3A_28 = arith.addi %mul3A_26, %add3A_27 : i32
    %mul3A_29 = arith.constant 128 : i32
    %mul3A_30 = arith.muli %add3A_28, %mul3A_29 : i32
    %dma_start3A_31 = arith.constant 1 : i32
    %dma_start3A_32 = arith.constant 0 : i32
    %dma_start3A_33 = tpu.memref_slice %arg7[%dma_start3A_31, %dma_start3A_32] : memref<4x128xi32, #tpu.memory_space<vmem>> -> memref<1x128xi32, #tpu.memory_space<vmem>>
    %dma_start3A_34 = tpu.memref_squeeze %dma_start3A_33 : memref<1x128xi32, #tpu.memory_space<vmem>> -> memref<128xi32, #tpu.memory_space<vmem>>
    %dma_start3A_35 = arith.constant 0 : i32
    %dma_start3A_36 = arith.constant 0 : i32
    %dma_start3A_37 = tpu.memref_slice %arg2[%dma_start3A_35, %dma_start3A_36] : memref<8192x128xf32, #tpu.memory_space<hbm>> -> memref<8192x128xf32, #tpu.memory_space<hbm>>
    tpu.enqueue_indirect_dma source(%dma_start3A_37 : memref<8192x128xf32, #tpu.memory_space<hbm>>) target(%arg8 : memref<128x128xf32, #tpu.memory_space<vmem>>) offsets(%dma_start3A_34 : memref<128xi32, #tpu.memory_space<vmem>>) semaphore(%arg12 : memref<!tpu.dma_semaphore, #tpu.memory_space<semaphore_mem>>)
    "tpu.region"() ({
      %run_scoped3A = tpu.sem_alloc : memref<!tpu.dma_semaphore, #tpu.memory_space<semaphore_mem>>
      %dma_start3A_106 = arith.constant 0 : i32
      %dma_start3A_107 = tpu.memref_slice %arg4[%mul3A_30, %dma_start3A_106] : memref<16384x32xf32, #tpu.memory_space<hbm>> -> memref<128x32xf32, #tpu.memory_space<hbm>>
      %dma_start3A_108 = arith.constant 0 : i32
      %dma_start3A_109 = tpu.memref_slice %arg4[%mul3A_30, %dma_start3A_108] : memref<16384x32xf32, #tpu.memory_space<hbm>> -> memref<128x32xf32, #tpu.memory_space<hbm>>
      tpu.enqueue_dma source(%dma_start3A_109 : memref<128x32xf32, #tpu.memory_space<hbm>>) target(%arg9 : memref<128x32xf32, #tpu.memory_space<vmem>>) target_semaphore(%run_scoped3A : memref<!tpu.dma_semaphore, #tpu.memory_space<semaphore_mem>>)
      %dma_wait3A_110 = arith.constant 0 : i32
      %dma_wait3A_111 = tpu.memref_slice %arg4[%mul3A_30, %dma_wait3A_110] : memref<16384x32xf32, #tpu.memory_space<hbm>> -> memref<128x32xf32, #tpu.memory_space<hbm>>
      %dma_wait3A_112 = arith.constant 0 : i32
      %dma_wait3A_113 = tpu.memref_slice %arg4[%mul3A_30, %dma_wait3A_112] : memref<16384x32xf32, #tpu.memory_space<hbm>> -> memref<128x32xf32, #tpu.memory_space<hbm>>
      tpu.wait_dma2 semaphore(%run_scoped3A : memref<!tpu.dma_semaphore, #tpu.memory_space<semaphore_mem>>) src(%dma_wait3A_113 : memref<128x32xf32, #tpu.memory_space<hbm>>) dst(%arg9 : memref<128x32xf32, #tpu.memory_space<vmem>>)
      tpu.yield
    }) : () -> ()
    %dma_wait3A_38 = arith.constant 1 : i32
    %dma_wait3A_39 = arith.constant 0 : i32
    %dma_wait3A_40 = tpu.memref_slice %arg7[%dma_wait3A_38, %dma_wait3A_39] : memref<4x128xi32, #tpu.memory_space<vmem>> -> memref<1x128xi32, #tpu.memory_space<vmem>>
    %dma_wait3A_41 = tpu.memref_squeeze %dma_wait3A_40 : memref<1x128xi32, #tpu.memory_space<vmem>> -> memref<128xi32, #tpu.memory_space<vmem>>
    %dma_wait3A_42 = arith.constant 0 : i32
    %dma_wait3A_43 = arith.constant 0 : i32
    %dma_wait3A_44 = tpu.memref_slice %arg2[%dma_wait3A_42, %dma_wait3A_43] : memref<8192x128xf32, #tpu.memory_space<hbm>> -> memref<8192x128xf32, #tpu.memory_space<hbm>>
    tpu.wait_indirect_dma semaphore(%arg12 : memref<!tpu.dma_semaphore, #tpu.memory_space<semaphore_mem>>) src(%dma_wait3A_44 : memref<8192x128xf32, #tpu.memory_space<hbm>>) dst(%arg8 : memref<128x128xf32, #tpu.memory_space<vmem>>)
    %scan3A_45 = arith.constant 0 : i32
    %scan3A_46 = arith.constant 0 : i32
    %scan3A_47 = arith.constant 128 : i32
    %scan3A_48 = arith.addi %scan3A_46, %scan3A_47 : i32
    %scan3A_49 = arith.constant 1 : i32
    %scan3A_50 = scf.for %scan3A_106 = %scan3A_46 to %scan3A_48 step %scan3A_49 iter_args(%scan3A_107 = %scan3A_45) -> (i32)  : i32 {
      %get3A = arith.index_cast %scan3A_106 : i32 to index
      %get3A_108 = arith.constant 0 : index
      %get3A_109 = tpu.vector_load %arg8[%get3A, %get3A_108] {strides = array<i32>} : memref<128x128xf32, #tpu.memory_space<vmem>>, vector<1x16xf32>,
      %get3A_110 = vector.shape_cast %get3A_109 : vector<1x16xf32> to vector<16xf32>
      %get3A_111 = arith.index_cast %scan3A_106 : i32 to index
      %get3A_112 = arith.constant 0 : index
      %get3A_113 = tpu.vector_load %arg9[%get3A_111, %get3A_112] {strides = array<i32>} : memref<128x32xf32, #tpu.memory_space<vmem>>, vector<1x16xf32>,
      %get3A_114 = vector.shape_cast %get3A_113 : vector<1x16xf32> to vector<16xf32>
      %sub3A = arith.subf %get3A_114, %get3A_110 : vector<16xf32>
      %swap3A = arith.index_cast %scan3A_106 : i32 to index
      %swap3A_115 = arith.constant 0 : index
      %swap3A_116 = tpu.vector_load %arg11[%swap3A, %swap3A_115] {strides = array<i32>} : memref<128x32xf32, #tpu.memory_space<vmem>>, vector<1x16xf32>,
      %swap3A_117 = vector.shape_cast %swap3A_116 : vector<1x16xf32> to vector<16xf32>
      %swap3A_118 = vector.shape_cast %sub3A : vector<16xf32> to vector<1x16xf32>
      tpu.vector_store %arg11[%swap3A, %swap3A_115], %swap3A_118 {strides = array<i32>} : memref<128x32xf32, #tpu.memory_space<vmem>>, vector<1x16xf32>,
      %get3A_119 = arith.index_cast %scan3A_106 : i32 to index
      %get3A_120 = arith.constant 16 : index
      %get3A_121 = tpu.vector_load %arg8[%get3A_119, %get3A_120] {strides = array<i32>} : memref<128x128xf32, #tpu.memory_space<vmem>>, vector<1x16xf32>,
      %get3A_122 = vector.shape_cast %get3A_121 : vector<1x16xf32> to vector<16xf32>
      %get3A_123 = arith.index_cast %scan3A_106 : i32 to index
      %get3A_124 = arith.constant 16 : index
      %get3A_125 = tpu.vector_load %arg9[%get3A_123, %get3A_124] {strides = array<i32>} : memref<128x32xf32, #tpu.memory_space<vmem>>, vector<1x16xf32>,
      %get3A_126 = vector.shape_cast %get3A_125 : vector<1x16xf32> to vector<16xf32>
      %sub3A_127 = arith.subf %get3A_126, %get3A_122 : vector<16xf32>
      %swap3A_128 = arith.index_cast %scan3A_106 : i32 to index
      %swap3A_129 = arith.constant 16 : index
      %swap3A_130 = tpu.vector_load %arg11[%swap3A_128, %swap3A_129] {strides = array<i32>} : memref<128x32xf32, #tpu.memory_space<vmem>>, vector<1x16xf32>,
      %swap3A_131 = vector.shape_cast %swap3A_130 : vector<1x16xf32> to vector<16xf32>
      %swap3A_132 = vector.shape_cast %sub3A_127 : vector<16xf32> to vector<1x16xf32>
      tpu.vector_store %arg11[%swap3A_128, %swap3A_129], %swap3A_132 {strides = array<i32>} : memref<128x32xf32, #tpu.memory_space<vmem>>, vector<1x16xf32>,
      %scan3A_133 = arith.constant 0 : i32
      scf.yield %scan3A_133 : i32
    }
    %scan3A_51 = arith.constant 128 : i32
    "tpu.region"() ({
      %run_scoped3A = tpu.sem_alloc : memref<!tpu.dma_semaphore, #tpu.memory_space<semaphore_mem>>
      %dma_start3A_106 = arith.constant 0 : i32
      %dma_start3A_107 = tpu.memref_slice %arg6[%mul3A_30, %dma_start3A_106] : memref<16384x32xf32, #tpu.memory_space<hbm>> -> memref<128x32xf32, #tpu.memory_space<hbm>>
      %dma_start3A_108 = arith.constant 0 : i32
      %dma_start3A_109 = tpu.memref_slice %arg6[%mul3A_30, %dma_start3A_108] : memref<16384x32xf32, #tpu.memory_space<hbm>> -> memref<128x32xf32, #tpu.memory_space<hbm>>
      tpu.enqueue_dma source(%arg11 : memref<128x32xf32, #tpu.memory_space<vmem>>) target(%dma_start3A_109 : memref<128x32xf32, #tpu.memory_space<hbm>>) target_semaphore(%run_scoped3A : memref<!tpu.dma_semaphore, #tpu.memory_space<semaphore_mem>>)
      %dma_wait3A_110 = arith.constant 0 : i32
      %dma_wait3A_111 = tpu.memref_slice %arg6[%mul3A_30, %dma_wait3A_110] : memref<16384x32xf32, #tpu.memory_space<hbm>> -> memref<128x32xf32, #tpu.memory_space<hbm>>
      %dma_wait3A_112 = arith.constant 0 : i32
      %dma_wait3A_113 = tpu.memref_slice %arg6[%mul3A_30, %dma_wait3A_112] : memref<16384x32xf32, #tpu.memory_space<hbm>> -> memref<128x32xf32, #tpu.memory_space<hbm>>
      tpu.wait_dma2 semaphore(%run_scoped3A : memref<!tpu.dma_semaphore, #tpu.memory_space<semaphore_mem>>) src(%arg11 : memref<128x32xf32, #tpu.memory_space<vmem>>) dst(%dma_wait3A_113 : memref<128x32xf32, #tpu.memory_space<hbm>>)
      tpu.yield
    }) : () -> ()
    %mul3A_52 = arith.constant 4 : i32
    %mul3A_53 = arith.muli %add3A, %mul3A_52 : i32
    %add3A_54 = arith.constant 2 : i32
    %add3A_55 = arith.addi %mul3A_53, %add3A_54 : i32
    %mul3A_56 = arith.constant 128 : i32
    %mul3A_57 = arith.muli %add3A_55, %mul3A_56 : i32
    %dma_start3A_58 = arith.constant 2 : i32
    %dma_start3A_59 = arith.constant 0 : i32
    %dma_start3A_60 = tpu.memref_slice %arg7[%dma_start3A_58, %dma_start3A_59] : memref<4x128xi32, #tpu.memory_space<vmem>> -> memref<1x128xi32, #tpu.memory_space<vmem>>
    %dma_start3A_61 = tpu.memref_squeeze %dma_start3A_60 : memref<1x128xi32, #tpu.memory_space<vmem>> -> memref<128xi32, #tpu.memory_space<vmem>>
    %dma_start3A_62 = arith.constant 0 : i32
    %dma_start3A_63 = arith.constant 0 : i32
    %dma_start3A_64 = tpu.memref_slice %arg2[%dma_start3A_62, %dma_start3A_63] : memref<8192x128xf32, #tpu.memory_space<hbm>> -> memref<8192x128xf32, #tpu.memory_space<hbm>>
    tpu.enqueue_indirect_dma source(%dma_start3A_64 : memref<8192x128xf32, #tpu.memory_space<hbm>>) target(%arg8 : memref<128x128xf32, #tpu.memory_space<vmem>>) offsets(%dma_start3A_61 : memref<128xi32, #tpu.memory_space<vmem>>) semaphore(%arg12 : memref<!tpu.dma_semaphore, #tpu.memory_space<semaphore_mem>>)
    "tpu.region"() ({
      %run_scoped3A = tpu.sem_alloc : memref<!tpu.dma_semaphore, #tpu.memory_space<semaphore_mem>>
      %dma_start3A_106 = arith.constant 0 : i32
      %dma_start3A_107 = tpu.memref_slice %arg4[%mul3A_57, %dma_start3A_106] : memref<16384x32xf32, #tpu.memory_space<hbm>> -> memref<128x32xf32, #tpu.memory_space<hbm>>
      %dma_start3A_108 = arith.constant 0 : i32
      %dma_start3A_109 = tpu.memref_slice %arg4[%mul3A_57, %dma_start3A_108] : memref<16384x32xf32, #tpu.memory_space<hbm>> -> memref<128x32xf32, #tpu.memory_space<hbm>>
      tpu.enqueue_dma source(%dma_start3A_109 : memref<128x32xf32, #tpu.memory_space<hbm>>) target(%arg9 : memref<128x32xf32, #tpu.memory_space<vmem>>) target_semaphore(%run_scoped3A : memref<!tpu.dma_semaphore, #tpu.memory_space<semaphore_mem>>)
      %dma_wait3A_110 = arith.constant 0 : i32
      %dma_wait3A_111 = tpu.memref_slice %arg4[%mul3A_57, %dma_wait3A_110] : memref<16384x32xf32, #tpu.memory_space<hbm>> -> memref<128x32xf32, #tpu.memory_space<hbm>>
      %dma_wait3A_112 = arith.constant 0 : i32
      %dma_wait3A_113 = tpu.memref_slice %arg4[%mul3A_57, %dma_wait3A_112] : memref<16384x32xf32, #tpu.memory_space<hbm>> -> memref<128x32xf32, #tpu.memory_space<hbm>>
      tpu.wait_dma2 semaphore(%run_scoped3A : memref<!tpu.dma_semaphore, #tpu.memory_space<semaphore_mem>>) src(%dma_wait3A_113 : memref<128x32xf32, #tpu.memory_space<hbm>>) dst(%arg9 : memref<128x32xf32, #tpu.memory_space<vmem>>)
      tpu.yield
    }) : () -> ()
    %dma_wait3A_65 = arith.constant 2 : i32
    %dma_wait3A_66 = arith.constant 0 : i32
    %dma_wait3A_67 = tpu.memref_slice %arg7[%dma_wait3A_65, %dma_wait3A_66] : memref<4x128xi32, #tpu.memory_space<vmem>> -> memref<1x128xi32, #tpu.memory_space<vmem>>
    %dma_wait3A_68 = tpu.memref_squeeze %dma_wait3A_67 : memref<1x128xi32, #tpu.memory_space<vmem>> -> memref<128xi32, #tpu.memory_space<vmem>>
    %dma_wait3A_69 = arith.constant 0 : i32
    %dma_wait3A_70 = arith.constant 0 : i32
    %dma_wait3A_71 = tpu.memref_slice %arg2[%dma_wait3A_69, %dma_wait3A_70] : memref<8192x128xf32, #tpu.memory_space<hbm>> -> memref<8192x128xf32, #tpu.memory_space<hbm>>
    tpu.wait_indirect_dma semaphore(%arg12 : memref<!tpu.dma_semaphore, #tpu.memory_space<semaphore_mem>>) src(%dma_wait3A_71 : memref<8192x128xf32, #tpu.memory_space<hbm>>) dst(%arg8 : memref<128x128xf32, #tpu.memory_space<vmem>>)
    %scan3A_72 = arith.constant 0 : i32
    %scan3A_73 = arith.constant 0 : i32
    %scan3A_74 = arith.constant 128 : i32
    %scan3A_75 = arith.addi %scan3A_73, %scan3A_74 : i32
    %scan3A_76 = arith.constant 1 : i32
    %scan3A_77 = scf.for %scan3A_106 = %scan3A_73 to %scan3A_75 step %scan3A_76 iter_args(%scan3A_107 = %scan3A_72) -> (i32)  : i32 {
      %get3A = arith.index_cast %scan3A_106 : i32 to index
      %get3A_108 = arith.constant 0 : index
      %get3A_109 = tpu.vector_load %arg8[%get3A, %get3A_108] {strides = array<i32>} : memref<128x128xf32, #tpu.memory_space<vmem>>, vector<1x16xf32>,
      %get3A_110 = vector.shape_cast %get3A_109 : vector<1x16xf32> to vector<16xf32>
      %get3A_111 = arith.index_cast %scan3A_106 : i32 to index
      %get3A_112 = arith.constant 0 : index
      %get3A_113 = tpu.vector_load %arg9[%get3A_111, %get3A_112] {strides = array<i32>} : memref<128x32xf32, #tpu.memory_space<vmem>>, vector<1x16xf32>,
      %get3A_114 = vector.shape_cast %get3A_113 : vector<1x16xf32> to vector<16xf32>
      %sub3A = arith.subf %get3A_114, %get3A_110 : vector<16xf32>
      %swap3A = arith.index_cast %scan3A_106 : i32 to index
      %swap3A_115 = arith.constant 0 : index
      %swap3A_116 = tpu.vector_load %arg11[%swap3A, %swap3A_115] {strides = array<i32>} : memref<128x32xf32, #tpu.memory_space<vmem>>, vector<1x16xf32>,
      %swap3A_117 = vector.shape_cast %swap3A_116 : vector<1x16xf32> to vector<16xf32>
      %swap3A_118 = vector.shape_cast %sub3A : vector<16xf32> to vector<1x16xf32>
      tpu.vector_store %arg11[%swap3A, %swap3A_115], %swap3A_118 {strides = array<i32>} : memref<128x32xf32, #tpu.memory_space<vmem>>, vector<1x16xf32>,
      %get3A_119 = arith.index_cast %scan3A_106 : i32 to index
      %get3A_120 = arith.constant 16 : index
      %get3A_121 = tpu.vector_load %arg8[%get3A_119, %get3A_120] {strides = array<i32>} : memref<128x128xf32, #tpu.memory_space<vmem>>, vector<1x16xf32>,
      %get3A_122 = vector.shape_cast %get3A_121 : vector<1x16xf32> to vector<16xf32>
      %get3A_123 = arith.index_cast %scan3A_106 : i32 to index
      %get3A_124 = arith.constant 16 : index
      %get3A_125 = tpu.vector_load %arg9[%get3A_123, %get3A_124] {strides = array<i32>} : memref<128x32xf32, #tpu.memory_space<vmem>>, vector<1x16xf32>,
      %get3A_126 = vector.shape_cast %get3A_125 : vector<1x16xf32> to vector<16xf32>
      %sub3A_127 = arith.subf %get3A_126, %get3A_122 : vector<16xf32>
      %swap3A_128 = arith.index_cast %scan3A_106 : i32 to index
      %swap3A_129 = arith.constant 16 : index
      %swap3A_130 = tpu.vector_load %arg11[%swap3A_128, %swap3A_129] {strides = array<i32>} : memref<128x32xf32, #tpu.memory_space<vmem>>, vector<1x16xf32>,
      %swap3A_131 = vector.shape_cast %swap3A_130 : vector<1x16xf32> to vector<16xf32>
      %swap3A_132 = vector.shape_cast %sub3A_127 : vector<16xf32> to vector<1x16xf32>
      tpu.vector_store %arg11[%swap3A_128, %swap3A_129], %swap3A_132 {strides = array<i32>} : memref<128x32xf32, #tpu.memory_space<vmem>>, vector<1x16xf32>,
      %scan3A_133 = arith.constant 0 : i32
      scf.yield %scan3A_133 : i32
    }
    %scan3A_78 = arith.constant 128 : i32
    "tpu.region"() ({
      %run_scoped3A = tpu.sem_alloc : memref<!tpu.dma_semaphore, #tpu.memory_space<semaphore_mem>>
      %dma_start3A_106 = arith.constant 0 : i32
      %dma_start3A_107 = tpu.memref_slice %arg6[%mul3A_57, %dma_start3A_106] : memref<16384x32xf32, #tpu.memory_space<hbm>> -> memref<128x32xf32, #tpu.memory_space<hbm>>
      %dma_start3A_108 = arith.constant 0 : i32
      %dma_start3A_109 = tpu.memref_slice %arg6[%mul3A_57, %dma_start3A_108] : memref<16384x32xf32, #tpu.memory_space<hbm>> -> memref<128x32xf32, #tpu.memory_space<hbm>>
      tpu.enqueue_dma source(%arg11 : memref<128x32xf32, #tpu.memory_space<vmem>>) target(%dma_start3A_109 : memref<128x32xf32, #tpu.memory_space<hbm>>) target_semaphore(%run_scoped3A : memref<!tpu.dma_semaphore, #tpu.memory_space<semaphore_mem>>)
      %dma_wait3A_110 = arith.constant 0 : i32
      %dma_wait3A_111 = tpu.memref_slice %arg6[%mul3A_57, %dma_wait3A_110] : memref<16384x32xf32, #tpu.memory_space<hbm>> -> memref<128x32xf32, #tpu.memory_space<hbm>>
      %dma_wait3A_112 = arith.constant 0 : i32
      %dma_wait3A_113 = tpu.memref_slice %arg6[%mul3A_57, %dma_wait3A_112] : memref<16384x32xf32, #tpu.memory_space<hbm>> -> memref<128x32xf32, #tpu.memory_space<hbm>>
      tpu.wait_dma2 semaphore(%run_scoped3A : memref<!tpu.dma_semaphore, #tpu.memory_space<semaphore_mem>>) src(%arg11 : memref<128x32xf32, #tpu.memory_space<vmem>>) dst(%dma_wait3A_113 : memref<128x32xf32, #tpu.memory_space<hbm>>)
      tpu.yield
    }) : () -> ()
    %mul3A_79 = arith.constant 4 : i32
    %mul3A_80 = arith.muli %add3A, %mul3A_79 : i32
    %add3A_81 = arith.constant 3 : i32
    %add3A_82 = arith.addi %mul3A_80, %add3A_81 : i32
    %mul3A_83 = arith.constant 128 : i32
    %mul3A_84 = arith.muli %add3A_82, %mul3A_83 : i32
    %dma_start3A_85 = arith.constant 3 : i32
    %dma_start3A_86 = arith.constant 0 : i32
    %dma_start3A_87 = tpu.memref_slice %arg7[%dma_start3A_85, %dma_start3A_86] : memref<4x128xi32, #tpu.memory_space<vmem>> -> memref<1x128xi32, #tpu.memory_space<vmem>>
    %dma_start3A_88 = tpu.memref_squeeze %dma_start3A_87 : memref<1x128xi32, #tpu.memory_space<vmem>> -> memref<128xi32, #tpu.memory_space<vmem>>
    %dma_start3A_89 = arith.constant 0 : i32
    %dma_start3A_90 = arith.constant 0 : i32
    %dma_start3A_91 = tpu.memref_slice %arg2[%dma_start3A_89, %dma_start3A_90] : memref<8192x128xf32, #tpu.memory_space<hbm>> -> memref<8192x128xf32, #tpu.memory_space<hbm>>
    tpu.enqueue_indirect_dma source(%dma_start3A_91 : memref<8192x128xf32, #tpu.memory_space<hbm>>) target(%arg8 : memref<128x128xf32, #tpu.memory_space<vmem>>) offsets(%dma_start3A_88 : memref<128xi32, #tpu.memory_space<vmem>>) semaphore(%arg12 : memref<!tpu.dma_semaphore, #tpu.memory_space<semaphore_mem>>)
    "tpu.region"() ({
      %run_scoped3A = tpu.sem_alloc : memref<!tpu.dma_semaphore, #tpu.memory_space<semaphore_mem>>
      %dma_start3A_106 = arith.constant 0 : i32
      %dma_start3A_107 = tpu.memref_slice %arg4[%mul3A_84, %dma_start3A_106] : memref<16384x32xf32, #tpu.memory_space<hbm>> -> memref<128x32xf32, #tpu.memory_space<hbm>>
      %dma_start3A_108 = arith.constant 0 : i32
      %dma_start3A_109 = tpu.memref_slice %arg4[%mul3A_84, %dma_start3A_108] : memref<16384x32xf32, #tpu.memory_space<hbm>> -> memref<128x32xf32, #tpu.memory_space<hbm>>
      tpu.enqueue_dma source(%dma_start3A_109 : memref<128x32xf32, #tpu.memory_space<hbm>>) target(%arg9 : memref<128x32xf32, #tpu.memory_space<vmem>>) target_semaphore(%run_scoped3A : memref<!tpu.dma_semaphore, #tpu.memory_space<semaphore_mem>>)
      %dma_wait3A_110 = arith.constant 0 : i32
      %dma_wait3A_111 = tpu.memref_slice %arg4[%mul3A_84, %dma_wait3A_110] : memref<16384x32xf32, #tpu.memory_space<hbm>> -> memref<128x32xf32, #tpu.memory_space<hbm>>
      %dma_wait3A_112 = arith.constant 0 : i32
      %dma_wait3A_113 = tpu.memref_slice %arg4[%mul3A_84, %dma_wait3A_112] : memref<16384x32xf32, #tpu.memory_space<hbm>> -> memref<128x32xf32, #tpu.memory_space<hbm>>
      tpu.wait_dma2 semaphore(%run_scoped3A : memref<!tpu.dma_semaphore, #tpu.memory_space<semaphore_mem>>) src(%dma_wait3A_113 : memref<128x32xf32, #tpu.memory_space<hbm>>) dst(%arg9 : memref<128x32xf32, #tpu.memory_space<vmem>>)
      tpu.yield
    }) : () -> ()
    %dma_wait3A_92 = arith.constant 3 : i32
    %dma_wait3A_93 = arith.constant 0 : i32
    %dma_wait3A_94 = tpu.memref_slice %arg7[%dma_wait3A_92, %dma_wait3A_93] : memref<4x128xi32, #tpu.memory_space<vmem>> -> memref<1x128xi32, #tpu.memory_space<vmem>>
    %dma_wait3A_95 = tpu.memref_squeeze %dma_wait3A_94 : memref<1x128xi32, #tpu.memory_space<vmem>> -> memref<128xi32, #tpu.memory_space<vmem>>
    %dma_wait3A_96 = arith.constant 0 : i32
    %dma_wait3A_97 = arith.constant 0 : i32
    %dma_wait3A_98 = tpu.memref_slice %arg2[%dma_wait3A_96, %dma_wait3A_97] : memref<8192x128xf32, #tpu.memory_space<hbm>> -> memref<8192x128xf32, #tpu.memory_space<hbm>>
    tpu.wait_indirect_dma semaphore(%arg12 : memref<!tpu.dma_semaphore, #tpu.memory_space<semaphore_mem>>) src(%dma_wait3A_98 : memref<8192x128xf32, #tpu.memory_space<hbm>>) dst(%arg8 : memref<128x128xf32, #tpu.memory_space<vmem>>)
    %scan3A_99 = arith.constant 0 : i32
    %scan3A_100 = arith.constant 0 : i32
    %scan3A_101 = arith.constant 128 : i32
    %scan3A_102 = arith.addi %scan3A_100, %scan3A_101 : i32
    %scan3A_103 = arith.constant 1 : i32
    %scan3A_104 = scf.for %scan3A_106 = %scan3A_100 to %scan3A_102 step %scan3A_103 iter_args(%scan3A_107 = %scan3A_99) -> (i32)  : i32 {
      %get3A = arith.index_cast %scan3A_106 : i32 to index
      %get3A_108 = arith.constant 0 : index
      %get3A_109 = tpu.vector_load %arg8[%get3A, %get3A_108] {strides = array<i32>} : memref<128x128xf32, #tpu.memory_space<vmem>>, vector<1x16xf32>,
      %get3A_110 = vector.shape_cast %get3A_109 : vector<1x16xf32> to vector<16xf32>
      %get3A_111 = arith.index_cast %scan3A_106 : i32 to index
      %get3A_112 = arith.constant 0 : index
      %get3A_113 = tpu.vector_load %arg9[%get3A_111, %get3A_112] {strides = array<i32>} : memref<128x32xf32, #tpu.memory_space<vmem>>, vector<1x16xf32>,
      %get3A_114 = vector.shape_cast %get3A_113 : vector<1x16xf32> to vector<16xf32>
      %sub3A = arith.subf %get3A_114, %get3A_110 : vector<16xf32>
      %swap3A = arith.index_cast %scan3A_106 : i32 to index
      %swap3A_115 = arith.constant 0 : index
      %swap3A_116 = tpu.vector_load %arg11[%swap3A, %swap3A_115] {strides = array<i32>} : memref<128x32xf32, #tpu.memory_space<vmem>>, vector<1x16xf32>,
      %swap3A_117 = vector.shape_cast %swap3A_116 : vector<1x16xf32> to vector<16xf32>
      %swap3A_118 = vector.shape_cast %sub3A : vector<16xf32> to vector<1x16xf32>
      tpu.vector_store %arg11[%swap3A, %swap3A_115], %swap3A_118 {strides = array<i32>} : memref<128x32xf32, #tpu.memory_space<vmem>>, vector<1x16xf32>,
      %get3A_119 = arith.index_cast %scan3A_106 : i32 to index
      %get3A_120 = arith.constant 16 : index
      %get3A_121 = tpu.vector_load %arg8[%get3A_119, %get3A_120] {strides = array<i32>} : memref<128x128xf32, #tpu.memory_space<vmem>>, vector<1x16xf32>,
      %get3A_122 = vector.shape_cast %get3A_121 : vector<1x16xf32> to vector<16xf32>
      %get3A_123 = arith.index_cast %scan3A_106 : i32 to index
      %get3A_124 = arith.constant 16 : index
      %get3A_125 = tpu.vector_load %arg9[%get3A_123, %get3A_124] {strides = array<i32>} : memref<128x32xf32, #tpu.memory_space<vmem>>, vector<1x16xf32>,
      %get3A_126 = vector.shape_cast %get3A_125 : vector<1x16xf32> to vector<16xf32>
      %sub3A_127 = arith.subf %get3A_126, %get3A_122 : vector<16xf32>
      %swap3A_128 = arith.index_cast %scan3A_106 : i32 to index
      %swap3A_129 = arith.constant 16 : index
      %swap3A_130 = tpu.vector_load %arg11[%swap3A_128, %swap3A_129] {strides = array<i32>} : memref<128x32xf32, #tpu.memory_space<vmem>>, vector<1x16xf32>,
      %swap3A_131 = vector.shape_cast %swap3A_130 : vector<1x16xf32> to vector<16xf32>
      %swap3A_132 = vector.shape_cast %sub3A_127 : vector<16xf32> to vector<1x16xf32>
      tpu.vector_store %arg11[%swap3A_128, %swap3A_129], %swap3A_132 {strides = array<i32>} : memref<128x32xf32, #tpu.memory_space<vmem>>, vector<1x16xf32>,
      %scan3A_133 = arith.constant 0 : i32
      scf.yield %scan3A_133 : i32
    }
    %scan3A_105 = arith.constant 128 : i32
    "tpu.region"() ({
      %run_scoped3A = tpu.sem_alloc : memref<!tpu.dma_semaphore, #tpu.memory_space<semaphore_mem>>
      %dma_start3A_106 = arith.constant 0 : i32
      %dma_start3A_107 = tpu.memref_slice %arg6[%mul3A_84, %dma_start3A_106] : memref<16384x32xf32, #tpu.memory_space<hbm>> -> memref<128x32xf32, #tpu.memory_space<hbm>>
      %dma_start3A_108 = arith.constant 0 : i32
      %dma_start3A_109 = tpu.memref_slice %arg6[%mul3A_84, %dma_start3A_108] : memref<16384x32xf32, #tpu.memory_space<hbm>> -> memref<128x32xf32, #tpu.memory_space<hbm>>
      tpu.enqueue_dma source(%arg11 : memref<128x32xf32, #tpu.memory_space<vmem>>) target(%dma_start3A_109 : memref<128x32xf32, #tpu.memory_space<hbm>>) target_semaphore(%run_scoped3A : memref<!tpu.dma_semaphore, #tpu.memory_space<semaphore_mem>>)
      %dma_wait3A_110 = arith.constant 0 : i32
      %dma_wait3A_111 = tpu.memref_slice %arg6[%mul3A_84, %dma_wait3A_110] : memref<16384x32xf32, #tpu.memory_space<hbm>> -> memref<128x32xf32, #tpu.memory_space<hbm>>
      %dma_wait3A_112 = arith.constant 0 : i32
      %dma_wait3A_113 = tpu.memref_slice %arg6[%mul3A_84, %dma_wait3A_112] : memref<16384x32xf32, #tpu.memory_space<hbm>> -> memref<128x32xf32, #tpu.memory_space<hbm>>
      tpu.wait_dma2 semaphore(%run_scoped3A : memref<!tpu.dma_semaphore, #tpu.memory_space<semaphore_mem>>) src(%arg11 : memref<128x32xf32, #tpu.memory_space<vmem>>) dst(%dma_wait3A_113 : memref<128x32xf32, #tpu.memory_space<hbm>>)
      tpu.yield
    }) : () -> ()
    return
  }
}

#map = affine_map<(d0, d1) -> (0, 0)>
#map1 = affine_map<(d0, d1) -> (0, 0, 0)>
module attributes {stable_mosaic.version = 14 : i64} {
  func.func @_sc_body(%arg0: i32, %arg1: i32, %arg2: memref<8192x128xf32, #tpu.memory_space<hbm>>, %arg3: memref<32x4x128xi32, #tpu.memory_space<hbm>>, %arg4: memref<16384x32xf32, #tpu.memory_space<hbm>>, %arg5: memref<16384x32xf32, #tpu.memory_space<hbm>>, %arg6: memref<16384x32xf32, #tpu.memory_space<hbm>>, %arg7: memref<4x128xi32, #tpu.memory_space<vmem>>, %arg8: memref<128x128xf32, #tpu.memory_space<vmem>>, %arg9: memref<128x32xf32, #tpu.memory_space<vmem>>, %arg10: memref<128x32xf32, #tpu.memory_space<vmem>>, %arg11: memref<128x32xf32, #tpu.memory_space<vmem>>, %arg12: memref<!tpu.dma_semaphore, #tpu.memory_space<semaphore_mem>>) attributes {dimension_semantics = [#tpu.dimension_semantics<core_parallel>, #tpu.dimension_semantics<subcore_parallel>], iteration_bounds = array<i64: 2, 16>, scalar_prefetch = 0 : i64, scratch_operands = 6 : i64, tpu.core_type = #tpu.core_type<sc_vector_subcore>, window_params = [{transform_indices = #map}, {transform_indices = #map1}, {transform_indices = #map}, {transform_indices = #map}, {transform_indices = #map}]} {
    %mul3A = arith.constant 2 : i32
    %mul3A_0 = arith.muli %arg1, %mul3A : i32
    %add3A = arith.addi %mul3A_0, %arg0 : i32
    "tpu.region"() ({
      %run_scoped3A = tpu.sem_alloc : memref<!tpu.dma_semaphore, #tpu.memory_space<semaphore_mem>>
      %dma_start3A_106 = arith.constant 0 : i32
      %dma_start3A_107 = arith.constant 0 : i32
      %dma_start3A_108 = tpu.memref_slice %arg3[%add3A, %dma_start3A_106, %dma_start3A_107] : memref<32x4x128xi32, #tpu.memory_space<hbm>> -> memref<1x4x128xi32, #tpu.memory_space<hbm>>
      %dma_start3A_109 = tpu.memref_squeeze %dma_start3A_108 : memref<1x4x128xi32, #tpu.memory_space<hbm>> -> memref<4x128xi32, #tpu.memory_space<hbm>>
      %dma_start3A_110 = arith.constant 0 : i32
      %dma_start3A_111 = arith.constant 0 : i32
      %dma_start3A_112 = tpu.memref_slice %arg3[%add3A, %dma_start3A_110, %dma_start3A_111] : memref<32x4x128xi32, #tpu.memory_space<hbm>> -> memref<1x4x128xi32, #tpu.memory_space<hbm>>
      %dma_start3A_113 = tpu.memref_squeeze %dma_start3A_112 : memref<1x4x128xi32, #tpu.memory_space<hbm>> -> memref<4x128xi32, #tpu.memory_space<hbm>>
      tpu.enqueue_dma source(%dma_start3A_113 : memref<4x128xi32, #tpu.memory_space<hbm>>) target(%arg7 : memref<4x128xi32, #tpu.memory_space<vmem>>) target_semaphore(%run_scoped3A : memref<!tpu.dma_semaphore, #tpu.memory_space<semaphore_mem>>)
      %dma_wait3A_114 = arith.constant 0 : i32
      %dma_wait3A_115 = arith.constant 0 : i32
      %dma_wait3A_116 = tpu.memref_slice %arg3[%add3A, %dma_wait3A_114, %dma_wait3A_115] : memref<32x4x128xi32, #tpu.memory_space<hbm>> -> memref<1x4x128xi32, #tpu.memory_space<hbm>>
      %dma_wait3A_117 = tpu.memref_squeeze %dma_wait3A_116 : memref<1x4x128xi32, #tpu.memory_space<hbm>> -> memref<4x128xi32, #tpu.memory_space<hbm>>
      %dma_wait3A_118 = arith.constant 0 : i32
      %dma_wait3A_119 = arith.constant 0 : i32
      %dma_wait3A_120 = tpu.memref_slice %arg3[%add3A, %dma_wait3A_118, %dma_wait3A_119] : memref<32x4x128xi32, #tpu.memory_space<hbm>> -> memref<1x4x128xi32, #tpu.memory_space<hbm>>
      %dma_wait3A_121 = tpu.memref_squeeze %dma_wait3A_120 : memref<1x4x128xi32, #tpu.memory_space<hbm>> -> memref<4x128xi32, #tpu.memory_space<hbm>>
      tpu.wait_dma2 semaphore(%run_scoped3A : memref<!tpu.dma_semaphore, #tpu.memory_space<semaphore_mem>>) src(%dma_wait3A_121 : memref<4x128xi32, #tpu.memory_space<hbm>>) dst(%arg7 : memref<4x128xi32, #tpu.memory_space<vmem>>)
      tpu.yield
    }) : () -> ()
    %mul3A_1 = arith.constant 4 : i32
    %mul3A_2 = arith.muli %add3A, %mul3A_1 : i32
    %add3A_3 = arith.constant 0 : i32
    %add3A_4 = arith.addi %mul3A_2, %add3A_3 : i32
    %mul3A_5 = arith.constant 128 : i32
    %mul3A_6 = arith.muli %add3A_4, %mul3A_5 : i32
    %dma_start3A = arith.constant 0 : i32
    %dma_start3A_7 = arith.constant 0 : i32
    %dma_start3A_8 = tpu.memref_slice %arg7[%dma_start3A, %dma_start3A_7] : memref<4x128xi32, #tpu.memory_space<vmem>> -> memref<1x128xi32, #tpu.memory_space<vmem>>
    %dma_start3A_9 = tpu.memref_squeeze %dma_start3A_8 : memref<1x128xi32, #tpu.memory_space<vmem>> -> memref<128xi32, #tpu.memory_space<vmem>>
    %dma_start3A_10 = arith.constant 0 : i32
    %dma_start3A_11 = arith.constant 0 : i32
    %dma_start3A_12 = tpu.memref_slice %arg2[%dma_start3A_10, %dma_start3A_11] : memref<8192x128xf32, #tpu.memory_space<hbm>> -> memref<8192x128xf32, #tpu.memory_space<hbm>>
    tpu.enqueue_indirect_dma source(%dma_start3A_12 : memref<8192x128xf32, #tpu.memory_space<hbm>>) target(%arg8 : memref<128x128xf32, #tpu.memory_space<vmem>>) offsets(%dma_start3A_9 : memref<128xi32, #tpu.memory_space<vmem>>) semaphore(%arg12 : memref<!tpu.dma_semaphore, #tpu.memory_space<semaphore_mem>>)
    "tpu.region"() ({
      %run_scoped3A = tpu.sem_alloc : memref<!tpu.dma_semaphore, #tpu.memory_space<semaphore_mem>>
      %dma_start3A_106 = arith.constant 0 : i32
      %dma_start3A_107 = tpu.memref_slice %arg4[%mul3A_6, %dma_start3A_106] : memref<16384x32xf32, #tpu.memory_space<hbm>> -> memref<128x32xf32, #tpu.memory_space<hbm>>
      %dma_start3A_108 = arith.constant 0 : i32
      %dma_start3A_109 = tpu.memref_slice %arg4[%mul3A_6, %dma_start3A_108] : memref<16384x32xf32, #tpu.memory_space<hbm>> -> memref<128x32xf32, #tpu.memory_space<hbm>>
      tpu.enqueue_dma source(%dma_start3A_109 : memref<128x32xf32, #tpu.memory_space<hbm>>) target(%arg9 : memref<128x32xf32, #tpu.memory_space<vmem>>) target_semaphore(%run_scoped3A : memref<!tpu.dma_semaphore, #tpu.memory_space<semaphore_mem>>)
      %dma_wait3A_110 = arith.constant 0 : i32
      %dma_wait3A_111 = tpu.memref_slice %arg4[%mul3A_6, %dma_wait3A_110] : memref<16384x32xf32, #tpu.memory_space<hbm>> -> memref<128x32xf32, #tpu.memory_space<hbm>>
      %dma_wait3A_112 = arith.constant 0 : i32
      %dma_wait3A_113 = tpu.memref_slice %arg4[%mul3A_6, %dma_wait3A_112] : memref<16384x32xf32, #tpu.memory_space<hbm>> -> memref<128x32xf32, #tpu.memory_space<hbm>>
      tpu.wait_dma2 semaphore(%run_scoped3A : memref<!tpu.dma_semaphore, #tpu.memory_space<semaphore_mem>>) src(%dma_wait3A_113 : memref<128x32xf32, #tpu.memory_space<hbm>>) dst(%arg9 : memref<128x32xf32, #tpu.memory_space<vmem>>)
      tpu.yield
    }) : () -> ()
    %dma_wait3A = arith.constant 0 : i32
    %dma_wait3A_13 = arith.constant 0 : i32
    %dma_wait3A_14 = tpu.memref_slice %arg7[%dma_wait3A, %dma_wait3A_13] : memref<4x128xi32, #tpu.memory_space<vmem>> -> memref<1x128xi32, #tpu.memory_space<vmem>>
    %dma_wait3A_15 = tpu.memref_squeeze %dma_wait3A_14 : memref<1x128xi32, #tpu.memory_space<vmem>> -> memref<128xi32, #tpu.memory_space<vmem>>
    %dma_wait3A_16 = arith.constant 0 : i32
    %dma_wait3A_17 = arith.constant 0 : i32
    %dma_wait3A_18 = tpu.memref_slice %arg2[%dma_wait3A_16, %dma_wait3A_17] : memref<8192x128xf32, #tpu.memory_space<hbm>> -> memref<8192x128xf32, #tpu.memory_space<hbm>>
    tpu.wait_indirect_dma semaphore(%arg12 : memref<!tpu.dma_semaphore, #tpu.memory_space<semaphore_mem>>) src(%dma_wait3A_18 : memref<8192x128xf32, #tpu.memory_space<hbm>>) dst(%arg8 : memref<128x128xf32, #tpu.memory_space<vmem>>)
    %scan3A = arith.constant 0 : i32
    %scan3A_19 = arith.constant 0 : i32
    %scan3A_20 = arith.constant 128 : i32
    %scan3A_21 = arith.addi %scan3A_19, %scan3A_20 : i32
    %scan3A_22 = arith.constant 1 : i32
    %scan3A_23 = scf.for %scan3A_106 = %scan3A_19 to %scan3A_21 step %scan3A_22 iter_args(%scan3A_107 = %scan3A) -> (i32)  : i32 {
      %get3A = arith.index_cast %scan3A_106 : i32 to index
      %get3A_108 = arith.constant 0 : index
      %get3A_109 = tpu.vector_load %arg8[%get3A, %get3A_108] {strides = array<i32>} : memref<128x128xf32, #tpu.memory_space<vmem>>, vector<1x16xf32>,
      %get3A_110 = vector.shape_cast %get3A_109 : vector<1x16xf32> to vector<16xf32>
      %get3A_111 = arith.index_cast %scan3A_106 : i32 to index
      %get3A_112 = arith.constant 0 : index
      %get3A_113 = tpu.vector_load %arg9[%get3A_111, %get3A_112] {strides = array<i32>} : memref<128x32xf32, #tpu.memory_space<vmem>>, vector<1x16xf32>,
      %get3A_114 = vector.shape_cast %get3A_113 : vector<1x16xf32> to vector<16xf32>
      %sub3A = arith.subf %get3A_114, %get3A_110 : vector<16xf32>
      %swap3A = arith.index_cast %scan3A_106 : i32 to index
      %swap3A_115 = arith.constant 0 : index
      %swap3A_116 = tpu.vector_load %arg11[%swap3A, %swap3A_115] {strides = array<i32>} : memref<128x32xf32, #tpu.memory_space<vmem>>, vector<1x16xf32>,
      %swap3A_117 = vector.shape_cast %swap3A_116 : vector<1x16xf32> to vector<16xf32>
      %swap3A_118 = vector.shape_cast %sub3A : vector<16xf32> to vector<1x16xf32>
      tpu.vector_store %arg11[%swap3A, %swap3A_115], %swap3A_118 {strides = array<i32>} : memref<128x32xf32, #tpu.memory_space<vmem>>, vector<1x16xf32>,
      %get3A_119 = arith.index_cast %scan3A_106 : i32 to index
      %get3A_120 = arith.constant 16 : index
      %get3A_121 = tpu.vector_load %arg8[%get3A_119, %get3A_120] {strides = array<i32>} : memref<128x128xf32, #tpu.memory_space<vmem>>, vector<1x16xf32>,
      %get3A_122 = vector.shape_cast %get3A_121 : vector<1x16xf32> to vector<16xf32>
      %get3A_123 = arith.index_cast %scan3A_106 : i32 to index
      %get3A_124 = arith.constant 16 : index
      %get3A_125 = tpu.vector_load %arg9[%get3A_123, %get3A_124] {strides = array<i32>} : memref<128x32xf32, #tpu.memory_space<vmem>>, vector<1x16xf32>,
      %get3A_126 = vector.shape_cast %get3A_125 : vector<1x16xf32> to vector<16xf32>
      %sub3A_127 = arith.subf %get3A_126, %get3A_122 : vector<16xf32>
      %swap3A_128 = arith.index_cast %scan3A_106 : i32 to index
      %swap3A_129 = arith.constant 16 : index
      %swap3A_130 = tpu.vector_load %arg11[%swap3A_128, %swap3A_129] {strides = array<i32>} : memref<128x32xf32, #tpu.memory_space<vmem>>, vector<1x16xf32>,
      %swap3A_131 = vector.shape_cast %swap3A_130 : vector<1x16xf32> to vector<16xf32>
      %swap3A_132 = vector.shape_cast %sub3A_127 : vector<16xf32> to vector<1x16xf32>
      tpu.vector_store %arg11[%swap3A_128, %swap3A_129], %swap3A_132 {strides = array<i32>} : memref<128x32xf32, #tpu.memory_space<vmem>>, vector<1x16xf32>,
      %scan3A_133 = arith.constant 0 : i32
      scf.yield %scan3A_133 : i32
    }
    %scan3A_24 = arith.constant 128 : i32
    "tpu.region"() ({
      %run_scoped3A = tpu.sem_alloc : memref<!tpu.dma_semaphore, #tpu.memory_space<semaphore_mem>>
      %dma_start3A_106 = arith.constant 0 : i32
      %dma_start3A_107 = tpu.memref_slice %arg6[%mul3A_6, %dma_start3A_106] : memref<16384x32xf32, #tpu.memory_space<hbm>> -> memref<128x32xf32, #tpu.memory_space<hbm>>
      %dma_start3A_108 = arith.constant 0 : i32
      %dma_start3A_109 = tpu.memref_slice %arg6[%mul3A_6, %dma_start3A_108] : memref<16384x32xf32, #tpu.memory_space<hbm>> -> memref<128x32xf32, #tpu.memory_space<hbm>>
      tpu.enqueue_dma source(%arg11 : memref<128x32xf32, #tpu.memory_space<vmem>>) target(%dma_start3A_109 : memref<128x32xf32, #tpu.memory_space<hbm>>) target_semaphore(%run_scoped3A : memref<!tpu.dma_semaphore, #tpu.memory_space<semaphore_mem>>)
      %dma_wait3A_110 = arith.constant 0 : i32
      %dma_wait3A_111 = tpu.memref_slice %arg6[%mul3A_6, %dma_wait3A_110] : memref<16384x32xf32, #tpu.memory_space<hbm>> -> memref<128x32xf32, #tpu.memory_space<hbm>>
      %dma_wait3A_112 = arith.constant 0 : i32
      %dma_wait3A_113 = tpu.memref_slice %arg6[%mul3A_6, %dma_wait3A_112] : memref<16384x32xf32, #tpu.memory_space<hbm>> -> memref<128x32xf32, #tpu.memory_space<hbm>>
      tpu.wait_dma2 semaphore(%run_scoped3A : memref<!tpu.dma_semaphore, #tpu.memory_space<semaphore_mem>>) src(%arg11 : memref<128x32xf32, #tpu.memory_space<vmem>>) dst(%dma_wait3A_113 : memref<128x32xf32, #tpu.memory_space<hbm>>)
      tpu.yield
    }) : () -> ()
    %mul3A_25 = arith.constant 4 : i32
    %mul3A_26 = arith.muli %add3A, %mul3A_25 : i32
    %add3A_27 = arith.constant 1 : i32
    %add3A_28 = arith.addi %mul3A_26, %add3A_27 : i32
    %mul3A_29 = arith.constant 128 : i32
    %mul3A_30 = arith.muli %add3A_28, %mul3A_29 : i32
    %dma_start3A_31 = arith.constant 1 : i32
    %dma_start3A_32 = arith.constant 0 : i32
    %dma_start3A_33 = tpu.memref_slice %arg7[%dma_start3A_31, %dma_start3A_32] : memref<4x128xi32, #tpu.memory_space<vmem>> -> memref<1x128xi32, #tpu.memory_space<vmem>>
    %dma_start3A_34 = tpu.memref_squeeze %dma_start3A_33 : memref<1x128xi32, #tpu.memory_space<vmem>> -> memref<128xi32, #tpu.memory_space<vmem>>
    %dma_start3A_35 = arith.constant 0 : i32
    %dma_start3A_36 = arith.constant 0 : i32
    %dma_start3A_37 = tpu.memref_slice %arg2[%dma_start3A_35, %dma_start3A_36] : memref<8192x128xf32, #tpu.memory_space<hbm>> -> memref<8192x128xf32, #tpu.memory_space<hbm>>
    tpu.enqueue_indirect_dma source(%dma_start3A_37 : memref<8192x128xf32, #tpu.memory_space<hbm>>) target(%arg8 : memref<128x128xf32, #tpu.memory_space<vmem>>) offsets(%dma_start3A_34 : memref<128xi32, #tpu.memory_space<vmem>>) semaphore(%arg12 : memref<!tpu.dma_semaphore, #tpu.memory_space<semaphore_mem>>)
    "tpu.region"() ({
      %run_scoped3A = tpu.sem_alloc : memref<!tpu.dma_semaphore, #tpu.memory_space<semaphore_mem>>
      %dma_start3A_106 = arith.constant 0 : i32
      %dma_start3A_107 = tpu.memref_slice %arg4[%mul3A_30, %dma_start3A_106] : memref<16384x32xf32, #tpu.memory_space<hbm>> -> memref<128x32xf32, #tpu.memory_space<hbm>>
      %dma_start3A_108 = arith.constant 0 : i32
      %dma_start3A_109 = tpu.memref_slice %arg4[%mul3A_30, %dma_start3A_108] : memref<16384x32xf32, #tpu.memory_space<hbm>> -> memref<128x32xf32, #tpu.memory_space<hbm>>
      tpu.enqueue_dma source(%dma_start3A_109 : memref<128x32xf32, #tpu.memory_space<hbm>>) target(%arg9 : memref<128x32xf32, #tpu.memory_space<vmem>>) target_semaphore(%run_scoped3A : memref<!tpu.dma_semaphore, #tpu.memory_space<semaphore_mem>>)
      %dma_wait3A_110 = arith.constant 0 : i32
      %dma_wait3A_111 = tpu.memref_slice %arg4[%mul3A_30, %dma_wait3A_110] : memref<16384x32xf32, #tpu.memory_space<hbm>> -> memref<128x32xf32, #tpu.memory_space<hbm>>
      %dma_wait3A_112 = arith.constant 0 : i32
      %dma_wait3A_113 = tpu.memref_slice %arg4[%mul3A_30, %dma_wait3A_112] : memref<16384x32xf32, #tpu.memory_space<hbm>> -> memref<128x32xf32, #tpu.memory_space<hbm>>
      tpu.wait_dma2 semaphore(%run_scoped3A : memref<!tpu.dma_semaphore, #tpu.memory_space<semaphore_mem>>) src(%dma_wait3A_113 : memref<128x32xf32, #tpu.memory_space<hbm>>) dst(%arg9 : memref<128x32xf32, #tpu.memory_space<vmem>>)
      tpu.yield
    }) : () -> ()
    %dma_wait3A_38 = arith.constant 1 : i32
    %dma_wait3A_39 = arith.constant 0 : i32
    %dma_wait3A_40 = tpu.memref_slice %arg7[%dma_wait3A_38, %dma_wait3A_39] : memref<4x128xi32, #tpu.memory_space<vmem>> -> memref<1x128xi32, #tpu.memory_space<vmem>>
    %dma_wait3A_41 = tpu.memref_squeeze %dma_wait3A_40 : memref<1x128xi32, #tpu.memory_space<vmem>> -> memref<128xi32, #tpu.memory_space<vmem>>
    %dma_wait3A_42 = arith.constant 0 : i32
    %dma_wait3A_43 = arith.constant 0 : i32
    %dma_wait3A_44 = tpu.memref_slice %arg2[%dma_wait3A_42, %dma_wait3A_43] : memref<8192x128xf32, #tpu.memory_space<hbm>> -> memref<8192x128xf32, #tpu.memory_space<hbm>>
    tpu.wait_indirect_dma semaphore(%arg12 : memref<!tpu.dma_semaphore, #tpu.memory_space<semaphore_mem>>) src(%dma_wait3A_44 : memref<8192x128xf32, #tpu.memory_space<hbm>>) dst(%arg8 : memref<128x128xf32, #tpu.memory_space<vmem>>)
    %scan3A_45 = arith.constant 0 : i32
    %scan3A_46 = arith.constant 0 : i32
    %scan3A_47 = arith.constant 128 : i32
    %scan3A_48 = arith.addi %scan3A_46, %scan3A_47 : i32
    %scan3A_49 = arith.constant 1 : i32
    %scan3A_50 = scf.for %scan3A_106 = %scan3A_46 to %scan3A_48 step %scan3A_49 iter_args(%scan3A_107 = %scan3A_45) -> (i32)  : i32 {
      %get3A = arith.index_cast %scan3A_106 : i32 to index
      %get3A_108 = arith.constant 0 : index
      %get3A_109 = tpu.vector_load %arg8[%get3A, %get3A_108] {strides = array<i32>} : memref<128x128xf32, #tpu.memory_space<vmem>>, vector<1x16xf32>,
      %get3A_110 = vector.shape_cast %get3A_109 : vector<1x16xf32> to vector<16xf32>
      %get3A_111 = arith.index_cast %scan3A_106 : i32 to index
      %get3A_112 = arith.constant 0 : index
      %get3A_113 = tpu.vector_load %arg9[%get3A_111, %get3A_112] {strides = array<i32>} : memref<128x32xf32, #tpu.memory_space<vmem>>, vector<1x16xf32>,
      %get3A_114 = vector.shape_cast %get3A_113 : vector<1x16xf32> to vector<16xf32>
      %sub3A = arith.subf %get3A_114, %get3A_110 : vector<16xf32>
      %swap3A = arith.index_cast %scan3A_106 : i32 to index
      %swap3A_115 = arith.constant 0 : index
      %swap3A_116 = tpu.vector_load %arg11[%swap3A, %swap3A_115] {strides = array<i32>} : memref<128x32xf32, #tpu.memory_space<vmem>>, vector<1x16xf32>,
      %swap3A_117 = vector.shape_cast %swap3A_116 : vector<1x16xf32> to vector<16xf32>
      %swap3A_118 = vector.shape_cast %sub3A : vector<16xf32> to vector<1x16xf32>
      tpu.vector_store %arg11[%swap3A, %swap3A_115], %swap3A_118 {strides = array<i32>} : memref<128x32xf32, #tpu.memory_space<vmem>>, vector<1x16xf32>,
      %get3A_119 = arith.index_cast %scan3A_106 : i32 to index
      %get3A_120 = arith.constant 16 : index
      %get3A_121 = tpu.vector_load %arg8[%get3A_119, %get3A_120] {strides = array<i32>} : memref<128x128xf32, #tpu.memory_space<vmem>>, vector<1x16xf32>,
      %get3A_122 = vector.shape_cast %get3A_121 : vector<1x16xf32> to vector<16xf32>
      %get3A_123 = arith.index_cast %scan3A_106 : i32 to index
      %get3A_124 = arith.constant 16 : index
      %get3A_125 = tpu.vector_load %arg9[%get3A_123, %get3A_124] {strides = array<i32>} : memref<128x32xf32, #tpu.memory_space<vmem>>, vector<1x16xf32>,
      %get3A_126 = vector.shape_cast %get3A_125 : vector<1x16xf32> to vector<16xf32>
      %sub3A_127 = arith.subf %get3A_126, %get3A_122 : vector<16xf32>
      %swap3A_128 = arith.index_cast %scan3A_106 : i32 to index
      %swap3A_129 = arith.constant 16 : index
      %swap3A_130 = tpu.vector_load %arg11[%swap3A_128, %swap3A_129] {strides = array<i32>} : memref<128x32xf32, #tpu.memory_space<vmem>>, vector<1x16xf32>,
      %swap3A_131 = vector.shape_cast %swap3A_130 : vector<1x16xf32> to vector<16xf32>
      %swap3A_132 = vector.shape_cast %sub3A_127 : vector<16xf32> to vector<1x16xf32>
      tpu.vector_store %arg11[%swap3A_128, %swap3A_129], %swap3A_132 {strides = array<i32>} : memref<128x32xf32, #tpu.memory_space<vmem>>, vector<1x16xf32>,
      %scan3A_133 = arith.constant 0 : i32
      scf.yield %scan3A_133 : i32
    }
    %scan3A_51 = arith.constant 128 : i32
    "tpu.region"() ({
      %run_scoped3A = tpu.sem_alloc : memref<!tpu.dma_semaphore, #tpu.memory_space<semaphore_mem>>
      %dma_start3A_106 = arith.constant 0 : i32
      %dma_start3A_107 = tpu.memref_slice %arg6[%mul3A_30, %dma_start3A_106] : memref<16384x32xf32, #tpu.memory_space<hbm>> -> memref<128x32xf32, #tpu.memory_space<hbm>>
      %dma_start3A_108 = arith.constant 0 : i32
      %dma_start3A_109 = tpu.memref_slice %arg6[%mul3A_30, %dma_start3A_108] : memref<16384x32xf32, #tpu.memory_space<hbm>> -> memref<128x32xf32, #tpu.memory_space<hbm>>
      tpu.enqueue_dma source(%arg11 : memref<128x32xf32, #tpu.memory_space<vmem>>) target(%dma_start3A_109 : memref<128x32xf32, #tpu.memory_space<hbm>>) target_semaphore(%run_scoped3A : memref<!tpu.dma_semaphore, #tpu.memory_space<semaphore_mem>>)
      %dma_wait3A_110 = arith.constant 0 : i32
      %dma_wait3A_111 = tpu.memref_slice %arg6[%mul3A_30, %dma_wait3A_110] : memref<16384x32xf32, #tpu.memory_space<hbm>> -> memref<128x32xf32, #tpu.memory_space<hbm>>
      %dma_wait3A_112 = arith.constant 0 : i32
      %dma_wait3A_113 = tpu.memref_slice %arg6[%mul3A_30, %dma_wait3A_112] : memref<16384x32xf32, #tpu.memory_space<hbm>> -> memref<128x32xf32, #tpu.memory_space<hbm>>
      tpu.wait_dma2 semaphore(%run_scoped3A : memref<!tpu.dma_semaphore, #tpu.memory_space<semaphore_mem>>) src(%arg11 : memref<128x32xf32, #tpu.memory_space<vmem>>) dst(%dma_wait3A_113 : memref<128x32xf32, #tpu.memory_space<hbm>>)
      tpu.yield
    }) : () -> ()
    %mul3A_52 = arith.constant 4 : i32
    %mul3A_53 = arith.muli %add3A, %mul3A_52 : i32
    %add3A_54 = arith.constant 2 : i32
    %add3A_55 = arith.addi %mul3A_53, %add3A_54 : i32
    %mul3A_56 = arith.constant 128 : i32
    %mul3A_57 = arith.muli %add3A_55, %mul3A_56 : i32
    %dma_start3A_58 = arith.constant 2 : i32
    %dma_start3A_59 = arith.constant 0 : i32
    %dma_start3A_60 = tpu.memref_slice %arg7[%dma_start3A_58, %dma_start3A_59] : memref<4x128xi32, #tpu.memory_space<vmem>> -> memref<1x128xi32, #tpu.memory_space<vmem>>
    %dma_start3A_61 = tpu.memref_squeeze %dma_start3A_60 : memref<1x128xi32, #tpu.memory_space<vmem>> -> memref<128xi32, #tpu.memory_space<vmem>>
    %dma_start3A_62 = arith.constant 0 : i32
    %dma_start3A_63 = arith.constant 0 : i32
    %dma_start3A_64 = tpu.memref_slice %arg2[%dma_start3A_62, %dma_start3A_63] : memref<8192x128xf32, #tpu.memory_space<hbm>> -> memref<8192x128xf32, #tpu.memory_space<hbm>>
    tpu.enqueue_indirect_dma source(%dma_start3A_64 : memref<8192x128xf32, #tpu.memory_space<hbm>>) target(%arg8 : memref<128x128xf32, #tpu.memory_space<vmem>>) offsets(%dma_start3A_61 : memref<128xi32, #tpu.memory_space<vmem>>) semaphore(%arg12 : memref<!tpu.dma_semaphore, #tpu.memory_space<semaphore_mem>>)
    "tpu.region"() ({
      %run_scoped3A = tpu.sem_alloc : memref<!tpu.dma_semaphore, #tpu.memory_space<semaphore_mem>>
      %dma_start3A_106 = arith.constant 0 : i32
      %dma_start3A_107 = tpu.memref_slice %arg4[%mul3A_57, %dma_start3A_106] : memref<16384x32xf32, #tpu.memory_space<hbm>> -> memref<128x32xf32, #tpu.memory_space<hbm>>
      %dma_start3A_108 = arith.constant 0 : i32
      %dma_start3A_109 = tpu.memref_slice %arg4[%mul3A_57, %dma_start3A_108] : memref<16384x32xf32, #tpu.memory_space<hbm>> -> memref<128x32xf32, #tpu.memory_space<hbm>>
      tpu.enqueue_dma source(%dma_start3A_109 : memref<128x32xf32, #tpu.memory_space<hbm>>) target(%arg9 : memref<128x32xf32, #tpu.memory_space<vmem>>) target_semaphore(%run_scoped3A : memref<!tpu.dma_semaphore, #tpu.memory_space<semaphore_mem>>)
      %dma_wait3A_110 = arith.constant 0 : i32
      %dma_wait3A_111 = tpu.memref_slice %arg4[%mul3A_57, %dma_wait3A_110] : memref<16384x32xf32, #tpu.memory_space<hbm>> -> memref<128x32xf32, #tpu.memory_space<hbm>>
      %dma_wait3A_112 = arith.constant 0 : i32
      %dma_wait3A_113 = tpu.memref_slice %arg4[%mul3A_57, %dma_wait3A_112] : memref<16384x32xf32, #tpu.memory_space<hbm>> -> memref<128x32xf32, #tpu.memory_space<hbm>>
      tpu.wait_dma2 semaphore(%run_scoped3A : memref<!tpu.dma_semaphore, #tpu.memory_space<semaphore_mem>>) src(%dma_wait3A_113 : memref<128x32xf32, #tpu.memory_space<hbm>>) dst(%arg9 : memref<128x32xf32, #tpu.memory_space<vmem>>)
      tpu.yield
    }) : () -> ()
    %dma_wait3A_65 = arith.constant 2 : i32
    %dma_wait3A_66 = arith.constant 0 : i32
    %dma_wait3A_67 = tpu.memref_slice %arg7[%dma_wait3A_65, %dma_wait3A_66] : memref<4x128xi32, #tpu.memory_space<vmem>> -> memref<1x128xi32, #tpu.memory_space<vmem>>
    %dma_wait3A_68 = tpu.memref_squeeze %dma_wait3A_67 : memref<1x128xi32, #tpu.memory_space<vmem>> -> memref<128xi32, #tpu.memory_space<vmem>>
    %dma_wait3A_69 = arith.constant 0 : i32
    %dma_wait3A_70 = arith.constant 0 : i32
    %dma_wait3A_71 = tpu.memref_slice %arg2[%dma_wait3A_69, %dma_wait3A_70] : memref<8192x128xf32, #tpu.memory_space<hbm>> -> memref<8192x128xf32, #tpu.memory_space<hbm>>
    tpu.wait_indirect_dma semaphore(%arg12 : memref<!tpu.dma_semaphore, #tpu.memory_space<semaphore_mem>>) src(%dma_wait3A_71 : memref<8192x128xf32, #tpu.memory_space<hbm>>) dst(%arg8 : memref<128x128xf32, #tpu.memory_space<vmem>>)
    %scan3A_72 = arith.constant 0 : i32
    %scan3A_73 = arith.constant 0 : i32
    %scan3A_74 = arith.constant 128 : i32
    %scan3A_75 = arith.addi %scan3A_73, %scan3A_74 : i32
    %scan3A_76 = arith.constant 1 : i32
    %scan3A_77 = scf.for %scan3A_106 = %scan3A_73 to %scan3A_75 step %scan3A_76 iter_args(%scan3A_107 = %scan3A_72) -> (i32)  : i32 {
      %get3A = arith.index_cast %scan3A_106 : i32 to index
      %get3A_108 = arith.constant 0 : index
      %get3A_109 = tpu.vector_load %arg8[%get3A, %get3A_108] {strides = array<i32>} : memref<128x128xf32, #tpu.memory_space<vmem>>, vector<1x16xf32>,
      %get3A_110 = vector.shape_cast %get3A_109 : vector<1x16xf32> to vector<16xf32>
      %get3A_111 = arith.index_cast %scan3A_106 : i32 to index
      %get3A_112 = arith.constant 0 : index
      %get3A_113 = tpu.vector_load %arg9[%get3A_111, %get3A_112] {strides = array<i32>} : memref<128x32xf32, #tpu.memory_space<vmem>>, vector<1x16xf32>,
      %get3A_114 = vector.shape_cast %get3A_113 : vector<1x16xf32> to vector<16xf32>
      %sub3A = arith.subf %get3A_114, %get3A_110 : vector<16xf32>
      %swap3A = arith.index_cast %scan3A_106 : i32 to index
      %swap3A_115 = arith.constant 0 : index
      %swap3A_116 = tpu.vector_load %arg11[%swap3A, %swap3A_115] {strides = array<i32>} : memref<128x32xf32, #tpu.memory_space<vmem>>, vector<1x16xf32>,
      %swap3A_117 = vector.shape_cast %swap3A_116 : vector<1x16xf32> to vector<16xf32>
      %swap3A_118 = vector.shape_cast %sub3A : vector<16xf32> to vector<1x16xf32>
      tpu.vector_store %arg11[%swap3A, %swap3A_115], %swap3A_118 {strides = array<i32>} : memref<128x32xf32, #tpu.memory_space<vmem>>, vector<1x16xf32>,
      %get3A_119 = arith.index_cast %scan3A_106 : i32 to index
      %get3A_120 = arith.constant 16 : index
      %get3A_121 = tpu.vector_load %arg8[%get3A_119, %get3A_120] {strides = array<i32>} : memref<128x128xf32, #tpu.memory_space<vmem>>, vector<1x16xf32>,
      %get3A_122 = vector.shape_cast %get3A_121 : vector<1x16xf32> to vector<16xf32>
      %get3A_123 = arith.index_cast %scan3A_106 : i32 to index
      %get3A_124 = arith.constant 16 : index
      %get3A_125 = tpu.vector_load %arg9[%get3A_123, %get3A_124] {strides = array<i32>} : memref<128x32xf32, #tpu.memory_space<vmem>>, vector<1x16xf32>,
      %get3A_126 = vector.shape_cast %get3A_125 : vector<1x16xf32> to vector<16xf32>
      %sub3A_127 = arith.subf %get3A_126, %get3A_122 : vector<16xf32>
      %swap3A_128 = arith.index_cast %scan3A_106 : i32 to index
      %swap3A_129 = arith.constant 16 : index
      %swap3A_130 = tpu.vector_load %arg11[%swap3A_128, %swap3A_129] {strides = array<i32>} : memref<128x32xf32, #tpu.memory_space<vmem>>, vector<1x16xf32>,
      %swap3A_131 = vector.shape_cast %swap3A_130 : vector<1x16xf32> to vector<16xf32>
      %swap3A_132 = vector.shape_cast %sub3A_127 : vector<16xf32> to vector<1x16xf32>
      tpu.vector_store %arg11[%swap3A_128, %swap3A_129], %swap3A_132 {strides = array<i32>} : memref<128x32xf32, #tpu.memory_space<vmem>>, vector<1x16xf32>,
      %scan3A_133 = arith.constant 0 : i32
      scf.yield %scan3A_133 : i32
    }
    %scan3A_78 = arith.constant 128 : i32
    "tpu.region"() ({
      %run_scoped3A = tpu.sem_alloc : memref<!tpu.dma_semaphore, #tpu.memory_space<semaphore_mem>>
      %dma_start3A_106 = arith.constant 0 : i32
      %dma_start3A_107 = tpu.memref_slice %arg6[%mul3A_57, %dma_start3A_106] : memref<16384x32xf32, #tpu.memory_space<hbm>> -> memref<128x32xf32, #tpu.memory_space<hbm>>
      %dma_start3A_108 = arith.constant 0 : i32
      %dma_start3A_109 = tpu.memref_slice %arg6[%mul3A_57, %dma_start3A_108] : memref<16384x32xf32, #tpu.memory_space<hbm>> -> memref<128x32xf32, #tpu.memory_space<hbm>>
      tpu.enqueue_dma source(%arg11 : memref<128x32xf32, #tpu.memory_space<vmem>>) target(%dma_start3A_109 : memref<128x32xf32, #tpu.memory_space<hbm>>) target_semaphore(%run_scoped3A : memref<!tpu.dma_semaphore, #tpu.memory_space<semaphore_mem>>)
      %dma_wait3A_110 = arith.constant 0 : i32
      %dma_wait3A_111 = tpu.memref_slice %arg6[%mul3A_57, %dma_wait3A_110] : memref<16384x32xf32, #tpu.memory_space<hbm>> -> memref<128x32xf32, #tpu.memory_space<hbm>>
      %dma_wait3A_112 = arith.constant 0 : i32
      %dma_wait3A_113 = tpu.memref_slice %arg6[%mul3A_57, %dma_wait3A_112] : memref<16384x32xf32, #tpu.memory_space<hbm>> -> memref<128x32xf32, #tpu.memory_space<hbm>>
      tpu.wait_dma2 semaphore(%run_scoped3A : memref<!tpu.dma_semaphore, #tpu.memory_space<semaphore_mem>>) src(%arg11 : memref<128x32xf32, #tpu.memory_space<vmem>>) dst(%dma_wait3A_113 : memref<128x32xf32, #tpu.memory_space<hbm>>)
      tpu.yield
    }) : () -> ()
    %mul3A_79 = arith.constant 4 : i32
    %mul3A_80 = arith.muli %add3A, %mul3A_79 : i32
    %add3A_81 = arith.constant 3 : i32
    %add3A_82 = arith.addi %mul3A_80, %add3A_81 : i32
    %mul3A_83 = arith.constant 128 : i32
    %mul3A_84 = arith.muli %add3A_82, %mul3A_83 : i32
    %dma_start3A_85 = arith.constant 3 : i32
    %dma_start3A_86 = arith.constant 0 : i32
    %dma_start3A_87 = tpu.memref_slice %arg7[%dma_start3A_85, %dma_start3A_86] : memref<4x128xi32, #tpu.memory_space<vmem>> -> memref<1x128xi32, #tpu.memory_space<vmem>>
    %dma_start3A_88 = tpu.memref_squeeze %dma_start3A_87 : memref<1x128xi32, #tpu.memory_space<vmem>> -> memref<128xi32, #tpu.memory_space<vmem>>
    %dma_start3A_89 = arith.constant 0 : i32
    %dma_start3A_90 = arith.constant 0 : i32
    %dma_start3A_91 = tpu.memref_slice %arg2[%dma_start3A_89, %dma_start3A_90] : memref<8192x128xf32, #tpu.memory_space<hbm>> -> memref<8192x128xf32, #tpu.memory_space<hbm>>
    tpu.enqueue_indirect_dma source(%dma_start3A_91 : memref<8192x128xf32, #tpu.memory_space<hbm>>) target(%arg8 : memref<128x128xf32, #tpu.memory_space<vmem>>) offsets(%dma_start3A_88 : memref<128xi32, #tpu.memory_space<vmem>>) semaphore(%arg12 : memref<!tpu.dma_semaphore, #tpu.memory_space<semaphore_mem>>)
    "tpu.region"() ({
      %run_scoped3A = tpu.sem_alloc : memref<!tpu.dma_semaphore, #tpu.memory_space<semaphore_mem>>
      %dma_start3A_106 = arith.constant 0 : i32
      %dma_start3A_107 = tpu.memref_slice %arg4[%mul3A_84, %dma_start3A_106] : memref<16384x32xf32, #tpu.memory_space<hbm>> -> memref<128x32xf32, #tpu.memory_space<hbm>>
      %dma_start3A_108 = arith.constant 0 : i32
      %dma_start3A_109 = tpu.memref_slice %arg4[%mul3A_84, %dma_start3A_108] : memref<16384x32xf32, #tpu.memory_space<hbm>> -> memref<128x32xf32, #tpu.memory_space<hbm>>
      tpu.enqueue_dma source(%dma_start3A_109 : memref<128x32xf32, #tpu.memory_space<hbm>>) target(%arg9 : memref<128x32xf32, #tpu.memory_space<vmem>>) target_semaphore(%run_scoped3A : memref<!tpu.dma_semaphore, #tpu.memory_space<semaphore_mem>>)
      %dma_wait3A_110 = arith.constant 0 : i32
      %dma_wait3A_111 = tpu.memref_slice %arg4[%mul3A_84, %dma_wait3A_110] : memref<16384x32xf32, #tpu.memory_space<hbm>> -> memref<128x32xf32, #tpu.memory_space<hbm>>
      %dma_wait3A_112 = arith.constant 0 : i32
      %dma_wait3A_113 = tpu.memref_slice %arg4[%mul3A_84, %dma_wait3A_112] : memref<16384x32xf32, #tpu.memory_space<hbm>> -> memref<128x32xf32, #tpu.memory_space<hbm>>
      tpu.wait_dma2 semaphore(%run_scoped3A : memref<!tpu.dma_semaphore, #tpu.memory_space<semaphore_mem>>) src(%dma_wait3A_113 : memref<128x32xf32, #tpu.memory_space<hbm>>) dst(%arg9 : memref<128x32xf32, #tpu.memory_space<vmem>>)
      tpu.yield
    }) : () -> ()
    %dma_wait3A_92 = arith.constant 3 : i32
    %dma_wait3A_93 = arith.constant 0 : i32
    %dma_wait3A_94 = tpu.memref_slice %arg7[%dma_wait3A_92, %dma_wait3A_93] : memref<4x128xi32, #tpu.memory_space<vmem>> -> memref<1x128xi32, #tpu.memory_space<vmem>>
    %dma_wait3A_95 = tpu.memref_squeeze %dma_wait3A_94 : memref<1x128xi32, #tpu.memory_space<vmem>> -> memref<128xi32, #tpu.memory_space<vmem>>
    %dma_wait3A_96 = arith.constant 0 : i32
    %dma_wait3A_97 = arith.constant 0 : i32
    %dma_wait3A_98 = tpu.memref_slice %arg2[%dma_wait3A_96, %dma_wait3A_97] : memref<8192x128xf32, #tpu.memory_space<hbm>> -> memref<8192x128xf32, #tpu.memory_space<hbm>>
    tpu.wait_indirect_dma semaphore(%arg12 : memref<!tpu.dma_semaphore, #tpu.memory_space<semaphore_mem>>) src(%dma_wait3A_98 : memref<8192x128xf32, #tpu.memory_space<hbm>>) dst(%arg8 : memref<128x128xf32, #tpu.memory_space<vmem>>)
    %scan3A_99 = arith.constant 0 : i32
    %scan3A_100 = arith.constant 0 : i32
    %scan3A_101 = arith.constant 128 : i32
    %scan3A_102 = arith.addi %scan3A_100, %scan3A_101 : i32
    %scan3A_103 = arith.constant 1 : i32
    %scan3A_104 = scf.for %scan3A_106 = %scan3A_100 to %scan3A_102 step %scan3A_103 iter_args(%scan3A_107 = %scan3A_99) -> (i32)  : i32 {
      %get3A = arith.index_cast %scan3A_106 : i32 to index
      %get3A_108 = arith.constant 0 : index
      %get3A_109 = tpu.vector_load %arg8[%get3A, %get3A_108] {strides = array<i32>} : memref<128x128xf32, #tpu.memory_space<vmem>>, vector<1x16xf32>,
      %get3A_110 = vector.shape_cast %get3A_109 : vector<1x16xf32> to vector<16xf32>
      %get3A_111 = arith.index_cast %scan3A_106 : i32 to index
      %get3A_112 = arith.constant 0 : index
      %get3A_113 = tpu.vector_load %arg9[%get3A_111, %get3A_112] {strides = array<i32>} : memref<128x32xf32, #tpu.memory_space<vmem>>, vector<1x16xf32>,
      %get3A_114 = vector.shape_cast %get3A_113 : vector<1x16xf32> to vector<16xf32>
      %sub3A = arith.subf %get3A_114, %get3A_110 : vector<16xf32>
      %swap3A = arith.index_cast %scan3A_106 : i32 to index
      %swap3A_115 = arith.constant 0 : index
      %swap3A_116 = tpu.vector_load %arg11[%swap3A, %swap3A_115] {strides = array<i32>} : memref<128x32xf32, #tpu.memory_space<vmem>>, vector<1x16xf32>,
      %swap3A_117 = vector.shape_cast %swap3A_116 : vector<1x16xf32> to vector<16xf32>
      %swap3A_118 = vector.shape_cast %sub3A : vector<16xf32> to vector<1x16xf32>
      tpu.vector_store %arg11[%swap3A, %swap3A_115], %swap3A_118 {strides = array<i32>} : memref<128x32xf32, #tpu.memory_space<vmem>>, vector<1x16xf32>,
      %get3A_119 = arith.index_cast %scan3A_106 : i32 to index
      %get3A_120 = arith.constant 16 : index
      %get3A_121 = tpu.vector_load %arg8[%get3A_119, %get3A_120] {strides = array<i32>} : memref<128x128xf32, #tpu.memory_space<vmem>>, vector<1x16xf32>,
      %get3A_122 = vector.shape_cast %get3A_121 : vector<1x16xf32> to vector<16xf32>
      %get3A_123 = arith.index_cast %scan3A_106 : i32 to index
      %get3A_124 = arith.constant 16 : index
      %get3A_125 = tpu.vector_load %arg9[%get3A_123, %get3A_124] {strides = array<i32>} : memref<128x32xf32, #tpu.memory_space<vmem>>, vector<1x16xf32>,
      %get3A_126 = vector.shape_cast %get3A_125 : vector<1x16xf32> to vector<16xf32>
      %sub3A_127 = arith.subf %get3A_126, %get3A_122 : vector<16xf32>
      %swap3A_128 = arith.index_cast %scan3A_106 : i32 to index
      %swap3A_129 = arith.constant 16 : index
      %swap3A_130 = tpu.vector_load %arg11[%swap3A_128, %swap3A_129] {strides = array<i32>} : memref<128x32xf32, #tpu.memory_space<vmem>>, vector<1x16xf32>,
      %swap3A_131 = vector.shape_cast %swap3A_130 : vector<1x16xf32> to vector<16xf32>
      %swap3A_132 = vector.shape_cast %sub3A_127 : vector<16xf32> to vector<1x16xf32>
      tpu.vector_store %arg11[%swap3A_128, %swap3A_129], %swap3A_132 {strides = array<i32>} : memref<128x32xf32, #tpu.memory_space<vmem>>, vector<1x16xf32>,
      %scan3A_133 = arith.constant 0 : i32
      scf.yield %scan3A_133 : i32
    }
    %scan3A_105 = arith.constant 128 : i32
    "tpu.region"() ({
      %run_scoped3A = tpu.sem_alloc : memref<!tpu.dma_semaphore, #tpu.memory_space<semaphore_mem>>
      %dma_start3A_106 = arith.constant 0 : i32
      %dma_start3A_107 = tpu.memref_slice %arg6[%mul3A_84, %dma_start3A_106] : memref<16384x32xf32, #tpu.memory_space<hbm>> -> memref<128x32xf32, #tpu.memory_space<hbm>>
      %dma_start3A_108 = arith.constant 0 : i32
      %dma_start3A_109 = tpu.memref_slice %arg6[%mul3A_84, %dma_start3A_108] : memref<16384x32xf32, #tpu.memory_space<hbm>> -> memref<128x32xf32, #tpu.memory_space<hbm>>
      tpu.enqueue_dma source(%arg11 : memref<128x32xf32, #tpu.memory_space<vmem>>) target(%dma_start3A_109 : memref<128x32xf32, #tpu.memory_space<hbm>>) target_semaphore(%run_scoped3A : memref<!tpu.dma_semaphore, #tpu.memory_space<semaphore_mem>>)
      %dma_wait3A_110 = arith.constant 0 : i32
      %dma_wait3A_111 = tpu.memref_slice %arg6[%mul3A_84, %dma_wait3A_110] : memref<16384x32xf32, #tpu.memory_space<hbm>> -> memref<128x32xf32, #tpu.memory_space<hbm>>
      %dma_wait3A_112 = arith.constant 0 : i32
      %dma_wait3A_113 = tpu.memref_slice %arg6[%mul3A_84, %dma_wait3A_112] : memref<16384x32xf32, #tpu.memory_space<hbm>> -> memref<128x32xf32, #tpu.memory_space<hbm>>
      tpu.wait_dma2 semaphore(%run_scoped3A : memref<!tpu.dma_semaphore, #tpu.memory_space<semaphore_mem>>) src(%arg11 : memref<128x32xf32, #tpu.memory_space<vmem>>) dst(%dma_wait3A_113 : memref<128x32xf32, #tpu.memory_space<hbm>>)
      tpu.yield
    }) : () -> ()
    return
  }
}

#map = affine_map<(d0, d1) -> (0, 0)>
#map1 = affine_map<(d0, d1) -> (0, 0, 0)>
module attributes {stable_mosaic.version = 14 : i64} {
  func.func @_sc_body(%arg0: i32, %arg1: i32, %arg2: memref<8192x128xf32, #tpu.memory_space<hbm>>, %arg3: memref<32x4x128xi32, #tpu.memory_space<hbm>>, %arg4: memref<16384x32xf32, #tpu.memory_space<hbm>>, %arg5: memref<16384x32xf32, #tpu.memory_space<hbm>>, %arg6: memref<16384x32xf32, #tpu.memory_space<hbm>>, %arg7: memref<4x128xi32, #tpu.memory_space<vmem>>, %arg8: memref<128x128xf32, #tpu.memory_space<vmem>>, %arg9: memref<128x32xf32, #tpu.memory_space<vmem>>, %arg10: memref<128x32xf32, #tpu.memory_space<vmem>>, %arg11: memref<128x32xf32, #tpu.memory_space<vmem>>, %arg12: memref<!tpu.dma_semaphore, #tpu.memory_space<semaphore_mem>>) attributes {dimension_semantics = [#tpu.dimension_semantics<core_parallel>, #tpu.dimension_semantics<subcore_parallel>], iteration_bounds = array<i64: 2, 16>, scalar_prefetch = 0 : i64, scratch_operands = 6 : i64, tpu.core_type = #tpu.core_type<sc_vector_subcore>, window_params = [{transform_indices = #map}, {transform_indices = #map1}, {transform_indices = #map}, {transform_indices = #map}, {transform_indices = #map}]} {
    %mul3A = arith.constant 2 : i32
    %mul3A_0 = arith.muli %arg1, %mul3A : i32
    %add3A = arith.addi %mul3A_0, %arg0 : i32
    "tpu.region"() ({
      %run_scoped3A = tpu.sem_alloc : memref<!tpu.dma_semaphore, #tpu.memory_space<semaphore_mem>>
      %dma_start3A_106 = arith.constant 0 : i32
      %dma_start3A_107 = arith.constant 0 : i32
      %dma_start3A_108 = tpu.memref_slice %arg3[%add3A, %dma_start3A_106, %dma_start3A_107] : memref<32x4x128xi32, #tpu.memory_space<hbm>> -> memref<1x4x128xi32, #tpu.memory_space<hbm>>
      %dma_start3A_109 = tpu.memref_squeeze %dma_start3A_108 : memref<1x4x128xi32, #tpu.memory_space<hbm>> -> memref<4x128xi32, #tpu.memory_space<hbm>>
      %dma_start3A_110 = arith.constant 0 : i32
      %dma_start3A_111 = arith.constant 0 : i32
      %dma_start3A_112 = tpu.memref_slice %arg3[%add3A, %dma_start3A_110, %dma_start3A_111] : memref<32x4x128xi32, #tpu.memory_space<hbm>> -> memref<1x4x128xi32, #tpu.memory_space<hbm>>
      %dma_start3A_113 = tpu.memref_squeeze %dma_start3A_112 : memref<1x4x128xi32, #tpu.memory_space<hbm>> -> memref<4x128xi32, #tpu.memory_space<hbm>>
      tpu.enqueue_dma source(%dma_start3A_113 : memref<4x128xi32, #tpu.memory_space<hbm>>) target(%arg7 : memref<4x128xi32, #tpu.memory_space<vmem>>) target_semaphore(%run_scoped3A : memref<!tpu.dma_semaphore, #tpu.memory_space<semaphore_mem>>)
      %dma_wait3A_114 = arith.constant 0 : i32
      %dma_wait3A_115 = arith.constant 0 : i32
      %dma_wait3A_116 = tpu.memref_slice %arg3[%add3A, %dma_wait3A_114, %dma_wait3A_115] : memref<32x4x128xi32, #tpu.memory_space<hbm>> -> memref<1x4x128xi32, #tpu.memory_space<hbm>>
      %dma_wait3A_117 = tpu.memref_squeeze %dma_wait3A_116 : memref<1x4x128xi32, #tpu.memory_space<hbm>> -> memref<4x128xi32, #tpu.memory_space<hbm>>
      %dma_wait3A_118 = arith.constant 0 : i32
      %dma_wait3A_119 = arith.constant 0 : i32
      %dma_wait3A_120 = tpu.memref_slice %arg3[%add3A, %dma_wait3A_118, %dma_wait3A_119] : memref<32x4x128xi32, #tpu.memory_space<hbm>> -> memref<1x4x128xi32, #tpu.memory_space<hbm>>
      %dma_wait3A_121 = tpu.memref_squeeze %dma_wait3A_120 : memref<1x4x128xi32, #tpu.memory_space<hbm>> -> memref<4x128xi32, #tpu.memory_space<hbm>>
      tpu.wait_dma2 semaphore(%run_scoped3A : memref<!tpu.dma_semaphore, #tpu.memory_space<semaphore_mem>>) src(%dma_wait3A_121 : memref<4x128xi32, #tpu.memory_space<hbm>>) dst(%arg7 : memref<4x128xi32, #tpu.memory_space<vmem>>)
      tpu.yield
    }) : () -> ()
    %mul3A_1 = arith.constant 4 : i32
    %mul3A_2 = arith.muli %add3A, %mul3A_1 : i32
    %add3A_3 = arith.constant 0 : i32
    %add3A_4 = arith.addi %mul3A_2, %add3A_3 : i32
    %mul3A_5 = arith.constant 128 : i32
    %mul3A_6 = arith.muli %add3A_4, %mul3A_5 : i32
    %dma_start3A = arith.constant 0 : i32
    %dma_start3A_7 = arith.constant 0 : i32
    %dma_start3A_8 = tpu.memref_slice %arg7[%dma_start3A, %dma_start3A_7] : memref<4x128xi32, #tpu.memory_space<vmem>> -> memref<1x128xi32, #tpu.memory_space<vmem>>
    %dma_start3A_9 = tpu.memref_squeeze %dma_start3A_8 : memref<1x128xi32, #tpu.memory_space<vmem>> -> memref<128xi32, #tpu.memory_space<vmem>>
    %dma_start3A_10 = arith.constant 0 : i32
    %dma_start3A_11 = arith.constant 0 : i32
    %dma_start3A_12 = tpu.memref_slice %arg2[%dma_start3A_10, %dma_start3A_11] : memref<8192x128xf32, #tpu.memory_space<hbm>> -> memref<8192x128xf32, #tpu.memory_space<hbm>>
    tpu.enqueue_indirect_dma source(%dma_start3A_12 : memref<8192x128xf32, #tpu.memory_space<hbm>>) target(%arg8 : memref<128x128xf32, #tpu.memory_space<vmem>>) offsets(%dma_start3A_9 : memref<128xi32, #tpu.memory_space<vmem>>) semaphore(%arg12 : memref<!tpu.dma_semaphore, #tpu.memory_space<semaphore_mem>>)
    "tpu.region"() ({
      %run_scoped3A = tpu.sem_alloc : memref<!tpu.dma_semaphore, #tpu.memory_space<semaphore_mem>>
      %dma_start3A_106 = arith.constant 0 : i32
      %dma_start3A_107 = tpu.memref_slice %arg4[%mul3A_6, %dma_start3A_106] : memref<16384x32xf32, #tpu.memory_space<hbm>> -> memref<128x32xf32, #tpu.memory_space<hbm>>
      %dma_start3A_108 = arith.constant 0 : i32
      %dma_start3A_109 = tpu.memref_slice %arg4[%mul3A_6, %dma_start3A_108] : memref<16384x32xf32, #tpu.memory_space<hbm>> -> memref<128x32xf32, #tpu.memory_space<hbm>>
      tpu.enqueue_dma source(%dma_start3A_109 : memref<128x32xf32, #tpu.memory_space<hbm>>) target(%arg9 : memref<128x32xf32, #tpu.memory_space<vmem>>) target_semaphore(%run_scoped3A : memref<!tpu.dma_semaphore, #tpu.memory_space<semaphore_mem>>)
      %dma_wait3A_110 = arith.constant 0 : i32
      %dma_wait3A_111 = tpu.memref_slice %arg4[%mul3A_6, %dma_wait3A_110] : memref<16384x32xf32, #tpu.memory_space<hbm>> -> memref<128x32xf32, #tpu.memory_space<hbm>>
      %dma_wait3A_112 = arith.constant 0 : i32
      %dma_wait3A_113 = tpu.memref_slice %arg4[%mul3A_6, %dma_wait3A_112] : memref<16384x32xf32, #tpu.memory_space<hbm>> -> memref<128x32xf32, #tpu.memory_space<hbm>>
      tpu.wait_dma2 semaphore(%run_scoped3A : memref<!tpu.dma_semaphore, #tpu.memory_space<semaphore_mem>>) src(%dma_wait3A_113 : memref<128x32xf32, #tpu.memory_space<hbm>>) dst(%arg9 : memref<128x32xf32, #tpu.memory_space<vmem>>)
      tpu.yield
    }) : () -> ()
    "tpu.region"() ({
      %run_scoped3A = tpu.sem_alloc : memref<!tpu.dma_semaphore, #tpu.memory_space<semaphore_mem>>
      %dma_start3A_106 = arith.constant 0 : i32
      %dma_start3A_107 = tpu.memref_slice %arg5[%mul3A_6, %dma_start3A_106] : memref<16384x32xf32, #tpu.memory_space<hbm>> -> memref<128x32xf32, #tpu.memory_space<hbm>>
      %dma_start3A_108 = arith.constant 0 : i32
      %dma_start3A_109 = tpu.memref_slice %arg5[%mul3A_6, %dma_start3A_108] : memref<16384x32xf32, #tpu.memory_space<hbm>> -> memref<128x32xf32, #tpu.memory_space<hbm>>
      tpu.enqueue_dma source(%dma_start3A_109 : memref<128x32xf32, #tpu.memory_space<hbm>>) target(%arg10 : memref<128x32xf32, #tpu.memory_space<vmem>>) target_semaphore(%run_scoped3A : memref<!tpu.dma_semaphore, #tpu.memory_space<semaphore_mem>>)
      %dma_wait3A_110 = arith.constant 0 : i32
      %dma_wait3A_111 = tpu.memref_slice %arg5[%mul3A_6, %dma_wait3A_110] : memref<16384x32xf32, #tpu.memory_space<hbm>> -> memref<128x32xf32, #tpu.memory_space<hbm>>
      %dma_wait3A_112 = arith.constant 0 : i32
      %dma_wait3A_113 = tpu.memref_slice %arg5[%mul3A_6, %dma_wait3A_112] : memref<16384x32xf32, #tpu.memory_space<hbm>> -> memref<128x32xf32, #tpu.memory_space<hbm>>
      tpu.wait_dma2 semaphore(%run_scoped3A : memref<!tpu.dma_semaphore, #tpu.memory_space<semaphore_mem>>) src(%dma_wait3A_113 : memref<128x32xf32, #tpu.memory_space<hbm>>) dst(%arg10 : memref<128x32xf32, #tpu.memory_space<vmem>>)
      tpu.yield
    }) : () -> ()
    %dma_wait3A = arith.constant 0 : i32
    %dma_wait3A_13 = arith.constant 0 : i32
    %dma_wait3A_14 = tpu.memref_slice %arg7[%dma_wait3A, %dma_wait3A_13] : memref<4x128xi32, #tpu.memory_space<vmem>> -> memref<1x128xi32, #tpu.memory_space<vmem>>
    %dma_wait3A_15 = tpu.memref_squeeze %dma_wait3A_14 : memref<1x128xi32, #tpu.memory_space<vmem>> -> memref<128xi32, #tpu.memory_space<vmem>>
    %dma_wait3A_16 = arith.constant 0 : i32
    %dma_wait3A_17 = arith.constant 0 : i32
    %dma_wait3A_18 = tpu.memref_slice %arg2[%dma_wait3A_16, %dma_wait3A_17] : memref<8192x128xf32, #tpu.memory_space<hbm>> -> memref<8192x128xf32, #tpu.memory_space<hbm>>
    tpu.wait_indirect_dma semaphore(%arg12 : memref<!tpu.dma_semaphore, #tpu.memory_space<semaphore_mem>>) src(%dma_wait3A_18 : memref<8192x128xf32, #tpu.memory_space<hbm>>) dst(%arg8 : memref<128x128xf32, #tpu.memory_space<vmem>>)
    %scan3A = arith.constant 0 : i32
    %scan3A_19 = arith.constant 0 : i32
    %scan3A_20 = arith.constant 128 : i32
    %scan3A_21 = arith.addi %scan3A_19, %scan3A_20 : i32
    %scan3A_22 = arith.constant 1 : i32
    %scan3A_23 = scf.for %scan3A_106 = %scan3A_19 to %scan3A_21 step %scan3A_22 iter_args(%scan3A_107 = %scan3A) -> (i32)  : i32 {
      %get3A = arith.index_cast %scan3A_106 : i32 to index
      %get3A_108 = arith.constant 0 : index
      %get3A_109 = tpu.vector_load %arg8[%get3A, %get3A_108] {strides = array<i32>} : memref<128x128xf32, #tpu.memory_space<vmem>>, vector<1x16xf32>,
      %get3A_110 = vector.shape_cast %get3A_109 : vector<1x16xf32> to vector<16xf32>
      %get3A_111 = arith.index_cast %scan3A_106 : i32 to index
      %get3A_112 = arith.constant 0 : index
      %get3A_113 = tpu.vector_load %arg10[%get3A_111, %get3A_112] {strides = array<i32>} : memref<128x32xf32, #tpu.memory_space<vmem>>, vector<1x16xf32>,
      %get3A_114 = vector.shape_cast %get3A_113 : vector<1x16xf32> to vector<16xf32>
      %get3A_115 = arith.index_cast %scan3A_106 : i32 to index
      %get3A_116 = arith.constant 0 : index
      %get3A_117 = tpu.vector_load %arg9[%get3A_115, %get3A_116] {strides = array<i32>} : memref<128x32xf32, #tpu.memory_space<vmem>>, vector<1x16xf32>,
      %get3A_118 = vector.shape_cast %get3A_117 : vector<1x16xf32> to vector<16xf32>
      %sub3A = arith.subf %get3A_114, %get3A_118 : vector<16xf32>
      %add3A_119 = arith.addf %sub3A, %get3A_110 : vector<16xf32>
      %swap3A = arith.index_cast %scan3A_106 : i32 to index
      %swap3A_120 = arith.constant 0 : index
      %swap3A_121 = tpu.vector_load %arg11[%swap3A, %swap3A_120] {strides = array<i32>} : memref<128x32xf32, #tpu.memory_space<vmem>>, vector<1x16xf32>,
      %swap3A_122 = vector.shape_cast %swap3A_121 : vector<1x16xf32> to vector<16xf32>
      %swap3A_123 = vector.shape_cast %add3A_119 : vector<16xf32> to vector<1x16xf32>
      tpu.vector_store %arg11[%swap3A, %swap3A_120], %swap3A_123 {strides = array<i32>} : memref<128x32xf32, #tpu.memory_space<vmem>>, vector<1x16xf32>,
      %get3A_124 = arith.index_cast %scan3A_106 : i32 to index
      %get3A_125 = arith.constant 16 : index
      %get3A_126 = tpu.vector_load %arg8[%get3A_124, %get3A_125] {strides = array<i32>} : memref<128x128xf32, #tpu.memory_space<vmem>>, vector<1x16xf32>,
      %get3A_127 = vector.shape_cast %get3A_126 : vector<1x16xf32> to vector<16xf32>
      %get3A_128 = arith.index_cast %scan3A_106 : i32 to index
      %get3A_129 = arith.constant 16 : index
      %get3A_130 = tpu.vector_load %arg10[%get3A_128, %get3A_129] {strides = array<i32>} : memref<128x32xf32, #tpu.memory_space<vmem>>, vector<1x16xf32>,
      %get3A_131 = vector.shape_cast %get3A_130 : vector<1x16xf32> to vector<16xf32>
      %get3A_132 = arith.index_cast %scan3A_106 : i32 to index
      %get3A_133 = arith.constant 16 : index
      %get3A_134 = tpu.vector_load %arg9[%get3A_132, %get3A_133] {strides = array<i32>} : memref<128x32xf32, #tpu.memory_space<vmem>>, vector<1x16xf32>,
      %get3A_135 = vector.shape_cast %get3A_134 : vector<1x16xf32> to vector<16xf32>
      %sub3A_136 = arith.subf %get3A_131, %get3A_135 : vector<16xf32>
      %add3A_137 = arith.addf %sub3A_136, %get3A_127 : vector<16xf32>
      %swap3A_138 = arith.index_cast %scan3A_106 : i32 to index
      %swap3A_139 = arith.constant 16 : index
      %swap3A_140 = tpu.vector_load %arg11[%swap3A_138, %swap3A_139] {strides = array<i32>} : memref<128x32xf32, #tpu.memory_space<vmem>>, vector<1x16xf32>,
      %swap3A_141 = vector.shape_cast %swap3A_140 : vector<1x16xf32> to vector<16xf32>
      %swap3A_142 = vector.shape_cast %add3A_137 : vector<16xf32> to vector<1x16xf32>
      tpu.vector_store %arg11[%swap3A_138, %swap3A_139], %swap3A_142 {strides = array<i32>} : memref<128x32xf32, #tpu.memory_space<vmem>>, vector<1x16xf32>,
      %scan3A_143 = arith.constant 0 : i32
      scf.yield %scan3A_143 : i32
    }
    %scan3A_24 = arith.constant 128 : i32
    "tpu.region"() ({
      %run_scoped3A = tpu.sem_alloc : memref<!tpu.dma_semaphore, #tpu.memory_space<semaphore_mem>>
      %dma_start3A_106 = arith.constant 0 : i32
      %dma_start3A_107 = tpu.memref_slice %arg6[%mul3A_6, %dma_start3A_106] : memref<16384x32xf32, #tpu.memory_space<hbm>> -> memref<128x32xf32, #tpu.memory_space<hbm>>
      %dma_start3A_108 = arith.constant 0 : i32
      %dma_start3A_109 = tpu.memref_slice %arg6[%mul3A_6, %dma_start3A_108] : memref<16384x32xf32, #tpu.memory_space<hbm>> -> memref<128x32xf32, #tpu.memory_space<hbm>>
      tpu.enqueue_dma source(%arg11 : memref<128x32xf32, #tpu.memory_space<vmem>>) target(%dma_start3A_109 : memref<128x32xf32, #tpu.memory_space<hbm>>) target_semaphore(%run_scoped3A : memref<!tpu.dma_semaphore, #tpu.memory_space<semaphore_mem>>)
      %dma_wait3A_110 = arith.constant 0 : i32
      %dma_wait3A_111 = tpu.memref_slice %arg6[%mul3A_6, %dma_wait3A_110] : memref<16384x32xf32, #tpu.memory_space<hbm>> -> memref<128x32xf32, #tpu.memory_space<hbm>>
      %dma_wait3A_112 = arith.constant 0 : i32
      %dma_wait3A_113 = tpu.memref_slice %arg6[%mul3A_6, %dma_wait3A_112] : memref<16384x32xf32, #tpu.memory_space<hbm>> -> memref<128x32xf32, #tpu.memory_space<hbm>>
      tpu.wait_dma2 semaphore(%run_scoped3A : memref<!tpu.dma_semaphore, #tpu.memory_space<semaphore_mem>>) src(%arg11 : memref<128x32xf32, #tpu.memory_space<vmem>>) dst(%dma_wait3A_113 : memref<128x32xf32, #tpu.memory_space<hbm>>)
      tpu.yield
    }) : () -> ()
    %mul3A_25 = arith.constant 4 : i32
    %mul3A_26 = arith.muli %add3A, %mul3A_25 : i32
    %add3A_27 = arith.constant 1 : i32
    %add3A_28 = arith.addi %mul3A_26, %add3A_27 : i32
    %mul3A_29 = arith.constant 128 : i32
    %mul3A_30 = arith.muli %add3A_28, %mul3A_29 : i32
    %dma_start3A_31 = arith.constant 1 : i32
    %dma_start3A_32 = arith.constant 0 : i32
    %dma_start3A_33 = tpu.memref_slice %arg7[%dma_start3A_31, %dma_start3A_32] : memref<4x128xi32, #tpu.memory_space<vmem>> -> memref<1x128xi32, #tpu.memory_space<vmem>>
    %dma_start3A_34 = tpu.memref_squeeze %dma_start3A_33 : memref<1x128xi32, #tpu.memory_space<vmem>> -> memref<128xi32, #tpu.memory_space<vmem>>
    %dma_start3A_35 = arith.constant 0 : i32
    %dma_start3A_36 = arith.constant 0 : i32
    %dma_start3A_37 = tpu.memref_slice %arg2[%dma_start3A_35, %dma_start3A_36] : memref<8192x128xf32, #tpu.memory_space<hbm>> -> memref<8192x128xf32, #tpu.memory_space<hbm>>
    tpu.enqueue_indirect_dma source(%dma_start3A_37 : memref<8192x128xf32, #tpu.memory_space<hbm>>) target(%arg8 : memref<128x128xf32, #tpu.memory_space<vmem>>) offsets(%dma_start3A_34 : memref<128xi32, #tpu.memory_space<vmem>>) semaphore(%arg12 : memref<!tpu.dma_semaphore, #tpu.memory_space<semaphore_mem>>)
    "tpu.region"() ({
      %run_scoped3A = tpu.sem_alloc : memref<!tpu.dma_semaphore, #tpu.memory_space<semaphore_mem>>
      %dma_start3A_106 = arith.constant 0 : i32
      %dma_start3A_107 = tpu.memref_slice %arg4[%mul3A_30, %dma_start3A_106] : memref<16384x32xf32, #tpu.memory_space<hbm>> -> memref<128x32xf32, #tpu.memory_space<hbm>>
      %dma_start3A_108 = arith.constant 0 : i32
      %dma_start3A_109 = tpu.memref_slice %arg4[%mul3A_30, %dma_start3A_108] : memref<16384x32xf32, #tpu.memory_space<hbm>> -> memref<128x32xf32, #tpu.memory_space<hbm>>
      tpu.enqueue_dma source(%dma_start3A_109 : memref<128x32xf32, #tpu.memory_space<hbm>>) target(%arg9 : memref<128x32xf32, #tpu.memory_space<vmem>>) target_semaphore(%run_scoped3A : memref<!tpu.dma_semaphore, #tpu.memory_space<semaphore_mem>>)
      %dma_wait3A_110 = arith.constant 0 : i32
      %dma_wait3A_111 = tpu.memref_slice %arg4[%mul3A_30, %dma_wait3A_110] : memref<16384x32xf32, #tpu.memory_space<hbm>> -> memref<128x32xf32, #tpu.memory_space<hbm>>
      %dma_wait3A_112 = arith.constant 0 : i32
      %dma_wait3A_113 = tpu.memref_slice %arg4[%mul3A_30, %dma_wait3A_112] : memref<16384x32xf32, #tpu.memory_space<hbm>> -> memref<128x32xf32, #tpu.memory_space<hbm>>
      tpu.wait_dma2 semaphore(%run_scoped3A : memref<!tpu.dma_semaphore, #tpu.memory_space<semaphore_mem>>) src(%dma_wait3A_113 : memref<128x32xf32, #tpu.memory_space<hbm>>) dst(%arg9 : memref<128x32xf32, #tpu.memory_space<vmem>>)
      tpu.yield
    }) : () -> ()
    "tpu.region"() ({
      %run_scoped3A = tpu.sem_alloc : memref<!tpu.dma_semaphore, #tpu.memory_space<semaphore_mem>>
      %dma_start3A_106 = arith.constant 0 : i32
      %dma_start3A_107 = tpu.memref_slice %arg5[%mul3A_30, %dma_start3A_106] : memref<16384x32xf32, #tpu.memory_space<hbm>> -> memref<128x32xf32, #tpu.memory_space<hbm>>
      %dma_start3A_108 = arith.constant 0 : i32
      %dma_start3A_109 = tpu.memref_slice %arg5[%mul3A_30, %dma_start3A_108] : memref<16384x32xf32, #tpu.memory_space<hbm>> -> memref<128x32xf32, #tpu.memory_space<hbm>>
      tpu.enqueue_dma source(%dma_start3A_109 : memref<128x32xf32, #tpu.memory_space<hbm>>) target(%arg10 : memref<128x32xf32, #tpu.memory_space<vmem>>) target_semaphore(%run_scoped3A : memref<!tpu.dma_semaphore, #tpu.memory_space<semaphore_mem>>)
      %dma_wait3A_110 = arith.constant 0 : i32
      %dma_wait3A_111 = tpu.memref_slice %arg5[%mul3A_30, %dma_wait3A_110] : memref<16384x32xf32, #tpu.memory_space<hbm>> -> memref<128x32xf32, #tpu.memory_space<hbm>>
      %dma_wait3A_112 = arith.constant 0 : i32
      %dma_wait3A_113 = tpu.memref_slice %arg5[%mul3A_30, %dma_wait3A_112] : memref<16384x32xf32, #tpu.memory_space<hbm>> -> memref<128x32xf32, #tpu.memory_space<hbm>>
      tpu.wait_dma2 semaphore(%run_scoped3A : memref<!tpu.dma_semaphore, #tpu.memory_space<semaphore_mem>>) src(%dma_wait3A_113 : memref<128x32xf32, #tpu.memory_space<hbm>>) dst(%arg10 : memref<128x32xf32, #tpu.memory_space<vmem>>)
      tpu.yield
    }) : () -> ()
    %dma_wait3A_38 = arith.constant 1 : i32
    %dma_wait3A_39 = arith.constant 0 : i32
    %dma_wait3A_40 = tpu.memref_slice %arg7[%dma_wait3A_38, %dma_wait3A_39] : memref<4x128xi32, #tpu.memory_space<vmem>> -> memref<1x128xi32, #tpu.memory_space<vmem>>
    %dma_wait3A_41 = tpu.memref_squeeze %dma_wait3A_40 : memref<1x128xi32, #tpu.memory_space<vmem>> -> memref<128xi32, #tpu.memory_space<vmem>>
    %dma_wait3A_42 = arith.constant 0 : i32
    %dma_wait3A_43 = arith.constant 0 : i32
    %dma_wait3A_44 = tpu.memref_slice %arg2[%dma_wait3A_42, %dma_wait3A_43] : memref<8192x128xf32, #tpu.memory_space<hbm>> -> memref<8192x128xf32, #tpu.memory_space<hbm>>
    tpu.wait_indirect_dma semaphore(%arg12 : memref<!tpu.dma_semaphore, #tpu.memory_space<semaphore_mem>>) src(%dma_wait3A_44 : memref<8192x128xf32, #tpu.memory_space<hbm>>) dst(%arg8 : memref<128x128xf32, #tpu.memory_space<vmem>>)
    %scan3A_45 = arith.constant 0 : i32
    %scan3A_46 = arith.constant 0 : i32
    %scan3A_47 = arith.constant 128 : i32
    %scan3A_48 = arith.addi %scan3A_46, %scan3A_47 : i32
    %scan3A_49 = arith.constant 1 : i32
    %scan3A_50 = scf.for %scan3A_106 = %scan3A_46 to %scan3A_48 step %scan3A_49 iter_args(%scan3A_107 = %scan3A_45) -> (i32)  : i32 {
      %get3A = arith.index_cast %scan3A_106 : i32 to index
      %get3A_108 = arith.constant 0 : index
      %get3A_109 = tpu.vector_load %arg8[%get3A, %get3A_108] {strides = array<i32>} : memref<128x128xf32, #tpu.memory_space<vmem>>, vector<1x16xf32>,
      %get3A_110 = vector.shape_cast %get3A_109 : vector<1x16xf32> to vector<16xf32>
      %get3A_111 = arith.index_cast %scan3A_106 : i32 to index
      %get3A_112 = arith.constant 0 : index
      %get3A_113 = tpu.vector_load %arg10[%get3A_111, %get3A_112] {strides = array<i32>} : memref<128x32xf32, #tpu.memory_space<vmem>>, vector<1x16xf32>,
      %get3A_114 = vector.shape_cast %get3A_113 : vector<1x16xf32> to vector<16xf32>
      %get3A_115 = arith.index_cast %scan3A_106 : i32 to index
      %get3A_116 = arith.constant 0 : index
      %get3A_117 = tpu.vector_load %arg9[%get3A_115, %get3A_116] {strides = array<i32>} : memref<128x32xf32, #tpu.memory_space<vmem>>, vector<1x16xf32>,
      %get3A_118 = vector.shape_cast %get3A_117 : vector<1x16xf32> to vector<16xf32>
      %sub3A = arith.subf %get3A_114, %get3A_118 : vector<16xf32>
      %add3A_119 = arith.addf %sub3A, %get3A_110 : vector<16xf32>
      %swap3A = arith.index_cast %scan3A_106 : i32 to index
      %swap3A_120 = arith.constant 0 : index
      %swap3A_121 = tpu.vector_load %arg11[%swap3A, %swap3A_120] {strides = array<i32>} : memref<128x32xf32, #tpu.memory_space<vmem>>, vector<1x16xf32>,
      %swap3A_122 = vector.shape_cast %swap3A_121 : vector<1x16xf32> to vector<16xf32>
      %swap3A_123 = vector.shape_cast %add3A_119 : vector<16xf32> to vector<1x16xf32>
      tpu.vector_store %arg11[%swap3A, %swap3A_120], %swap3A_123 {strides = array<i32>} : memref<128x32xf32, #tpu.memory_space<vmem>>, vector<1x16xf32>,
      %get3A_124 = arith.index_cast %scan3A_106 : i32 to index
      %get3A_125 = arith.constant 16 : index
      %get3A_126 = tpu.vector_load %arg8[%get3A_124, %get3A_125] {strides = array<i32>} : memref<128x128xf32, #tpu.memory_space<vmem>>, vector<1x16xf32>,
      %get3A_127 = vector.shape_cast %get3A_126 : vector<1x16xf32> to vector<16xf32>
      %get3A_128 = arith.index_cast %scan3A_106 : i32 to index
      %get3A_129 = arith.constant 16 : index
      %get3A_130 = tpu.vector_load %arg10[%get3A_128, %get3A_129] {strides = array<i32>} : memref<128x32xf32, #tpu.memory_space<vmem>>, vector<1x16xf32>,
      %get3A_131 = vector.shape_cast %get3A_130 : vector<1x16xf32> to vector<16xf32>
      %get3A_132 = arith.index_cast %scan3A_106 : i32 to index
      %get3A_133 = arith.constant 16 : index
      %get3A_134 = tpu.vector_load %arg9[%get3A_132, %get3A_133] {strides = array<i32>} : memref<128x32xf32, #tpu.memory_space<vmem>>, vector<1x16xf32>,
      %get3A_135 = vector.shape_cast %get3A_134 : vector<1x16xf32> to vector<16xf32>
      %sub3A_136 = arith.subf %get3A_131, %get3A_135 : vector<16xf32>
      %add3A_137 = arith.addf %sub3A_136, %get3A_127 : vector<16xf32>
      %swap3A_138 = arith.index_cast %scan3A_106 : i32 to index
      %swap3A_139 = arith.constant 16 : index
      %swap3A_140 = tpu.vector_load %arg11[%swap3A_138, %swap3A_139] {strides = array<i32>} : memref<128x32xf32, #tpu.memory_space<vmem>>, vector<1x16xf32>,
      %swap3A_141 = vector.shape_cast %swap3A_140 : vector<1x16xf32> to vector<16xf32>
      %swap3A_142 = vector.shape_cast %add3A_137 : vector<16xf32> to vector<1x16xf32>
      tpu.vector_store %arg11[%swap3A_138, %swap3A_139], %swap3A_142 {strides = array<i32>} : memref<128x32xf32, #tpu.memory_space<vmem>>, vector<1x16xf32>,
      %scan3A_143 = arith.constant 0 : i32
      scf.yield %scan3A_143 : i32
    }
    %scan3A_51 = arith.constant 128 : i32
    "tpu.region"() ({
      %run_scoped3A = tpu.sem_alloc : memref<!tpu.dma_semaphore, #tpu.memory_space<semaphore_mem>>
      %dma_start3A_106 = arith.constant 0 : i32
      %dma_start3A_107 = tpu.memref_slice %arg6[%mul3A_30, %dma_start3A_106] : memref<16384x32xf32, #tpu.memory_space<hbm>> -> memref<128x32xf32, #tpu.memory_space<hbm>>
      %dma_start3A_108 = arith.constant 0 : i32
      %dma_start3A_109 = tpu.memref_slice %arg6[%mul3A_30, %dma_start3A_108] : memref<16384x32xf32, #tpu.memory_space<hbm>> -> memref<128x32xf32, #tpu.memory_space<hbm>>
      tpu.enqueue_dma source(%arg11 : memref<128x32xf32, #tpu.memory_space<vmem>>) target(%dma_start3A_109 : memref<128x32xf32, #tpu.memory_space<hbm>>) target_semaphore(%run_scoped3A : memref<!tpu.dma_semaphore, #tpu.memory_space<semaphore_mem>>)
      %dma_wait3A_110 = arith.constant 0 : i32
      %dma_wait3A_111 = tpu.memref_slice %arg6[%mul3A_30, %dma_wait3A_110] : memref<16384x32xf32, #tpu.memory_space<hbm>> -> memref<128x32xf32, #tpu.memory_space<hbm>>
      %dma_wait3A_112 = arith.constant 0 : i32
      %dma_wait3A_113 = tpu.memref_slice %arg6[%mul3A_30, %dma_wait3A_112] : memref<16384x32xf32, #tpu.memory_space<hbm>> -> memref<128x32xf32, #tpu.memory_space<hbm>>
      tpu.wait_dma2 semaphore(%run_scoped3A : memref<!tpu.dma_semaphore, #tpu.memory_space<semaphore_mem>>) src(%arg11 : memref<128x32xf32, #tpu.memory_space<vmem>>) dst(%dma_wait3A_113 : memref<128x32xf32, #tpu.memory_space<hbm>>)
      tpu.yield
    }) : () -> ()
    %mul3A_52 = arith.constant 4 : i32
    %mul3A_53 = arith.muli %add3A, %mul3A_52 : i32
    %add3A_54 = arith.constant 2 : i32
    %add3A_55 = arith.addi %mul3A_53, %add3A_54 : i32
    %mul3A_56 = arith.constant 128 : i32
    %mul3A_57 = arith.muli %add3A_55, %mul3A_56 : i32
    %dma_start3A_58 = arith.constant 2 : i32
    %dma_start3A_59 = arith.constant 0 : i32
    %dma_start3A_60 = tpu.memref_slice %arg7[%dma_start3A_58, %dma_start3A_59] : memref<4x128xi32, #tpu.memory_space<vmem>> -> memref<1x128xi32, #tpu.memory_space<vmem>>
    %dma_start3A_61 = tpu.memref_squeeze %dma_start3A_60 : memref<1x128xi32, #tpu.memory_space<vmem>> -> memref<128xi32, #tpu.memory_space<vmem>>
    %dma_start3A_62 = arith.constant 0 : i32
    %dma_start3A_63 = arith.constant 0 : i32
    %dma_start3A_64 = tpu.memref_slice %arg2[%dma_start3A_62, %dma_start3A_63] : memref<8192x128xf32, #tpu.memory_space<hbm>> -> memref<8192x128xf32, #tpu.memory_space<hbm>>
    tpu.enqueue_indirect_dma source(%dma_start3A_64 : memref<8192x128xf32, #tpu.memory_space<hbm>>) target(%arg8 : memref<128x128xf32, #tpu.memory_space<vmem>>) offsets(%dma_start3A_61 : memref<128xi32, #tpu.memory_space<vmem>>) semaphore(%arg12 : memref<!tpu.dma_semaphore, #tpu.memory_space<semaphore_mem>>)
    "tpu.region"() ({
      %run_scoped3A = tpu.sem_alloc : memref<!tpu.dma_semaphore, #tpu.memory_space<semaphore_mem>>
      %dma_start3A_106 = arith.constant 0 : i32
      %dma_start3A_107 = tpu.memref_slice %arg4[%mul3A_57, %dma_start3A_106] : memref<16384x32xf32, #tpu.memory_space<hbm>> -> memref<128x32xf32, #tpu.memory_space<hbm>>
      %dma_start3A_108 = arith.constant 0 : i32
      %dma_start3A_109 = tpu.memref_slice %arg4[%mul3A_57, %dma_start3A_108] : memref<16384x32xf32, #tpu.memory_space<hbm>> -> memref<128x32xf32, #tpu.memory_space<hbm>>
      tpu.enqueue_dma source(%dma_start3A_109 : memref<128x32xf32, #tpu.memory_space<hbm>>) target(%arg9 : memref<128x32xf32, #tpu.memory_space<vmem>>) target_semaphore(%run_scoped3A : memref<!tpu.dma_semaphore, #tpu.memory_space<semaphore_mem>>)
      %dma_wait3A_110 = arith.constant 0 : i32
      %dma_wait3A_111 = tpu.memref_slice %arg4[%mul3A_57, %dma_wait3A_110] : memref<16384x32xf32, #tpu.memory_space<hbm>> -> memref<128x32xf32, #tpu.memory_space<hbm>>
      %dma_wait3A_112 = arith.constant 0 : i32
      %dma_wait3A_113 = tpu.memref_slice %arg4[%mul3A_57, %dma_wait3A_112] : memref<16384x32xf32, #tpu.memory_space<hbm>> -> memref<128x32xf32, #tpu.memory_space<hbm>>
      tpu.wait_dma2 semaphore(%run_scoped3A : memref<!tpu.dma_semaphore, #tpu.memory_space<semaphore_mem>>) src(%dma_wait3A_113 : memref<128x32xf32, #tpu.memory_space<hbm>>) dst(%arg9 : memref<128x32xf32, #tpu.memory_space<vmem>>)
      tpu.yield
    }) : () -> ()
    "tpu.region"() ({
      %run_scoped3A = tpu.sem_alloc : memref<!tpu.dma_semaphore, #tpu.memory_space<semaphore_mem>>
      %dma_start3A_106 = arith.constant 0 : i32
      %dma_start3A_107 = tpu.memref_slice %arg5[%mul3A_57, %dma_start3A_106] : memref<16384x32xf32, #tpu.memory_space<hbm>> -> memref<128x32xf32, #tpu.memory_space<hbm>>
      %dma_start3A_108 = arith.constant 0 : i32
      %dma_start3A_109 = tpu.memref_slice %arg5[%mul3A_57, %dma_start3A_108] : memref<16384x32xf32, #tpu.memory_space<hbm>> -> memref<128x32xf32, #tpu.memory_space<hbm>>
      tpu.enqueue_dma source(%dma_start3A_109 : memref<128x32xf32, #tpu.memory_space<hbm>>) target(%arg10 : memref<128x32xf32, #tpu.memory_space<vmem>>) target_semaphore(%run_scoped3A : memref<!tpu.dma_semaphore, #tpu.memory_space<semaphore_mem>>)
      %dma_wait3A_110 = arith.constant 0 : i32
      %dma_wait3A_111 = tpu.memref_slice %arg5[%mul3A_57, %dma_wait3A_110] : memref<16384x32xf32, #tpu.memory_space<hbm>> -> memref<128x32xf32, #tpu.memory_space<hbm>>
      %dma_wait3A_112 = arith.constant 0 : i32
      %dma_wait3A_113 = tpu.memref_slice %arg5[%mul3A_57, %dma_wait3A_112] : memref<16384x32xf32, #tpu.memory_space<hbm>> -> memref<128x32xf32, #tpu.memory_space<hbm>>
      tpu.wait_dma2 semaphore(%run_scoped3A : memref<!tpu.dma_semaphore, #tpu.memory_space<semaphore_mem>>) src(%dma_wait3A_113 : memref<128x32xf32, #tpu.memory_space<hbm>>) dst(%arg10 : memref<128x32xf32, #tpu.memory_space<vmem>>)
      tpu.yield
    }) : () -> ()
    %dma_wait3A_65 = arith.constant 2 : i32
    %dma_wait3A_66 = arith.constant 0 : i32
    %dma_wait3A_67 = tpu.memref_slice %arg7[%dma_wait3A_65, %dma_wait3A_66] : memref<4x128xi32, #tpu.memory_space<vmem>> -> memref<1x128xi32, #tpu.memory_space<vmem>>
    %dma_wait3A_68 = tpu.memref_squeeze %dma_wait3A_67 : memref<1x128xi32, #tpu.memory_space<vmem>> -> memref<128xi32, #tpu.memory_space<vmem>>
    %dma_wait3A_69 = arith.constant 0 : i32
    %dma_wait3A_70 = arith.constant 0 : i32
    %dma_wait3A_71 = tpu.memref_slice %arg2[%dma_wait3A_69, %dma_wait3A_70] : memref<8192x128xf32, #tpu.memory_space<hbm>> -> memref<8192x128xf32, #tpu.memory_space<hbm>>
    tpu.wait_indirect_dma semaphore(%arg12 : memref<!tpu.dma_semaphore, #tpu.memory_space<semaphore_mem>>) src(%dma_wait3A_71 : memref<8192x128xf32, #tpu.memory_space<hbm>>) dst(%arg8 : memref<128x128xf32, #tpu.memory_space<vmem>>)
    %scan3A_72 = arith.constant 0 : i32
    %scan3A_73 = arith.constant 0 : i32
    %scan3A_74 = arith.constant 128 : i32
    %scan3A_75 = arith.addi %scan3A_73, %scan3A_74 : i32
    %scan3A_76 = arith.constant 1 : i32
    %scan3A_77 = scf.for %scan3A_106 = %scan3A_73 to %scan3A_75 step %scan3A_76 iter_args(%scan3A_107 = %scan3A_72) -> (i32)  : i32 {
      %get3A = arith.index_cast %scan3A_106 : i32 to index
      %get3A_108 = arith.constant 0 : index
      %get3A_109 = tpu.vector_load %arg8[%get3A, %get3A_108] {strides = array<i32>} : memref<128x128xf32, #tpu.memory_space<vmem>>, vector<1x16xf32>,
      %get3A_110 = vector.shape_cast %get3A_109 : vector<1x16xf32> to vector<16xf32>
      %get3A_111 = arith.index_cast %scan3A_106 : i32 to index
      %get3A_112 = arith.constant 0 : index
      %get3A_113 = tpu.vector_load %arg10[%get3A_111, %get3A_112] {strides = array<i32>} : memref<128x32xf32, #tpu.memory_space<vmem>>, vector<1x16xf32>,
      %get3A_114 = vector.shape_cast %get3A_113 : vector<1x16xf32> to vector<16xf32>
      %get3A_115 = arith.index_cast %scan3A_106 : i32 to index
      %get3A_116 = arith.constant 0 : index
      %get3A_117 = tpu.vector_load %arg9[%get3A_115, %get3A_116] {strides = array<i32>} : memref<128x32xf32, #tpu.memory_space<vmem>>, vector<1x16xf32>,
      %get3A_118 = vector.shape_cast %get3A_117 : vector<1x16xf32> to vector<16xf32>
      %sub3A = arith.subf %get3A_114, %get3A_118 : vector<16xf32>
      %add3A_119 = arith.addf %sub3A, %get3A_110 : vector<16xf32>
      %swap3A = arith.index_cast %scan3A_106 : i32 to index
      %swap3A_120 = arith.constant 0 : index
      %swap3A_121 = tpu.vector_load %arg11[%swap3A, %swap3A_120] {strides = array<i32>} : memref<128x32xf32, #tpu.memory_space<vmem>>, vector<1x16xf32>,
      %swap3A_122 = vector.shape_cast %swap3A_121 : vector<1x16xf32> to vector<16xf32>
      %swap3A_123 = vector.shape_cast %add3A_119 : vector<16xf32> to vector<1x16xf32>
      tpu.vector_store %arg11[%swap3A, %swap3A_120], %swap3A_123 {strides = array<i32>} : memref<128x32xf32, #tpu.memory_space<vmem>>, vector<1x16xf32>,
      %get3A_124 = arith.index_cast %scan3A_106 : i32 to index
      %get3A_125 = arith.constant 16 : index
      %get3A_126 = tpu.vector_load %arg8[%get3A_124, %get3A_125] {strides = array<i32>} : memref<128x128xf32, #tpu.memory_space<vmem>>, vector<1x16xf32>,
      %get3A_127 = vector.shape_cast %get3A_126 : vector<1x16xf32> to vector<16xf32>
      %get3A_128 = arith.index_cast %scan3A_106 : i32 to index
      %get3A_129 = arith.constant 16 : index
      %get3A_130 = tpu.vector_load %arg10[%get3A_128, %get3A_129] {strides = array<i32>} : memref<128x32xf32, #tpu.memory_space<vmem>>, vector<1x16xf32>,
      %get3A_131 = vector.shape_cast %get3A_130 : vector<1x16xf32> to vector<16xf32>
      %get3A_132 = arith.index_cast %scan3A_106 : i32 to index
      %get3A_133 = arith.constant 16 : index
      %get3A_134 = tpu.vector_load %arg9[%get3A_132, %get3A_133] {strides = array<i32>} : memref<128x32xf32, #tpu.memory_space<vmem>>, vector<1x16xf32>,
      %get3A_135 = vector.shape_cast %get3A_134 : vector<1x16xf32> to vector<16xf32>
      %sub3A_136 = arith.subf %get3A_131, %get3A_135 : vector<16xf32>
      %add3A_137 = arith.addf %sub3A_136, %get3A_127 : vector<16xf32>
      %swap3A_138 = arith.index_cast %scan3A_106 : i32 to index
      %swap3A_139 = arith.constant 16 : index
      %swap3A_140 = tpu.vector_load %arg11[%swap3A_138, %swap3A_139] {strides = array<i32>} : memref<128x32xf32, #tpu.memory_space<vmem>>, vector<1x16xf32>,
      %swap3A_141 = vector.shape_cast %swap3A_140 : vector<1x16xf32> to vector<16xf32>
      %swap3A_142 = vector.shape_cast %add3A_137 : vector<16xf32> to vector<1x16xf32>
      tpu.vector_store %arg11[%swap3A_138, %swap3A_139], %swap3A_142 {strides = array<i32>} : memref<128x32xf32, #tpu.memory_space<vmem>>, vector<1x16xf32>,
      %scan3A_143 = arith.constant 0 : i32
      scf.yield %scan3A_143 : i32
    }
    %scan3A_78 = arith.constant 128 : i32
    "tpu.region"() ({
      %run_scoped3A = tpu.sem_alloc : memref<!tpu.dma_semaphore, #tpu.memory_space<semaphore_mem>>
      %dma_start3A_106 = arith.constant 0 : i32
      %dma_start3A_107 = tpu.memref_slice %arg6[%mul3A_57, %dma_start3A_106] : memref<16384x32xf32, #tpu.memory_space<hbm>> -> memref<128x32xf32, #tpu.memory_space<hbm>>
      %dma_start3A_108 = arith.constant 0 : i32
      %dma_start3A_109 = tpu.memref_slice %arg6[%mul3A_57, %dma_start3A_108] : memref<16384x32xf32, #tpu.memory_space<hbm>> -> memref<128x32xf32, #tpu.memory_space<hbm>>
      tpu.enqueue_dma source(%arg11 : memref<128x32xf32, #tpu.memory_space<vmem>>) target(%dma_start3A_109 : memref<128x32xf32, #tpu.memory_space<hbm>>) target_semaphore(%run_scoped3A : memref<!tpu.dma_semaphore, #tpu.memory_space<semaphore_mem>>)
      %dma_wait3A_110 = arith.constant 0 : i32
      %dma_wait3A_111 = tpu.memref_slice %arg6[%mul3A_57, %dma_wait3A_110] : memref<16384x32xf32, #tpu.memory_space<hbm>> -> memref<128x32xf32, #tpu.memory_space<hbm>>
      %dma_wait3A_112 = arith.constant 0 : i32
      %dma_wait3A_113 = tpu.memref_slice %arg6[%mul3A_57, %dma_wait3A_112] : memref<16384x32xf32, #tpu.memory_space<hbm>> -> memref<128x32xf32, #tpu.memory_space<hbm>>
      tpu.wait_dma2 semaphore(%run_scoped3A : memref<!tpu.dma_semaphore, #tpu.memory_space<semaphore_mem>>) src(%arg11 : memref<128x32xf32, #tpu.memory_space<vmem>>) dst(%dma_wait3A_113 : memref<128x32xf32, #tpu.memory_space<hbm>>)
      tpu.yield
    }) : () -> ()
    %mul3A_79 = arith.constant 4 : i32
    %mul3A_80 = arith.muli %add3A, %mul3A_79 : i32
    %add3A_81 = arith.constant 3 : i32
    %add3A_82 = arith.addi %mul3A_80, %add3A_81 : i32
    %mul3A_83 = arith.constant 128 : i32
    %mul3A_84 = arith.muli %add3A_82, %mul3A_83 : i32
    %dma_start3A_85 = arith.constant 3 : i32
    %dma_start3A_86 = arith.constant 0 : i32
    %dma_start3A_87 = tpu.memref_slice %arg7[%dma_start3A_85, %dma_start3A_86] : memref<4x128xi32, #tpu.memory_space<vmem>> -> memref<1x128xi32, #tpu.memory_space<vmem>>
    %dma_start3A_88 = tpu.memref_squeeze %dma_start3A_87 : memref<1x128xi32, #tpu.memory_space<vmem>> -> memref<128xi32, #tpu.memory_space<vmem>>
    %dma_start3A_89 = arith.constant 0 : i32
    %dma_start3A_90 = arith.constant 0 : i32
    %dma_start3A_91 = tpu.memref_slice %arg2[%dma_start3A_89, %dma_start3A_90] : memref<8192x128xf32, #tpu.memory_space<hbm>> -> memref<8192x128xf32, #tpu.memory_space<hbm>>
    tpu.enqueue_indirect_dma source(%dma_start3A_91 : memref<8192x128xf32, #tpu.memory_space<hbm>>) target(%arg8 : memref<128x128xf32, #tpu.memory_space<vmem>>) offsets(%dma_start3A_88 : memref<128xi32, #tpu.memory_space<vmem>>) semaphore(%arg12 : memref<!tpu.dma_semaphore, #tpu.memory_space<semaphore_mem>>)
    "tpu.region"() ({
      %run_scoped3A = tpu.sem_alloc : memref<!tpu.dma_semaphore, #tpu.memory_space<semaphore_mem>>
      %dma_start3A_106 = arith.constant 0 : i32
      %dma_start3A_107 = tpu.memref_slice %arg4[%mul3A_84, %dma_start3A_106] : memref<16384x32xf32, #tpu.memory_space<hbm>> -> memref<128x32xf32, #tpu.memory_space<hbm>>
      %dma_start3A_108 = arith.constant 0 : i32
      %dma_start3A_109 = tpu.memref_slice %arg4[%mul3A_84, %dma_start3A_108] : memref<16384x32xf32, #tpu.memory_space<hbm>> -> memref<128x32xf32, #tpu.memory_space<hbm>>
      tpu.enqueue_dma source(%dma_start3A_109 : memref<128x32xf32, #tpu.memory_space<hbm>>) target(%arg9 : memref<128x32xf32, #tpu.memory_space<vmem>>) target_semaphore(%run_scoped3A : memref<!tpu.dma_semaphore, #tpu.memory_space<semaphore_mem>>)
      %dma_wait3A_110 = arith.constant 0 : i32
      %dma_wait3A_111 = tpu.memref_slice %arg4[%mul3A_84, %dma_wait3A_110] : memref<16384x32xf32, #tpu.memory_space<hbm>> -> memref<128x32xf32, #tpu.memory_space<hbm>>
      %dma_wait3A_112 = arith.constant 0 : i32
      %dma_wait3A_113 = tpu.memref_slice %arg4[%mul3A_84, %dma_wait3A_112] : memref<16384x32xf32, #tpu.memory_space<hbm>> -> memref<128x32xf32, #tpu.memory_space<hbm>>
      tpu.wait_dma2 semaphore(%run_scoped3A : memref<!tpu.dma_semaphore, #tpu.memory_space<semaphore_mem>>) src(%dma_wait3A_113 : memref<128x32xf32, #tpu.memory_space<hbm>>) dst(%arg9 : memref<128x32xf32, #tpu.memory_space<vmem>>)
      tpu.yield
    }) : () -> ()
    "tpu.region"() ({
      %run_scoped3A = tpu.sem_alloc : memref<!tpu.dma_semaphore, #tpu.memory_space<semaphore_mem>>
      %dma_start3A_106 = arith.constant 0 : i32
      %dma_start3A_107 = tpu.memref_slice %arg5[%mul3A_84, %dma_start3A_106] : memref<16384x32xf32, #tpu.memory_space<hbm>> -> memref<128x32xf32, #tpu.memory_space<hbm>>
      %dma_start3A_108 = arith.constant 0 : i32
      %dma_start3A_109 = tpu.memref_slice %arg5[%mul3A_84, %dma_start3A_108] : memref<16384x32xf32, #tpu.memory_space<hbm>> -> memref<128x32xf32, #tpu.memory_space<hbm>>
      tpu.enqueue_dma source(%dma_start3A_109 : memref<128x32xf32, #tpu.memory_space<hbm>>) target(%arg10 : memref<128x32xf32, #tpu.memory_space<vmem>>) target_semaphore(%run_scoped3A : memref<!tpu.dma_semaphore, #tpu.memory_space<semaphore_mem>>)
      %dma_wait3A_110 = arith.constant 0 : i32
      %dma_wait3A_111 = tpu.memref_slice %arg5[%mul3A_84, %dma_wait3A_110] : memref<16384x32xf32, #tpu.memory_space<hbm>> -> memref<128x32xf32, #tpu.memory_space<hbm>>
      %dma_wait3A_112 = arith.constant 0 : i32
      %dma_wait3A_113 = tpu.memref_slice %arg5[%mul3A_84, %dma_wait3A_112] : memref<16384x32xf32, #tpu.memory_space<hbm>> -> memref<128x32xf32, #tpu.memory_space<hbm>>
      tpu.wait_dma2 semaphore(%run_scoped3A : memref<!tpu.dma_semaphore, #tpu.memory_space<semaphore_mem>>) src(%dma_wait3A_113 : memref<128x32xf32, #tpu.memory_space<hbm>>) dst(%arg10 : memref<128x32xf32, #tpu.memory_space<vmem>>)
      tpu.yield
    }) : () -> ()
    %dma_wait3A_92 = arith.constant 3 : i32
    %dma_wait3A_93 = arith.constant 0 : i32
    %dma_wait3A_94 = tpu.memref_slice %arg7[%dma_wait3A_92, %dma_wait3A_93] : memref<4x128xi32, #tpu.memory_space<vmem>> -> memref<1x128xi32, #tpu.memory_space<vmem>>
    %dma_wait3A_95 = tpu.memref_squeeze %dma_wait3A_94 : memref<1x128xi32, #tpu.memory_space<vmem>> -> memref<128xi32, #tpu.memory_space<vmem>>
    %dma_wait3A_96 = arith.constant 0 : i32
    %dma_wait3A_97 = arith.constant 0 : i32
    %dma_wait3A_98 = tpu.memref_slice %arg2[%dma_wait3A_96, %dma_wait3A_97] : memref<8192x128xf32, #tpu.memory_space<hbm>> -> memref<8192x128xf32, #tpu.memory_space<hbm>>
    tpu.wait_indirect_dma semaphore(%arg12 : memref<!tpu.dma_semaphore, #tpu.memory_space<semaphore_mem>>) src(%dma_wait3A_98 : memref<8192x128xf32, #tpu.memory_space<hbm>>) dst(%arg8 : memref<128x128xf32, #tpu.memory_space<vmem>>)
    %scan3A_99 = arith.constant 0 : i32
    %scan3A_100 = arith.constant 0 : i32
    %scan3A_101 = arith.constant 128 : i32
    %scan3A_102 = arith.addi %scan3A_100, %scan3A_101 : i32
    %scan3A_103 = arith.constant 1 : i32
    %scan3A_104 = scf.for %scan3A_106 = %scan3A_100 to %scan3A_102 step %scan3A_103 iter_args(%scan3A_107 = %scan3A_99) -> (i32)  : i32 {
      %get3A = arith.index_cast %scan3A_106 : i32 to index
      %get3A_108 = arith.constant 0 : index
      %get3A_109 = tpu.vector_load %arg8[%get3A, %get3A_108] {strides = array<i32>} : memref<128x128xf32, #tpu.memory_space<vmem>>, vector<1x16xf32>,
      %get3A_110 = vector.shape_cast %get3A_109 : vector<1x16xf32> to vector<16xf32>
      %get3A_111 = arith.index_cast %scan3A_106 : i32 to index
      %get3A_112 = arith.constant 0 : index
      %get3A_113 = tpu.vector_load %arg10[%get3A_111, %get3A_112] {strides = array<i32>} : memref<128x32xf32, #tpu.memory_space<vmem>>, vector<1x16xf32>,
      %get3A_114 = vector.shape_cast %get3A_113 : vector<1x16xf32> to vector<16xf32>
      %get3A_115 = arith.index_cast %scan3A_106 : i32 to index
      %get3A_116 = arith.constant 0 : index
      %get3A_117 = tpu.vector_load %arg9[%get3A_115, %get3A_116] {strides = array<i32>} : memref<128x32xf32, #tpu.memory_space<vmem>>, vector<1x16xf32>,
      %get3A_118 = vector.shape_cast %get3A_117 : vector<1x16xf32> to vector<16xf32>
      %sub3A = arith.subf %get3A_114, %get3A_118 : vector<16xf32>
      %add3A_119 = arith.addf %sub3A, %get3A_110 : vector<16xf32>
      %swap3A = arith.index_cast %scan3A_106 : i32 to index
      %swap3A_120 = arith.constant 0 : index
      %swap3A_121 = tpu.vector_load %arg11[%swap3A, %swap3A_120] {strides = array<i32>} : memref<128x32xf32, #tpu.memory_space<vmem>>, vector<1x16xf32>,
      %swap3A_122 = vector.shape_cast %swap3A_121 : vector<1x16xf32> to vector<16xf32>
      %swap3A_123 = vector.shape_cast %add3A_119 : vector<16xf32> to vector<1x16xf32>
      tpu.vector_store %arg11[%swap3A, %swap3A_120], %swap3A_123 {strides = array<i32>} : memref<128x32xf32, #tpu.memory_space<vmem>>, vector<1x16xf32>,
      %get3A_124 = arith.index_cast %scan3A_106 : i32 to index
      %get3A_125 = arith.constant 16 : index
      %get3A_126 = tpu.vector_load %arg8[%get3A_124, %get3A_125] {strides = array<i32>} : memref<128x128xf32, #tpu.memory_space<vmem>>, vector<1x16xf32>,
      %get3A_127 = vector.shape_cast %get3A_126 : vector<1x16xf32> to vector<16xf32>
      %get3A_128 = arith.index_cast %scan3A_106 : i32 to index
      %get3A_129 = arith.constant 16 : index
      %get3A_130 = tpu.vector_load %arg10[%get3A_128, %get3A_129] {strides = array<i32>} : memref<128x32xf32, #tpu.memory_space<vmem>>, vector<1x16xf32>,
      %get3A_131 = vector.shape_cast %get3A_130 : vector<1x16xf32> to vector<16xf32>
      %get3A_132 = arith.index_cast %scan3A_106 : i32 to index
      %get3A_133 = arith.constant 16 : index
      %get3A_134 = tpu.vector_load %arg9[%get3A_132, %get3A_133] {strides = array<i32>} : memref<128x32xf32, #tpu.memory_space<vmem>>, vector<1x16xf32>,
      %get3A_135 = vector.shape_cast %get3A_134 : vector<1x16xf32> to vector<16xf32>
      %sub3A_136 = arith.subf %get3A_131, %get3A_135 : vector<16xf32>
      %add3A_137 = arith.addf %sub3A_136, %get3A_127 : vector<16xf32>
      %swap3A_138 = arith.index_cast %scan3A_106 : i32 to index
      %swap3A_139 = arith.constant 16 : index
      %swap3A_140 = tpu.vector_load %arg11[%swap3A_138, %swap3A_139] {strides = array<i32>} : memref<128x32xf32, #tpu.memory_space<vmem>>, vector<1x16xf32>,
      %swap3A_141 = vector.shape_cast %swap3A_140 : vector<1x16xf32> to vector<16xf32>
      %swap3A_142 = vector.shape_cast %add3A_137 : vector<16xf32> to vector<1x16xf32>
      tpu.vector_store %arg11[%swap3A_138, %swap3A_139], %swap3A_142 {strides = array<i32>} : memref<128x32xf32, #tpu.memory_space<vmem>>, vector<1x16xf32>,
      %scan3A_143 = arith.constant 0 : i32
      scf.yield %scan3A_143 : i32
    }
    %scan3A_105 = arith.constant 128 : i32
    "tpu.region"() ({
      %run_scoped3A = tpu.sem_alloc : memref<!tpu.dma_semaphore, #tpu.memory_space<semaphore_mem>>
      %dma_start3A_106 = arith.constant 0 : i32
      %dma_start3A_107 = tpu.memref_slice %arg6[%mul3A_84, %dma_start3A_106] : memref<16384x32xf32, #tpu.memory_space<hbm>> -> memref<128x32xf32, #tpu.memory_space<hbm>>
      %dma_start3A_108 = arith.constant 0 : i32
      %dma_start3A_109 = tpu.memref_slice %arg6[%mul3A_84, %dma_start3A_108] : memref<16384x32xf32, #tpu.memory_space<hbm>> -> memref<128x32xf32, #tpu.memory_space<hbm>>
      tpu.enqueue_dma source(%arg11 : memref<128x32xf32, #tpu.memory_space<vmem>>) target(%dma_start3A_109 : memref<128x32xf32, #tpu.memory_space<hbm>>) target_semaphore(%run_scoped3A : memref<!tpu.dma_semaphore, #tpu.memory_space<semaphore_mem>>)
      %dma_wait3A_110 = arith.constant 0 : i32
      %dma_wait3A_111 = tpu.memref_slice %arg6[%mul3A_84, %dma_wait3A_110] : memref<16384x32xf32, #tpu.memory_space<hbm>> -> memref<128x32xf32, #tpu.memory_space<hbm>>
      %dma_wait3A_112 = arith.constant 0 : i32
      %dma_wait3A_113 = tpu.memref_slice %arg6[%mul3A_84, %dma_wait3A_112] : memref<16384x32xf32, #tpu.memory_space<hbm>> -> memref<128x32xf32, #tpu.memory_space<hbm>>
      tpu.wait_dma2 semaphore(%run_scoped3A : memref<!tpu.dma_semaphore, #tpu.memory_space<semaphore_mem>>) src(%arg11 : memref<128x32xf32, #tpu.memory_space<vmem>>) dst(%dma_wait3A_113 : memref<128x32xf32, #tpu.memory_space<hbm>>)
      tpu.yield
    }) : () -> ()
    return
  }
}

module attributes {stable_mosaic.version = 14 : i64} {
  func.func @_layer_body(%arg0: i32, %arg1: memref<256x32xf32, #tpu.memory_space<vmem>>, %arg2: memref<256x1xf32, #tpu.memory_space<vmem>>, %arg3: memref<32x8192xf32, #tpu.memory_space<vmem>>, %arg4: memref<1x1x256xi32, #tpu.memory_space<vmem>>, %arg5: memref<8x128xf32, #tpu.memory_space<vmem>>) attributes {dimension_semantics = [#tpu.dimension_semantics<arbitrary>], iteration_bounds = array<i64: 64>, scalar_prefetch = 0 : i64, scratch_operands = 0 : i64, tpu.core_type = #tpu.core_type<tc>, window_params = [{transform_indices = @transform_0, window_bounds = array<i64: 256, 32>}, {transform_indices = @transform_1, window_bounds = array<i64: 256, 1>}, {pipeline_mode = #tpu.pipeline_mode<synchronous>, transform_indices = @transform_2, window_bounds = array<i64: 32, 8192>}, {transform_indices = @transform_3, window_bounds = array<i64: 1, 1, 256>}, {pipeline_mode = #tpu.pipeline_mode<synchronous>, transform_indices = @transform_4, window_bounds = array<i64: 8, 128>}]} {
    %get3A = arith.constant 0 : index
    %get3A_0 = arith.constant 0 : index
    %get3A_1 = vector.load %arg1[%get3A, %get3A_0] : memref<256x32xf32, #tpu.memory_space<vmem>>, vector<256x32xf32>
    %get3A_2 = arith.constant 0 : index
    %get3A_3 = arith.constant 0 : index
    %get3A_4 = vector.load %arg2[%get3A_2, %get3A_3] : memref<256x1xf32, #tpu.memory_space<vmem>>, vector<256x1xf32>
    %broadcast_in_dim3A = arith.constant 0x7F800000 : f32
    %broadcast_in_dim3A_5 = vector.broadcast %broadcast_in_dim3A : f32 to vector<256x128xf32>
    %broadcast_in_dim3A_6 = arith.constant 0 : i32
    %broadcast_in_dim3A_7 = vector.broadcast %broadcast_in_dim3A_6 : i32 to vector<256x128xi32>
    %get3A_8 = arith.constant 0 : index
    %get3A_9 = arith.constant 0 : index
    %get3A_10 = vector.load %arg3[%get3A_8, %get3A_9] : memref<32x8192xf32, #tpu.memory_space<vmem>>, vector<32x2048xf32>
    %mul3A = arith.mulf %get3A_10, %get3A_10 : vector<32x2048xf32>
    %reduce_sum3A = arith.constant dense<0.000000e+00> : vector<2048xf32>
    %reduce_sum3A_11 = vector.multi_reduction <add>, %mul3A, %reduce_sum3A [0] : vector<32x2048xf32> to vector<2048xf32>
    %broadcast_in_dim3A_12 = vector.shape_cast %reduce_sum3A_11 : vector<2048xf32> to vector<1x2048xf32>
    %dot_general3A = arith.constant dense<0.000000e+00> : vector<256x2048xf32>
    %dot_general3A_13 = tpu.matmul %get3A_1, %get3A_10, %dot_general3A {dimension_numbers = #tpu.dot_dimension_numbers<[1], [0], [0], [1], [0, 0, 1, 1], [], []>, transpose_lhs_hint = false} : vector<256x32xf32>, vector<32x2048xf32>, vector<256x2048xf32> -> vector<256x2048xf32>
    %add3A = arith.addf %dot_general3A_13, %dot_general3A_13 : vector<256x2048xf32>
    %sub3A = vector.broadcast %get3A_4 : vector<256x1xf32> to vector<256x2048xf32>
    %sub3A_14 = arith.subf %sub3A, %add3A : vector<256x2048xf32>
    %add3A_15 = vector.broadcast %broadcast_in_dim3A_12 : vector<1x2048xf32> to vector<256x2048xf32>
    %add3A_16 = arith.addf %sub3A_14, %add3A_15 : vector<256x2048xf32>
    %iota3A = tpu.iota {dimensions = array<i32: 1>} : vector<256x2048xi32>
    %add3A_17 = arith.constant 0 : i32
    %add3A_18 = vector.broadcast %add3A_17 : i32 to vector<256x2048xi32>
    %add3A_19 = arith.addi %iota3A, %add3A_18 : vector<256x2048xi32>
    %slice3A = vector.extract_strided_slice %add3A_16 {offsets = [0, 0], sizes = [256, 1024], strides = [1, 1]} : vector<256x2048xf32> to vector<256x1024xf32>
    %slice3A_20 = vector.extract_strided_slice %add3A_16 {offsets = [0, 1024], sizes = [256, 1024], strides = [1, 1]} : vector<256x2048xf32> to vector<256x1024xf32>
    %slice3A_21 = vector.extract_strided_slice %add3A_19 {offsets = [0, 0], sizes = [256, 1024], strides = [1, 1]} : vector<256x2048xi32> to vector<256x1024xi32>
    %slice3A_22 = vector.extract_strided_slice %add3A_19 {offsets = [0, 1024], sizes = [256, 1024], strides = [1, 1]} : vector<256x2048xi32> to vector<256x1024xi32>
    %lt3A = arith.cmpf olt, %slice3A_20, %slice3A : vector<256x1024xf32>
    %select_n3A = arith.select %lt3A, %slice3A_20, %slice3A : vector<256x1024xi1>, vector<256x1024xf32>
    %select_n3A_23 = arith.select %lt3A, %slice3A_22, %slice3A_21 : vector<256x1024xi1>, vector<256x1024xi32>
    %slice3A_24 = vector.extract_strided_slice %select_n3A {offsets = [0, 0], sizes = [256, 512], strides = [1, 1]} : vector<256x1024xf32> to vector<256x512xf32>
    %slice3A_25 = vector.extract_strided_slice %select_n3A {offsets = [0, 512], sizes = [256, 512], strides = [1, 1]} : vector<256x1024xf32> to vector<256x512xf32>
    %slice3A_26 = vector.extract_strided_slice %select_n3A_23 {offsets = [0, 0], sizes = [256, 512], strides = [1, 1]} : vector<256x1024xi32> to vector<256x512xi32>
    %slice3A_27 = vector.extract_strided_slice %select_n3A_23 {offsets = [0, 512], sizes = [256, 512], strides = [1, 1]} : vector<256x1024xi32> to vector<256x512xi32>
    %lt3A_28 = arith.cmpf olt, %slice3A_25, %slice3A_24 : vector<256x512xf32>
    %select_n3A_29 = arith.select %lt3A_28, %slice3A_25, %slice3A_24 : vector<256x512xi1>, vector<256x512xf32>
    %select_n3A_30 = arith.select %lt3A_28, %slice3A_27, %slice3A_26 : vector<256x512xi1>, vector<256x512xi32>
    %slice3A_31 = vector.extract_strided_slice %select_n3A_29 {offsets = [0, 0], sizes = [256, 256], strides = [1, 1]} : vector<256x512xf32> to vector<256x256xf32>
    %slice3A_32 = vector.extract_strided_slice %select_n3A_29 {offsets = [0, 256], sizes = [256, 256], strides = [1, 1]} : vector<256x512xf32> to vector<256x256xf32>
    %slice3A_33 = vector.extract_strided_slice %select_n3A_30 {offsets = [0, 0], sizes = [256, 256], strides = [1, 1]} : vector<256x512xi32> to vector<256x256xi32>
    %slice3A_34 = vector.extract_strided_slice %select_n3A_30 {offsets = [0, 256], sizes = [256, 256], strides = [1, 1]} : vector<256x512xi32> to vector<256x256xi32>
    %lt3A_35 = arith.cmpf olt, %slice3A_32, %slice3A_31 : vector<256x256xf32>
    %select_n3A_36 = arith.select %lt3A_35, %slice3A_32, %slice3A_31 : vector<256x256xi1>, vector<256x256xf32>
    %select_n3A_37 = arith.select %lt3A_35, %slice3A_34, %slice3A_33 : vector<256x256xi1>, vector<256x256xi32>
    %slice3A_38 = vector.extract_strided_slice %select_n3A_36 {offsets = [0, 0], sizes = [256, 128], strides = [1, 1]} : vector<256x256xf32> to vector<256x128xf32>
    %slice3A_39 = vector.extract_strided_slice %select_n3A_36 {offsets = [0, 128], sizes = [256, 128], strides = [1, 1]} : vector<256x256xf32> to vector<256x128xf32>
    %slice3A_40 = vector.extract_strided_slice %select_n3A_37 {offsets = [0, 0], sizes = [256, 128], strides = [1, 1]} : vector<256x256xi32> to vector<256x128xi32>
    %slice3A_41 = vector.extract_strided_slice %select_n3A_37 {offsets = [0, 128], sizes = [256, 128], strides = [1, 1]} : vector<256x256xi32> to vector<256x128xi32>
    %lt3A_42 = arith.cmpf olt, %slice3A_39, %slice3A_38 : vector<256x128xf32>
    %select_n3A_43 = arith.select %lt3A_42, %slice3A_39, %slice3A_38 : vector<256x128xi1>, vector<256x128xf32>
    %select_n3A_44 = arith.select %lt3A_42, %slice3A_41, %slice3A_40 : vector<256x128xi1>, vector<256x128xi32>
    %lt3A_45 = arith.cmpf olt, %select_n3A_43, %broadcast_in_dim3A_5 : vector<256x128xf32>
    %select_n3A_46 = arith.select %lt3A_45, %select_n3A_43, %broadcast_in_dim3A_5 : vector<256x128xi1>, vector<256x128xf32>
    %select_n3A_47 = arith.select %lt3A_45, %select_n3A_44, %broadcast_in_dim3A_7 : vector<256x128xi1>, vector<256x128xi32>
    %get3A_48 = arith.constant 0 : index
    %get3A_49 = arith.constant 2048 : index
    %get3A_50 = vector.load %arg3[%get3A_48, %get3A_49] : memref<32x8192xf32, #tpu.memory_space<vmem>>, vector<32x2048xf32>
    %mul3A_51 = arith.mulf %get3A_50, %get3A_50 : vector<32x2048xf32>
    %reduce_sum3A_52 = arith.constant dense<0.000000e+00> : vector<2048xf32>
    %reduce_sum3A_53 = vector.multi_reduction <add>, %mul3A_51, %reduce_sum3A_52 [0] : vector<32x2048xf32> to vector<2048xf32>
    %broadcast_in_dim3A_54 = vector.shape_cast %reduce_sum3A_53 : vector<2048xf32> to vector<1x2048xf32>
    %dot_general3A_55 = arith.constant dense<0.000000e+00> : vector<256x2048xf32>
    %dot_general3A_56 = tpu.matmul %get3A_1, %get3A_50, %dot_general3A_55 {dimension_numbers = #tpu.dot_dimension_numbers<[1], [0], [0], [1], [0, 0, 1, 1], [], []>, transpose_lhs_hint = false} : vector<256x32xf32>, vector<32x2048xf32>, vector<256x2048xf32> -> vector<256x2048xf32>
    %add3A_57 = arith.addf %dot_general3A_56, %dot_general3A_56 : vector<256x2048xf32>
    %sub3A_58 = vector.broadcast %get3A_4 : vector<256x1xf32> to vector<256x2048xf32>
    %sub3A_59 = arith.subf %sub3A_58, %add3A_57 : vector<256x2048xf32>
    %add3A_60 = vector.broadcast %broadcast_in_dim3A_54 : vector<1x2048xf32> to vector<256x2048xf32>
    %add3A_61 = arith.addf %sub3A_59, %add3A_60 : vector<256x2048xf32>
    %iota3A_62 = tpu.iota {dimensions = array<i32: 1>} : vector<256x2048xi32>
    %add3A_63 = arith.constant 2048 : i32
    %add3A_64 = vector.broadcast %add3A_63 : i32 to vector<256x2048xi32>
    %add3A_65 = arith.addi %iota3A_62, %add3A_64 : vector<256x2048xi32>
    %slice3A_66 = vector.extract_strided_slice %add3A_61 {offsets = [0, 0], sizes = [256, 1024], strides = [1, 1]} : vector<256x2048xf32> to vector<256x1024xf32>
    %slice3A_67 = vector.extract_strided_slice %add3A_61 {offsets = [0, 1024], sizes = [256, 1024], strides = [1, 1]} : vector<256x2048xf32> to vector<256x1024xf32>
    %slice3A_68 = vector.extract_strided_slice %add3A_65 {offsets = [0, 0], sizes = [256, 1024], strides = [1, 1]} : vector<256x2048xi32> to vector<256x1024xi32>
    %slice3A_69 = vector.extract_strided_slice %add3A_65 {offsets = [0, 1024], sizes = [256, 1024], strides = [1, 1]} : vector<256x2048xi32> to vector<256x1024xi32>
    %lt3A_70 = arith.cmpf olt, %slice3A_67, %slice3A_66 : vector<256x1024xf32>
    %select_n3A_71 = arith.select %lt3A_70, %slice3A_67, %slice3A_66 : vector<256x1024xi1>, vector<256x1024xf32>
    %select_n3A_72 = arith.select %lt3A_70, %slice3A_69, %slice3A_68 : vector<256x1024xi1>, vector<256x1024xi32>
    %slice3A_73 = vector.extract_strided_slice %select_n3A_71 {offsets = [0, 0], sizes = [256, 512], strides = [1, 1]} : vector<256x1024xf32> to vector<256x512xf32>
    %slice3A_74 = vector.extract_strided_slice %select_n3A_71 {offsets = [0, 512], sizes = [256, 512], strides = [1, 1]} : vector<256x1024xf32> to vector<256x512xf32>
    %slice3A_75 = vector.extract_strided_slice %select_n3A_72 {offsets = [0, 0], sizes = [256, 512], strides = [1, 1]} : vector<256x1024xi32> to vector<256x512xi32>
    %slice3A_76 = vector.extract_strided_slice %select_n3A_72 {offsets = [0, 512], sizes = [256, 512], strides = [1, 1]} : vector<256x1024xi32> to vector<256x512xi32>
    %lt3A_77 = arith.cmpf olt, %slice3A_74, %slice3A_73 : vector<256x512xf32>
    %select_n3A_78 = arith.select %lt3A_77, %slice3A_74, %slice3A_73 : vector<256x512xi1>, vector<256x512xf32>
    %select_n3A_79 = arith.select %lt3A_77, %slice3A_76, %slice3A_75 : vector<256x512xi1>, vector<256x512xi32>
    %slice3A_80 = vector.extract_strided_slice %select_n3A_78 {offsets = [0, 0], sizes = [256, 256], strides = [1, 1]} : vector<256x512xf32> to vector<256x256xf32>
    %slice3A_81 = vector.extract_strided_slice %select_n3A_78 {offsets = [0, 256], sizes = [256, 256], strides = [1, 1]} : vector<256x512xf32> to vector<256x256xf32>
    %slice3A_82 = vector.extract_strided_slice %select_n3A_79 {offsets = [0, 0], sizes = [256, 256], strides = [1, 1]} : vector<256x512xi32> to vector<256x256xi32>
    %slice3A_83 = vector.extract_strided_slice %select_n3A_79 {offsets = [0, 256], sizes = [256, 256], strides = [1, 1]} : vector<256x512xi32> to vector<256x256xi32>
    %lt3A_84 = arith.cmpf olt, %slice3A_81, %slice3A_80 : vector<256x256xf32>
    %select_n3A_85 = arith.select %lt3A_84, %slice3A_81, %slice3A_80 : vector<256x256xi1>, vector<256x256xf32>
    %select_n3A_86 = arith.select %lt3A_84, %slice3A_83, %slice3A_82 : vector<256x256xi1>, vector<256x256xi32>
    %slice3A_87 = vector.extract_strided_slice %select_n3A_85 {offsets = [0, 0], sizes = [256, 128], strides = [1, 1]} : vector<256x256xf32> to vector<256x128xf32>
    %slice3A_88 = vector.extract_strided_slice %select_n3A_85 {offsets = [0, 128], sizes = [256, 128], strides = [1, 1]} : vector<256x256xf32> to vector<256x128xf32>
    %slice3A_89 = vector.extract_strided_slice %select_n3A_86 {offsets = [0, 0], sizes = [256, 128], strides = [1, 1]} : vector<256x256xi32> to vector<256x128xi32>
    %slice3A_90 = vector.extract_strided_slice %select_n3A_86 {offsets = [0, 128], sizes = [256, 128], strides = [1, 1]} : vector<256x256xi32> to vector<256x128xi32>
    %lt3A_91 = arith.cmpf olt, %slice3A_88, %slice3A_87 : vector<256x128xf32>
    %select_n3A_92 = arith.select %lt3A_91, %slice3A_88, %slice3A_87 : vector<256x128xi1>, vector<256x128xf32>
    %select_n3A_93 = arith.select %lt3A_91, %slice3A_90, %slice3A_89 : vector<256x128xi1>, vector<256x128xi32>
    %lt3A_94 = arith.cmpf olt, %select_n3A_92, %select_n3A_46 : vector<256x128xf32>
    %select_n3A_95 = arith.select %lt3A_94, %select_n3A_92, %select_n3A_46 : vector<256x128xi1>, vector<256x128xf32>
    %select_n3A_96 = arith.select %lt3A_94, %select_n3A_93, %select_n3A_47 : vector<256x128xi1>, vector<256x128xi32>
    %get3A_97 = arith.constant 0 : index
    %get3A_98 = arith.constant 4096 : index
    %get3A_99 = vector.load %arg3[%get3A_97, %get3A_98] : memref<32x8192xf32, #tpu.memory_space<vmem>>, vector<32x2048xf32>
    %mul3A_100 = arith.mulf %get3A_99, %get3A_99 : vector<32x2048xf32>
    %reduce_sum3A_101 = arith.constant dense<0.000000e+00> : vector<2048xf32>
    %reduce_sum3A_102 = vector.multi_reduction <add>, %mul3A_100, %reduce_sum3A_101 [0] : vector<32x2048xf32> to vector<2048xf32>
    %broadcast_in_dim3A_103 = vector.shape_cast %reduce_sum3A_102 : vector<2048xf32> to vector<1x2048xf32>
    %dot_general3A_104 = arith.constant dense<0.000000e+00> : vector<256x2048xf32>
    %dot_general3A_105 = tpu.matmul %get3A_1, %get3A_99, %dot_general3A_104 {dimension_numbers = #tpu.dot_dimension_numbers<[1], [0], [0], [1], [0, 0, 1, 1], [], []>, transpose_lhs_hint = false} : vector<256x32xf32>, vector<32x2048xf32>, vector<256x2048xf32> -> vector<256x2048xf32>
    %add3A_106 = arith.addf %dot_general3A_105, %dot_general3A_105 : vector<256x2048xf32>
    %sub3A_107 = vector.broadcast %get3A_4 : vector<256x1xf32> to vector<256x2048xf32>
    %sub3A_108 = arith.subf %sub3A_107, %add3A_106 : vector<256x2048xf32>
    %add3A_109 = vector.broadcast %broadcast_in_dim3A_103 : vector<1x2048xf32> to vector<256x2048xf32>
    %add3A_110 = arith.addf %sub3A_108, %add3A_109 : vector<256x2048xf32>
    %iota3A_111 = tpu.iota {dimensions = array<i32: 1>} : vector<256x2048xi32>
    %add3A_112 = arith.constant 4096 : i32
    %add3A_113 = vector.broadcast %add3A_112 : i32 to vector<256x2048xi32>
    %add3A_114 = arith.addi %iota3A_111, %add3A_113 : vector<256x2048xi32>
    %slice3A_115 = vector.extract_strided_slice %add3A_110 {offsets = [0, 0], sizes = [256, 1024], strides = [1, 1]} : vector<256x2048xf32> to vector<256x1024xf32>
    %slice3A_116 = vector.extract_strided_slice %add3A_110 {offsets = [0, 1024], sizes = [256, 1024], strides = [1, 1]} : vector<256x2048xf32> to vector<256x1024xf32>
    %slice3A_117 = vector.extract_strided_slice %add3A_114 {offsets = [0, 0], sizes = [256, 1024], strides = [1, 1]} : vector<256x2048xi32> to vector<256x1024xi32>
    %slice3A_118 = vector.extract_strided_slice %add3A_114 {offsets = [0, 1024], sizes = [256, 1024], strides = [1, 1]} : vector<256x2048xi32> to vector<256x1024xi32>
    %lt3A_119 = arith.cmpf olt, %slice3A_116, %slice3A_115 : vector<256x1024xf32>
    %select_n3A_120 = arith.select %lt3A_119, %slice3A_116, %slice3A_115 : vector<256x1024xi1>, vector<256x1024xf32>
    %select_n3A_121 = arith.select %lt3A_119, %slice3A_118, %slice3A_117 : vector<256x1024xi1>, vector<256x1024xi32>
    %slice3A_122 = vector.extract_strided_slice %select_n3A_120 {offsets = [0, 0], sizes = [256, 512], strides = [1, 1]} : vector<256x1024xf32> to vector<256x512xf32>
    %slice3A_123 = vector.extract_strided_slice %select_n3A_120 {offsets = [0, 512], sizes = [256, 512], strides = [1, 1]} : vector<256x1024xf32> to vector<256x512xf32>
    %slice3A_124 = vector.extract_strided_slice %select_n3A_121 {offsets = [0, 0], sizes = [256, 512], strides = [1, 1]} : vector<256x1024xi32> to vector<256x512xi32>
    %slice3A_125 = vector.extract_strided_slice %select_n3A_121 {offsets = [0, 512], sizes = [256, 512], strides = [1, 1]} : vector<256x1024xi32> to vector<256x512xi32>
    %lt3A_126 = arith.cmpf olt, %slice3A_123, %slice3A_122 : vector<256x512xf32>
    %select_n3A_127 = arith.select %lt3A_126, %slice3A_123, %slice3A_122 : vector<256x512xi1>, vector<256x512xf32>
    %select_n3A_128 = arith.select %lt3A_126, %slice3A_125, %slice3A_124 : vector<256x512xi1>, vector<256x512xi32>
    %slice3A_129 = vector.extract_strided_slice %select_n3A_127 {offsets = [0, 0], sizes = [256, 256], strides = [1, 1]} : vector<256x512xf32> to vector<256x256xf32>
    %slice3A_130 = vector.extract_strided_slice %select_n3A_127 {offsets = [0, 256], sizes = [256, 256], strides = [1, 1]} : vector<256x512xf32> to vector<256x256xf32>
    %slice3A_131 = vector.extract_strided_slice %select_n3A_128 {offsets = [0, 0], sizes = [256, 256], strides = [1, 1]} : vector<256x512xi32> to vector<256x256xi32>
    %slice3A_132 = vector.extract_strided_slice %select_n3A_128 {offsets = [0, 256], sizes = [256, 256], strides = [1, 1]} : vector<256x512xi32> to vector<256x256xi32>
    %lt3A_133 = arith.cmpf olt, %slice3A_130, %slice3A_129 : vector<256x256xf32>
    %select_n3A_134 = arith.select %lt3A_133, %slice3A_130, %slice3A_129 : vector<256x256xi1>, vector<256x256xf32>
    %select_n3A_135 = arith.select %lt3A_133, %slice3A_132, %slice3A_131 : vector<256x256xi1>, vector<256x256xi32>
    %slice3A_136 = vector.extract_strided_slice %select_n3A_134 {offsets = [0, 0], sizes = [256, 128], strides = [1, 1]} : vector<256x256xf32> to vector<256x128xf32>
    %slice3A_137 = vector.extract_strided_slice %select_n3A_134 {offsets = [0, 128], sizes = [256, 128], strides = [1, 1]} : vector<256x256xf32> to vector<256x128xf32>
    %slice3A_138 = vector.extract_strided_slice %select_n3A_135 {offsets = [0, 0], sizes = [256, 128], strides = [1, 1]} : vector<256x256xi32> to vector<256x128xi32>
    %slice3A_139 = vector.extract_strided_slice %select_n3A_135 {offsets = [0, 128], sizes = [256, 128], strides = [1, 1]} : vector<256x256xi32> to vector<256x128xi32>
    %lt3A_140 = arith.cmpf olt, %slice3A_137, %slice3A_136 : vector<256x128xf32>
    %select_n3A_141 = arith.select %lt3A_140, %slice3A_137, %slice3A_136 : vector<256x128xi1>, vector<256x128xf32>
    %select_n3A_142 = arith.select %lt3A_140, %slice3A_139, %slice3A_138 : vector<256x128xi1>, vector<256x128xi32>
    %lt3A_143 = arith.cmpf olt, %select_n3A_141, %select_n3A_95 : vector<256x128xf32>
    %select_n3A_144 = arith.select %lt3A_143, %select_n3A_141, %select_n3A_95 : vector<256x128xi1>, vector<256x128xf32>
    %select_n3A_145 = arith.select %lt3A_143, %select_n3A_142, %select_n3A_96 : vector<256x128xi1>, vector<256x128xi32>
    %get3A_146 = arith.constant 0 : index
    %get3A_147 = arith.constant 6144 : index
    %get3A_148 = vector.load %arg3[%get3A_146, %get3A_147] : memref<32x8192xf32, #tpu.memory_space<vmem>>, vector<32x2048xf32>
    %mul3A_149 = arith.mulf %get3A_148, %get3A_148 : vector<32x2048xf32>
    %reduce_sum3A_150 = arith.constant dense<0.000000e+00> : vector<2048xf32>
    %reduce_sum3A_151 = vector.multi_reduction <add>, %mul3A_149, %reduce_sum3A_150 [0] : vector<32x2048xf32> to vector<2048xf32>
    %broadcast_in_dim3A_152 = vector.shape_cast %reduce_sum3A_151 : vector<2048xf32> to vector<1x2048xf32>
    %dot_general3A_153 = arith.constant dense<0.000000e+00> : vector<256x2048xf32>
    %dot_general3A_154 = tpu.matmul %get3A_1, %get3A_148, %dot_general3A_153 {dimension_numbers = #tpu.dot_dimension_numbers<[1], [0], [0], [1], [0, 0, 1, 1], [], []>, transpose_lhs_hint = false} : vector<256x32xf32>, vector<32x2048xf32>, vector<256x2048xf32> -> vector<256x2048xf32>
    %add3A_155 = arith.addf %dot_general3A_154, %dot_general3A_154 : vector<256x2048xf32>
    %sub3A_156 = vector.broadcast %get3A_4 : vector<256x1xf32> to vector<256x2048xf32>
    %sub3A_157 = arith.subf %sub3A_156, %add3A_155 : vector<256x2048xf32>
    %add3A_158 = vector.broadcast %broadcast_in_dim3A_152 : vector<1x2048xf32> to vector<256x2048xf32>
    %add3A_159 = arith.addf %sub3A_157, %add3A_158 : vector<256x2048xf32>
    %iota3A_160 = tpu.iota {dimensions = array<i32: 1>} : vector<256x2048xi32>
    %add3A_161 = arith.constant 6144 : i32
    %add3A_162 = vector.broadcast %add3A_161 : i32 to vector<256x2048xi32>
    %add3A_163 = arith.addi %iota3A_160, %add3A_162 : vector<256x2048xi32>
    %slice3A_164 = vector.extract_strided_slice %add3A_159 {offsets = [0, 0], sizes = [256, 1024], strides = [1, 1]} : vector<256x2048xf32> to vector<256x1024xf32>
    %slice3A_165 = vector.extract_strided_slice %add3A_159 {offsets = [0, 1024], sizes = [256, 1024], strides = [1, 1]} : vector<256x2048xf32> to vector<256x1024xf32>
    %slice3A_166 = vector.extract_strided_slice %add3A_163 {offsets = [0, 0], sizes = [256, 1024], strides = [1, 1]} : vector<256x2048xi32> to vector<256x1024xi32>
    %slice3A_167 = vector.extract_strided_slice %add3A_163 {offsets = [0, 1024], sizes = [256, 1024], strides = [1, 1]} : vector<256x2048xi32> to vector<256x1024xi32>
    %lt3A_168 = arith.cmpf olt, %slice3A_165, %slice3A_164 : vector<256x1024xf32>
    %select_n3A_169 = arith.select %lt3A_168, %slice3A_165, %slice3A_164 : vector<256x1024xi1>, vector<256x1024xf32>
    %select_n3A_170 = arith.select %lt3A_168, %slice3A_167, %slice3A_166 : vector<256x1024xi1>, vector<256x1024xi32>
    %slice3A_171 = vector.extract_strided_slice %select_n3A_169 {offsets = [0, 0], sizes = [256, 512], strides = [1, 1]} : vector<256x1024xf32> to vector<256x512xf32>
    %slice3A_172 = vector.extract_strided_slice %select_n3A_169 {offsets = [0, 512], sizes = [256, 512], strides = [1, 1]} : vector<256x1024xf32> to vector<256x512xf32>
    %slice3A_173 = vector.extract_strided_slice %select_n3A_170 {offsets = [0, 0], sizes = [256, 512], strides = [1, 1]} : vector<256x1024xi32> to vector<256x512xi32>
    %slice3A_174 = vector.extract_strided_slice %select_n3A_170 {offsets = [0, 512], sizes = [256, 512], strides = [1, 1]} : vector<256x1024xi32> to vector<256x512xi32>
    %lt3A_175 = arith.cmpf olt, %slice3A_172, %slice3A_171 : vector<256x512xf32>
    %select_n3A_176 = arith.select %lt3A_175, %slice3A_172, %slice3A_171 : vector<256x512xi1>, vector<256x512xf32>
    %select_n3A_177 = arith.select %lt3A_175, %slice3A_174, %slice3A_173 : vector<256x512xi1>, vector<256x512xi32>
    %slice3A_178 = vector.extract_strided_slice %select_n3A_176 {offsets = [0, 0], sizes = [256, 256], strides = [1, 1]} : vector<256x512xf32> to vector<256x256xf32>
    %slice3A_179 = vector.extract_strided_slice %select_n3A_176 {offsets = [0, 256], sizes = [256, 256], strides = [1, 1]} : vector<256x512xf32> to vector<256x256xf32>
    %slice3A_180 = vector.extract_strided_slice %select_n3A_177 {offsets = [0, 0], sizes = [256, 256], strides = [1, 1]} : vector<256x512xi32> to vector<256x256xi32>
    %slice3A_181 = vector.extract_strided_slice %select_n3A_177 {offsets = [0, 256], sizes = [256, 256], strides = [1, 1]} : vector<256x512xi32> to vector<256x256xi32>
    %lt3A_182 = arith.cmpf olt, %slice3A_179, %slice3A_178 : vector<256x256xf32>
    %select_n3A_183 = arith.select %lt3A_182, %slice3A_179, %slice3A_178 : vector<256x256xi1>, vector<256x256xf32>
    %select_n3A_184 = arith.select %lt3A_182, %slice3A_181, %slice3A_180 : vector<256x256xi1>, vector<256x256xi32>
    %slice3A_185 = vector.extract_strided_slice %select_n3A_183 {offsets = [0, 0], sizes = [256, 128], strides = [1, 1]} : vector<256x256xf32> to vector<256x128xf32>
    %slice3A_186 = vector.extract_strided_slice %select_n3A_183 {offsets = [0, 128], sizes = [256, 128], strides = [1, 1]} : vector<256x256xf32> to vector<256x128xf32>
    %slice3A_187 = vector.extract_strided_slice %select_n3A_184 {offsets = [0, 0], sizes = [256, 128], strides = [1, 1]} : vector<256x256xi32> to vector<256x128xi32>
    %slice3A_188 = vector.extract_strided_slice %select_n3A_184 {offsets = [0, 128], sizes = [256, 128], strides = [1, 1]} : vector<256x256xi32> to vector<256x128xi32>
    %lt3A_189 = arith.cmpf olt, %slice3A_186, %slice3A_185 : vector<256x128xf32>
    %select_n3A_190 = arith.select %lt3A_189, %slice3A_186, %slice3A_185 : vector<256x128xi1>, vector<256x128xf32>
    %select_n3A_191 = arith.select %lt3A_189, %slice3A_188, %slice3A_187 : vector<256x128xi1>, vector<256x128xi32>
    %lt3A_192 = arith.cmpf olt, %select_n3A_190, %select_n3A_144 : vector<256x128xf32>
    %select_n3A_193 = arith.select %lt3A_192, %select_n3A_190, %select_n3A_144 : vector<256x128xi1>, vector<256x128xf32>
    %select_n3A_194 = arith.select %lt3A_192, %select_n3A_191, %select_n3A_145 : vector<256x128xi1>, vector<256x128xi32>
    %reduce_min3A = arith.constant dense<0x7F800000> : vector<256xf32>
    %reduce_min3A_195 = vector.multi_reduction <minimumf>, %select_n3A_193, %reduce_min3A [1] : vector<256x128xf32> to vector<256xf32>
    %broadcast_in_dim3A_196 = vector.shape_cast %reduce_min3A_195 : vector<256xf32> to vector<256x1xf32>
    %le3A = vector.broadcast %broadcast_in_dim3A_196 : vector<256x1xf32> to vector<256x128xf32>
    %le3A_197 = arith.cmpf ole, %select_n3A_193, %le3A : vector<256x128xf32>
    %jit3A = arith.constant 8192 : i32
    %broadcast_in_dim3A_198 = vector.broadcast %jit3A : i32 to vector<256x128xi32>
    %select_n3A_199 = arith.select %le3A_197, %select_n3A_194, %broadcast_in_dim3A_198 : vector<256x128xi1>, vector<256x128xi32>
    %reduce_min3A_200 = arith.constant dense<2147483647> : vector<256xi32>
    %reduce_min3A_201 = vector.multi_reduction <minsi>, %select_n3A_199, %reduce_min3A_200 [1] : vector<256x128xi32> to vector<256xi32>
    %reshape3A = vector.shape_cast %reduce_min3A_201 : vector<256xi32> to vector<1x1x256xi32>
    %swap3A = arith.constant 0 : index
    %swap3A_202 = arith.constant 0 : index
    %swap3A_203 = arith.constant 0 : index
    %swap3A_204 = vector.load %arg4[%swap3A, %swap3A_202, %swap3A_203] : memref<1x1x256xi32, #tpu.memory_space<vmem>>, vector<1x1x256xi32>
    tpu.vector_store %arg4[%swap3A, %swap3A_202, %swap3A_203], %reshape3A {strides = array<i32>} : memref<1x1x256xi32, #tpu.memory_space<vmem>>, vector<1x1x256xi32>,
    %reduce_sum3A_205 = vector.shape_cast %broadcast_in_dim3A_196 : vector<256x1xf32> to vector<1x256x1xf32>
    %reduce_sum3A_206 = arith.constant dense<0.000000e+00> : vector<1xf32>
    %reduce_sum3A_207 = vector.multi_reduction <add>, %reduce_sum3A_205, %reduce_sum3A_206 [1, 2] : vector<1x256x1xf32> to vector<1xf32>
    %reduce_sum3A_208 = vector.shape_cast %reduce_sum3A_207 : vector<1xf32> to vector<1x1x1xf32>
    %reduce_sum3A_209 = vector.extract %reduce_sum3A_208[0, 0, 0] : f32 from vector<1x1x1xf32>
    %eq3A = arith.constant 0 : i32
    %eq3A_210 = arith.cmpi eq, %arg0, %eq3A : i32
    %convert_element_type3A = arith.extui %eq3A_210 : i1 to i32
    %cond3A = arith.constant 0 : i32
    %cond3A_211 = arith.cmpi ne, %convert_element_type3A, %cond3A : i32
    scf.if %cond3A_211 {
      %broadcast_in_dim3A_220 = arith.constant 0.000000e+00 : f32
      %broadcast_in_dim3A_221 = vector.broadcast %broadcast_in_dim3A_220 : f32 to vector<8x128xf32>
      %swap3A_222 = arith.constant 0 : index
      %swap3A_223 = arith.constant 0 : index
      %swap3A_224 = vector.load %arg5[%swap3A_222, %swap3A_223] : memref<8x128xf32, #tpu.memory_space<vmem>>, vector<8x128xf32>
      tpu.vector_store %arg5[%swap3A_222, %swap3A_223], %broadcast_in_dim3A_221 {strides = array<i32>} : memref<8x128xf32, #tpu.memory_space<vmem>>, vector<8x128xf32>,
    } else {
    }
    %get3A_212 = arith.constant 0 : index
    %get3A_213 = arith.constant 0 : index
    %get3A_214 = vector.load %arg5[%get3A_212, %get3A_213] : memref<8x128xf32, #tpu.memory_space<vmem>>, vector<8x128xf32>
    %add3A_215 = vector.broadcast %reduce_sum3A_209 : f32 to vector<8x128xf32>
    %add3A_216 = arith.addf %get3A_214, %add3A_215 : vector<8x128xf32>
    %swap3A_217 = arith.constant 0 : index
    %swap3A_218 = arith.constant 0 : index
    %swap3A_219 = vector.load %arg5[%swap3A_217, %swap3A_218] : memref<8x128xf32, #tpu.memory_space<vmem>>, vector<8x128xf32>
    tpu.vector_store %arg5[%swap3A_217, %swap3A_218], %add3A_216 {strides = array<i32>} : memref<8x128xf32, #tpu.memory_space<vmem>>, vector<8x128xf32>,
    return
  }
  func.func @transform_0(%arg0: i32) -> (i32, i32) {
    %c0_i32 = arith.constant 0 : i32
    %c0_i32_0 = arith.constant 0 : i32
    return %arg0, %c0_i32 : i32, i32
  }
  func.func @transform_1(%arg0: i32) -> (i32, i32) {
    %c0_i32 = arith.constant 0 : i32
    %c0_i32_0 = arith.constant 0 : i32
    return %arg0, %c0_i32 : i32, i32
  }
  func.func @transform_2(%arg0: i32) -> (i32, i32) {
    %c0_i32 = arith.constant 0 : i32
    %c0_i32_0 = arith.constant 0 : i32
    %c0_i32_1 = arith.constant 0 : i32
    return %c0_i32, %c0_i32_0 : i32, i32
  }
  func.func @transform_3(%arg0: i32) -> (i32, i32, i32) {
    %c0_i32 = arith.constant 0 : i32
    %c0_i32_0 = arith.constant 0 : i32
    %c0_i32_1 = arith.constant 0 : i32
    return %arg0, %c0_i32, %c0_i32_0 : i32, i32, i32
  }
  func.func @transform_4(%arg0: i32) -> (i32, i32) {
    %c0_i32 = arith.constant 0 : i32
    %c0_i32_0 = arith.constant 0 : i32
    %c0_i32_1 = arith.constant 0 : i32
    return %c0_i32, %c0_i32_0 : i32, i32
  }
}

</mosaic_0001>

<sc_bundles>
// kernel: kernel.18.cloned.1.call-start
scs
__scs_entry_jumppad:
0x0: {  	(pc) =	sbr.rel $0x88, $3  }
0x1: {  	(tag) =	ssettag $0x0;
	lr =	simm.s32 $0x1  }
0x2: {  	[smem:$0x3F9F] =	sst lr;
	_ =	strace $0xD0000000  }
0x3: {  	_ = 	snop  }
0x4: {  	_ = 	snop  }
0x5: {  	_ = 	snop  }
0x6: {  	_ = 	snop  }
0x7: {  	_ = 	snop  }
__scs_overlays_trampoline_lowered:
0x8: {  	[smem:$0x3FAE] =	sst s0  }
0x9: {  	[smem:$0x3FAF] =	sst s1  }
0xa: {  	[smem:$0x3FB0] =	sst s2  }
0xb: {  	[smem:$0x3FB1] =	sst s3  }
0xc: {  	[smem:$0x3FB2] =	sst s4  }
0xd: {  	[smem:$0x3FB3] =	sst s5  }
0xe: {  	[smem:$0x3FB4] =	sst s6  }
0xf: {  	[smem:$0x3FB5] =	sst s7  }
0x10: {  	[smem:$0x3FB6] =	sst s8  }
0x11: {  	[smem:$0x3FB7] =	sst s9;
	s0 =	simm.s32 @!p0 $0x0  }
0x12: {  	s1 =	sld [smem:$0x3F9D];
	s0 =	simm.s32 @p0 $0x1  }
0x13: {  	[smem:$0x3FB8] =	sst s0;
	s0 =	simm.s32 @!p1 $0x0  }
0x14: {  	s2 =	sld [smem:$0x3F9C];
	s0 =	simm.s32 @p1 $0x1  }
0x15: {  	[smem:$0x3FB9] =	sst s0;
	s0 =	simm.s32 @!p2 $0x0  }
0x16: {  	s3 =	sld [smem:$0x3FDB];
	s0 =	simm.s32 @p2 $0x1  }
0x17: {  	s4 =	simm.s32 $0x1BF5;
	[smem:$0x3FBB] =	sst s0  }
0x18: {  	s0 =	sld [smem:$0x3F9E];
	_ =	swait.ge [sflag:s4], $0x0  }
0x19: {  	s7 =	sld [smem:$0x3F9F]  }
0x1a: {  	s8 =	sadd.s32 $0xFFFFE003, lr  }
0x1b: {  	s9 =	sadd.s32 $0xFFFFFEF7, lr;
	s5 =	simm.s32 $0xFFFFFFFF;
	p2 =	slt.u32 s8, $0xFFFFF086  }
0x1c: {  	p1 =	slt.u32 s9, $0xF7A;
	s5 =	simm.s32 @!p2 $0x0  }
0x1d: {  	s5 =	simm.s32 @p1 $0x1;
	p0 =	seq.s32 s7, s2  }
0x1e: {  	s7 =	smul.u32 @!p0 $0xF7A, s2;
	p2 =	seq.s32 @!p0 s5, $0x0  }
0x1f: {  	s9 =	smul.u32 $0xF7A, s1;
	s8 =	simm.s32 @!p0 $0x1BF5;
	p2 =	por !p2, p0  }
0x20: {  	[sflag:s8] =	ssyncset.s32 @!p0 $0xFFFFF086;
	s6 =	sadd.s32 @!p0 s3, s7;
	s7 =	simm.s32 @!p0 $0x108  }
0x21: {  	s3 =	sadd.s32 s3, s9;
	s6 =	sadd.s32 @!p0 $0x88, s6;
	s7 =	simm.s32 @p2 $0x1082  }
0x22: {  	[simem:s7], [sflag:s8] =	dma.local @!p0 [hbm:s6], $0xF7A  }
0x23: {  	s9 =	sor.u32 $0xD0000000, s2;
	s6 =	simm.s32 $0x108;
	_ =	swait.ge @!p0 [sflag:s8], $0x0  }
0x24: {  	s3 =	sadd.s32 $0x88, s3;
	s6 =	simm.s32 @!p1 $0x1082;
	[sflag:s4] =	ssyncset.s32 $0xFFFFF086  }
0x25: {  	[simem:s6], [sflag:s4] =	dma.local [hbm:s3], $0xF7A  }
0x26: {  	[smem:$0x3F9F] =	sst s1;
	(tag) =	ssettag s2;
	_ =	strace s9  }
0x27: {  	s1 =	sld [smem:$0x3FAF]  }
0x28: {  	s2 =	sld [smem:$0x3FB0]  }
0x29: {  	s4 =	sld [smem:$0x3FB2]  }
0x2a: {  	p0 =	seq.s32 s5, $0x0;
	s5 =	sld [smem:$0x3FB3]  }
0x2b: {  	s6 =	sld [smem:$0x3FB4]  }
0x2c: {  	s7 =	sld [smem:$0x3FB5]  }
0x2d: {  	s3 =	simm.s32 $0x108;
	s8 =	sld [smem:$0x3FB6]  }
0x2e: {  	s3 =	simm.s32 @!p0 $0x1082;
	s9 =	sld [smem:$0x3FB7]  }
0x2f: {  	lr =	sadd.s32 s0, s3;
	s0 =	sld [smem:$0x3FAE]  }
0x30: {  	s3 =	sld [smem:$0x3FB1]  }
0x31: {  	[smem:$0x3FBA] =	sst s10  }
0x32: {  	s10 =	sld [smem:$0x3FB8];
	_ =	sdelay $0x3  }
0x33: {  	p0 =	seq.s32 s10, $0x1;
	s10 =	sld [smem:$0x3FBA];
	_ =	sdelay $0x3  }
0x34: {  	[smem:$0x3FBA] =	sst s10  }
0x35: {  	s10 =	sld [smem:$0x3FB9];
	_ =	sdelay $0x3  }
0x36: {  	p1 =	seq.s32 s10, $0x1;
	s10 =	sld [smem:$0x3FBA];
	_ =	sdelay $0x3  }
0x37: {  	[smem:$0x3FBA] =	sst s10  }
0x38: {  	s10 =	sld [smem:$0x3FBB]  }
0x39: {  	_ = 	snop;
	(pc) =	sbr.ind lr, $3  }
0x3a: {  	_ = 	snop  }
0x3b: {  	_ = 	snop  }
0x3c: {  	p2 =	seq.s32 s10, $0x1;
	s10 =	sld [smem:$0x3FBA]  }
0x3d: {  	_ =	shalt  }
0x3e: {  	_ =	shalt  }
0x3f: {  	_ =	shalt  }
0x40: {  	_ =	shalt  }
0x41: {  	_ =	shalt  }
0x42: {  	_ =	shalt  }
0x43: {  	_ =	shalt  }
0x44: {  	_ =	shalt  }
0x45: {  	_ =	shalt  }
0x46: {  	_ =	shalt  }
0x47: {  	_ =	shalt  }
0x48: {  	_ =	shalt  }
0x49: {  	_ =	shalt  }
0x4a: {  	_ =	shalt  }
0x4b: {  	_ =	shalt  }
0x4c: {  	_ =	shalt  }
0x4d: {  	_ =	shalt  }
0x4e: {  	_ =	shalt  }
0x4f: {  	_ =	shalt  }
0x50: {  	_ =	shalt  }
0x51: {  	_ =	shalt  }
0x52: {  	_ =	shalt  }
0x53: {  	_ =	shalt  }
0x54: {  	_ =	shalt  }
0x55: {  	_ =	shalt  }
0x56: {  	_ =	shalt  }
0x57: {  	_ =	shalt  }
0x58: {  	_ =	shalt  }
0x59: {  	_ =	shalt  }
0x5a: {  	_ =	shalt  }
0x5b: {  	_ =	shalt  }
0x5c: {  	_ =	shalt  }
0x5d: {  	_ =	shalt  }
0x5e: {  	_ =	shalt  }
0x5f: {  	_ =	shalt  }
0x60: {  	_ =	shalt  }
0x61: {  	_ =	shalt  }
0x62: {  	_ =	shalt  }
0x63: {  	_ =	shalt  }
0x64: {  	_ =	shalt  }
0x65: {  	_ =	shalt  }
0x66: {  	_ =	shalt  }
0x67: {  	_ =	shalt  }
0x68: {  	_ =	shalt  }
0x69: {  	_ =	shalt  }
0x6a: {  	_ =	shalt  }
0x6b: {  	_ =	shalt  }
0x6c: {  	_ =	shalt  }
0x6d: {  	_ =	shalt  }
0x6e: {  	_ =	shalt  }
0x6f: {  	_ =	shalt  }
0x70: {  	_ =	shalt  }
0x71: {  	_ =	shalt  }
0x72: {  	_ =	shalt  }
0x73: {  	_ =	shalt  }
0x74: {  	_ =	shalt  }
0x75: {  	_ =	shalt  }
0x76: {  	_ =	shalt  }
0x77: {  	_ =	shalt  }
0x78: {  	_ =	shalt  }
0x79: {  	_ =	shalt  }
0x7a: {  	_ =	shalt  }
0x7b: {  	_ =	shalt  }
0x7c: {  	_ =	shalt  }
0x7d: {  	_ =	shalt  }
0x7e: {  	_ =	shalt  }
0x7f: {  	_ =	shalt  }
0x80: {  	_ =	shalt  }
0x81: {  	_ =	shalt  }
0x82: {  	_ =	shalt  }
0x83: {  	_ =	shalt  }
0x84: {  	_ =	shalt  }
0x85: {  	_ =	shalt  }
0x86: {  	_ =	shalt  }
0x87: {  	_ =	shalt  }
.Lfunc_end0:
.L_simem_size_0:
called_computation_lowered:
.L_overlay_start_0:
0x88: {  	s2 =	sld [smem:$0x3FD9]  }
0x89: {  	s3 =	sld [smem:$0x3FFE];
	_ =	sdelay $0x1  }
0x8a: {  	s1 =	srdreg.scid  }
0x8b: {  	s0 =	sand.u32 $0x1, s1  }
0x8c: {  	s14 =	sshll.u32 s0, $0xA;
	s2 =	sadd.s32 s3, s2  }
0x8d: {  	s2 =	sadd.s32 s2, s14  }
0x8e: {  	[smem:$0x3FC6] =	sst s2  }
0x8f: {  	_ = 	snop  }
0x90: {  	s2 =	sld [smem:$0x3FD0];
	_ =	sdelay $0x2  }
0x91: {  	s15 =	simm.s32 $0xA;
	s4 =	simm.s32 $0x10  }
0x92: {  	[smem:s4], [sflag:s15] =	dma.local [hbm:s2], $0x1  }
0x93: {  	_ =	swait.eq [sflag:s15], $0x1  }
0x94: {  	[sflag:s15] =	ssyncset.done $0x0  }
0x95: {  	[sflag:s15] =	ssyncadd.s32 $0xFFFFFFFF  }
0x96: {  	s16 =	sld [smem:$0x11];
	(tm) =	ssettm $0x1  }
0x97: {  	s17 =	sld [smem:$0x3FFB];
	_ =	sdelay $0x3  }
0x98: {  	_ =	strace s17  }
0x99: {  	s3 =	sld [smem:$0x3FFC];
	_ =	sdelay $0x3  }
0x9a: {  	_ =	strace s3  }
0x9b: {  	s3 =	sld [smem:$0x3FFD];
	_ =	sdelay $0x3  }
0x9c: {  	_ =	strace s3  }
0x9d: {  	_ =	strace $0x8FFFFFFF  }
0x9e: {  	s18 =	sld [smem:$0x3FDB];
	_ =	sdelay $0x1  }
0x9f: {  	s19 =	simm.s32 $_scs_section_size  }
0xa0: {  	s5 =	simm.s32 $_size__tile_overlayer_lowered;
	s6 =	simm.s32 $_tile_overlayer_lowered  }
0xa1: {  	s22 =	simm.s32 $0x1BFF;
	s21 =	sshll.u32 s6, $0x1;
	s3 =	sadd.s32 s19, s18  }
0xa2: {  	s7 =	simm.s32 $0x0;
	s20 =	sshll.u32 s5, $0x1;
	s5 =	sadd.s32 s21, s3  }
0xa3: {  	[timem:s7], [sflag:s22] =	dma.local [hbm:s5], s20  }
0xa4: {  	_ =	swait.ge [sflag:s22], s20  }
0xa5: {  	s4 =	ssub.s32 $0x0, s20;
	[sflag:s22] =	ssyncset.done $0x0  }
0xa6: {  	[sflag:s22] =	ssyncadd.s32 s4;
	_ =	sdelay $0x1  }
0xa7: {  	s23 =	simm.s32 $0x1B8B  }
0xa8: {  	_ =	swait.ge [sflag:s23], $0x1  }
0xa9: {  	[sflag:s23] =	ssyncset.done $0x0  }
0xaa: {  	s25 =	simm.s32 $0x1B8E;
	s24 =	sld [smem:$0x3FFE];
	[sflag:s23] =	ssyncadd.s32 $0xFFFFFFFF  }
0xab: {  	s26 =	simm.s32 $execute0_lowered;
	[smem:$0x3FD2] =	sst s25  }
0xac: {  	s5 =	sshll.u32 s26, $0x1;
	_ =	strace $0x80000046;
	[dreg:$0x1] =	wrdreg $0xFFFFFFFF  }
0xad: {  	s28 =	simm.s32 $_size_execute0_lowered;
	s3 =	sadd.s32 s3, s5;
	[dreg:$0x0] =	wrdreg $0x0  }
0xae: {  	s5 =	sshll.u32 s28, $0x1;
	[dreg:$0x2] =	wrdreg s3  }
0xaf: {  	[dreg:$0x3] =	wrdreg s5  }
0xb0: {  	[dreg:$0x4] =	wrdreg $0xC0  }
0xb1: {  	_ =	task [dreg:s7], $0x5FFFF  }
0xb2: {  	[dreg:$0x1] =	wrdreg $0xFFFFFFFF  }
0xb3: {  	[dreg:$0x0] =	wrdreg $0x60  }
0xb4: {  	[dreg:$0x2] =	wrdreg s24  }
0xb5: {  	[dreg:$0x3] =	wrdreg s16  }
0xb6: {  	[dreg:$0x4] =	wrdreg $0x9  }
0xb7: {  	_ =	task.clear_ibuf [dreg:s7], $0x5FFFF;
	_ =	strace $0x90000046  }
0xb8: {  	s29 =	simm.s32 $0x9;
	_ =	strace $0x80000048  }
0xb9: {  	_ =	swait.ge [sflag:s29], $0x1  }
0xba: {  	[sflag:s29] =	ssyncadd.s32 $0xFFFFFFFF  }
0xbb: {  	_ =	strace $0x90000048  }
0xbc: {  	_ =	sfence  }
0xbd: {  	s30 =	sld [smem:$0x0];
	_ =	sdelay $0x2  }
0xbe: {  	s31 =	sshll.u32 s1, $0xD;
	s1 =	sshrl.u32 s1, $0x2  }
0xbf: {  	s3 =	sand.u32 $0x4000, s31;
	s1 =	sadd.s32 s1, s30  }
0xc0: {  	s0 =	sor.u32 s3, s0;
	s1 =	sshll.u32 s1, $0x11  }
0xc1: {  	s0 =	sor.u32 s1, s0  }
0xc2: {  	s0 =	sadd.s32 $0x8F2B, s0  }
0xc3: {  	[sflag:s0] =	ssyncadd.remote.s32 $0x1  }
0xc4: {  	_ =	sfence.sel $0xFFFF  }
0xc5: {  	[dreg:$0x0] =	wrdreg $0xFFFFFFFF;
	(pc) =	sbr.abs _section_cstart, $3  }
0xc6: {  	[dreg:$0x1] =	wrdreg $0xFFFFFFFF  }
0xc7: {  	_ =	task.clear_ibuf [dreg:s7], $0x2FFFF;
	_ =	strace $0x9FFFFFFF  }
0xc8: {  	(tm) =	ssettm $0x7FFFFFFF  }
0xc9: {  	_ =	shalt  }
tec
execute0_lowered:
.L_overlay_start_1:
0x0: {  	(tag) =	ssettag $0x1  }
0x1: {  	s4 =	rddreg [dreg:$0x0]  }
0x2: {  	s5 =	rddreg [dreg:$0x1]  }
0x3: {  	s0 =	rddreg [dreg:$0x2];
	s2 =	simm.s32 $0x0;
	s6 =	srdreg.scid  }
0x4: {  	s1 =	stileid.u32;
	s15 =	simm.s32 $0x80;
	s16 =	simm.s32 $0x200  }
0x5: {  	s17 =	simm.s32 $0x4200;
	s18 =	simm.s32 $0x1;
	s19 =	simm.s32 $0x8200  }
0x6: {  	s20 =	simm.s32 $0x100;
	s21 =	simm.s32 $0x180;
	s22 =	simm.s32 $0x0  }
0x7: {  	[smem:$0x7FF] =	sst s2;
	s3 =	sadd.s32 $0x144400, s4;
	s6 =	sand.u32 $0x1, s6  }
0x8: {  	s7 =	sshll.u32 s1, $0x1;
	s11 =	sadd.s32 $0x4400, s4;
	s12 =	sadd.s32 $0x54600, s4  }
0x9: {  	_ =	strace $0x80000047;
	s8 =	ssub.s32 $0x2, s6;
	s6 =	sor.u32 s6, s7  }
0xa: {  	s30 =	sshrl.u32 s8, $0x1;
	s7 =	sshll.u32 s6, $0x6;
	s14 =	sshll.u32 s6, $0xD  }
0xb: {  	s13 =	ssub.s32 s8, s30;
	s4 =	sadd.s32 s5, s7;
	s5 =	sadd.s32 s11, s14  }
0xc: {  	s6 =	sadd.s32 s12, s14;
	s31 =	sor.u32 $0x800, s14;
	s10 =	sor.u32 $0x1000, s14  }
0xd: {  	s14 =	sor.u32 $0x1800, s14;
	s7 =	sadd.s32 s11, s31;
	s8 =	sadd.s32 s12, s31  }
0xe: {  	s9 =	sadd.s32 s11, s10;
	s10 =	sadd.s32 s12, s10;
	s11 =	sadd.s32 s11, s14  }
0xf: {  	s12 =	sadd.s32 s12, s14;
	s13 =	smax.u32 s13, $0x1;
	s14 =	simm.s32 $0x2  }
.LBB2_1:
0x10: {  	[tilespmem:s2], [sflag:$0x2] =	stream.linear.gather [hbm4b:s4+s2], $0x200, $0x38;
	[tilespmem:$0xC200] =	vst v63  }
0x11: {  	_ =	swait.ge [sflag:s14], $0x200  }
0x12: {  	[sflag:s14] =	ssyncset.done $0x0  }
0x13: {  	[sflag:s14] =	ssyncadd.s32 $0xFFFFFE00  }
0x14: {  	[tilespmem:s16], [sflag:$0x1] =	stream.indirect.gather [hbm4b:s3+s15], $0x80, s2, s15, $0xb8;
	[tilespmem:$0xC200] =	vst v63  }
0x15: {  	_ = 	snop  }
0x16: {  	[tilespmem:s17], [sflag:$0x2] =	stream.linear.gather [hbm4b:s5+s2], $0x4000, $0x38;
	[tilespmem:$0xC200] =	vst v63  }
0x17: {  	_ =	swait.ge [sflag:s14], $0x4000  }
0x18: {  	[sflag:s14] =	ssyncset.done $0x0  }
0x19: {  	[sflag:s14] =	ssyncadd.s32 $0xFFFFC000  }
0x1a: {  	_ =	swait.ge [sflag:s18], $0x4000  }
0x1b: {  	[sflag:s18] =	ssyncset.done $0x0  }
0x1c: {  	s23 =	simm.s32 $0x0;
	[sflag:s18] =	ssyncadd.s32 $0xFFFFC000  }
0x1d: {  	v0 =	vld [tilespmem:s23+$0x210]  }
0x1e: {  	v2 =	vld [tilespmem:s23+$0x4210]  }
0x1f: {  	v1 =	vld [tilespmem:s23+$0x200]  }
0x20: {  	v3 =	vld [tilespmem:s23+$0x4200]  }
0x21: {  	s24 =	simm.s32 $0x200  }
.LBB2_2:
0x22: {  	s25 =	sshra.s32 s24, $0x2;
	p0 =	sne.s32 s24, $0xFE00  }
.Ltmp0:
0x23: {  	s24 =	sadd.s32 $0x200, s24;
	v4 =	vsub.f32 v2, v0;
	v0 =	vld [tilespmem:s25+$0x210];
	(pc) =	sbr.rel @p0 .LBB2_2-.Ltmp0, $4  }
0x24: {  	v2 =	vld [tilespmem:s25+$0x4210]  }
0x25: {  	v5 =	vsub.f32 v3, v1;
	v1 =	vld [tilespmem:s25+$0x200];
	[tilespmem:s23+$0x8210] =	vst v4  }
0x26: {  	v3 =	vld [tilespmem:s25+$0x4200]  }
0x27: {  	[tilespmem:s23+$0x8200] =	vst v5;
	s23 =	smov.u32 s25  }
0x28: {  	_ =	sdelay $0x1  }
0x29: {  	v0 =	vsub.f32 v2, v0  }
0x2a: {  	v1 =	vsub.f32 v3, v1  }
0x2b: {  	[tilespmem:s23+$0x8210] =	vst v0  }
0x2c: {  	s31 =	simm.s32 $0x0;
	[tilespmem:s23+$0x8200] =	vst v1  }
0x2d: {  	[hbm4b:s6+s31] =	stream.linear.scatter [tilespmem:s19], [sflag:$0x2], $0x4000, $0x38;
	[tilespmem:$0xC200] =	vst v63  }
0x2e: {  	_ =	swait.ge [sflag:s14], $0x4000  }
0x2f: {  	[sflag:s14] =	ssyncset.done $0x0  }
0x30: {  	[sflag:s14] =	ssyncadd.s32 $0xFFFFC000  }
0x31: {  	[tilespmem:s16], [sflag:$0x1] =	stream.indirect.gather [hbm4b:s3+s15], $0x80, s15, s15, $0xb8;
	[tilespmem:$0xC200] =	vst v63  }
0x32: {  	_ = 	snop  }
0x33: {  	[tilespmem:s17], [sflag:$0x2] =	stream.linear.gather [hbm4b:s7+s31], $0x4000, $0x38;
	[tilespmem:$0xC200] =	vst v63  }
0x34: {  	_ =	swait.ge [sflag:s14], $0x4000  }
0x35: {  	[sflag:s14] =	ssyncset.done $0x0  }
0x36: {  	[sflag:s14] =	ssyncadd.s32 $0xFFFFC000  }
0x37: {  	_ =	swait.ge [sflag:s18], $0x4000  }
0x38: {  	[sflag:s18] =	ssyncset.done $0x0  }
0x39: {  	s23 =	simm.s32 $0x0;
	[sflag:s18] =	ssyncadd.s32 $0xFFFFC000  }
0x3a: {  	v0 =	vld [tilespmem:s23+$0x210]  }
0x3b: {  	v2 =	vld [tilespmem:s23+$0x4210]  }
0x3c: {  	v1 =	vld [tilespmem:s23+$0x200]  }
0x3d: {  	v3 =	vld [tilespmem:s23+$0x4200]  }
0x3e: {  	s24 =	simm.s32 $0x200  }
.LBB2_4:
0x3f: {  	s25 =	sshra.s32 s24, $0x2;
	p0 =	sne.s32 s24, $0xFE00  }
.Ltmp1:
0x40: {  	s24 =	sadd.s32 $0x200, s24;
	v4 =	vsub.f32 v2, v0;
	v0 =	vld [tilespmem:s25+$0x210];
	(pc) =	sbr.rel @p0 .LBB2_4-.Ltmp1, $4  }
0x41: {  	v2 =	vld [tilespmem:s25+$0x4210]  }
0x42: {  	v5 =	vsub.f32 v3, v1;
	v1 =	vld [tilespmem:s25+$0x200];
	[tilespmem:s23+$0x8210] =	vst v4  }
0x43: {  	v3 =	vld [tilespmem:s25+$0x4200]  }
0x44: {  	[tilespmem:s23+$0x8200] =	vst v5;
	s23 =	smov.u32 s25  }
0x45: {  	_ =	sdelay $0x1  }
0x46: {  	v0 =	vsub.f32 v2, v0  }
0x47: {  	v1 =	vsub.f32 v3, v1  }
0x48: {  	[tilespmem:s23+$0x8210] =	vst v0  }
0x49: {  	s31 =	simm.s32 $0x0;
	[tilespmem:s23+$0x8200] =	vst v1  }
0x4a: {  	[hbm4b:s8+s31] =	stream.linear.scatter [tilespmem:s19], [sflag:$0x2], $0x4000, $0x38;
	[tilespmem:$0xC200] =	vst v63  }
0x4b: {  	_ =	swait.ge [sflag:s14], $0x4000  }
0x4c: {  	[sflag:s14] =	ssyncset.done $0x0  }
0x4d: {  	[sflag:s14] =	ssyncadd.s32 $0xFFFFC000  }
0x4e: {  	[tilespmem:s16], [sflag:$0x1] =	stream.indirect.gather [hbm4b:s3+s15], $0x80, s20, s15, $0xb8;
	[tilespmem:$0xC200] =	vst v63  }
0x4f: {  	_ = 	snop  }
0x50: {  	[tilespmem:s17], [sflag:$0x2] =	stream.linear.gather [hbm4b:s9+s31], $0x4000, $0x38;
	[tilespmem:$0xC200] =	vst v63  }
0x51: {  	_ =	swait.ge [sflag:s14], $0x4000  }
0x52: {  	[sflag:s14] =	ssyncset.done $0x0  }
0x53: {  	[sflag:s14] =	ssyncadd.s32 $0xFFFFC000  }
0x54: {  	_ =	swait.ge [sflag:s18], $0x4000  }
0x55: {  	[sflag:s18] =	ssyncset.done $0x0  }
0x56: {  	s23 =	simm.s32 $0x0;
	[sflag:s18] =	ssyncadd.s32 $0xFFFFC000  }
0x57: {  	v0 =	vld [tilespmem:s23+$0x210]  }
0x58: {  	v2 =	vld [tilespmem:s23+$0x4210]  }
0x59: {  	v1 =	vld [tilespmem:s23+$0x200]  }
0x5a: {  	v3 =	vld [tilespmem:s23+$0x4200]  }
0x5b: {  	s24 =	simm.s32 $0x200  }
.LBB2_6:
0x5c: {  	s25 =	sshra.s32 s24, $0x2;
	p0 =	sne.s32 s24, $0xFE00  }
.Ltmp2:
0x5d: {  	s24 =	sadd.s32 $0x200, s24;
	v4 =	vsub.f32 v2, v0;
	v0 =	vld [tilespmem:s25+$0x210];
	(pc) =	sbr.rel @p0 .LBB2_6-.Ltmp2, $4  }
0x5e: {  	v2 =	vld [tilespmem:s25+$0x4210]  }
0x5f: {  	v5 =	vsub.f32 v3, v1;
	v1 =	vld [tilespmem:s25+$0x200];
	[tilespmem:s23+$0x8210] =	vst v4  }
0x60: {  	v3 =	vld [tilespmem:s25+$0x4200]  }
0x61: {  	[tilespmem:s23+$0x8200] =	vst v5;
	s23 =	smov.u32 s25  }
0x62: {  	_ =	sdelay $0x1  }
0x63: {  	v0 =	vsub.f32 v2, v0  }
0x64: {  	v1 =	vsub.f32 v3, v1  }
0x65: {  	[tilespmem:s23+$0x8210] =	vst v0  }
0x66: {  	s31 =	simm.s32 $0x0;
	[tilespmem:s23+$0x8200] =	vst v1  }
0x67: {  	[hbm4b:s10+s31] =	stream.linear.scatter [tilespmem:s19], [sflag:$0x2], $0x4000, $0x38;
	[tilespmem:$0xC200] =	vst v63  }
0x68: {  	_ =	swait.ge [sflag:s14], $0x4000  }
0x69: {  	[sflag:s14] =	ssyncset.done $0x0  }
0x6a: {  	[sflag:s14] =	ssyncadd.s32 $0xFFFFC000  }
0x6b: {  	[tilespmem:s16], [sflag:$0x1] =	stream.indirect.gather [hbm4b:s3+s15], $0x80, s21, s15, $0xb8;
	[tilespmem:$0xC200] =	vst v63  }
0x6c: {  	_ = 	snop  }
0x6d: {  	[tilespmem:s17], [sflag:$0x2] =	stream.linear.gather [hbm4b:s11+s31], $0x4000, $0x38;
	[tilespmem:$0xC200] =	vst v63  }
0x6e: {  	_ =	swait.ge [sflag:s14], $0x4000  }
0x6f: {  	[sflag:s14] =	ssyncset.done $0x0  }
0x70: {  	[sflag:s14] =	ssyncadd.s32 $0xFFFFC000  }
0x71: {  	_ =	swait.ge [sflag:s18], $0x4000  }
0x72: {  	[sflag:s18] =	ssyncset.done $0x0  }
0x73: {  	s23 =	simm.s32 $0x0;
	[sflag:s18] =	ssyncadd.s32 $0xFFFFC000  }
0x74: {  	v0 =	vld [tilespmem:s23+$0x210]  }
0x75: {  	v2 =	vld [tilespmem:s23+$0x4210]  }
0x76: {  	v1 =	vld [tilespmem:s23+$0x200]  }
0x77: {  	v3 =	vld [tilespmem:s23+$0x4200]  }
0x78: {  	s24 =	simm.s32 $0x200  }
.LBB2_8:
0x79: {  	s25 =	sshra.s32 s24, $0x2;
	p0 =	sne.s32 s24, $0xFE00  }
.Ltmp3:
0x7a: {  	s24 =	sadd.s32 $0x200, s24;
	v4 =	vsub.f32 v2, v0;
	v0 =	vld [tilespmem:s25+$0x210];
	(pc) =	sbr.rel @p0 .LBB2_8-.Ltmp3, $4  }
0x7b: {  	v2 =	vld [tilespmem:s25+$0x4210]  }
0x7c: {  	v5 =	vsub.f32 v3, v1;
	v1 =	vld [tilespmem:s25+$0x200];
	[tilespmem:s23+$0x8210] =	vst v4  }
0x7d: {  	v3 =	vld [tilespmem:s25+$0x4200]  }
0x7e: {  	[tilespmem:s23+$0x8200] =	vst v5;
	s23 =	smov.u32 s25  }
0x7f: {  	_ =	sdelay $0x1  }
0x80: {  	v0 =	vsub.f32 v2, v0  }
0x81: {  	s22 =	sadd.s32 $0x1, s22;
	v1 =	vsub.f32 v3, v1  }
0x82: {  	p0 =	sne.s32 s22, s13;
	[tilespmem:s23+$0x8210] =	vst v0  }
.Ltmp4:
0x83: {  	[tilespmem:s23+$0x8200] =	vst v1;
	(pc) =	sbr.rel @p0 .LBB2_1-.Ltmp4, $4  }
0x84: {  	[hbm4b:s12+s2] =	stream.linear.scatter [tilespmem:s19], [sflag:$0x2], $0x4000, $0x38;
	[tilespmem:$0xC200] =	vst v63  }
0x85: {  	_ =	swait.ge [sflag:s14], $0x4000  }
0x86: {  	[sflag:s14] =	ssyncset.done $0x0  }
0x87: {  	[sflag:s14] =	ssyncadd.s32 $0xFFFFC000  }
0x88: {  	_ =	sfence.sel $0x180000  }
0x89: {  	[bflag:$0x0] =	sbarrier.arrive $0xFFFF  }
0x8a: {  	p0 =	sne.s32 s1, $0x0;
	_ =	strace $0x90000047  }
0x8b: {  	s0 =	sadd.s32 @!p0 $0x100000, s0;
	[bflag:$0x2] =	sbarrier.arrive $0xFFFF  }
0x8c: {  	[sflag:s0] =	ssyncadd.tile.s32 @!p0 $0x1;
	_ =	shalt  }
.Lfunc_end2:
_tile_overlayer_lowered:
.L_overlay_start_2:
0x8d: {  	(tag) =	ssettag $0x2  }
0x8e: {  	s0 =	rddreg [dreg:$0x0];
	s2 =	stileid.u32  }
0x8f: {  	s1 =	rddreg [dreg:$0x1];
	p0 =	sne.s32 s2, $0x0  }
0x90: {  	s3 =	rddreg [dreg:$0x2];
	[bflag:$0x3] =	sbarrier.arrive $0xFFFF;
	s2 =	simm.s32 @!p0 $0x1C02  }
0x91: {  	[timem:s3], [sflag:s2] =	dma.local @!p0 [hbm:s0], s1  }
0x92: {  	s0 =	simm.s32 @!p0 $0x2  }
0x93: {  	_ =	swait.ge @!p0 [sflag:s0], s1  }
0x94: {  	s1 =	ssub.s32 @!p0 $0x0, s1;
	[sflag:s0] =	ssyncset.done @!p0 $0x0  }
0x95: {  	[sflag:s0] =	ssyncadd.s32 @!p0 s1  }
0x96: {  	[bflag:$0x3] =	sbarrier.arrive $0xFFFF  }
0x97: {  	_ =	shalt  }

// kernel: kernel.21.cloned.1.call-start
scs
__scs_entry_jumppad:
0x0: {  	(pc) =	sbr.rel $0x88, $3  }
0x1: {  	(tag) =	ssettag $0x0;
	lr =	simm.s32 $0x1  }
0x2: {  	[smem:$0x3F9F] =	sst lr;
	_ =	strace $0xD0000000  }
0x3: {  	_ = 	snop  }
0x4: {  	_ = 	snop  }
0x5: {  	_ = 	snop  }
0x6: {  	_ = 	snop  }
0x7: {  	_ = 	snop  }
__scs_overlays_trampoline_lowered:
0x8: {  	[smem:$0x3FAE] =	sst s0  }
0x9: {  	[smem:$0x3FAF] =	sst s1  }
0xa: {  	[smem:$0x3FB0] =	sst s2  }
0xb: {  	[smem:$0x3FB1] =	sst s3  }
0xc: {  	[smem:$0x3FB2] =	sst s4  }
0xd: {  	[smem:$0x3FB3] =	sst s5  }
0xe: {  	[smem:$0x3FB4] =	sst s6  }
0xf: {  	[smem:$0x3FB5] =	sst s7  }
0x10: {  	[smem:$0x3FB6] =	sst s8  }
0x11: {  	[smem:$0x3FB7] =	sst s9;
	s0 =	simm.s32 @!p0 $0x0  }
0x12: {  	s1 =	sld [smem:$0x3F9D];
	s0 =	simm.s32 @p0 $0x1  }
0x13: {  	[smem:$0x3FB8] =	sst s0;
	s0 =	simm.s32 @!p1 $0x0  }
0x14: {  	s2 =	sld [smem:$0x3F9C];
	s0 =	simm.s32 @p1 $0x1  }
0x15: {  	[smem:$0x3FB9] =	sst s0;
	s0 =	simm.s32 @!p2 $0x0  }
0x16: {  	s3 =	sld [smem:$0x3FDB];
	s0 =	simm.s32 @p2 $0x1  }
0x17: {  	s4 =	simm.s32 $0x1BF5;
	[smem:$0x3FBB] =	sst s0  }
0x18: {  	s0 =	sld [smem:$0x3F9E];
	_ =	swait.ge [sflag:s4], $0x0  }
0x19: {  	s7 =	sld [smem:$0x3F9F]  }
0x1a: {  	s8 =	sadd.s32 $0xFFFFE003, lr  }
0x1b: {  	s9 =	sadd.s32 $0xFFFFFEF7, lr;
	s5 =	simm.s32 $0xFFFFFFFF;
	p2 =	slt.u32 s8, $0xFFFFF086  }
0x1c: {  	p1 =	slt.u32 s9, $0xF7A;
	s5 =	simm.s32 @!p2 $0x0  }
0x1d: {  	s5 =	simm.s32 @p1 $0x1;
	p0 =	seq.s32 s7, s2  }
0x1e: {  	s7 =	smul.u32 @!p0 $0xF7A, s2;
	p2 =	seq.s32 @!p0 s5, $0x0  }
0x1f: {  	s9 =	smul.u32 $0xF7A, s1;
	s8 =	simm.s32 @!p0 $0x1BF5;
	p2 =	por !p2, p0  }
0x20: {  	[sflag:s8] =	ssyncset.s32 @!p0 $0xFFFFF086;
	s6 =	sadd.s32 @!p0 s3, s7;
	s7 =	simm.s32 @!p0 $0x108  }
0x21: {  	s3 =	sadd.s32 s3, s9;
	s6 =	sadd.s32 @!p0 $0x88, s6;
	s7 =	simm.s32 @p2 $0x1082  }
0x22: {  	[simem:s7], [sflag:s8] =	dma.local @!p0 [hbm:s6], $0xF7A  }
0x23: {  	s9 =	sor.u32 $0xD0000000, s2;
	s6 =	simm.s32 $0x108;
	_ =	swait.ge @!p0 [sflag:s8], $0x0  }
0x24: {  	s3 =	sadd.s32 $0x88, s3;
	s6 =	simm.s32 @!p1 $0x1082;
	[sflag:s4] =	ssyncset.s32 $0xFFFFF086  }
0x25: {  	[simem:s6], [sflag:s4] =	dma.local [hbm:s3], $0xF7A  }
0x26: {  	[smem:$0x3F9F] =	sst s1;
	(tag) =	ssettag s2;
	_ =	strace s9  }
0x27: {  	s1 =	sld [smem:$0x3FAF]  }
0x28: {  	s2 =	sld [smem:$0x3FB0]  }
0x29: {  	s4 =	sld [smem:$0x3FB2]  }
0x2a: {  	p0 =	seq.s32 s5, $0x0;
	s5 =	sld [smem:$0x3FB3]  }
0x2b: {  	s6 =	sld [smem:$0x3FB4]  }
0x2c: {  	s7 =	sld [smem:$0x3FB5]  }
0x2d: {  	s3 =	simm.s32 $0x108;
	s8 =	sld [smem:$0x3FB6]  }
0x2e: {  	s3 =	simm.s32 @!p0 $0x1082;
	s9 =	sld [smem:$0x3FB7]  }
0x2f: {  	lr =	sadd.s32 s0, s3;
	s0 =	sld [smem:$0x3FAE]  }
0x30: {  	s3 =	sld [smem:$0x3FB1]  }
0x31: {  	[smem:$0x3FBA] =	sst s10  }
0x32: {  	s10 =	sld [smem:$0x3FB8];
	_ =	sdelay $0x3  }
0x33: {  	p0 =	seq.s32 s10, $0x1;
	s10 =	sld [smem:$0x3FBA];
	_ =	sdelay $0x3  }
0x34: {  	[smem:$0x3FBA] =	sst s10  }
0x35: {  	s10 =	sld [smem:$0x3FB9];
	_ =	sdelay $0x3  }
0x36: {  	p1 =	seq.s32 s10, $0x1;
	s10 =	sld [smem:$0x3FBA];
	_ =	sdelay $0x3  }
0x37: {  	[smem:$0x3FBA] =	sst s10  }
0x38: {  	s10 =	sld [smem:$0x3FBB]  }
0x39: {  	_ = 	snop;
	(pc) =	sbr.ind lr, $3  }
0x3a: {  	_ = 	snop  }
0x3b: {  	_ = 	snop  }
0x3c: {  	p2 =	seq.s32 s10, $0x1;
	s10 =	sld [smem:$0x3FBA]  }
0x3d: {  	_ =	shalt  }
0x3e: {  	_ =	shalt  }
0x3f: {  	_ =	shalt  }
0x40: {  	_ =	shalt  }
0x41: {  	_ =	shalt  }
0x42: {  	_ =	shalt  }
0x43: {  	_ =	shalt  }
0x44: {  	_ =	shalt  }
0x45: {  	_ =	shalt  }
0x46: {  	_ =	shalt  }
0x47: {  	_ =	shalt  }
0x48: {  	_ =	shalt  }
0x49: {  	_ =	shalt  }
0x4a: {  	_ =	shalt  }
0x4b: {  	_ =	shalt  }
0x4c: {  	_ =	shalt  }
0x4d: {  	_ =	shalt  }
0x4e: {  	_ =	shalt  }
0x4f: {  	_ =	shalt  }
0x50: {  	_ =	shalt  }
0x51: {  	_ =	shalt  }
0x52: {  	_ =	shalt  }
0x53: {  	_ =	shalt  }
0x54: {  	_ =	shalt  }
0x55: {  	_ =	shalt  }
0x56: {  	_ =	shalt  }
0x57: {  	_ =	shalt  }
0x58: {  	_ =	shalt  }
0x59: {  	_ =	shalt  }
0x5a: {  	_ =	shalt  }
0x5b: {  	_ =	shalt  }
0x5c: {  	_ =	shalt  }
0x5d: {  	_ =	shalt  }
0x5e: {  	_ =	shalt  }
0x5f: {  	_ =	shalt  }
0x60: {  	_ =	shalt  }
0x61: {  	_ =	shalt  }
0x62: {  	_ =	shalt  }
0x63: {  	_ =	shalt  }
0x64: {  	_ =	shalt  }
0x65: {  	_ =	shalt  }
0x66: {  	_ =	shalt  }
0x67: {  	_ =	shalt  }
0x68: {  	_ =	shalt  }
0x69: {  	_ =	shalt  }
0x6a: {  	_ =	shalt  }
0x6b: {  	_ =	shalt  }
0x6c: {  	_ =	shalt  }
0x6d: {  	_ =	shalt  }
0x6e: {  	_ =	shalt  }
0x6f: {  	_ =	shalt  }
0x70: {  	_ =	shalt  }
0x71: {  	_ =	shalt  }
0x72: {  	_ =	shalt  }
0x73: {  	_ =	shalt  }
0x74: {  	_ =	shalt  }
0x75: {  	_ =	shalt  }
0x76: {  	_ =	shalt  }
0x77: {  	_ =	shalt  }
0x78: {  	_ =	shalt  }
0x79: {  	_ =	shalt  }
0x7a: {  	_ =	shalt  }
0x7b: {  	_ =	shalt  }
0x7c: {  	_ =	shalt  }
0x7d: {  	_ =	shalt  }
0x7e: {  	_ =	shalt  }
0x7f: {  	_ =	shalt  }
0x80: {  	_ =	shalt  }
0x81: {  	_ =	shalt  }
0x82: {  	_ =	shalt  }
0x83: {  	_ =	shalt  }
0x84: {  	_ =	shalt  }
0x85: {  	_ =	shalt  }
0x86: {  	_ =	shalt  }
0x87: {  	_ =	shalt  }
.Lfunc_end0:
.L_simem_size_0:
called_computation.1_lowered:
.L_overlay_start_0:
0x88: {  	s2 =	sld [smem:$0x3FD9]  }
0x89: {  	s3 =	sld [smem:$0x3FFE];
	_ =	sdelay $0x1  }
0x8a: {  	s1 =	srdreg.scid  }
0x8b: {  	s0 =	sand.u32 $0x1, s1  }
0x8c: {  	s16 =	sshll.u32 s0, $0xA;
	s2 =	sadd.s32 s3, s2  }
0x8d: {  	s2 =	sadd.s32 s2, s16  }
0x8e: {  	[smem:$0x3FC6] =	sst s2  }
0x8f: {  	_ = 	snop  }
0x90: {  	(tm) =	ssettm $0x1  }
0x91: {  	s17 =	sld [smem:$0x3FFB];
	_ =	sdelay $0x3  }
0x92: {  	_ =	strace s17  }
0x93: {  	s2 =	sld [smem:$0x3FFC];
	_ =	sdelay $0x3  }
0x94: {  	_ =	strace s2  }
0x95: {  	s2 =	sld [smem:$0x3FFD];
	_ =	sdelay $0x3  }
0x96: {  	_ =	strace s2  }
0x97: {  	_ =	strace $0x8FFFFFFF  }
0x98: {  	s18 =	sld [smem:$0x3FDB];
	_ =	sdelay $0x1  }
0x99: {  	s19 =	simm.s32 $_scs_section_size  }
0x9a: {  	s4 =	simm.s32 $_size__tile_overlayer_lowered;
	s5 =	simm.s32 $_tile_overlayer_lowered  }
0x9b: {  	s22 =	simm.s32 $0x1BFF;
	s21 =	sshll.u32 s5, $0x1;
	s2 =	sadd.s32 s19, s18  }
0x9c: {  	s6 =	simm.s32 $0x0;
	s20 =	sshll.u32 s4, $0x1;
	s4 =	sadd.s32 s21, s2  }
0x9d: {  	[timem:s6], [sflag:s22] =	dma.local [hbm:s4], s20  }
0x9e: {  	_ =	swait.ge [sflag:s22], s20  }
0x9f: {  	s3 =	ssub.s32 $0x0, s20;
	[sflag:s22] =	ssyncset.done $0x0  }
0xa0: {  	[sflag:s22] =	ssyncadd.s32 s3;
	_ =	sdelay $0x1  }
0xa1: {  	s23 =	simm.s32 $0x1B8B  }
0xa2: {  	_ =	swait.ge [sflag:s23], $0x1  }
0xa3: {  	[sflag:s23] =	ssyncset.done $0x0  }
0xa4: {  	s25 =	simm.s32 $0x1B8E;
	s24 =	sld [smem:$0x3FFE];
	[sflag:s23] =	ssyncadd.s32 $0xFFFFFFFF  }
0xa5: {  	s26 =	simm.s32 $execute0_lowered;
	[smem:$0x3FD2] =	sst s25  }
0xa6: {  	s4 =	sshll.u32 s26, $0x1;
	_ =	strace $0x80000049;
	[dreg:$0x1] =	wrdreg $0xFFFFFFFF  }
0xa7: {  	s28 =	simm.s32 $_size_execute0_lowered;
	s2 =	sadd.s32 s2, s4;
	[dreg:$0x0] =	wrdreg $0x0  }
0xa8: {  	s4 =	sshll.u32 s28, $0x1;
	[dreg:$0x2] =	wrdreg s2  }
0xa9: {  	[dreg:$0x3] =	wrdreg s4  }
0xaa: {  	[dreg:$0x4] =	wrdreg $0xC0  }
0xab: {  	_ =	task [dreg:s6], $0x5FFFF  }
0xac: {  	[dreg:$0x1] =	wrdreg $0xFFFFFFFF  }
0xad: {  	[dreg:$0x0] =	wrdreg $0x60  }
0xae: {  	[dreg:$0x2] =	wrdreg s24  }
0xaf: {  	[dreg:$0x3] =	wrdreg $0x9  }
0xb0: {  	_ =	task.clear_ibuf [dreg:s6], $0x4FFFF;
	_ =	strace $0x90000049  }
0xb1: {  	s29 =	simm.s32 $0x9;
	_ =	strace $0x8000004B  }
0xb2: {  	_ =	swait.ge [sflag:s29], $0x1  }
0xb3: {  	[sflag:s29] =	ssyncadd.s32 $0xFFFFFFFF  }
0xb4: {  	_ =	strace $0x9000004B  }
0xb5: {  	_ =	sfence  }
0xb6: {  	s30 =	sld [smem:$0x0];
	_ =	sdelay $0x2  }
0xb7: {  	s31 =	sshll.u32 s1, $0xD;
	s1 =	sshrl.u32 s1, $0x2  }
0xb8: {  	s3 =	sand.u32 $0x4000, s31;
	s1 =	sadd.s32 s1, s30  }
0xb9: {  	s0 =	sor.u32 s3, s0;
	s1 =	sshll.u32 s1, $0x11  }
0xba: {  	s0 =	sor.u32 s1, s0  }
0xbb: {  	s0 =	sadd.s32 $0x8F2B, s0  }
0xbc: {  	[sflag:s0] =	ssyncadd.remote.s32 $0x1  }
0xbd: {  	_ =	sfence.sel $0xFFFF  }
0xbe: {  	[dreg:$0x0] =	wrdreg $0xFFFFFFFF;
	(pc) =	sbr.abs _section_cstart, $3  }
0xbf: {  	[dreg:$0x1] =	wrdreg $0xFFFFFFFF  }
0xc0: {  	_ =	task.clear_ibuf [dreg:s6], $0x2FFFF;
	_ =	strace $0x9FFFFFFF  }
0xc1: {  	(tm) =	ssettm $0x7FFFFFFF  }
tec
execute0_lowered:
.L_overlay_start_1:
0x0: {  	(tag) =	ssettag $0x1  }
0x1: {  	s4 =	rddreg [dreg:$0x0]  }
0x2: {  	s0 =	rddreg [dreg:$0x1]  }
0x3: {  	s3 =	srdreg.scid;
	s1 =	stileid.u32;
	s2 =	simm.s32 $0x0  }
0x4: {  	s15 =	simm.s32 $0x80;
	s16 =	simm.s32 $0x200;
	s17 =	simm.s32 $0x4200  }
0x5: {  	s18 =	simm.s32 $0x1;
	s19 =	simm.s32 $0x8200;
	s20 =	simm.s32 $0x100  }
0x6: {  	s21 =	simm.s32 $0x180;
	s22 =	simm.s32 $0x0;
	s5 =	sand.u32 $0x1, s3  }
0x7: {  	s30 =	sshll.u32 s1, $0x1;
	[smem:$0x7FF] =	sst s2;
	s3 =	sadd.s32 $0x164400, s4  }
0x8: {  	s11 =	sadd.s32 $0x54600, s4;
	s12 =	sadd.s32 $0x95000, s4;
	s6 =	sor.u32 s5, s30  }
0x9: {  	_ =	strace $0x8000004A;
	s5 =	ssub.s32 $0x2, s5;
	s7 =	sshll.u32 s6, $0x6  }
0xa: {  	s31 =	sshrl.u32 s5, $0x1;
	s14 =	sshll.u32 s6, $0xD;
	s7 =	sadd.s32 s7, s4  }
0xb: {  	s13 =	ssub.s32 s5, s31;
	s5 =	sadd.s32 s11, s14;
	s6 =	sadd.s32 s12, s14  }
0xc: {  	s8 =	sor.u32 $0x800, s14;
	s10 =	sor.u32 $0x1000, s14;
	s14 =	sor.u32 $0x1800, s14  }
0xd: {  	s4 =	sadd.s32 $0x94600, s7;
	s7 =	sadd.s32 s11, s8;
	s8 =	sadd.s32 s12, s8  }
0xe: {  	s9 =	sadd.s32 s11, s10;
	s10 =	sadd.s32 s12, s10;
	s11 =	sadd.s32 s11, s14  }
0xf: {  	s12 =	sadd.s32 s12, s14;
	s13 =	smax.u32 s13, $0x1;
	s14 =	simm.s32 $0x2  }
.LBB2_1:
0x10: {  	[tilespmem:s2], [sflag:$0x2] =	stream.linear.gather [hbm4b:s4+s2], $0x200, $0x38;
	[tilespmem:$0xC200] =	vst v63  }
0x11: {  	_ =	swait.ge [sflag:s14], $0x200  }
0x12: {  	[sflag:s14] =	ssyncset.done $0x0  }
0x13: {  	[sflag:s14] =	ssyncadd.s32 $0xFFFFFE00  }
0x14: {  	[tilespmem:s16], [sflag:$0x1] =	stream.indirect.gather [hbm4b:s3+s15], $0x80, s2, s15, $0xb8;
	[tilespmem:$0xC200] =	vst v63  }
0x15: {  	_ = 	snop  }
0x16: {  	[tilespmem:s17], [sflag:$0x2] =	stream.linear.gather [hbm4b:s5+s2], $0x4000, $0x38;
	[tilespmem:$0xC200] =	vst v63  }
0x17: {  	_ =	swait.ge [sflag:s14], $0x4000  }
0x18: {  	[sflag:s14] =	ssyncset.done $0x0  }
0x19: {  	[sflag:s14] =	ssyncadd.s32 $0xFFFFC000  }
0x1a: {  	_ =	swait.ge [sflag:s18], $0x4000  }
0x1b: {  	[sflag:s18] =	ssyncset.done $0x0  }
0x1c: {  	s23 =	simm.s32 $0x0;
	[sflag:s18] =	ssyncadd.s32 $0xFFFFC000  }
0x1d: {  	v0 =	vld [tilespmem:s23+$0x210]  }
0x1e: {  	v2 =	vld [tilespmem:s23+$0x4210]  }
0x1f: {  	v1 =	vld [tilespmem:s23+$0x200]  }
0x20: {  	v3 =	vld [tilespmem:s23+$0x4200]  }
0x21: {  	s24 =	simm.s32 $0x200  }
.LBB2_2:
0x22: {  	s25 =	sshra.s32 s24, $0x2;
	p0 =	sne.s32 s24, $0xFE00  }
.Ltmp0:
0x23: {  	s24 =	sadd.s32 $0x200, s24;
	v4 =	vsub.f32 v2, v0;
	v0 =	vld [tilespmem:s25+$0x210];
	(pc) =	sbr.rel @p0 .LBB2_2-.Ltmp0, $4  }
0x24: {  	v2 =	vld [tilespmem:s25+$0x4210]  }
0x25: {  	v5 =	vsub.f32 v3, v1;
	v1 =	vld [tilespmem:s25+$0x200];
	[tilespmem:s23+$0x8210] =	vst v4  }
0x26: {  	v3 =	vld [tilespmem:s25+$0x4200]  }
0x27: {  	[tilespmem:s23+$0x8200] =	vst v5;
	s23 =	smov.u32 s25  }
0x28: {  	_ =	sdelay $0x1  }
0x29: {  	v0 =	vsub.f32 v2, v0  }
0x2a: {  	v1 =	vsub.f32 v3, v1  }
0x2b: {  	[tilespmem:s23+$0x8210] =	vst v0  }
0x2c: {  	s31 =	simm.s32 $0x0;
	[tilespmem:s23+$0x8200] =	vst v1  }
0x2d: {  	[hbm4b:s6+s31] =	stream.linear.scatter [tilespmem:s19], [sflag:$0x2], $0x4000, $0x38;
	[tilespmem:$0xC200] =	vst v63  }
0x2e: {  	_ =	swait.ge [sflag:s14], $0x4000  }
0x2f: {  	[sflag:s14] =	ssyncset.done $0x0  }
0x30: {  	[sflag:s14] =	ssyncadd.s32 $0xFFFFC000  }
0x31: {  	[tilespmem:s16], [sflag:$0x1] =	stream.indirect.gather [hbm4b:s3+s15], $0x80, s15, s15, $0xb8;
	[tilespmem:$0xC200] =	vst v63  }
0x32: {  	_ = 	snop  }
0x33: {  	[tilespmem:s17], [sflag:$0x2] =	stream.linear.gather [hbm4b:s7+s31], $0x4000, $0x38;
	[tilespmem:$0xC200] =	vst v63  }
0x34: {  	_ =	swait.ge [sflag:s14], $0x4000  }
0x35: {  	[sflag:s14] =	ssyncset.done $0x0  }
0x36: {  	[sflag:s14] =	ssyncadd.s32 $0xFFFFC000  }
0x37: {  	_ =	swait.ge [sflag:s18], $0x4000  }
0x38: {  	[sflag:s18] =	ssyncset.done $0x0  }
0x39: {  	s23 =	simm.s32 $0x0;
	[sflag:s18] =	ssyncadd.s32 $0xFFFFC000  }
0x3a: {  	v0 =	vld [tilespmem:s23+$0x210]  }
0x3b: {  	v2 =	vld [tilespmem:s23+$0x4210]  }
0x3c: {  	v1 =	vld [tilespmem:s23+$0x200]  }
0x3d: {  	v3 =	vld [tilespmem:s23+$0x4200]  }
0x3e: {  	s24 =	simm.s32 $0x200  }
.LBB2_4:
0x3f: {  	s25 =	sshra.s32 s24, $0x2;
	p0 =	sne.s32 s24, $0xFE00  }
.Ltmp1:
0x40: {  	s24 =	sadd.s32 $0x200, s24;
	v4 =	vsub.f32 v2, v0;
	v0 =	vld [tilespmem:s25+$0x210];
	(pc) =	sbr.rel @p0 .LBB2_4-.Ltmp1, $4  }
0x41: {  	v2 =	vld [tilespmem:s25+$0x4210]  }
0x42: {  	v5 =	vsub.f32 v3, v1;
	v1 =	vld [tilespmem:s25+$0x200];
	[tilespmem:s23+$0x8210] =	vst v4  }
0x43: {  	v3 =	vld [tilespmem:s25+$0x4200]  }
0x44: {  	[tilespmem:s23+$0x8200] =	vst v5;
	s23 =	smov.u32 s25  }
0x45: {  	_ =	sdelay $0x1  }
0x46: {  	v0 =	vsub.f32 v2, v0  }
0x47: {  	v1 =	vsub.f32 v3, v1  }
0x48: {  	[tilespmem:s23+$0x8210] =	vst v0  }
0x49: {  	s31 =	simm.s32 $0x0;
	[tilespmem:s23+$0x8200] =	vst v1  }
0x4a: {  	[hbm4b:s8+s31] =	stream.linear.scatter [tilespmem:s19], [sflag:$0x2], $0x4000, $0x38;
	[tilespmem:$0xC200] =	vst v63  }
0x4b: {  	_ =	swait.ge [sflag:s14], $0x4000  }
0x4c: {  	[sflag:s14] =	ssyncset.done $0x0  }
0x4d: {  	[sflag:s14] =	ssyncadd.s32 $0xFFFFC000  }
0x4e: {  	[tilespmem:s16], [sflag:$0x1] =	stream.indirect.gather [hbm4b:s3+s15], $0x80, s20, s15, $0xb8;
	[tilespmem:$0xC200] =	vst v63  }
0x4f: {  	_ = 	snop  }
0x50: {  	[tilespmem:s17], [sflag:$0x2] =	stream.linear.gather [hbm4b:s9+s31], $0x4000, $0x38;
	[tilespmem:$0xC200] =	vst v63  }
0x51: {  	_ =	swait.ge [sflag:s14], $0x4000  }
0x52: {  	[sflag:s14] =	ssyncset.done $0x0  }
0x53: {  	[sflag:s14] =	ssyncadd.s32 $0xFFFFC000  }
0x54: {  	_ =	swait.ge [sflag:s18], $0x4000  }
0x55: {  	[sflag:s18] =	ssyncset.done $0x0  }
0x56: {  	s23 =	simm.s32 $0x0;
	[sflag:s18] =	ssyncadd.s32 $0xFFFFC000  }
0x57: {  	v0 =	vld [tilespmem:s23+$0x210]  }
0x58: {  	v2 =	vld [tilespmem:s23+$0x4210]  }
0x59: {  	v1 =	vld [tilespmem:s23+$0x200]  }
0x5a: {  	v3 =	vld [tilespmem:s23+$0x4200]  }
0x5b: {  	s24 =	simm.s32 $0x200  }
.LBB2_6:
0x5c: {  	s25 =	sshra.s32 s24, $0x2;
	p0 =	sne.s32 s24, $0xFE00  }
.Ltmp2:
0x5d: {  	s24 =	sadd.s32 $0x200, s24;
	v4 =	vsub.f32 v2, v0;
	v0 =	vld [tilespmem:s25+$0x210];
	(pc) =	sbr.rel @p0 .LBB2_6-.Ltmp2, $4  }
0x5e: {  	v2 =	vld [tilespmem:s25+$0x4210]  }
0x5f: {  	v5 =	vsub.f32 v3, v1;
	v1 =	vld [tilespmem:s25+$0x200];
	[tilespmem:s23+$0x8210] =	vst v4  }
0x60: {  	v3 =	vld [tilespmem:s25+$0x4200]  }
0x61: {  	[tilespmem:s23+$0x8200] =	vst v5;
	s23 =	smov.u32 s25  }
0x62: {  	_ =	sdelay $0x1  }
0x63: {  	v0 =	vsub.f32 v2, v0  }
0x64: {  	v1 =	vsub.f32 v3, v1  }
0x65: {  	[tilespmem:s23+$0x8210] =	vst v0  }
0x66: {  	s31 =	simm.s32 $0x0;
	[tilespmem:s23+$0x8200] =	vst v1  }
0x67: {  	[hbm4b:s10+s31] =	stream.linear.scatter [tilespmem:s19], [sflag:$0x2], $0x4000, $0x38;
	[tilespmem:$0xC200] =	vst v63  }
0x68: {  	_ =	swait.ge [sflag:s14], $0x4000  }
0x69: {  	[sflag:s14] =	ssyncset.done $0x0  }
0x6a: {  	[sflag:s14] =	ssyncadd.s32 $0xFFFFC000  }
0x6b: {  	[tilespmem:s16], [sflag:$0x1] =	stream.indirect.gather [hbm4b:s3+s15], $0x80, s21, s15, $0xb8;
	[tilespmem:$0xC200] =	vst v63  }
0x6c: {  	_ = 	snop  }
0x6d: {  	[tilespmem:s17], [sflag:$0x2] =	stream.linear.gather [hbm4b:s11+s31], $0x4000, $0x38;
	[tilespmem:$0xC200] =	vst v63  }
0x6e: {  	_ =	swait.ge [sflag:s14], $0x4000  }
0x6f: {  	[sflag:s14] =	ssyncset.done $0x0  }
0x70: {  	[sflag:s14] =	ssyncadd.s32 $0xFFFFC000  }
0x71: {  	_ =	swait.ge [sflag:s18], $0x4000  }
0x72: {  	[sflag:s18] =	ssyncset.done $0x0  }
0x73: {  	s23 =	simm.s32 $0x0;
	[sflag:s18] =	ssyncadd.s32 $0xFFFFC000  }
0x74: {  	v0 =	vld [tilespmem:s23+$0x210]  }
0x75: {  	v2 =	vld [tilespmem:s23+$0x4210]  }
0x76: {  	v1 =	vld [tilespmem:s23+$0x200]  }
0x77: {  	v3 =	vld [tilespmem:s23+$0x4200]  }
0x78: {  	s24 =	simm.s32 $0x200  }
.LBB2_8:
0x79: {  	s25 =	sshra.s32 s24, $0x2;
	p0 =	sne.s32 s24, $0xFE00  }
.Ltmp3:
0x7a: {  	s24 =	sadd.s32 $0x200, s24;
	v4 =	vsub.f32 v2, v0;
	v0 =	vld [tilespmem:s25+$0x210];
	(pc) =	sbr.rel @p0 .LBB2_8-.Ltmp3, $4  }
0x7b: {  	v2 =	vld [tilespmem:s25+$0x4210]  }
0x7c: {  	v5 =	vsub.f32 v3, v1;
	v1 =	vld [tilespmem:s25+$0x200];
	[tilespmem:s23+$0x8210] =	vst v4  }
0x7d: {  	v3 =	vld [tilespmem:s25+$0x4200]  }
0x7e: {  	[tilespmem:s23+$0x8200] =	vst v5;
	s23 =	smov.u32 s25  }
0x7f: {  	_ =	sdelay $0x1  }
0x80: {  	v0 =	vsub.f32 v2, v0  }
0x81: {  	s22 =	sadd.s32 $0x1, s22;
	v1 =	vsub.f32 v3, v1  }
0x82: {  	p0 =	sne.s32 s22, s13;
	[tilespmem:s23+$0x8210] =	vst v0  }
.Ltmp4:
0x83: {  	[tilespmem:s23+$0x8200] =	vst v1;
	(pc) =	sbr.rel @p0 .LBB2_1-.Ltmp4, $4  }
0x84: {  	[hbm4b:s12+s2] =	stream.linear.scatter [tilespmem:s19], [sflag:$0x2], $0x4000, $0x38;
	[tilespmem:$0xC200] =	vst v63  }
0x85: {  	_ =	swait.ge [sflag:s14], $0x4000  }
0x86: {  	[sflag:s14] =	ssyncset.done $0x0  }
0x87: {  	[sflag:s14] =	ssyncadd.s32 $0xFFFFC000  }
0x88: {  	_ =	sfence.sel $0x180000  }
0x89: {  	[bflag:$0x0] =	sbarrier.arrive $0xFFFF  }
0x8a: {  	p0 =	sne.s32 s1, $0x0;
	_ =	strace $0x9000004A  }
0x8b: {  	s0 =	sadd.s32 @!p0 $0x100000, s0;
	[bflag:$0x2] =	sbarrier.arrive $0xFFFF  }
0x8c: {  	[sflag:s0] =	ssyncadd.tile.s32 @!p0 $0x1;
	_ =	shalt  }
.Lfunc_end2:
_tile_overlayer_lowered:
.L_overlay_start_2:
0x8d: {  	(tag) =	ssettag $0x2  }
0x8e: {  	s0 =	rddreg [dreg:$0x0];
	s2 =	stileid.u32  }
0x8f: {  	s1 =	rddreg [dreg:$0x1];
	p0 =	sne.s32 s2, $0x0  }
0x90: {  	s3 =	rddreg [dreg:$0x2];
	[bflag:$0x3] =	sbarrier.arrive $0xFFFF;
	s2 =	simm.s32 @!p0 $0x1C02  }
0x91: {  	[timem:s3], [sflag:s2] =	dma.local @!p0 [hbm:s0], s1  }
0x92: {  	s0 =	simm.s32 @!p0 $0x2  }
0x93: {  	_ =	swait.ge @!p0 [sflag:s0], s1  }
0x94: {  	s1 =	ssub.s32 @!p0 $0x0, s1;
	[sflag:s0] =	ssyncset.done @!p0 $0x0  }
0x95: {  	[sflag:s0] =	ssyncadd.s32 @!p0 s1  }
0x96: {  	[bflag:$0x3] =	sbarrier.arrive $0xFFFF  }
0x97: {  	_ =	shalt  }

// kernel: kernel.24.cloned.1.call-start
scs
__scs_entry_jumppad:
0x0: {  	(pc) =	sbr.rel $0x88, $3  }
0x1: {  	(tag) =	ssettag $0x0;
	lr =	simm.s32 $0x1  }
0x2: {  	[smem:$0x3F9F] =	sst lr;
	_ =	strace $0xD0000000  }
0x3: {  	_ = 	snop  }
0x4: {  	_ = 	snop  }
0x5: {  	_ = 	snop  }
0x6: {  	_ = 	snop  }
0x7: {  	_ = 	snop  }
__scs_overlays_trampoline_lowered:
0x8: {  	[smem:$0x3FAE] =	sst s0  }
0x9: {  	[smem:$0x3FAF] =	sst s1  }
0xa: {  	[smem:$0x3FB0] =	sst s2  }
0xb: {  	[smem:$0x3FB1] =	sst s3  }
0xc: {  	[smem:$0x3FB2] =	sst s4  }
0xd: {  	[smem:$0x3FB3] =	sst s5  }
0xe: {  	[smem:$0x3FB4] =	sst s6  }
0xf: {  	[smem:$0x3FB5] =	sst s7  }
0x10: {  	[smem:$0x3FB6] =	sst s8  }
0x11: {  	[smem:$0x3FB7] =	sst s9;
	s0 =	simm.s32 @!p0 $0x0  }
0x12: {  	s1 =	sld [smem:$0x3F9D];
	s0 =	simm.s32 @p0 $0x1  }
0x13: {  	[smem:$0x3FB8] =	sst s0;
	s0 =	simm.s32 @!p1 $0x0  }
0x14: {  	s2 =	sld [smem:$0x3F9C];
	s0 =	simm.s32 @p1 $0x1  }
0x15: {  	[smem:$0x3FB9] =	sst s0;
	s0 =	simm.s32 @!p2 $0x0  }
0x16: {  	s3 =	sld [smem:$0x3FDB];
	s0 =	simm.s32 @p2 $0x1  }
0x17: {  	s4 =	simm.s32 $0x1BF5;
	[smem:$0x3FBB] =	sst s0  }
0x18: {  	s0 =	sld [smem:$0x3F9E];
	_ =	swait.ge [sflag:s4], $0x0  }
0x19: {  	s7 =	sld [smem:$0x3F9F]  }
0x1a: {  	s8 =	sadd.s32 $0xFFFFE003, lr  }
0x1b: {  	s9 =	sadd.s32 $0xFFFFFEF7, lr;
	s5 =	simm.s32 $0xFFFFFFFF;
	p2 =	slt.u32 s8, $0xFFFFF086  }
0x1c: {  	p1 =	slt.u32 s9, $0xF7A;
	s5 =	simm.s32 @!p2 $0x0  }
0x1d: {  	s5 =	simm.s32 @p1 $0x1;
	p0 =	seq.s32 s7, s2  }
0x1e: {  	s7 =	smul.u32 @!p0 $0xF7A, s2;
	p2 =	seq.s32 @!p0 s5, $0x0  }
0x1f: {  	s9 =	smul.u32 $0xF7A, s1;
	s8 =	simm.s32 @!p0 $0x1BF5;
	p2 =	por !p2, p0  }
0x20: {  	[sflag:s8] =	ssyncset.s32 @!p0 $0xFFFFF086;
	s6 =	sadd.s32 @!p0 s3, s7;
	s7 =	simm.s32 @!p0 $0x108  }
0x21: {  	s3 =	sadd.s32 s3, s9;
	s6 =	sadd.s32 @!p0 $0x88, s6;
	s7 =	simm.s32 @p2 $0x1082  }
0x22: {  	[simem:s7], [sflag:s8] =	dma.local @!p0 [hbm:s6], $0xF7A  }
0x23: {  	s9 =	sor.u32 $0xD0000000, s2;
	s6 =	simm.s32 $0x108;
	_ =	swait.ge @!p0 [sflag:s8], $0x0  }
0x24: {  	s3 =	sadd.s32 $0x88, s3;
	s6 =	simm.s32 @!p1 $0x1082;
	[sflag:s4] =	ssyncset.s32 $0xFFFFF086  }
0x25: {  	[simem:s6], [sflag:s4] =	dma.local [hbm:s3], $0xF7A  }
0x26: {  	[smem:$0x3F9F] =	sst s1;
	(tag) =	ssettag s2;
	_ =	strace s9  }
0x27: {  	s1 =	sld [smem:$0x3FAF]  }
0x28: {  	s2 =	sld [smem:$0x3FB0]  }
0x29: {  	s4 =	sld [smem:$0x3FB2]  }
0x2a: {  	p0 =	seq.s32 s5, $0x0;
	s5 =	sld [smem:$0x3FB3]  }
0x2b: {  	s6 =	sld [smem:$0x3FB4]  }
0x2c: {  	s7 =	sld [smem:$0x3FB5]  }
0x2d: {  	s3 =	simm.s32 $0x108;
	s8 =	sld [smem:$0x3FB6]  }
0x2e: {  	s3 =	simm.s32 @!p0 $0x1082;
	s9 =	sld [smem:$0x3FB7]  }
0x2f: {  	lr =	sadd.s32 s0, s3;
	s0 =	sld [smem:$0x3FAE]  }
0x30: {  	s3 =	sld [smem:$0x3FB1]  }
0x31: {  	[smem:$0x3FBA] =	sst s10  }
0x32: {  	s10 =	sld [smem:$0x3FB8];
	_ =	sdelay $0x3  }
0x33: {  	p0 =	seq.s32 s10, $0x1;
	s10 =	sld [smem:$0x3FBA];
	_ =	sdelay $0x3  }
0x34: {  	[smem:$0x3FBA] =	sst s10  }
0x35: {  	s10 =	sld [smem:$0x3FB9];
	_ =	sdelay $0x3  }
0x36: {  	p1 =	seq.s32 s10, $0x1;
	s10 =	sld [smem:$0x3FBA];
	_ =	sdelay $0x3  }
0x37: {  	[smem:$0x3FBA] =	sst s10  }
0x38: {  	s10 =	sld [smem:$0x3FBB]  }
0x39: {  	_ = 	snop;
	(pc) =	sbr.ind lr, $3  }
0x3a: {  	_ = 	snop  }
0x3b: {  	_ = 	snop  }
0x3c: {  	p2 =	seq.s32 s10, $0x1;
	s10 =	sld [smem:$0x3FBA]  }
0x3d: {  	_ =	shalt  }
0x3e: {  	_ =	shalt  }
0x3f: {  	_ =	shalt  }
0x40: {  	_ =	shalt  }
0x41: {  	_ =	shalt  }
0x42: {  	_ =	shalt  }
0x43: {  	_ =	shalt  }
0x44: {  	_ =	shalt  }
0x45: {  	_ =	shalt  }
0x46: {  	_ =	shalt  }
0x47: {  	_ =	shalt  }
0x48: {  	_ =	shalt  }
0x49: {  	_ =	shalt  }
0x4a: {  	_ =	shalt  }
0x4b: {  	_ =	shalt  }
0x4c: {  	_ =	shalt  }
0x4d: {  	_ =	shalt  }
0x4e: {  	_ =	shalt  }
0x4f: {  	_ =	shalt  }
0x50: {  	_ =	shalt  }
0x51: {  	_ =	shalt  }
0x52: {  	_ =	shalt  }
0x53: {  	_ =	shalt  }
0x54: {  	_ =	shalt  }
0x55: {  	_ =	shalt  }
0x56: {  	_ =	shalt  }
0x57: {  	_ =	shalt  }
0x58: {  	_ =	shalt  }
0x59: {  	_ =	shalt  }
0x5a: {  	_ =	shalt  }
0x5b: {  	_ =	shalt  }
0x5c: {  	_ =	shalt  }
0x5d: {  	_ =	shalt  }
0x5e: {  	_ =	shalt  }
0x5f: {  	_ =	shalt  }
0x60: {  	_ =	shalt  }
0x61: {  	_ =	shalt  }
0x62: {  	_ =	shalt  }
0x63: {  	_ =	shalt  }
0x64: {  	_ =	shalt  }
0x65: {  	_ =	shalt  }
0x66: {  	_ =	shalt  }
0x67: {  	_ =	shalt  }
0x68: {  	_ =	shalt  }
0x69: {  	_ =	shalt  }
0x6a: {  	_ =	shalt  }
0x6b: {  	_ =	shalt  }
0x6c: {  	_ =	shalt  }
0x6d: {  	_ =	shalt  }
0x6e: {  	_ =	shalt  }
0x6f: {  	_ =	shalt  }
0x70: {  	_ =	shalt  }
0x71: {  	_ =	shalt  }
0x72: {  	_ =	shalt  }
0x73: {  	_ =	shalt  }
0x74: {  	_ =	shalt  }
0x75: {  	_ =	shalt  }
0x76: {  	_ =	shalt  }
0x77: {  	_ =	shalt  }
0x78: {  	_ =	shalt  }
0x79: {  	_ =	shalt  }
0x7a: {  	_ =	shalt  }
0x7b: {  	_ =	shalt  }
0x7c: {  	_ =	shalt  }
0x7d: {  	_ =	shalt  }
0x7e: {  	_ =	shalt  }
0x7f: {  	_ =	shalt  }
0x80: {  	_ =	shalt  }
0x81: {  	_ =	shalt  }
0x82: {  	_ =	shalt  }
0x83: {  	_ =	shalt  }
0x84: {  	_ =	shalt  }
0x85: {  	_ =	shalt  }
0x86: {  	_ =	shalt  }
0x87: {  	_ =	shalt  }
.Lfunc_end0:
.L_simem_size_0:
called_computation.2_lowered:
.L_overlay_start_0:
0x88: {  	s2 =	sld [smem:$0x3FD9]  }
0x89: {  	s3 =	sld [smem:$0x3FFE];
	_ =	sdelay $0x1  }
0x8a: {  	s1 =	srdreg.scid  }
0x8b: {  	s0 =	sand.u32 $0x1, s1  }
0x8c: {  	s16 =	sshll.u32 s0, $0xA;
	s2 =	sadd.s32 s3, s2  }
0x8d: {  	s2 =	sadd.s32 s2, s16  }
0x8e: {  	[smem:$0x3FC6] =	sst s2  }
0x8f: {  	_ = 	snop  }
0x90: {  	(tm) =	ssettm $0x1  }
0x91: {  	s17 =	sld [smem:$0x3FFB];
	_ =	sdelay $0x3  }
0x92: {  	_ =	strace s17  }
0x93: {  	s2 =	sld [smem:$0x3FFC];
	_ =	sdelay $0x3  }
0x94: {  	_ =	strace s2  }
0x95: {  	s2 =	sld [smem:$0x3FFD];
	_ =	sdelay $0x3  }
0x96: {  	_ =	strace s2  }
0x97: {  	_ =	strace $0x8FFFFFFF  }
0x98: {  	s18 =	sld [smem:$0x3FDB];
	_ =	sdelay $0x1  }
0x99: {  	s19 =	simm.s32 $_scs_section_size  }
0x9a: {  	s4 =	simm.s32 $_size__tile_overlayer_lowered;
	s5 =	simm.s32 $_tile_overlayer_lowered  }
0x9b: {  	s22 =	simm.s32 $0x1BFF;
	s21 =	sshll.u32 s5, $0x1;
	s2 =	sadd.s32 s19, s18  }
0x9c: {  	s6 =	simm.s32 $0x0;
	s20 =	sshll.u32 s4, $0x1;
	s4 =	sadd.s32 s21, s2  }
0x9d: {  	[timem:s6], [sflag:s22] =	dma.local [hbm:s4], s20  }
0x9e: {  	_ =	swait.ge [sflag:s22], s20  }
0x9f: {  	s3 =	ssub.s32 $0x0, s20;
	[sflag:s22] =	ssyncset.done $0x0  }
0xa0: {  	[sflag:s22] =	ssyncadd.s32 s3;
	_ =	sdelay $0x1  }
0xa1: {  	s23 =	simm.s32 $0x1B8B  }
0xa2: {  	_ =	swait.ge [sflag:s23], $0x1  }
0xa3: {  	[sflag:s23] =	ssyncset.done $0x0  }
0xa4: {  	s25 =	simm.s32 $0x1B8E;
	s24 =	sld [smem:$0x3FFE];
	[sflag:s23] =	ssyncadd.s32 $0xFFFFFFFF  }
0xa5: {  	s26 =	simm.s32 $execute0_lowered;
	[smem:$0x3FD2] =	sst s25  }
0xa6: {  	s4 =	sshll.u32 s26, $0x1;
	_ =	strace $0x8000004C;
	[dreg:$0x1] =	wrdreg $0xFFFFFFFF  }
0xa7: {  	s28 =	simm.s32 $_size_execute0_lowered;
	s2 =	sadd.s32 s2, s4;
	[dreg:$0x0] =	wrdreg $0x0  }
0xa8: {  	s4 =	sshll.u32 s28, $0x1;
	[dreg:$0x2] =	wrdreg s2  }
0xa9: {  	[dreg:$0x3] =	wrdreg s4  }
0xaa: {  	[dreg:$0x4] =	wrdreg $0xC0  }
0xab: {  	_ =	task [dreg:s6], $0x5FFFF  }
0xac: {  	[dreg:$0x1] =	wrdreg $0xFFFFFFFF  }
0xad: {  	[dreg:$0x0] =	wrdreg $0x60  }
0xae: {  	[dreg:$0x2] =	wrdreg s24  }
0xaf: {  	[dreg:$0x3] =	wrdreg $0x9  }
0xb0: {  	_ =	task.clear_ibuf [dreg:s6], $0x4FFFF;
	_ =	strace $0x9000004C  }
0xb1: {  	s29 =	simm.s32 $0x9;
	_ =	strace $0x8000004E  }
0xb2: {  	_ =	swait.ge [sflag:s29], $0x1  }
0xb3: {  	[sflag:s29] =	ssyncadd.s32 $0xFFFFFFFF  }
0xb4: {  	_ =	strace $0x9000004E  }
0xb5: {  	_ =	sfence  }
0xb6: {  	s30 =	sld [smem:$0x0];
	_ =	sdelay $0x2  }
0xb7: {  	s31 =	sshll.u32 s1, $0xD;
	s1 =	sshrl.u32 s1, $0x2  }
0xb8: {  	s3 =	sand.u32 $0x4000, s31;
	s1 =	sadd.s32 s1, s30  }
0xb9: {  	s0 =	sor.u32 s3, s0;
	s1 =	sshll.u32 s1, $0x11  }
0xba: {  	s0 =	sor.u32 s1, s0  }
0xbb: {  	s0 =	sadd.s32 $0x8F2B, s0  }
0xbc: {  	[sflag:s0] =	ssyncadd.remote.s32 $0x1  }
0xbd: {  	_ =	sfence.sel $0xFFFF  }
0xbe: {  	[dreg:$0x0] =	wrdreg $0xFFFFFFFF;
	(pc) =	sbr.abs _section_cstart, $3  }
0xbf: {  	[dreg:$0x1] =	wrdreg $0xFFFFFFFF  }
0xc0: {  	_ =	task.clear_ibuf [dreg:s6], $0x2FFFF;
	_ =	strace $0x9FFFFFFF  }
0xc1: {  	(tm) =	ssettm $0x7FFFFFFF  }
tec
execute0_lowered:
.L_overlay_start_1:
0x0: {  	(tag) =	ssettag $0x1  }
0x1: {  	s4 =	rddreg [dreg:$0x0]  }
0x2: {  	s0 =	rddreg [dreg:$0x1]  }
0x3: {  	s3 =	srdreg.scid;
	s1 =	stileid.u32;
	s2 =	simm.s32 $0x0  }
0x4: {  	s15 =	simm.s32 $0x80;
	s16 =	simm.s32 $0x200;
	s17 =	simm.s32 $0x4200  }
0x5: {  	s18 =	simm.s32 $0x1;
	s19 =	simm.s32 $0x8200;
	s20 =	simm.s32 $0x100  }
0x6: {  	s21 =	simm.s32 $0x180;
	s22 =	simm.s32 $0x0;
	s5 =	sand.u32 $0x1, s3  }
0x7: {  	s30 =	sshll.u32 s1, $0x1;
	[smem:$0x7FF] =	sst s2;
	s3 =	sadd.s32 $0x184400, s4  }
0x8: {  	s11 =	sadd.s32 $0x95000, s4;
	s12 =	sadd.s32 $0xD5000, s4;
	s6 =	sor.u32 s5, s30  }
0x9: {  	_ =	strace $0x8000004D;
	s5 =	ssub.s32 $0x2, s5;
	s7 =	sshll.u32 s6, $0x6  }
0xa: {  	s31 =	sshrl.u32 s5, $0x1;
	s14 =	sshll.u32 s6, $0xD;
	s7 =	sadd.s32 s7, s4  }
0xb: {  	s13 =	ssub.s32 s5, s31;
	s5 =	sadd.s32 s11, s14;
	s6 =	sadd.s32 s12, s14  }
0xc: {  	s8 =	sor.u32 $0x800, s14;
	s10 =	sor.u32 $0x1000, s14;
	s14 =	sor.u32 $0x1800, s14  }
0xd: {  	s4 =	sadd.s32 $0x54600, s7;
	s7 =	sadd.s32 s11, s8;
	s8 =	sadd.s32 s12, s8  }
0xe: {  	s9 =	sadd.s32 s11, s10;
	s10 =	sadd.s32 s12, s10;
	s11 =	sadd.s32 s11, s14  }
0xf: {  	s12 =	sadd.s32 s12, s14;
	s13 =	smax.u32 s13, $0x1;
	s14 =	simm.s32 $0x2  }
.LBB2_1:
0x10: {  	[tilespmem:s2], [sflag:$0x2] =	stream.linear.gather [hbm4b:s4+s2], $0x200, $0x38;
	[tilespmem:$0xC200] =	vst v63  }
0x11: {  	_ =	swait.ge [sflag:s14], $0x200  }
0x12: {  	[sflag:s14] =	ssyncset.done $0x0  }
0x13: {  	[sflag:s14] =	ssyncadd.s32 $0xFFFFFE00  }
0x14: {  	[tilespmem:s16], [sflag:$0x1] =	stream.indirect.gather [hbm4b:s3+s15], $0x80, s2, s15, $0xb8;
	[tilespmem:$0xC200] =	vst v63  }
0x15: {  	_ = 	snop  }
0x16: {  	[tilespmem:s17], [sflag:$0x2] =	stream.linear.gather [hbm4b:s5+s2], $0x4000, $0x38;
	[tilespmem:$0xC200] =	vst v63  }
0x17: {  	_ =	swait.ge [sflag:s14], $0x4000  }
0x18: {  	[sflag:s14] =	ssyncset.done $0x0  }
0x19: {  	[sflag:s14] =	ssyncadd.s32 $0xFFFFC000  }
0x1a: {  	_ =	swait.ge [sflag:s18], $0x4000  }
0x1b: {  	[sflag:s18] =	ssyncset.done $0x0  }
0x1c: {  	s23 =	simm.s32 $0x0;
	[sflag:s18] =	ssyncadd.s32 $0xFFFFC000  }
0x1d: {  	v0 =	vld [tilespmem:s23+$0x210]  }
0x1e: {  	v2 =	vld [tilespmem:s23+$0x4210]  }
0x1f: {  	v1 =	vld [tilespmem:s23+$0x200]  }
0x20: {  	v3 =	vld [tilespmem:s23+$0x4200]  }
0x21: {  	s24 =	simm.s32 $0x200  }
.LBB2_2:
0x22: {  	s25 =	sshra.s32 s24, $0x2;
	p0 =	sne.s32 s24, $0xFE00  }
.Ltmp0:
0x23: {  	s24 =	sadd.s32 $0x200, s24;
	v4 =	vsub.f32 v2, v0;
	v0 =	vld [tilespmem:s25+$0x210];
	(pc) =	sbr.rel @p0 .LBB2_2-.Ltmp0, $4  }
0x24: {  	v2 =	vld [tilespmem:s25+$0x4210]  }
0x25: {  	v5 =	vsub.f32 v3, v1;
	v1 =	vld [tilespmem:s25+$0x200];
	[tilespmem:s23+$0x8210] =	vst v4  }
0x26: {  	v3 =	vld [tilespmem:s25+$0x4200]  }
0x27: {  	[tilespmem:s23+$0x8200] =	vst v5;
	s23 =	smov.u32 s25  }
0x28: {  	_ =	sdelay $0x1  }
0x29: {  	v0 =	vsub.f32 v2, v0  }
0x2a: {  	v1 =	vsub.f32 v3, v1  }
0x2b: {  	[tilespmem:s23+$0x8210] =	vst v0  }
0x2c: {  	s31 =	simm.s32 $0x0;
	[tilespmem:s23+$0x8200] =	vst v1  }
0x2d: {  	[hbm4b:s6+s31] =	stream.linear.scatter [tilespmem:s19], [sflag:$0x2], $0x4000, $0x38;
	[tilespmem:$0xC200] =	vst v63  }
0x2e: {  	_ =	swait.ge [sflag:s14], $0x4000  }
0x2f: {  	[sflag:s14] =	ssyncset.done $0x0  }
0x30: {  	[sflag:s14] =	ssyncadd.s32 $0xFFFFC000  }
0x31: {  	[tilespmem:s16], [sflag:$0x1] =	stream.indirect.gather [hbm4b:s3+s15], $0x80, s15, s15, $0xb8;
	[tilespmem:$0xC200] =	vst v63  }
0x32: {  	_ = 	snop  }
0x33: {  	[tilespmem:s17], [sflag:$0x2] =	stream.linear.gather [hbm4b:s7+s31], $0x4000, $0x38;
	[tilespmem:$0xC200] =	vst v63  }
0x34: {  	_ =	swait.ge [sflag:s14], $0x4000  }
0x35: {  	[sflag:s14] =	ssyncset.done $0x0  }
0x36: {  	[sflag:s14] =	ssyncadd.s32 $0xFFFFC000  }
0x37: {  	_ =	swait.ge [sflag:s18], $0x4000  }
0x38: {  	[sflag:s18] =	ssyncset.done $0x0  }
0x39: {  	s23 =	simm.s32 $0x0;
	[sflag:s18] =	ssyncadd.s32 $0xFFFFC000  }
0x3a: {  	v0 =	vld [tilespmem:s23+$0x210]  }
0x3b: {  	v2 =	vld [tilespmem:s23+$0x4210]  }
0x3c: {  	v1 =	vld [tilespmem:s23+$0x200]  }
0x3d: {  	v3 =	vld [tilespmem:s23+$0x4200]  }
0x3e: {  	s24 =	simm.s32 $0x200  }
.LBB2_4:
0x3f: {  	s25 =	sshra.s32 s24, $0x2;
	p0 =	sne.s32 s24, $0xFE00  }
.Ltmp1:
0x40: {  	s24 =	sadd.s32 $0x200, s24;
	v4 =	vsub.f32 v2, v0;
	v0 =	vld [tilespmem:s25+$0x210];
	(pc) =	sbr.rel @p0 .LBB2_4-.Ltmp1, $4  }
0x41: {  	v2 =	vld [tilespmem:s25+$0x4210]  }
0x42: {  	v5 =	vsub.f32 v3, v1;
	v1 =	vld [tilespmem:s25+$0x200];
	[tilespmem:s23+$0x8210] =	vst v4  }
0x43: {  	v3 =	vld [tilespmem:s25+$0x4200]  }
0x44: {  	[tilespmem:s23+$0x8200] =	vst v5;
	s23 =	smov.u32 s25  }
0x45: {  	_ =	sdelay $0x1  }
0x46: {  	v0 =	vsub.f32 v2, v0  }
0x47: {  	v1 =	vsub.f32 v3, v1  }
0x48: {  	[tilespmem:s23+$0x8210] =	vst v0  }
0x49: {  	s31 =	simm.s32 $0x0;
	[tilespmem:s23+$0x8200] =	vst v1  }
0x4a: {  	[hbm4b:s8+s31] =	stream.linear.scatter [tilespmem:s19], [sflag:$0x2], $0x4000, $0x38;
	[tilespmem:$0xC200] =	vst v63  }
0x4b: {  	_ =	swait.ge [sflag:s14], $0x4000  }
0x4c: {  	[sflag:s14] =	ssyncset.done $0x0  }
0x4d: {  	[sflag:s14] =	ssyncadd.s32 $0xFFFFC000  }
0x4e: {  	[tilespmem:s16], [sflag:$0x1] =	stream.indirect.gather [hbm4b:s3+s15], $0x80, s20, s15, $0xb8;
	[tilespmem:$0xC200] =	vst v63  }
0x4f: {  	_ = 	snop  }
0x50: {  	[tilespmem:s17], [sflag:$0x2] =	stream.linear.gather [hbm4b:s9+s31], $0x4000, $0x38;
	[tilespmem:$0xC200] =	vst v63  }
0x51: {  	_ =	swait.ge [sflag:s14], $0x4000  }
0x52: {  	[sflag:s14] =	ssyncset.done $0x0  }
0x53: {  	[sflag:s14] =	ssyncadd.s32 $0xFFFFC000  }
0x54: {  	_ =	swait.ge [sflag:s18], $0x4000  }
0x55: {  	[sflag:s18] =	ssyncset.done $0x0  }
0x56: {  	s23 =	simm.s32 $0x0;
	[sflag:s18] =	ssyncadd.s32 $0xFFFFC000  }
0x57: {  	v0 =	vld [tilespmem:s23+$0x210]  }
0x58: {  	v2 =	vld [tilespmem:s23+$0x4210]  }
0x59: {  	v1 =	vld [tilespmem:s23+$0x200]  }
0x5a: {  	v3 =	vld [tilespmem:s23+$0x4200]  }
0x5b: {  	s24 =	simm.s32 $0x200  }
.LBB2_6:
0x5c: {  	s25 =	sshra.s32 s24, $0x2;
	p0 =	sne.s32 s24, $0xFE00  }
.Ltmp2:
0x5d: {  	s24 =	sadd.s32 $0x200, s24;
	v4 =	vsub.f32 v2, v0;
	v0 =	vld [tilespmem:s25+$0x210];
	(pc) =	sbr.rel @p0 .LBB2_6-.Ltmp2, $4  }
0x5e: {  	v2 =	vld [tilespmem:s25+$0x4210]  }
0x5f: {  	v5 =	vsub.f32 v3, v1;
	v1 =	vld [tilespmem:s25+$0x200];
	[tilespmem:s23+$0x8210] =	vst v4  }
0x60: {  	v3 =	vld [tilespmem:s25+$0x4200]  }
0x61: {  	[tilespmem:s23+$0x8200] =	vst v5;
	s23 =	smov.u32 s25  }
0x62: {  	_ =	sdelay $0x1  }
0x63: {  	v0 =	vsub.f32 v2, v0  }
0x64: {  	v1 =	vsub.f32 v3, v1  }
0x65: {  	[tilespmem:s23+$0x8210] =	vst v0  }
0x66: {  	s31 =	simm.s32 $0x0;
	[tilespmem:s23+$0x8200] =	vst v1  }
0x67: {  	[hbm4b:s10+s31] =	stream.linear.scatter [tilespmem:s19], [sflag:$0x2], $0x4000, $0x38;
	[tilespmem:$0xC200] =	vst v63  }
0x68: {  	_ =	swait.ge [sflag:s14], $0x4000  }
0x69: {  	[sflag:s14] =	ssyncset.done $0x0  }
0x6a: {  	[sflag:s14] =	ssyncadd.s32 $0xFFFFC000  }
0x6b: {  	[tilespmem:s16], [sflag:$0x1] =	stream.indirect.gather [hbm4b:s3+s15], $0x80, s21, s15, $0xb8;
	[tilespmem:$0xC200] =	vst v63  }
0x6c: {  	_ = 	snop  }
0x6d: {  	[tilespmem:s17], [sflag:$0x2] =	stream.linear.gather [hbm4b:s11+s31], $0x4000, $0x38;
	[tilespmem:$0xC200] =	vst v63  }
0x6e: {  	_ =	swait.ge [sflag:s14], $0x4000  }
0x6f: {  	[sflag:s14] =	ssyncset.done $0x0  }
0x70: {  	[sflag:s14] =	ssyncadd.s32 $0xFFFFC000  }
0x71: {  	_ =	swait.ge [sflag:s18], $0x4000  }
0x72: {  	[sflag:s18] =	ssyncset.done $0x0  }
0x73: {  	s23 =	simm.s32 $0x0;
	[sflag:s18] =	ssyncadd.s32 $0xFFFFC000  }
0x74: {  	v0 =	vld [tilespmem:s23+$0x210]  }
0x75: {  	v2 =	vld [tilespmem:s23+$0x4210]  }
0x76: {  	v1 =	vld [tilespmem:s23+$0x200]  }
0x77: {  	v3 =	vld [tilespmem:s23+$0x4200]  }
0x78: {  	s24 =	simm.s32 $0x200  }
.LBB2_8:
0x79: {  	s25 =	sshra.s32 s24, $0x2;
	p0 =	sne.s32 s24, $0xFE00  }
.Ltmp3:
0x7a: {  	s24 =	sadd.s32 $0x200, s24;
	v4 =	vsub.f32 v2, v0;
	v0 =	vld [tilespmem:s25+$0x210];
	(pc) =	sbr.rel @p0 .LBB2_8-.Ltmp3, $4  }
0x7b: {  	v2 =	vld [tilespmem:s25+$0x4210]  }
0x7c: {  	v5 =	vsub.f32 v3, v1;
	v1 =	vld [tilespmem:s25+$0x200];
	[tilespmem:s23+$0x8210] =	vst v4  }
0x7d: {  	v3 =	vld [tilespmem:s25+$0x4200]  }
0x7e: {  	[tilespmem:s23+$0x8200] =	vst v5;
	s23 =	smov.u32 s25  }
0x7f: {  	_ =	sdelay $0x1  }
0x80: {  	v0 =	vsub.f32 v2, v0  }
0x81: {  	s22 =	sadd.s32 $0x1, s22;
	v1 =	vsub.f32 v3, v1  }
0x82: {  	p0 =	sne.s32 s22, s13;
	[tilespmem:s23+$0x8210] =	vst v0  }
.Ltmp4:
0x83: {  	[tilespmem:s23+$0x8200] =	vst v1;
	(pc) =	sbr.rel @p0 .LBB2_1-.Ltmp4, $4  }
0x84: {  	[hbm4b:s12+s2] =	stream.linear.scatter [tilespmem:s19], [sflag:$0x2], $0x4000, $0x38;
	[tilespmem:$0xC200] =	vst v63  }
0x85: {  	_ =	swait.ge [sflag:s14], $0x4000  }
0x86: {  	[sflag:s14] =	ssyncset.done $0x0  }
0x87: {  	[sflag:s14] =	ssyncadd.s32 $0xFFFFC000  }
0x88: {  	_ =	sfence.sel $0x180000  }
0x89: {  	[bflag:$0x0] =	sbarrier.arrive $0xFFFF  }
0x8a: {  	p0 =	sne.s32 s1, $0x0;
	_ =	strace $0x9000004D  }
0x8b: {  	s0 =	sadd.s32 @!p0 $0x100000, s0;
	[bflag:$0x2] =	sbarrier.arrive $0xFFFF  }
0x8c: {  	[sflag:s0] =	ssyncadd.tile.s32 @!p0 $0x1;
	_ =	shalt  }
.Lfunc_end2:
_tile_overlayer_lowered:
.L_overlay_start_2:
0x8d: {  	(tag) =	ssettag $0x2  }
0x8e: {  	s0 =	rddreg [dreg:$0x0];
	s2 =	stileid.u32  }
0x8f: {  	s1 =	rddreg [dreg:$0x1];
	p0 =	sne.s32 s2, $0x0  }
0x90: {  	s3 =	rddreg [dreg:$0x2];
	[bflag:$0x3] =	sbarrier.arrive $0xFFFF;
	s2 =	simm.s32 @!p0 $0x1C02  }
0x91: {  	[timem:s3], [sflag:s2] =	dma.local @!p0 [hbm:s0], s1  }
0x92: {  	s0 =	simm.s32 @!p0 $0x2  }
0x93: {  	_ =	swait.ge @!p0 [sflag:s0], s1  }
0x94: {  	s1 =	ssub.s32 @!p0 $0x0, s1;
	[sflag:s0] =	ssyncset.done @!p0 $0x0  }
0x95: {  	[sflag:s0] =	ssyncadd.s32 @!p0 s1  }
0x96: {  	[bflag:$0x3] =	sbarrier.arrive $0xFFFF  }
0x97: {  	_ =	shalt  }

// kernel: kernel.27.cloned.1.call-start
scs
__scs_entry_jumppad:
0x0: {  	(pc) =	sbr.rel $0x88, $3  }
0x1: {  	(tag) =	ssettag $0x0;
	lr =	simm.s32 $0x1  }
0x2: {  	[smem:$0x3F9F] =	sst lr;
	_ =	strace $0xD0000000  }
0x3: {  	_ = 	snop  }
0x4: {  	_ = 	snop  }
0x5: {  	_ = 	snop  }
0x6: {  	_ = 	snop  }
0x7: {  	_ = 	snop  }
__scs_overlays_trampoline_lowered:
0x8: {  	[smem:$0x3FAE] =	sst s0  }
0x9: {  	[smem:$0x3FAF] =	sst s1  }
0xa: {  	[smem:$0x3FB0] =	sst s2  }
0xb: {  	[smem:$0x3FB1] =	sst s3  }
0xc: {  	[smem:$0x3FB2] =	sst s4  }
0xd: {  	[smem:$0x3FB3] =	sst s5  }
0xe: {  	[smem:$0x3FB4] =	sst s6  }
0xf: {  	[smem:$0x3FB5] =	sst s7  }
0x10: {  	[smem:$0x3FB6] =	sst s8  }
0x11: {  	[smem:$0x3FB7] =	sst s9;
	s0 =	simm.s32 @!p0 $0x0  }
0x12: {  	s1 =	sld [smem:$0x3F9D];
	s0 =	simm.s32 @p0 $0x1  }
0x13: {  	[smem:$0x3FB8] =	sst s0;
	s0 =	simm.s32 @!p1 $0x0  }
0x14: {  	s2 =	sld [smem:$0x3F9C];
	s0 =	simm.s32 @p1 $0x1  }
0x15: {  	[smem:$0x3FB9] =	sst s0;
	s0 =	simm.s32 @!p2 $0x0  }
0x16: {  	s3 =	sld [smem:$0x3FDB];
	s0 =	simm.s32 @p2 $0x1  }
0x17: {  	s4 =	simm.s32 $0x1BF5;
	[smem:$0x3FBB] =	sst s0  }
0x18: {  	s0 =	sld [smem:$0x3F9E];
	_ =	swait.ge [sflag:s4], $0x0  }
0x19: {  	s7 =	sld [smem:$0x3F9F]  }
0x1a: {  	s8 =	sadd.s32 $0xFFFFE003, lr  }
0x1b: {  	s9 =	sadd.s32 $0xFFFFFEF7, lr;
	s5 =	simm.s32 $0xFFFFFFFF;
	p2 =	slt.u32 s8, $0xFFFFF086  }
0x1c: {  	p1 =	slt.u32 s9, $0xF7A;
	s5 =	simm.s32 @!p2 $0x0  }
0x1d: {  	s5 =	simm.s32 @p1 $0x1;
	p0 =	seq.s32 s7, s2  }
0x1e: {  	s7 =	smul.u32 @!p0 $0xF7A, s2;
	p2 =	seq.s32 @!p0 s5, $0x0  }
0x1f: {  	s9 =	smul.u32 $0xF7A, s1;
	s8 =	simm.s32 @!p0 $0x1BF5;
	p2 =	por !p2, p0  }
0x20: {  	[sflag:s8] =	ssyncset.s32 @!p0 $0xFFFFF086;
	s6 =	sadd.s32 @!p0 s3, s7;
	s7 =	simm.s32 @!p0 $0x108  }
0x21: {  	s3 =	sadd.s32 s3, s9;
	s6 =	sadd.s32 @!p0 $0x88, s6;
	s7 =	simm.s32 @p2 $0x1082  }
0x22: {  	[simem:s7], [sflag:s8] =	dma.local @!p0 [hbm:s6], $0xF7A  }
0x23: {  	s9 =	sor.u32 $0xD0000000, s2;
	s6 =	simm.s32 $0x108;
	_ =	swait.ge @!p0 [sflag:s8], $0x0  }
0x24: {  	s3 =	sadd.s32 $0x88, s3;
	s6 =	simm.s32 @!p1 $0x1082;
	[sflag:s4] =	ssyncset.s32 $0xFFFFF086  }
0x25: {  	[simem:s6], [sflag:s4] =	dma.local [hbm:s3], $0xF7A  }
0x26: {  	[smem:$0x3F9F] =	sst s1;
	(tag) =	ssettag s2;
	_ =	strace s9  }
0x27: {  	s1 =	sld [smem:$0x3FAF]  }
0x28: {  	s2 =	sld [smem:$0x3FB0]  }
0x29: {  	s4 =	sld [smem:$0x3FB2]  }
0x2a: {  	p0 =	seq.s32 s5, $0x0;
	s5 =	sld [smem:$0x3FB3]  }
0x2b: {  	s6 =	sld [smem:$0x3FB4]  }
0x2c: {  	s7 =	sld [smem:$0x3FB5]  }
0x2d: {  	s3 =	simm.s32 $0x108;
	s8 =	sld [smem:$0x3FB6]  }
0x2e: {  	s3 =	simm.s32 @!p0 $0x1082;
	s9 =	sld [smem:$0x3FB7]  }
0x2f: {  	lr =	sadd.s32 s0, s3;
	s0 =	sld [smem:$0x3FAE]  }
0x30: {  	s3 =	sld [smem:$0x3FB1]  }
0x31: {  	[smem:$0x3FBA] =	sst s10  }
0x32: {  	s10 =	sld [smem:$0x3FB8];
	_ =	sdelay $0x3  }
0x33: {  	p0 =	seq.s32 s10, $0x1;
	s10 =	sld [smem:$0x3FBA];
	_ =	sdelay $0x3  }
0x34: {  	[smem:$0x3FBA] =	sst s10  }
0x35: {  	s10 =	sld [smem:$0x3FB9];
	_ =	sdelay $0x3  }
0x36: {  	p1 =	seq.s32 s10, $0x1;
	s10 =	sld [smem:$0x3FBA];
	_ =	sdelay $0x3  }
0x37: {  	[smem:$0x3FBA] =	sst s10  }
0x38: {  	s10 =	sld [smem:$0x3FBB]  }
0x39: {  	_ = 	snop;
	(pc) =	sbr.ind lr, $3  }
0x3a: {  	_ = 	snop  }
0x3b: {  	_ = 	snop  }
0x3c: {  	p2 =	seq.s32 s10, $0x1;
	s10 =	sld [smem:$0x3FBA]  }
0x3d: {  	_ =	shalt  }
0x3e: {  	_ =	shalt  }
0x3f: {  	_ =	shalt  }
0x40: {  	_ =	shalt  }
0x41: {  	_ =	shalt  }
0x42: {  	_ =	shalt  }
0x43: {  	_ =	shalt  }
0x44: {  	_ =	shalt  }
0x45: {  	_ =	shalt  }
0x46: {  	_ =	shalt  }
0x47: {  	_ =	shalt  }
0x48: {  	_ =	shalt  }
0x49: {  	_ =	shalt  }
0x4a: {  	_ =	shalt  }
0x4b: {  	_ =	shalt  }
0x4c: {  	_ =	shalt  }
0x4d: {  	_ =	shalt  }
0x4e: {  	_ =	shalt  }
0x4f: {  	_ =	shalt  }
0x50: {  	_ =	shalt  }
0x51: {  	_ =	shalt  }
0x52: {  	_ =	shalt  }
0x53: {  	_ =	shalt  }
0x54: {  	_ =	shalt  }
0x55: {  	_ =	shalt  }
0x56: {  	_ =	shalt  }
0x57: {  	_ =	shalt  }
0x58: {  	_ =	shalt  }
0x59: {  	_ =	shalt  }
0x5a: {  	_ =	shalt  }
0x5b: {  	_ =	shalt  }
0x5c: {  	_ =	shalt  }
0x5d: {  	_ =	shalt  }
0x5e: {  	_ =	shalt  }
0x5f: {  	_ =	shalt  }
0x60: {  	_ =	shalt  }
0x61: {  	_ =	shalt  }
0x62: {  	_ =	shalt  }
0x63: {  	_ =	shalt  }
0x64: {  	_ =	shalt  }
0x65: {  	_ =	shalt  }
0x66: {  	_ =	shalt  }
0x67: {  	_ =	shalt  }
0x68: {  	_ =	shalt  }
0x69: {  	_ =	shalt  }
0x6a: {  	_ =	shalt  }
0x6b: {  	_ =	shalt  }
0x6c: {  	_ =	shalt  }
0x6d: {  	_ =	shalt  }
0x6e: {  	_ =	shalt  }
0x6f: {  	_ =	shalt  }
0x70: {  	_ =	shalt  }
0x71: {  	_ =	shalt  }
0x72: {  	_ =	shalt  }
0x73: {  	_ =	shalt  }
0x74: {  	_ =	shalt  }
0x75: {  	_ =	shalt  }
0x76: {  	_ =	shalt  }
0x77: {  	_ =	shalt  }
0x78: {  	_ =	shalt  }
0x79: {  	_ =	shalt  }
0x7a: {  	_ =	shalt  }
0x7b: {  	_ =	shalt  }
0x7c: {  	_ =	shalt  }
0x7d: {  	_ =	shalt  }
0x7e: {  	_ =	shalt  }
0x7f: {  	_ =	shalt  }
0x80: {  	_ =	shalt  }
0x81: {  	_ =	shalt  }
0x82: {  	_ =	shalt  }
0x83: {  	_ =	shalt  }
0x84: {  	_ =	shalt  }
0x85: {  	_ =	shalt  }
0x86: {  	_ =	shalt  }
0x87: {  	_ =	shalt  }
.Lfunc_end0:
.L_simem_size_0:
called_computation.3_lowered:
.L_overlay_start_0:
0x88: {  	s2 =	sld [smem:$0x3FD9]  }
0x89: {  	s3 =	sld [smem:$0x3FFE];
	_ =	sdelay $0x1  }
0x8a: {  	s1 =	srdreg.scid  }
0x8b: {  	s0 =	sand.u32 $0x1, s1  }
0x8c: {  	s16 =	sshll.u32 s0, $0xA;
	s2 =	sadd.s32 s3, s2  }
0x8d: {  	s2 =	sadd.s32 s2, s16  }
0x8e: {  	[smem:$0x3FC6] =	sst s2  }
0x8f: {  	_ = 	snop  }
0x90: {  	(tm) =	ssettm $0x1  }
0x91: {  	s17 =	sld [smem:$0x3FFB];
	_ =	sdelay $0x3  }
0x92: {  	_ =	strace s17  }
0x93: {  	s2 =	sld [smem:$0x3FFC];
	_ =	sdelay $0x3  }
0x94: {  	_ =	strace s2  }
0x95: {  	s2 =	sld [smem:$0x3FFD];
	_ =	sdelay $0x3  }
0x96: {  	_ =	strace s2  }
0x97: {  	_ =	strace $0x8FFFFFFF  }
0x98: {  	s18 =	sld [smem:$0x3FDB];
	_ =	sdelay $0x1  }
0x99: {  	s19 =	simm.s32 $_scs_section_size  }
0x9a: {  	s4 =	simm.s32 $_size__tile_overlayer_lowered;
	s5 =	simm.s32 $_tile_overlayer_lowered  }
0x9b: {  	s22 =	simm.s32 $0x1BFF;
	s21 =	sshll.u32 s5, $0x1;
	s2 =	sadd.s32 s19, s18  }
0x9c: {  	s6 =	simm.s32 $0x0;
	s20 =	sshll.u32 s4, $0x1;
	s4 =	sadd.s32 s21, s2  }
0x9d: {  	[timem:s6], [sflag:s22] =	dma.local [hbm:s4], s20  }
0x9e: {  	_ =	swait.ge [sflag:s22], s20  }
0x9f: {  	s3 =	ssub.s32 $0x0, s20;
	[sflag:s22] =	ssyncset.done $0x0  }
0xa0: {  	[sflag:s22] =	ssyncadd.s32 s3;
	_ =	sdelay $0x1  }
0xa1: {  	s23 =	simm.s32 $0x1B8B  }
0xa2: {  	_ =	swait.ge [sflag:s23], $0x1  }
0xa3: {  	[sflag:s23] =	ssyncset.done $0x0  }
0xa4: {  	s25 =	simm.s32 $0x1B8E;
	s24 =	sld [smem:$0x3FFE];
	[sflag:s23] =	ssyncadd.s32 $0xFFFFFFFF  }
0xa5: {  	s26 =	simm.s32 $execute0_lowered;
	[smem:$0x3FD2] =	sst s25  }
0xa6: {  	s4 =	sshll.u32 s26, $0x1;
	_ =	strace $0x8000004F;
	[dreg:$0x1] =	wrdreg $0xFFFFFFFF  }
0xa7: {  	s28 =	simm.s32 $_size_execute0_lowered;
	s2 =	sadd.s32 s2, s4;
	[dreg:$0x0] =	wrdreg $0x0  }
0xa8: {  	s4 =	sshll.u32 s28, $0x1;
	[dreg:$0x2] =	wrdreg s2  }
0xa9: {  	[dreg:$0x3] =	wrdreg s4  }
0xaa: {  	[dreg:$0x4] =	wrdreg $0xC0  }
0xab: {  	_ =	task [dreg:s6], $0x5FFFF  }
0xac: {  	[dreg:$0x1] =	wrdreg $0xFFFFFFFF  }
0xad: {  	[dreg:$0x0] =	wrdreg $0x60  }
0xae: {  	[dreg:$0x2] =	wrdreg s24  }
0xaf: {  	[dreg:$0x3] =	wrdreg $0x9  }
0xb0: {  	_ =	task.clear_ibuf [dreg:s6], $0x4FFFF;
	_ =	strace $0x9000004F  }
0xb1: {  	s29 =	simm.s32 $0x9;
	_ =	strace $0x80000051  }
0xb2: {  	_ =	swait.ge [sflag:s29], $0x1  }
0xb3: {  	[sflag:s29] =	ssyncadd.s32 $0xFFFFFFFF  }
0xb4: {  	_ =	strace $0x90000051  }
0xb5: {  	_ =	sfence  }
0xb6: {  	s30 =	sld [smem:$0x0];
	_ =	sdelay $0x2  }
0xb7: {  	s31 =	sshll.u32 s1, $0xD;
	s1 =	sshrl.u32 s1, $0x2  }
0xb8: {  	s3 =	sand.u32 $0x4000, s31;
	s1 =	sadd.s32 s1, s30  }
0xb9: {  	s0 =	sor.u32 s3, s0;
	s1 =	sshll.u32 s1, $0x11  }
0xba: {  	s0 =	sor.u32 s1, s0  }
0xbb: {  	s0 =	sadd.s32 $0x8F2B, s0  }
0xbc: {  	[sflag:s0] =	ssyncadd.remote.s32 $0x1  }
0xbd: {  	_ =	sfence.sel $0xFFFF  }
0xbe: {  	[dreg:$0x0] =	wrdreg $0xFFFFFFFF;
	(pc) =	sbr.abs _section_cstart, $3  }
0xbf: {  	[dreg:$0x1] =	wrdreg $0xFFFFFFFF  }
0xc0: {  	_ =	task.clear_ibuf [dreg:s6], $0x2FFFF;
	_ =	strace $0x9FFFFFFF  }
0xc1: {  	(tm) =	ssettm $0x7FFFFFFF  }
tec
execute0_lowered:
.L_overlay_start_1:
0x0: {  	(tag) =	ssettag $0x1  }
0x1: {  	s4 =	rddreg [dreg:$0x0]  }
0x2: {  	s0 =	rddreg [dreg:$0x1]  }
0x3: {  	s3 =	srdreg.scid;
	s1 =	stileid.u32;
	s2 =	simm.s32 $0x0  }
0x4: {  	s15 =	simm.s32 $0x80;
	s16 =	simm.s32 $0x200;
	s17 =	simm.s32 $0x4200  }
0x5: {  	s18 =	simm.s32 $0x1;
	s19 =	simm.s32 $0x8200;
	s20 =	simm.s32 $0x100  }
0x6: {  	s21 =	simm.s32 $0x180;
	s22 =	simm.s32 $0x0;
	s5 =	sand.u32 $0x1, s3  }
0x7: {  	s30 =	sshll.u32 s1, $0x1;
	[smem:$0x7FF] =	sst s2;
	s3 =	sadd.s32 $0x1A4400, s4  }
0x8: {  	s11 =	sadd.s32 $0xD5000, s4;
	s12 =	sadd.s32 $0x95000, s4;
	s6 =	sor.u32 s5, s30  }
0x9: {  	_ =	strace $0x80000050;
	s5 =	ssub.s32 $0x2, s5;
	s7 =	sshll.u32 s6, $0x6  }
0xa: {  	s31 =	sshrl.u32 s5, $0x1;
	s14 =	sshll.u32 s6, $0xD;
	s7 =	sadd.s32 s7, s4  }
0xb: {  	s13 =	ssub.s32 s5, s31;
	s5 =	sadd.s32 s11, s14;
	s6 =	sadd.s32 s12, s14  }
0xc: {  	s8 =	sor.u32 $0x800, s14;
	s10 =	sor.u32 $0x1000, s14;
	s14 =	sor.u32 $0x1800, s14  }
0xd: {  	s4 =	sadd.s32 $0x55000, s7;
	s7 =	sadd.s32 s11, s8;
	s8 =	sadd.s32 s12, s8  }
0xe: {  	s9 =	sadd.s32 s11, s10;
	s10 =	sadd.s32 s12, s10;
	s11 =	sadd.s32 s11, s14  }
0xf: {  	s12 =	sadd.s32 s12, s14;
	s13 =	smax.u32 s13, $0x1;
	s14 =	simm.s32 $0x2  }
.LBB2_1:
0x10: {  	[tilespmem:s2], [sflag:$0x2] =	stream.linear.gather [hbm4b:s4+s2], $0x200, $0x38;
	[tilespmem:$0xC200] =	vst v63  }
0x11: {  	_ =	swait.ge [sflag:s14], $0x200  }
0x12: {  	[sflag:s14] =	ssyncset.done $0x0  }
0x13: {  	[sflag:s14] =	ssyncadd.s32 $0xFFFFFE00  }
0x14: {  	[tilespmem:s16], [sflag:$0x1] =	stream.indirect.gather [hbm4b:s3+s15], $0x80, s2, s15, $0xb8;
	[tilespmem:$0xC200] =	vst v63  }
0x15: {  	_ = 	snop  }
0x16: {  	[tilespmem:s17], [sflag:$0x2] =	stream.linear.gather [hbm4b:s5+s2], $0x4000, $0x38;
	[tilespmem:$0xC200] =	vst v63  }
0x17: {  	_ =	swait.ge [sflag:s14], $0x4000  }
0x18: {  	[sflag:s14] =	ssyncset.done $0x0  }
0x19: {  	[sflag:s14] =	ssyncadd.s32 $0xFFFFC000  }
0x1a: {  	_ =	swait.ge [sflag:s18], $0x4000  }
0x1b: {  	[sflag:s18] =	ssyncset.done $0x0  }
0x1c: {  	s23 =	simm.s32 $0x0;
	[sflag:s18] =	ssyncadd.s32 $0xFFFFC000  }
0x1d: {  	v0 =	vld [tilespmem:s23+$0x210]  }
0x1e: {  	v2 =	vld [tilespmem:s23+$0x4210]  }
0x1f: {  	v1 =	vld [tilespmem:s23+$0x200]  }
0x20: {  	v3 =	vld [tilespmem:s23+$0x4200]  }
0x21: {  	s24 =	simm.s32 $0x200  }
.LBB2_2:
0x22: {  	s25 =	sshra.s32 s24, $0x2;
	p0 =	sne.s32 s24, $0xFE00  }
.Ltmp0:
0x23: {  	s24 =	sadd.s32 $0x200, s24;
	v4 =	vsub.f32 v2, v0;
	v0 =	vld [tilespmem:s25+$0x210];
	(pc) =	sbr.rel @p0 .LBB2_2-.Ltmp0, $4  }
0x24: {  	v2 =	vld [tilespmem:s25+$0x4210]  }
0x25: {  	v5 =	vsub.f32 v3, v1;
	v1 =	vld [tilespmem:s25+$0x200];
	[tilespmem:s23+$0x8210] =	vst v4  }
0x26: {  	v3 =	vld [tilespmem:s25+$0x4200]  }
0x27: {  	[tilespmem:s23+$0x8200] =	vst v5;
	s23 =	smov.u32 s25  }
0x28: {  	_ =	sdelay $0x1  }
0x29: {  	v0 =	vsub.f32 v2, v0  }
0x2a: {  	v1 =	vsub.f32 v3, v1  }
0x2b: {  	[tilespmem:s23+$0x8210] =	vst v0  }
0x2c: {  	s31 =	simm.s32 $0x0;
	[tilespmem:s23+$0x8200] =	vst v1  }
0x2d: {  	[hbm4b:s6+s31] =	stream.linear.scatter [tilespmem:s19], [sflag:$0x2], $0x4000, $0x38;
	[tilespmem:$0xC200] =	vst v63  }
0x2e: {  	_ =	swait.ge [sflag:s14], $0x4000  }
0x2f: {  	[sflag:s14] =	ssyncset.done $0x0  }
0x30: {  	[sflag:s14] =	ssyncadd.s32 $0xFFFFC000  }
0x31: {  	[tilespmem:s16], [sflag:$0x1] =	stream.indirect.gather [hbm4b:s3+s15], $0x80, s15, s15, $0xb8;
	[tilespmem:$0xC200] =	vst v63  }
0x32: {  	_ = 	snop  }
0x33: {  	[tilespmem:s17], [sflag:$0x2] =	stream.linear.gather [hbm4b:s7+s31], $0x4000, $0x38;
	[tilespmem:$0xC200] =	vst v63  }
0x34: {  	_ =	swait.ge [sflag:s14], $0x4000  }
0x35: {  	[sflag:s14] =	ssyncset.done $0x0  }
0x36: {  	[sflag:s14] =	ssyncadd.s32 $0xFFFFC000  }
0x37: {  	_ =	swait.ge [sflag:s18], $0x4000  }
0x38: {  	[sflag:s18] =	ssyncset.done $0x0  }
0x39: {  	s23 =	simm.s32 $0x0;
	[sflag:s18] =	ssyncadd.s32 $0xFFFFC000  }
0x3a: {  	v0 =	vld [tilespmem:s23+$0x210]  }
0x3b: {  	v2 =	vld [tilespmem:s23+$0x4210]  }
0x3c: {  	v1 =	vld [tilespmem:s23+$0x200]  }
0x3d: {  	v3 =	vld [tilespmem:s23+$0x4200]  }
0x3e: {  	s24 =	simm.s32 $0x200  }
.LBB2_4:
0x3f: {  	s25 =	sshra.s32 s24, $0x2;
	p0 =	sne.s32 s24, $0xFE00  }
.Ltmp1:
0x40: {  	s24 =	sadd.s32 $0x200, s24;
	v4 =	vsub.f32 v2, v0;
	v0 =	vld [tilespmem:s25+$0x210];
	(pc) =	sbr.rel @p0 .LBB2_4-.Ltmp1, $4  }
0x41: {  	v2 =	vld [tilespmem:s25+$0x4210]  }
0x42: {  	v5 =	vsub.f32 v3, v1;
	v1 =	vld [tilespmem:s25+$0x200];
	[tilespmem:s23+$0x8210] =	vst v4  }
0x43: {  	v3 =	vld [tilespmem:s25+$0x4200]  }
0x44: {  	[tilespmem:s23+$0x8200] =	vst v5;
	s23 =	smov.u32 s25  }
0x45: {  	_ =	sdelay $0x1  }
0x46: {  	v0 =	vsub.f32 v2, v0  }
0x47: {  	v1 =	vsub.f32 v3, v1  }
0x48: {  	[tilespmem:s23+$0x8210] =	vst v0  }
0x49: {  	s31 =	simm.s32 $0x0;
	[tilespmem:s23+$0x8200] =	vst v1  }
0x4a: {  	[hbm4b:s8+s31] =	stream.linear.scatter [tilespmem:s19], [sflag:$0x2], $0x4000, $0x38;
	[tilespmem:$0xC200] =	vst v63  }
0x4b: {  	_ =	swait.ge [sflag:s14], $0x4000  }
0x4c: {  	[sflag:s14] =	ssyncset.done $0x0  }
0x4d: {  	[sflag:s14] =	ssyncadd.s32 $0xFFFFC000  }
0x4e: {  	[tilespmem:s16], [sflag:$0x1] =	stream.indirect.gather [hbm4b:s3+s15], $0x80, s20, s15, $0xb8;
	[tilespmem:$0xC200] =	vst v63  }
0x4f: {  	_ = 	snop  }
0x50: {  	[tilespmem:s17], [sflag:$0x2] =	stream.linear.gather [hbm4b:s9+s31], $0x4000, $0x38;
	[tilespmem:$0xC200] =	vst v63  }
0x51: {  	_ =	swait.ge [sflag:s14], $0x4000  }
0x52: {  	[sflag:s14] =	ssyncset.done $0x0  }
0x53: {  	[sflag:s14] =	ssyncadd.s32 $0xFFFFC000  }
0x54: {  	_ =	swait.ge [sflag:s18], $0x4000  }
0x55: {  	[sflag:s18] =	ssyncset.done $0x0  }
0x56: {  	s23 =	simm.s32 $0x0;
	[sflag:s18] =	ssyncadd.s32 $0xFFFFC000  }
0x57: {  	v0 =	vld [tilespmem:s23+$0x210]  }
0x58: {  	v2 =	vld [tilespmem:s23+$0x4210]  }
0x59: {  	v1 =	vld [tilespmem:s23+$0x200]  }
0x5a: {  	v3 =	vld [tilespmem:s23+$0x4200]  }
0x5b: {  	s24 =	simm.s32 $0x200  }
.LBB2_6:
0x5c: {  	s25 =	sshra.s32 s24, $0x2;
	p0 =	sne.s32 s24, $0xFE00  }
.Ltmp2:
0x5d: {  	s24 =	sadd.s32 $0x200, s24;
	v4 =	vsub.f32 v2, v0;
	v0 =	vld [tilespmem:s25+$0x210];
	(pc) =	sbr.rel @p0 .LBB2_6-.Ltmp2, $4  }
0x5e: {  	v2 =	vld [tilespmem:s25+$0x4210]  }
0x5f: {  	v5 =	vsub.f32 v3, v1;
	v1 =	vld [tilespmem:s25+$0x200];
	[tilespmem:s23+$0x8210] =	vst v4  }
0x60: {  	v3 =	vld [tilespmem:s25+$0x4200]  }
0x61: {  	[tilespmem:s23+$0x8200] =	vst v5;
	s23 =	smov.u32 s25  }
0x62: {  	_ =	sdelay $0x1  }
0x63: {  	v0 =	vsub.f32 v2, v0  }
0x64: {  	v1 =	vsub.f32 v3, v1  }
0x65: {  	[tilespmem:s23+$0x8210] =	vst v0  }
0x66: {  	s31 =	simm.s32 $0x0;
	[tilespmem:s23+$0x8200] =	vst v1  }
0x67: {  	[hbm4b:s10+s31] =	stream.linear.scatter [tilespmem:s19], [sflag:$0x2], $0x4000, $0x38;
	[tilespmem:$0xC200] =	vst v63  }
0x68: {  	_ =	swait.ge [sflag:s14], $0x4000  }
0x69: {  	[sflag:s14] =	ssyncset.done $0x0  }
0x6a: {  	[sflag:s14] =	ssyncadd.s32 $0xFFFFC000  }
0x6b: {  	[tilespmem:s16], [sflag:$0x1] =	stream.indirect.gather [hbm4b:s3+s15], $0x80, s21, s15, $0xb8;
	[tilespmem:$0xC200] =	vst v63  }
0x6c: {  	_ = 	snop  }
0x6d: {  	[tilespmem:s17], [sflag:$0x2] =	stream.linear.gather [hbm4b:s11+s31], $0x4000, $0x38;
	[tilespmem:$0xC200] =	vst v63  }
0x6e: {  	_ =	swait.ge [sflag:s14], $0x4000  }
0x6f: {  	[sflag:s14] =	ssyncset.done $0x0  }
0x70: {  	[sflag:s14] =	ssyncadd.s32 $0xFFFFC000  }
0x71: {  	_ =	swait.ge [sflag:s18], $0x4000  }
0x72: {  	[sflag:s18] =	ssyncset.done $0x0  }
0x73: {  	s23 =	simm.s32 $0x0;
	[sflag:s18] =	ssyncadd.s32 $0xFFFFC000  }
0x74: {  	v0 =	vld [tilespmem:s23+$0x210]  }
0x75: {  	v2 =	vld [tilespmem:s23+$0x4210]  }
0x76: {  	v1 =	vld [tilespmem:s23+$0x200]  }
0x77: {  	v3 =	vld [tilespmem:s23+$0x4200]  }
0x78: {  	s24 =	simm.s32 $0x200  }
.LBB2_8:
0x79: {  	s25 =	sshra.s32 s24, $0x2;
	p0 =	sne.s32 s24, $0xFE00  }
.Ltmp3:
0x7a: {  	s24 =	sadd.s32 $0x200, s24;
	v4 =	vsub.f32 v2, v0;
	v0 =	vld [tilespmem:s25+$0x210];
	(pc) =	sbr.rel @p0 .LBB2_8-.Ltmp3, $4  }
0x7b: {  	v2 =	vld [tilespmem:s25+$0x4210]  }
0x7c: {  	v5 =	vsub.f32 v3, v1;
	v1 =	vld [tilespmem:s25+$0x200];
	[tilespmem:s23+$0x8210] =	vst v4  }
0x7d: {  	v3 =	vld [tilespmem:s25+$0x4200]  }
0x7e: {  	[tilespmem:s23+$0x8200] =	vst v5;
	s23 =	smov.u32 s25  }
0x7f: {  	_ =	sdelay $0x1  }
0x80: {  	v0 =	vsub.f32 v2, v0  }
0x81: {  	s22 =	sadd.s32 $0x1, s22;
	v1 =	vsub.f32 v3, v1  }
0x82: {  	p0 =	sne.s32 s22, s13;
	[tilespmem:s23+$0x8210] =	vst v0  }
.Ltmp4:
0x83: {  	[tilespmem:s23+$0x8200] =	vst v1;
	(pc) =	sbr.rel @p0 .LBB2_1-.Ltmp4, $4  }
0x84: {  	[hbm4b:s12+s2] =	stream.linear.scatter [tilespmem:s19], [sflag:$0x2], $0x4000, $0x38;
	[tilespmem:$0xC200] =	vst v63  }
0x85: {  	_ =	swait.ge [sflag:s14], $0x4000  }
0x86: {  	[sflag:s14] =	ssyncset.done $0x0  }
0x87: {  	[sflag:s14] =	ssyncadd.s32 $0xFFFFC000  }
0x88: {  	_ =	sfence.sel $0x180000  }
0x89: {  	[bflag:$0x0] =	sbarrier.arrive $0xFFFF  }
0x8a: {  	p0 =	sne.s32 s1, $0x0;
	_ =	strace $0x90000050  }
0x8b: {  	s0 =	sadd.s32 @!p0 $0x100000, s0;
	[bflag:$0x2] =	sbarrier.arrive $0xFFFF  }
0x8c: {  	[sflag:s0] =	ssyncadd.tile.s32 @!p0 $0x1;
	_ =	shalt  }
.Lfunc_end2:
_tile_overlayer_lowered:
.L_overlay_start_2:
0x8d: {  	(tag) =	ssettag $0x2  }
0x8e: {  	s0 =	rddreg [dreg:$0x0];
	s2 =	stileid.u32  }
0x8f: {  	s1 =	rddreg [dreg:$0x1];
	p0 =	sne.s32 s2, $0x0  }
0x90: {  	s3 =	rddreg [dreg:$0x2];
	[bflag:$0x3] =	sbarrier.arrive $0xFFFF;
	s2 =	simm.s32 @!p0 $0x1C02  }
0x91: {  	[timem:s3], [sflag:s2] =	dma.local @!p0 [hbm:s0], s1  }
0x92: {  	s0 =	simm.s32 @!p0 $0x2  }
0x93: {  	_ =	swait.ge @!p0 [sflag:s0], s1  }
0x94: {  	s1 =	ssub.s32 @!p0 $0x0, s1;
	[sflag:s0] =	ssyncset.done @!p0 $0x0  }
0x95: {  	[sflag:s0] =	ssyncadd.s32 @!p0 s1  }
0x96: {  	[bflag:$0x3] =	sbarrier.arrive $0xFFFF  }
0x97: {  	_ =	shalt  }

// kernel: kernel.30.cloned.1.call-start
scs
__scs_entry_jumppad:
0x0: {  	(pc) =	sbr.rel $0x88, $3  }
0x1: {  	(tag) =	ssettag $0x0;
	lr =	simm.s32 $0x1  }
0x2: {  	[smem:$0x3F9F] =	sst lr;
	_ =	strace $0xD0000000  }
0x3: {  	_ = 	snop  }
0x4: {  	_ = 	snop  }
0x5: {  	_ = 	snop  }
0x6: {  	_ = 	snop  }
0x7: {  	_ = 	snop  }
__scs_overlays_trampoline_lowered:
0x8: {  	[smem:$0x3FAE] =	sst s0  }
0x9: {  	[smem:$0x3FAF] =	sst s1  }
0xa: {  	[smem:$0x3FB0] =	sst s2  }
0xb: {  	[smem:$0x3FB1] =	sst s3  }
0xc: {  	[smem:$0x3FB2] =	sst s4  }
0xd: {  	[smem:$0x3FB3] =	sst s5  }
0xe: {  	[smem:$0x3FB4] =	sst s6  }
0xf: {  	[smem:$0x3FB5] =	sst s7  }
0x10: {  	[smem:$0x3FB6] =	sst s8  }
0x11: {  	[smem:$0x3FB7] =	sst s9;
	s0 =	simm.s32 @!p0 $0x0  }
0x12: {  	s1 =	sld [smem:$0x3F9D];
	s0 =	simm.s32 @p0 $0x1  }
0x13: {  	[smem:$0x3FB8] =	sst s0;
	s0 =	simm.s32 @!p1 $0x0  }
0x14: {  	s2 =	sld [smem:$0x3F9C];
	s0 =	simm.s32 @p1 $0x1  }
0x15: {  	[smem:$0x3FB9] =	sst s0;
	s0 =	simm.s32 @!p2 $0x0  }
0x16: {  	s3 =	sld [smem:$0x3FDB];
	s0 =	simm.s32 @p2 $0x1  }
0x17: {  	s4 =	simm.s32 $0x1BF5;
	[smem:$0x3FBB] =	sst s0  }
0x18: {  	s0 =	sld [smem:$0x3F9E];
	_ =	swait.ge [sflag:s4], $0x0  }
0x19: {  	s7 =	sld [smem:$0x3F9F]  }
0x1a: {  	s8 =	sadd.s32 $0xFFFFE003, lr  }
0x1b: {  	s9 =	sadd.s32 $0xFFFFFEF7, lr;
	s5 =	simm.s32 $0xFFFFFFFF;
	p2 =	slt.u32 s8, $0xFFFFF086  }
0x1c: {  	p1 =	slt.u32 s9, $0xF7A;
	s5 =	simm.s32 @!p2 $0x0  }
0x1d: {  	s5 =	simm.s32 @p1 $0x1;
	p0 =	seq.s32 s7, s2  }
0x1e: {  	s7 =	smul.u32 @!p0 $0xF7A, s2;
	p2 =	seq.s32 @!p0 s5, $0x0  }
0x1f: {  	s9 =	smul.u32 $0xF7A, s1;
	s8 =	simm.s32 @!p0 $0x1BF5;
	p2 =	por !p2, p0  }
0x20: {  	[sflag:s8] =	ssyncset.s32 @!p0 $0xFFFFF086;
	s6 =	sadd.s32 @!p0 s3, s7;
	s7 =	simm.s32 @!p0 $0x108  }
0x21: {  	s3 =	sadd.s32 s3, s9;
	s6 =	sadd.s32 @!p0 $0x88, s6;
	s7 =	simm.s32 @p2 $0x1082  }
0x22: {  	[simem:s7], [sflag:s8] =	dma.local @!p0 [hbm:s6], $0xF7A  }
0x23: {  	s9 =	sor.u32 $0xD0000000, s2;
	s6 =	simm.s32 $0x108;
	_ =	swait.ge @!p0 [sflag:s8], $0x0  }
0x24: {  	s3 =	sadd.s32 $0x88, s3;
	s6 =	simm.s32 @!p1 $0x1082;
	[sflag:s4] =	ssyncset.s32 $0xFFFFF086  }
0x25: {  	[simem:s6], [sflag:s4] =	dma.local [hbm:s3], $0xF7A  }
0x26: {  	[smem:$0x3F9F] =	sst s1;
	(tag) =	ssettag s2;
	_ =	strace s9  }
0x27: {  	s1 =	sld [smem:$0x3FAF]  }
0x28: {  	s2 =	sld [smem:$0x3FB0]  }
0x29: {  	s4 =	sld [smem:$0x3FB2]  }
0x2a: {  	p0 =	seq.s32 s5, $0x0;
	s5 =	sld [smem:$0x3FB3]  }
0x2b: {  	s6 =	sld [smem:$0x3FB4]  }
0x2c: {  	s7 =	sld [smem:$0x3FB5]  }
0x2d: {  	s3 =	simm.s32 $0x108;
	s8 =	sld [smem:$0x3FB6]  }
0x2e: {  	s3 =	simm.s32 @!p0 $0x1082;
	s9 =	sld [smem:$0x3FB7]  }
0x2f: {  	lr =	sadd.s32 s0, s3;
	s0 =	sld [smem:$0x3FAE]  }
0x30: {  	s3 =	sld [smem:$0x3FB1]  }
0x31: {  	[smem:$0x3FBA] =	sst s10  }
0x32: {  	s10 =	sld [smem:$0x3FB8];
	_ =	sdelay $0x3  }
0x33: {  	p0 =	seq.s32 s10, $0x1;
	s10 =	sld [smem:$0x3FBA];
	_ =	sdelay $0x3  }
0x34: {  	[smem:$0x3FBA] =	sst s10  }
0x35: {  	s10 =	sld [smem:$0x3FB9];
	_ =	sdelay $0x3  }
0x36: {  	p1 =	seq.s32 s10, $0x1;
	s10 =	sld [smem:$0x3FBA];
	_ =	sdelay $0x3  }
0x37: {  	[smem:$0x3FBA] =	sst s10  }
0x38: {  	s10 =	sld [smem:$0x3FBB]  }
0x39: {  	_ = 	snop;
	(pc) =	sbr.ind lr, $3  }
0x3a: {  	_ = 	snop  }
0x3b: {  	_ = 	snop  }
0x3c: {  	p2 =	seq.s32 s10, $0x1;
	s10 =	sld [smem:$0x3FBA]  }
0x3d: {  	_ =	shalt  }
0x3e: {  	_ =	shalt  }
0x3f: {  	_ =	shalt  }
0x40: {  	_ =	shalt  }
0x41: {  	_ =	shalt  }
0x42: {  	_ =	shalt  }
0x43: {  	_ =	shalt  }
0x44: {  	_ =	shalt  }
0x45: {  	_ =	shalt  }
0x46: {  	_ =	shalt  }
0x47: {  	_ =	shalt  }
0x48: {  	_ =	shalt  }
0x49: {  	_ =	shalt  }
0x4a: {  	_ =	shalt  }
0x4b: {  	_ =	shalt  }
0x4c: {  	_ =	shalt  }
0x4d: {  	_ =	shalt  }
0x4e: {  	_ =	shalt  }
0x4f: {  	_ =	shalt  }
0x50: {  	_ =	shalt  }
0x51: {  	_ =	shalt  }
0x52: {  	_ =	shalt  }
0x53: {  	_ =	shalt  }
0x54: {  	_ =	shalt  }
0x55: {  	_ =	shalt  }
0x56: {  	_ =	shalt  }
0x57: {  	_ =	shalt  }
0x58: {  	_ =	shalt  }
0x59: {  	_ =	shalt  }
0x5a: {  	_ =	shalt  }
0x5b: {  	_ =	shalt  }
0x5c: {  	_ =	shalt  }
0x5d: {  	_ =	shalt  }
0x5e: {  	_ =	shalt  }
0x5f: {  	_ =	shalt  }
0x60: {  	_ =	shalt  }
0x61: {  	_ =	shalt  }
0x62: {  	_ =	shalt  }
0x63: {  	_ =	shalt  }
0x64: {  	_ =	shalt  }
0x65: {  	_ =	shalt  }
0x66: {  	_ =	shalt  }
0x67: {  	_ =	shalt  }
0x68: {  	_ =	shalt  }
0x69: {  	_ =	shalt  }
0x6a: {  	_ =	shalt  }
0x6b: {  	_ =	shalt  }
0x6c: {  	_ =	shalt  }
0x6d: {  	_ =	shalt  }
0x6e: {  	_ =	shalt  }
0x6f: {  	_ =	shalt  }
0x70: {  	_ =	shalt  }
0x71: {  	_ =	shalt  }
0x72: {  	_ =	shalt  }
0x73: {  	_ =	shalt  }
0x74: {  	_ =	shalt  }
0x75: {  	_ =	shalt  }
0x76: {  	_ =	shalt  }
0x77: {  	_ =	shalt  }
0x78: {  	_ =	shalt  }
0x79: {  	_ =	shalt  }
0x7a: {  	_ =	shalt  }
0x7b: {  	_ =	shalt  }
0x7c: {  	_ =	shalt  }
0x7d: {  	_ =	shalt  }
0x7e: {  	_ =	shalt  }
0x7f: {  	_ =	shalt  }
0x80: {  	_ =	shalt  }
0x81: {  	_ =	shalt  }
0x82: {  	_ =	shalt  }
0x83: {  	_ =	shalt  }
0x84: {  	_ =	shalt  }
0x85: {  	_ =	shalt  }
0x86: {  	_ =	shalt  }
0x87: {  	_ =	shalt  }
.Lfunc_end0:
.L_simem_size_0:
called_computation.4_lowered:
.L_overlay_start_0:
0x88: {  	s2 =	sld [smem:$0x3FD9]  }
0x89: {  	s3 =	sld [smem:$0x3FFE];
	_ =	sdelay $0x1  }
0x8a: {  	s1 =	srdreg.scid  }
0x8b: {  	s0 =	sand.u32 $0x1, s1  }
0x8c: {  	s16 =	sshll.u32 s0, $0xA;
	s2 =	sadd.s32 s3, s2  }
0x8d: {  	s2 =	sadd.s32 s2, s16  }
0x8e: {  	[smem:$0x3FC6] =	sst s2  }
0x8f: {  	_ = 	snop  }
0x90: {  	(tm) =	ssettm $0x1  }
0x91: {  	s17 =	sld [smem:$0x3FFB];
	_ =	sdelay $0x3  }
0x92: {  	_ =	strace s17  }
0x93: {  	s2 =	sld [smem:$0x3FFC];
	_ =	sdelay $0x3  }
0x94: {  	_ =	strace s2  }
0x95: {  	s2 =	sld [smem:$0x3FFD];
	_ =	sdelay $0x3  }
0x96: {  	_ =	strace s2  }
0x97: {  	_ =	strace $0x8FFFFFFF  }
0x98: {  	s18 =	sld [smem:$0x3FDB];
	_ =	sdelay $0x1  }
0x99: {  	s19 =	simm.s32 $_scs_section_size  }
0x9a: {  	s4 =	simm.s32 $_size__tile_overlayer_lowered;
	s5 =	simm.s32 $_tile_overlayer_lowered  }
0x9b: {  	s22 =	simm.s32 $0x1BFF;
	s21 =	sshll.u32 s5, $0x1;
	s2 =	sadd.s32 s19, s18  }
0x9c: {  	s6 =	simm.s32 $0x0;
	s20 =	sshll.u32 s4, $0x1;
	s4 =	sadd.s32 s21, s2  }
0x9d: {  	[timem:s6], [sflag:s22] =	dma.local [hbm:s4], s20  }
0x9e: {  	_ =	swait.ge [sflag:s22], s20  }
0x9f: {  	s3 =	ssub.s32 $0x0, s20;
	[sflag:s22] =	ssyncset.done $0x0  }
0xa0: {  	[sflag:s22] =	ssyncadd.s32 s3;
	_ =	sdelay $0x1  }
0xa1: {  	s23 =	simm.s32 $0x1B8B  }
0xa2: {  	_ =	swait.ge [sflag:s23], $0x1  }
0xa3: {  	[sflag:s23] =	ssyncset.done $0x0  }
0xa4: {  	s25 =	simm.s32 $0x1B8E;
	s24 =	sld [smem:$0x3FFE];
	[sflag:s23] =	ssyncadd.s32 $0xFFFFFFFF  }
0xa5: {  	s26 =	simm.s32 $execute0_lowered;
	[smem:$0x3FD2] =	sst s25  }
0xa6: {  	s4 =	sshll.u32 s26, $0x1;
	_ =	strace $0x80000052;
	[dreg:$0x1] =	wrdreg $0xFFFFFFFF  }
0xa7: {  	s28 =	simm.s32 $_size_execute0_lowered;
	s2 =	sadd.s32 s2, s4;
	[dreg:$0x0] =	wrdreg $0x0  }
0xa8: {  	s4 =	sshll.u32 s28, $0x1;
	[dreg:$0x2] =	wrdreg s2  }
0xa9: {  	[dreg:$0x3] =	wrdreg s4  }
0xaa: {  	[dreg:$0x4] =	wrdreg $0xC0  }
0xab: {  	_ =	task [dreg:s6], $0x5FFFF  }
0xac: {  	[dreg:$0x1] =	wrdreg $0xFFFFFFFF  }
0xad: {  	[dreg:$0x0] =	wrdreg $0x60  }
0xae: {  	[dreg:$0x2] =	wrdreg s24  }
0xaf: {  	[dreg:$0x3] =	wrdreg $0x9  }
0xb0: {  	_ =	task.clear_ibuf [dreg:s6], $0x4FFFF;
	_ =	strace $0x90000052  }
0xb1: {  	s29 =	simm.s32 $0x9;
	_ =	strace $0x80000054  }
0xb2: {  	_ =	swait.ge [sflag:s29], $0x1  }
0xb3: {  	[sflag:s29] =	ssyncadd.s32 $0xFFFFFFFF  }
0xb4: {  	_ =	strace $0x90000054  }
0xb5: {  	_ =	sfence  }
0xb6: {  	s30 =	sld [smem:$0x0];
	_ =	sdelay $0x2  }
0xb7: {  	s31 =	sshll.u32 s1, $0xD;
	s1 =	sshrl.u32 s1, $0x2  }
0xb8: {  	s3 =	sand.u32 $0x4000, s31;
	s1 =	sadd.s32 s1, s30  }
0xb9: {  	s0 =	sor.u32 s3, s0;
	s1 =	sshll.u32 s1, $0x11  }
0xba: {  	s0 =	sor.u32 s1, s0  }
0xbb: {  	s0 =	sadd.s32 $0x8F2B, s0  }
0xbc: {  	[sflag:s0] =	ssyncadd.remote.s32 $0x1  }
0xbd: {  	_ =	sfence.sel $0xFFFF  }
0xbe: {  	[dreg:$0x0] =	wrdreg $0xFFFFFFFF;
	(pc) =	sbr.abs _section_cstart, $3  }
0xbf: {  	[dreg:$0x1] =	wrdreg $0xFFFFFFFF  }
0xc0: {  	_ =	task.clear_ibuf [dreg:s6], $0x2FFFF;
	_ =	strace $0x9FFFFFFF  }
0xc1: {  	(tm) =	ssettm $0x7FFFFFFF  }
tec
execute0_lowered:
.L_overlay_start_1:
0x0: {  	(tag) =	ssettag $0x1  }
0x1: {  	s4 =	rddreg [dreg:$0x0]  }
0x2: {  	s0 =	rddreg [dreg:$0x1]  }
0x3: {  	s3 =	srdreg.scid;
	s1 =	stileid.u32;
	s2 =	simm.s32 $0x0  }
0x4: {  	s15 =	simm.s32 $0x80;
	s16 =	simm.s32 $0x200;
	s17 =	simm.s32 $0x4200  }
0x5: {  	s18 =	simm.s32 $0x1;
	s19 =	simm.s32 $0x8200;
	s20 =	simm.s32 $0x100  }
0x6: {  	s21 =	simm.s32 $0x180;
	s22 =	simm.s32 $0x0;
	s5 =	sand.u32 $0x1, s3  }
0x7: {  	s30 =	sshll.u32 s1, $0x1;
	[smem:$0x7FF] =	sst s2;
	s3 =	sadd.s32 $0x1C4400, s4  }
0x8: {  	s11 =	sadd.s32 $0x95000, s4;
	s12 =	sadd.s32 $0xD5000, s4;
	s6 =	sor.u32 s5, s30  }
0x9: {  	_ =	strace $0x80000053;
	s5 =	ssub.s32 $0x2, s5;
	s7 =	sshll.u32 s6, $0x6  }
0xa: {  	s31 =	sshrl.u32 s5, $0x1;
	s14 =	sshll.u32 s6, $0xD;
	s7 =	sadd.s32 s7, s4  }
0xb: {  	s13 =	ssub.s32 s5, s31;
	s5 =	sadd.s32 s11, s14;
	s6 =	sadd.s32 s12, s14  }
0xc: {  	s8 =	sor.u32 $0x800, s14;
	s10 =	sor.u32 $0x1000, s14;
	s14 =	sor.u32 $0x1800, s14  }
0xd: {  	s4 =	sadd.s32 $0x55A00, s7;
	s7 =	sadd.s32 s11, s8;
	s8 =	sadd.s32 s12, s8  }
0xe: {  	s9 =	sadd.s32 s11, s10;
	s10 =	sadd.s32 s12, s10;
	s11 =	sadd.s32 s11, s14  }
0xf: {  	s12 =	sadd.s32 s12, s14;
	s13 =	smax.u32 s13, $0x1;
	s14 =	simm.s32 $0x2  }
.LBB2_1:
0x10: {  	[tilespmem:s2], [sflag:$0x2] =	stream.linear.gather [hbm4b:s4+s2], $0x200, $0x38;
	[tilespmem:$0xC200] =	vst v63  }
0x11: {  	_ =	swait.ge [sflag:s14], $0x200  }
0x12: {  	[sflag:s14] =	ssyncset.done $0x0  }
0x13: {  	[sflag:s14] =	ssyncadd.s32 $0xFFFFFE00  }
0x14: {  	[tilespmem:s16], [sflag:$0x1] =	stream.indirect.gather [hbm4b:s3+s15], $0x80, s2, s15, $0xb8;
	[tilespmem:$0xC200] =	vst v63  }
0x15: {  	_ = 	snop  }
0x16: {  	[tilespmem:s17], [sflag:$0x2] =	stream.linear.gather [hbm4b:s5+s2], $0x4000, $0x38;
	[tilespmem:$0xC200] =	vst v63  }
0x17: {  	_ =	swait.ge [sflag:s14], $0x4000  }
0x18: {  	[sflag:s14] =	ssyncset.done $0x0  }
0x19: {  	[sflag:s14] =	ssyncadd.s32 $0xFFFFC000  }
0x1a: {  	_ =	swait.ge [sflag:s18], $0x4000  }
0x1b: {  	[sflag:s18] =	ssyncset.done $0x0  }
0x1c: {  	s23 =	simm.s32 $0x0;
	[sflag:s18] =	ssyncadd.s32 $0xFFFFC000  }
0x1d: {  	v0 =	vld [tilespmem:s23+$0x210]  }
0x1e: {  	v2 =	vld [tilespmem:s23+$0x4210]  }
0x1f: {  	v1 =	vld [tilespmem:s23+$0x200]  }
0x20: {  	v3 =	vld [tilespmem:s23+$0x4200]  }
0x21: {  	s24 =	simm.s32 $0x200  }
.LBB2_2:
0x22: {  	s25 =	sshra.s32 s24, $0x2;
	p0 =	sne.s32 s24, $0xFE00  }
.Ltmp0:
0x23: {  	s24 =	sadd.s32 $0x200, s24;
	v4 =	vsub.f32 v2, v0;
	v0 =	vld [tilespmem:s25+$0x210];
	(pc) =	sbr.rel @p0 .LBB2_2-.Ltmp0, $4  }
0x24: {  	v2 =	vld [tilespmem:s25+$0x4210]  }
0x25: {  	v5 =	vsub.f32 v3, v1;
	v1 =	vld [tilespmem:s25+$0x200];
	[tilespmem:s23+$0x8210] =	vst v4  }
0x26: {  	v3 =	vld [tilespmem:s25+$0x4200]  }
0x27: {  	[tilespmem:s23+$0x8200] =	vst v5;
	s23 =	smov.u32 s25  }
0x28: {  	_ =	sdelay $0x1  }
0x29: {  	v0 =	vsub.f32 v2, v0  }
0x2a: {  	v1 =	vsub.f32 v3, v1  }
0x2b: {  	[tilespmem:s23+$0x8210] =	vst v0  }
0x2c: {  	s31 =	simm.s32 $0x0;
	[tilespmem:s23+$0x8200] =	vst v1  }
0x2d: {  	[hbm4b:s6+s31] =	stream.linear.scatter [tilespmem:s19], [sflag:$0x2], $0x4000, $0x38;
	[tilespmem:$0xC200] =	vst v63  }
0x2e: {  	_ =	swait.ge [sflag:s14], $0x4000  }
0x2f: {  	[sflag:s14] =	ssyncset.done $0x0  }
0x30: {  	[sflag:s14] =	ssyncadd.s32 $0xFFFFC000  }
0x31: {  	[tilespmem:s16], [sflag:$0x1] =	stream.indirect.gather [hbm4b:s3+s15], $0x80, s15, s15, $0xb8;
	[tilespmem:$0xC200] =	vst v63  }
0x32: {  	_ = 	snop  }
0x33: {  	[tilespmem:s17], [sflag:$0x2] =	stream.linear.gather [hbm4b:s7+s31], $0x4000, $0x38;
	[tilespmem:$0xC200] =	vst v63  }
0x34: {  	_ =	swait.ge [sflag:s14], $0x4000  }
0x35: {  	[sflag:s14] =	ssyncset.done $0x0  }
0x36: {  	[sflag:s14] =	ssyncadd.s32 $0xFFFFC000  }
0x37: {  	_ =	swait.ge [sflag:s18], $0x4000  }
0x38: {  	[sflag:s18] =	ssyncset.done $0x0  }
0x39: {  	s23 =	simm.s32 $0x0;
	[sflag:s18] =	ssyncadd.s32 $0xFFFFC000  }
0x3a: {  	v0 =	vld [tilespmem:s23+$0x210]  }
0x3b: {  	v2 =	vld [tilespmem:s23+$0x4210]  }
0x3c: {  	v1 =	vld [tilespmem:s23+$0x200]  }
0x3d: {  	v3 =	vld [tilespmem:s23+$0x4200]  }
0x3e: {  	s24 =	simm.s32 $0x200  }
.LBB2_4:
0x3f: {  	s25 =	sshra.s32 s24, $0x2;
	p0 =	sne.s32 s24, $0xFE00  }
.Ltmp1:
0x40: {  	s24 =	sadd.s32 $0x200, s24;
	v4 =	vsub.f32 v2, v0;
	v0 =	vld [tilespmem:s25+$0x210];
	(pc) =	sbr.rel @p0 .LBB2_4-.Ltmp1, $4  }
0x41: {  	v2 =	vld [tilespmem:s25+$0x4210]  }
0x42: {  	v5 =	vsub.f32 v3, v1;
	v1 =	vld [tilespmem:s25+$0x200];
	[tilespmem:s23+$0x8210] =	vst v4  }
0x43: {  	v3 =	vld [tilespmem:s25+$0x4200]  }
0x44: {  	[tilespmem:s23+$0x8200] =	vst v5;
	s23 =	smov.u32 s25  }
0x45: {  	_ =	sdelay $0x1  }
0x46: {  	v0 =	vsub.f32 v2, v0  }
0x47: {  	v1 =	vsub.f32 v3, v1  }
0x48: {  	[tilespmem:s23+$0x8210] =	vst v0  }
0x49: {  	s31 =	simm.s32 $0x0;
	[tilespmem:s23+$0x8200] =	vst v1  }
0x4a: {  	[hbm4b:s8+s31] =	stream.linear.scatter [tilespmem:s19], [sflag:$0x2], $0x4000, $0x38;
	[tilespmem:$0xC200] =	vst v63  }
0x4b: {  	_ =	swait.ge [sflag:s14], $0x4000  }
0x4c: {  	[sflag:s14] =	ssyncset.done $0x0  }
0x4d: {  	[sflag:s14] =	ssyncadd.s32 $0xFFFFC000  }
0x4e: {  	[tilespmem:s16], [sflag:$0x1] =	stream.indirect.gather [hbm4b:s3+s15], $0x80, s20, s15, $0xb8;
	[tilespmem:$0xC200] =	vst v63  }
0x4f: {  	_ = 	snop  }
0x50: {  	[tilespmem:s17], [sflag:$0x2] =	stream.linear.gather [hbm4b:s9+s31], $0x4000, $0x38;
	[tilespmem:$0xC200] =	vst v63  }
0x51: {  	_ =	swait.ge [sflag:s14], $0x4000  }
0x52: {  	[sflag:s14] =	ssyncset.done $0x0  }
0x53: {  	[sflag:s14] =	ssyncadd.s32 $0xFFFFC000  }
0x54: {  	_ =	swait.ge [sflag:s18], $0x4000  }
0x55: {  	[sflag:s18] =	ssyncset.done $0x0  }
0x56: {  	s23 =	simm.s32 $0x0;
	[sflag:s18] =	ssyncadd.s32 $0xFFFFC000  }
0x57: {  	v0 =	vld [tilespmem:s23+$0x210]  }
0x58: {  	v2 =	vld [tilespmem:s23+$0x4210]  }
0x59: {  	v1 =	vld [tilespmem:s23+$0x200]  }
0x5a: {  	v3 =	vld [tilespmem:s23+$0x4200]  }
0x5b: {  	s24 =	simm.s32 $0x200  }
.LBB2_6:
0x5c: {  	s25 =	sshra.s32 s24, $0x2;
	p0 =	sne.s32 s24, $0xFE00  }
.Ltmp2:
0x5d: {  	s24 =	sadd.s32 $0x200, s24;
	v4 =	vsub.f32 v2, v0;
	v0 =	vld [tilespmem:s25+$0x210];
	(pc) =	sbr.rel @p0 .LBB2_6-.Ltmp2, $4  }
0x5e: {  	v2 =	vld [tilespmem:s25+$0x4210]  }
0x5f: {  	v5 =	vsub.f32 v3, v1;
	v1 =	vld [tilespmem:s25+$0x200];
	[tilespmem:s23+$0x8210] =	vst v4  }
0x60: {  	v3 =	vld [tilespmem:s25+$0x4200]  }
0x61: {  	[tilespmem:s23+$0x8200] =	vst v5;
	s23 =	smov.u32 s25  }
0x62: {  	_ =	sdelay $0x1  }
0x63: {  	v0 =	vsub.f32 v2, v0  }
0x64: {  	v1 =	vsub.f32 v3, v1  }
0x65: {  	[tilespmem:s23+$0x8210] =	vst v0  }
0x66: {  	s31 =	simm.s32 $0x0;
	[tilespmem:s23+$0x8200] =	vst v1  }
0x67: {  	[hbm4b:s10+s31] =	stream.linear.scatter [tilespmem:s19], [sflag:$0x2], $0x4000, $0x38;
	[tilespmem:$0xC200] =	vst v63  }
0x68: {  	_ =	swait.ge [sflag:s14], $0x4000  }
0x69: {  	[sflag:s14] =	ssyncset.done $0x0  }
0x6a: {  	[sflag:s14] =	ssyncadd.s32 $0xFFFFC000  }
0x6b: {  	[tilespmem:s16], [sflag:$0x1] =	stream.indirect.gather [hbm4b:s3+s15], $0x80, s21, s15, $0xb8;
	[tilespmem:$0xC200] =	vst v63  }
0x6c: {  	_ = 	snop  }
0x6d: {  	[tilespmem:s17], [sflag:$0x2] =	stream.linear.gather [hbm4b:s11+s31], $0x4000, $0x38;
	[tilespmem:$0xC200] =	vst v63  }
0x6e: {  	_ =	swait.ge [sflag:s14], $0x4000  }
0x6f: {  	[sflag:s14] =	ssyncset.done $0x0  }
0x70: {  	[sflag:s14] =	ssyncadd.s32 $0xFFFFC000  }
0x71: {  	_ =	swait.ge [sflag:s18], $0x4000  }
0x72: {  	[sflag:s18] =	ssyncset.done $0x0  }
0x73: {  	s23 =	simm.s32 $0x0;
	[sflag:s18] =	ssyncadd.s32 $0xFFFFC000  }
0x74: {  	v0 =	vld [tilespmem:s23+$0x210]  }
0x75: {  	v2 =	vld [tilespmem:s23+$0x4210]  }
0x76: {  	v1 =	vld [tilespmem:s23+$0x200]  }
0x77: {  	v3 =	vld [tilespmem:s23+$0x4200]  }
0x78: {  	s24 =	simm.s32 $0x200  }
.LBB2_8:
0x79: {  	s25 =	sshra.s32 s24, $0x2;
	p0 =	sne.s32 s24, $0xFE00  }
.Ltmp3:
0x7a: {  	s24 =	sadd.s32 $0x200, s24;
	v4 =	vsub.f32 v2, v0;
	v0 =	vld [tilespmem:s25+$0x210];
	(pc) =	sbr.rel @p0 .LBB2_8-.Ltmp3, $4  }
0x7b: {  	v2 =	vld [tilespmem:s25+$0x4210]  }
0x7c: {  	v5 =	vsub.f32 v3, v1;
	v1 =	vld [tilespmem:s25+$0x200];
	[tilespmem:s23+$0x8210] =	vst v4  }
0x7d: {  	v3 =	vld [tilespmem:s25+$0x4200]  }
0x7e: {  	[tilespmem:s23+$0x8200] =	vst v5;
	s23 =	smov.u32 s25  }
0x7f: {  	_ =	sdelay $0x1  }
0x80: {  	v0 =	vsub.f32 v2, v0  }
0x81: {  	s22 =	sadd.s32 $0x1, s22;
	v1 =	vsub.f32 v3, v1  }
0x82: {  	p0 =	sne.s32 s22, s13;
	[tilespmem:s23+$0x8210] =	vst v0  }
.Ltmp4:
0x83: {  	[tilespmem:s23+$0x8200] =	vst v1;
	(pc) =	sbr.rel @p0 .LBB2_1-.Ltmp4, $4  }
0x84: {  	[hbm4b:s12+s2] =	stream.linear.scatter [tilespmem:s19], [sflag:$0x2], $0x4000, $0x38;
	[tilespmem:$0xC200] =	vst v63  }
0x85: {  	_ =	swait.ge [sflag:s14], $0x4000  }
0x86: {  	[sflag:s14] =	ssyncset.done $0x0  }
0x87: {  	[sflag:s14] =	ssyncadd.s32 $0xFFFFC000  }
0x88: {  	_ =	sfence.sel $0x180000  }
0x89: {  	[bflag:$0x0] =	sbarrier.arrive $0xFFFF  }
0x8a: {  	p0 =	sne.s32 s1, $0x0;
	_ =	strace $0x90000053  }
0x8b: {  	s0 =	sadd.s32 @!p0 $0x100000, s0;
	[bflag:$0x2] =	sbarrier.arrive $0xFFFF  }
0x8c: {  	[sflag:s0] =	ssyncadd.tile.s32 @!p0 $0x1;
	_ =	shalt  }
.Lfunc_end2:
_tile_overlayer_lowered:
.L_overlay_start_2:
0x8d: {  	(tag) =	ssettag $0x2  }
0x8e: {  	s0 =	rddreg [dreg:$0x0];
	s2 =	stileid.u32  }
0x8f: {  	s1 =	rddreg [dreg:$0x1];
	p0 =	sne.s32 s2, $0x0  }
0x90: {  	s3 =	rddreg [dreg:$0x2];
	[bflag:$0x3] =	sbarrier.arrive $0xFFFF;
	s2 =	simm.s32 @!p0 $0x1C02  }
0x91: {  	[timem:s3], [sflag:s2] =	dma.local @!p0 [hbm:s0], s1  }
0x92: {  	s0 =	simm.s32 @!p0 $0x2  }
0x93: {  	_ =	swait.ge @!p0 [sflag:s0], s1  }
0x94: {  	s1 =	ssub.s32 @!p0 $0x0, s1;
	[sflag:s0] =	ssyncset.done @!p0 $0x0  }
0x95: {  	[sflag:s0] =	ssyncadd.s32 @!p0 s1  }
0x96: {  	[bflag:$0x3] =	sbarrier.arrive $0xFFFF  }
0x97: {  	_ =	shalt  }

// kernel: kernel.33.cloned.1.call-start
scs
__scs_entry_jumppad:
0x0: {  	(pc) =	sbr.rel $0x88, $3  }
0x1: {  	(tag) =	ssettag $0x0;
	lr =	simm.s32 $0x1  }
0x2: {  	[smem:$0x3F9F] =	sst lr;
	_ =	strace $0xD0000000  }
0x3: {  	_ = 	snop  }
0x4: {  	_ = 	snop  }
0x5: {  	_ = 	snop  }
0x6: {  	_ = 	snop  }
0x7: {  	_ = 	snop  }
__scs_overlays_trampoline_lowered:
0x8: {  	[smem:$0x3FAE] =	sst s0  }
0x9: {  	[smem:$0x3FAF] =	sst s1  }
0xa: {  	[smem:$0x3FB0] =	sst s2  }
0xb: {  	[smem:$0x3FB1] =	sst s3  }
0xc: {  	[smem:$0x3FB2] =	sst s4  }
0xd: {  	[smem:$0x3FB3] =	sst s5  }
0xe: {  	[smem:$0x3FB4] =	sst s6  }
0xf: {  	[smem:$0x3FB5] =	sst s7  }
0x10: {  	[smem:$0x3FB6] =	sst s8  }
0x11: {  	[smem:$0x3FB7] =	sst s9;
	s0 =	simm.s32 @!p0 $0x0  }
0x12: {  	s1 =	sld [smem:$0x3F9D];
	s0 =	simm.s32 @p0 $0x1  }
0x13: {  	[smem:$0x3FB8] =	sst s0;
	s0 =	simm.s32 @!p1 $0x0  }
0x14: {  	s2 =	sld [smem:$0x3F9C];
	s0 =	simm.s32 @p1 $0x1  }
0x15: {  	[smem:$0x3FB9] =	sst s0;
	s0 =	simm.s32 @!p2 $0x0  }
0x16: {  	s3 =	sld [smem:$0x3FDB];
	s0 =	simm.s32 @p2 $0x1  }
0x17: {  	s4 =	simm.s32 $0x1BF5;
	[smem:$0x3FBB] =	sst s0  }
0x18: {  	s0 =	sld [smem:$0x3F9E];
	_ =	swait.ge [sflag:s4], $0x0  }
0x19: {  	s7 =	sld [smem:$0x3F9F]  }
0x1a: {  	s8 =	sadd.s32 $0xFFFFE003, lr  }
0x1b: {  	s9 =	sadd.s32 $0xFFFFFEF7, lr;
	s5 =	simm.s32 $0xFFFFFFFF;
	p2 =	slt.u32 s8, $0xFFFFF086  }
0x1c: {  	p1 =	slt.u32 s9, $0xF7A;
	s5 =	simm.s32 @!p2 $0x0  }
0x1d: {  	s5 =	simm.s32 @p1 $0x1;
	p0 =	seq.s32 s7, s2  }
0x1e: {  	s7 =	smul.u32 @!p0 $0xF7A, s2;
	p2 =	seq.s32 @!p0 s5, $0x0  }
0x1f: {  	s9 =	smul.u32 $0xF7A, s1;
	s8 =	simm.s32 @!p0 $0x1BF5;
	p2 =	por !p2, p0  }
0x20: {  	[sflag:s8] =	ssyncset.s32 @!p0 $0xFFFFF086;
	s6 =	sadd.s32 @!p0 s3, s7;
	s7 =	simm.s32 @!p0 $0x108  }
0x21: {  	s3 =	sadd.s32 s3, s9;
	s6 =	sadd.s32 @!p0 $0x88, s6;
	s7 =	simm.s32 @p2 $0x1082  }
0x22: {  	[simem:s7], [sflag:s8] =	dma.local @!p0 [hbm:s6], $0xF7A  }
0x23: {  	s9 =	sor.u32 $0xD0000000, s2;
	s6 =	simm.s32 $0x108;
	_ =	swait.ge @!p0 [sflag:s8], $0x0  }
0x24: {  	s3 =	sadd.s32 $0x88, s3;
	s6 =	simm.s32 @!p1 $0x1082;
	[sflag:s4] =	ssyncset.s32 $0xFFFFF086  }
0x25: {  	[simem:s6], [sflag:s4] =	dma.local [hbm:s3], $0xF7A  }
0x26: {  	[smem:$0x3F9F] =	sst s1;
	(tag) =	ssettag s2;
	_ =	strace s9  }
0x27: {  	s1 =	sld [smem:$0x3FAF]  }
0x28: {  	s2 =	sld [smem:$0x3FB0]  }
0x29: {  	s4 =	sld [smem:$0x3FB2]  }
0x2a: {  	p0 =	seq.s32 s5, $0x0;
	s5 =	sld [smem:$0x3FB3]  }
0x2b: {  	s6 =	sld [smem:$0x3FB4]  }
0x2c: {  	s7 =	sld [smem:$0x3FB5]  }
0x2d: {  	s3 =	simm.s32 $0x108;
	s8 =	sld [smem:$0x3FB6]  }
0x2e: {  	s3 =	simm.s32 @!p0 $0x1082;
	s9 =	sld [smem:$0x3FB7]  }
0x2f: {  	lr =	sadd.s32 s0, s3;
	s0 =	sld [smem:$0x3FAE]  }
0x30: {  	s3 =	sld [smem:$0x3FB1]  }
0x31: {  	[smem:$0x3FBA] =	sst s10  }
0x32: {  	s10 =	sld [smem:$0x3FB8];
	_ =	sdelay $0x3  }
0x33: {  	p0 =	seq.s32 s10, $0x1;
	s10 =	sld [smem:$0x3FBA];
	_ =	sdelay $0x3  }
0x34: {  	[smem:$0x3FBA] =	sst s10  }
0x35: {  	s10 =	sld [smem:$0x3FB9];
	_ =	sdelay $0x3  }
0x36: {  	p1 =	seq.s32 s10, $0x1;
	s10 =	sld [smem:$0x3FBA];
	_ =	sdelay $0x3  }
0x37: {  	[smem:$0x3FBA] =	sst s10  }
0x38: {  	s10 =	sld [smem:$0x3FBB]  }
0x39: {  	_ = 	snop;
	(pc) =	sbr.ind lr, $3  }
0x3a: {  	_ = 	snop  }
0x3b: {  	_ = 	snop  }
0x3c: {  	p2 =	seq.s32 s10, $0x1;
	s10 =	sld [smem:$0x3FBA]  }
0x3d: {  	_ =	shalt  }
0x3e: {  	_ =	shalt  }
0x3f: {  	_ =	shalt  }
0x40: {  	_ =	shalt  }
0x41: {  	_ =	shalt  }
0x42: {  	_ =	shalt  }
0x43: {  	_ =	shalt  }
0x44: {  	_ =	shalt  }
0x45: {  	_ =	shalt  }
0x46: {  	_ =	shalt  }
0x47: {  	_ =	shalt  }
0x48: {  	_ =	shalt  }
0x49: {  	_ =	shalt  }
0x4a: {  	_ =	shalt  }
0x4b: {  	_ =	shalt  }
0x4c: {  	_ =	shalt  }
0x4d: {  	_ =	shalt  }
0x4e: {  	_ =	shalt  }
0x4f: {  	_ =	shalt  }
0x50: {  	_ =	shalt  }
0x51: {  	_ =	shalt  }
0x52: {  	_ =	shalt  }
0x53: {  	_ =	shalt  }
0x54: {  	_ =	shalt  }
0x55: {  	_ =	shalt  }
0x56: {  	_ =	shalt  }
0x57: {  	_ =	shalt  }
0x58: {  	_ =	shalt  }
0x59: {  	_ =	shalt  }
0x5a: {  	_ =	shalt  }
0x5b: {  	_ =	shalt  }
0x5c: {  	_ =	shalt  }
0x5d: {  	_ =	shalt  }
0x5e: {  	_ =	shalt  }
0x5f: {  	_ =	shalt  }
0x60: {  	_ =	shalt  }
0x61: {  	_ =	shalt  }
0x62: {  	_ =	shalt  }
0x63: {  	_ =	shalt  }
0x64: {  	_ =	shalt  }
0x65: {  	_ =	shalt  }
0x66: {  	_ =	shalt  }
0x67: {  	_ =	shalt  }
0x68: {  	_ =	shalt  }
0x69: {  	_ =	shalt  }
0x6a: {  	_ =	shalt  }
0x6b: {  	_ =	shalt  }
0x6c: {  	_ =	shalt  }
0x6d: {  	_ =	shalt  }
0x6e: {  	_ =	shalt  }
0x6f: {  	_ =	shalt  }
0x70: {  	_ =	shalt  }
0x71: {  	_ =	shalt  }
0x72: {  	_ =	shalt  }
0x73: {  	_ =	shalt  }
0x74: {  	_ =	shalt  }
0x75: {  	_ =	shalt  }
0x76: {  	_ =	shalt  }
0x77: {  	_ =	shalt  }
0x78: {  	_ =	shalt  }
0x79: {  	_ =	shalt  }
0x7a: {  	_ =	shalt  }
0x7b: {  	_ =	shalt  }
0x7c: {  	_ =	shalt  }
0x7d: {  	_ =	shalt  }
0x7e: {  	_ =	shalt  }
0x7f: {  	_ =	shalt  }
0x80: {  	_ =	shalt  }
0x81: {  	_ =	shalt  }
0x82: {  	_ =	shalt  }
0x83: {  	_ =	shalt  }
0x84: {  	_ =	shalt  }
0x85: {  	_ =	shalt  }
0x86: {  	_ =	shalt  }
0x87: {  	_ =	shalt  }
.Lfunc_end0:
.L_simem_size_0:
called_computation.5_lowered:
.L_overlay_start_0:
0x88: {  	s2 =	sld [smem:$0x3FD9]  }
0x89: {  	s3 =	sld [smem:$0x3FFE];
	_ =	sdelay $0x1  }
0x8a: {  	s1 =	srdreg.scid  }
0x8b: {  	s0 =	sand.u32 $0x1, s1  }
0x8c: {  	s16 =	sshll.u32 s0, $0xA;
	s2 =	sadd.s32 s3, s2  }
0x8d: {  	s2 =	sadd.s32 s2, s16  }
0x8e: {  	[smem:$0x3FC6] =	sst s2  }
0x8f: {  	_ = 	snop  }
0x90: {  	(tm) =	ssettm $0x1  }
0x91: {  	s17 =	sld [smem:$0x3FFB];
	_ =	sdelay $0x3  }
0x92: {  	_ =	strace s17  }
0x93: {  	s2 =	sld [smem:$0x3FFC];
	_ =	sdelay $0x3  }
0x94: {  	_ =	strace s2  }
0x95: {  	s2 =	sld [smem:$0x3FFD];
	_ =	sdelay $0x3  }
0x96: {  	_ =	strace s2  }
0x97: {  	_ =	strace $0x8FFFFFFF  }
0x98: {  	s18 =	sld [smem:$0x3FDB];
	_ =	sdelay $0x1  }
0x99: {  	s19 =	simm.s32 $_scs_section_size  }
0x9a: {  	s4 =	simm.s32 $_size__tile_overlayer_lowered;
	s5 =	simm.s32 $_tile_overlayer_lowered  }
0x9b: {  	s22 =	simm.s32 $0x1BFF;
	s21 =	sshll.u32 s5, $0x1;
	s2 =	sadd.s32 s19, s18  }
0x9c: {  	s6 =	simm.s32 $0x0;
	s20 =	sshll.u32 s4, $0x1;
	s4 =	sadd.s32 s21, s2  }
0x9d: {  	[timem:s6], [sflag:s22] =	dma.local [hbm:s4], s20  }
0x9e: {  	_ =	swait.ge [sflag:s22], s20  }
0x9f: {  	s3 =	ssub.s32 $0x0, s20;
	[sflag:s22] =	ssyncset.done $0x0  }
0xa0: {  	[sflag:s22] =	ssyncadd.s32 s3;
	_ =	sdelay $0x1  }
0xa1: {  	s23 =	simm.s32 $0x1B8B  }
0xa2: {  	_ =	swait.ge [sflag:s23], $0x1  }
0xa3: {  	[sflag:s23] =	ssyncset.done $0x0  }
0xa4: {  	s25 =	simm.s32 $0x1B8E;
	s24 =	sld [smem:$0x3FFE];
	[sflag:s23] =	ssyncadd.s32 $0xFFFFFFFF  }
0xa5: {  	s26 =	simm.s32 $execute0_lowered;
	[smem:$0x3FD2] =	sst s25  }
0xa6: {  	s4 =	sshll.u32 s26, $0x1;
	_ =	strace $0x80000055;
	[dreg:$0x1] =	wrdreg $0xFFFFFFFF  }
0xa7: {  	s28 =	simm.s32 $_size_execute0_lowered;
	s2 =	sadd.s32 s2, s4;
	[dreg:$0x0] =	wrdreg $0x0  }
0xa8: {  	s4 =	sshll.u32 s28, $0x1;
	[dreg:$0x2] =	wrdreg s2  }
0xa9: {  	[dreg:$0x3] =	wrdreg s4  }
0xaa: {  	[dreg:$0x4] =	wrdreg $0xC0  }
0xab: {  	_ =	task [dreg:s6], $0x5FFFF  }
0xac: {  	[dreg:$0x1] =	wrdreg $0xFFFFFFFF  }
0xad: {  	[dreg:$0x0] =	wrdreg $0x60  }
0xae: {  	[dreg:$0x2] =	wrdreg s24  }
0xaf: {  	[dreg:$0x3] =	wrdreg $0x9  }
0xb0: {  	_ =	task.clear_ibuf [dreg:s6], $0x4FFFF;
	_ =	strace $0x90000055  }
0xb1: {  	s29 =	simm.s32 $0x9;
	_ =	strace $0x80000057  }
0xb2: {  	_ =	swait.ge [sflag:s29], $0x1  }
0xb3: {  	[sflag:s29] =	ssyncadd.s32 $0xFFFFFFFF  }
0xb4: {  	_ =	strace $0x90000057  }
0xb5: {  	_ =	sfence  }
0xb6: {  	s30 =	sld [smem:$0x0];
	_ =	sdelay $0x2  }
0xb7: {  	s31 =	sshll.u32 s1, $0xD;
	s1 =	sshrl.u32 s1, $0x2  }
0xb8: {  	s3 =	sand.u32 $0x4000, s31;
	s1 =	sadd.s32 s1, s30  }
0xb9: {  	s0 =	sor.u32 s3, s0;
	s1 =	sshll.u32 s1, $0x11  }
0xba: {  	s0 =	sor.u32 s1, s0  }
0xbb: {  	s0 =	sadd.s32 $0x8F2B, s0  }
0xbc: {  	[sflag:s0] =	ssyncadd.remote.s32 $0x1  }
0xbd: {  	_ =	sfence.sel $0xFFFF  }
0xbe: {  	[dreg:$0x0] =	wrdreg $0xFFFFFFFF;
	(pc) =	sbr.abs _section_cstart, $3  }
0xbf: {  	[dreg:$0x1] =	wrdreg $0xFFFFFFFF  }
0xc0: {  	_ =	task.clear_ibuf [dreg:s6], $0x2FFFF;
	_ =	strace $0x9FFFFFFF  }
0xc1: {  	(tm) =	ssettm $0x7FFFFFFF  }
tec
execute0_lowered:
.L_overlay_start_1:
0x0: {  	(tag) =	ssettag $0x1  }
0x1: {  	s4 =	rddreg [dreg:$0x0]  }
0x2: {  	s0 =	rddreg [dreg:$0x1]  }
0x3: {  	s3 =	srdreg.scid;
	s1 =	stileid.u32;
	s2 =	simm.s32 $0x0  }
0x4: {  	s15 =	simm.s32 $0x80;
	s16 =	simm.s32 $0x200;
	s17 =	simm.s32 $0x4200  }
0x5: {  	s18 =	simm.s32 $0x1;
	s19 =	simm.s32 $0x8200;
	s20 =	simm.s32 $0x100  }
0x6: {  	s21 =	simm.s32 $0x180;
	s22 =	simm.s32 $0x0;
	s5 =	sand.u32 $0x1, s3  }
0x7: {  	s30 =	sshll.u32 s1, $0x1;
	[smem:$0x7FF] =	sst s2;
	s3 =	sadd.s32 $0x1E4400, s4  }
0x8: {  	s11 =	sadd.s32 $0xD5000, s4;
	s12 =	sadd.s32 $0x95000, s4;
	s6 =	sor.u32 s5, s30  }
0x9: {  	_ =	strace $0x80000056;
	s5 =	ssub.s32 $0x2, s5;
	s7 =	sshll.u32 s6, $0x6  }
0xa: {  	s31 =	sshrl.u32 s5, $0x1;
	s14 =	sshll.u32 s6, $0xD;
	s7 =	sadd.s32 s7, s4  }
0xb: {  	s13 =	ssub.s32 s5, s31;
	s5 =	sadd.s32 s11, s14;
	s6 =	sadd.s32 s12, s14  }
0xc: {  	s8 =	sor.u32 $0x800, s14;
	s10 =	sor.u32 $0x1000, s14;
	s14 =	sor.u32 $0x1800, s14  }
0xd: {  	s4 =	sadd.s32 $0x44400, s7;
	s7 =	sadd.s32 s11, s8;
	s8 =	sadd.s32 s12, s8  }
0xe: {  	s9 =	sadd.s32 s11, s10;
	s10 =	sadd.s32 s12, s10;
	s11 =	sadd.s32 s11, s14  }
0xf: {  	s12 =	sadd.s32 s12, s14;
	s13 =	smax.u32 s13, $0x1;
	s14 =	simm.s32 $0x2  }
.LBB2_1:
0x10: {  	[tilespmem:s2], [sflag:$0x2] =	stream.linear.gather [hbm4b:s4+s2], $0x200, $0x38;
	[tilespmem:$0xC200] =	vst v63  }
0x11: {  	_ =	swait.ge [sflag:s14], $0x200  }
0x12: {  	[sflag:s14] =	ssyncset.done $0x0  }
0x13: {  	[sflag:s14] =	ssyncadd.s32 $0xFFFFFE00  }
0x14: {  	[tilespmem:s16], [sflag:$0x1] =	stream.indirect.gather [hbm4b:s3+s15], $0x80, s2, s15, $0xb8;
	[tilespmem:$0xC200] =	vst v63  }
0x15: {  	_ = 	snop  }
0x16: {  	[tilespmem:s17], [sflag:$0x2] =	stream.linear.gather [hbm4b:s5+s2], $0x4000, $0x38;
	[tilespmem:$0xC200] =	vst v63  }
0x17: {  	_ =	swait.ge [sflag:s14], $0x4000  }
0x18: {  	[sflag:s14] =	ssyncset.done $0x0  }
0x19: {  	[sflag:s14] =	ssyncadd.s32 $0xFFFFC000  }
0x1a: {  	_ =	swait.ge [sflag:s18], $0x4000  }
0x1b: {  	[sflag:s18] =	ssyncset.done $0x0  }
0x1c: {  	s23 =	simm.s32 $0x0;
	[sflag:s18] =	ssyncadd.s32 $0xFFFFC000  }
0x1d: {  	v0 =	vld [tilespmem:s23+$0x210]  }
0x1e: {  	v2 =	vld [tilespmem:s23+$0x4210]  }
0x1f: {  	v1 =	vld [tilespmem:s23+$0x200]  }
0x20: {  	v3 =	vld [tilespmem:s23+$0x4200]  }
0x21: {  	s24 =	simm.s32 $0x200  }
.LBB2_2:
0x22: {  	s25 =	sshra.s32 s24, $0x2;
	p0 =	sne.s32 s24, $0xFE00  }
.Ltmp0:
0x23: {  	s24 =	sadd.s32 $0x200, s24;
	v4 =	vsub.f32 v2, v0;
	v0 =	vld [tilespmem:s25+$0x210];
	(pc) =	sbr.rel @p0 .LBB2_2-.Ltmp0, $4  }
0x24: {  	v2 =	vld [tilespmem:s25+$0x4210]  }
0x25: {  	v5 =	vsub.f32 v3, v1;
	v1 =	vld [tilespmem:s25+$0x200];
	[tilespmem:s23+$0x8210] =	vst v4  }
0x26: {  	v3 =	vld [tilespmem:s25+$0x4200]  }
0x27: {  	[tilespmem:s23+$0x8200] =	vst v5;
	s23 =	smov.u32 s25  }
0x28: {  	_ =	sdelay $0x1  }
0x29: {  	v0 =	vsub.f32 v2, v0  }
0x2a: {  	v1 =	vsub.f32 v3, v1  }
0x2b: {  	[tilespmem:s23+$0x8210] =	vst v0  }
0x2c: {  	s31 =	simm.s32 $0x0;
	[tilespmem:s23+$0x8200] =	vst v1  }
0x2d: {  	[hbm4b:s6+s31] =	stream.linear.scatter [tilespmem:s19], [sflag:$0x2], $0x4000, $0x38;
	[tilespmem:$0xC200] =	vst v63  }
0x2e: {  	_ =	swait.ge [sflag:s14], $0x4000  }
0x2f: {  	[sflag:s14] =	ssyncset.done $0x0  }
0x30: {  	[sflag:s14] =	ssyncadd.s32 $0xFFFFC000  }
0x31: {  	[tilespmem:s16], [sflag:$0x1] =	stream.indirect.gather [hbm4b:s3+s15], $0x80, s15, s15, $0xb8;
	[tilespmem:$0xC200] =	vst v63  }
0x32: {  	_ = 	snop  }
0x33: {  	[tilespmem:s17], [sflag:$0x2] =	stream.linear.gather [hbm4b:s7+s31], $0x4000, $0x38;
	[tilespmem:$0xC200] =	vst v63  }
0x34: {  	_ =	swait.ge [sflag:s14], $0x4000  }
0x35: {  	[sflag:s14] =	ssyncset.done $0x0  }
0x36: {  	[sflag:s14] =	ssyncadd.s32 $0xFFFFC000  }
0x37: {  	_ =	swait.ge [sflag:s18], $0x4000  }
0x38: {  	[sflag:s18] =	ssyncset.done $0x0  }
0x39: {  	s23 =	simm.s32 $0x0;
	[sflag:s18] =	ssyncadd.s32 $0xFFFFC000  }
0x3a: {  	v0 =	vld [tilespmem:s23+$0x210]  }
0x3b: {  	v2 =	vld [tilespmem:s23+$0x4210]  }
0x3c: {  	v1 =	vld [tilespmem:s23+$0x200]  }
0x3d: {  	v3 =	vld [tilespmem:s23+$0x4200]  }
0x3e: {  	s24 =	simm.s32 $0x200  }
.LBB2_4:
0x3f: {  	s25 =	sshra.s32 s24, $0x2;
	p0 =	sne.s32 s24, $0xFE00  }
.Ltmp1:
0x40: {  	s24 =	sadd.s32 $0x200, s24;
	v4 =	vsub.f32 v2, v0;
	v0 =	vld [tilespmem:s25+$0x210];
	(pc) =	sbr.rel @p0 .LBB2_4-.Ltmp1, $4  }
0x41: {  	v2 =	vld [tilespmem:s25+$0x4210]  }
0x42: {  	v5 =	vsub.f32 v3, v1;
	v1 =	vld [tilespmem:s25+$0x200];
	[tilespmem:s23+$0x8210] =	vst v4  }
0x43: {  	v3 =	vld [tilespmem:s25+$0x4200]  }
0x44: {  	[tilespmem:s23+$0x8200] =	vst v5;
	s23 =	smov.u32 s25  }
0x45: {  	_ =	sdelay $0x1  }
0x46: {  	v0 =	vsub.f32 v2, v0  }
0x47: {  	v1 =	vsub.f32 v3, v1  }
0x48: {  	[tilespmem:s23+$0x8210] =	vst v0  }
0x49: {  	s31 =	simm.s32 $0x0;
	[tilespmem:s23+$0x8200] =	vst v1  }
0x4a: {  	[hbm4b:s8+s31] =	stream.linear.scatter [tilespmem:s19], [sflag:$0x2], $0x4000, $0x38;
	[tilespmem:$0xC200] =	vst v63  }
0x4b: {  	_ =	swait.ge [sflag:s14], $0x4000  }
0x4c: {  	[sflag:s14] =	ssyncset.done $0x0  }
0x4d: {  	[sflag:s14] =	ssyncadd.s32 $0xFFFFC000  }
0x4e: {  	[tilespmem:s16], [sflag:$0x1] =	stream.indirect.gather [hbm4b:s3+s15], $0x80, s20, s15, $0xb8;
	[tilespmem:$0xC200] =	vst v63  }
0x4f: {  	_ = 	snop  }
0x50: {  	[tilespmem:s17], [sflag:$0x2] =	stream.linear.gather [hbm4b:s9+s31], $0x4000, $0x38;
	[tilespmem:$0xC200] =	vst v63  }
0x51: {  	_ =	swait.ge [sflag:s14], $0x4000  }
0x52: {  	[sflag:s14] =	ssyncset.done $0x0  }
0x53: {  	[sflag:s14] =	ssyncadd.s32 $0xFFFFC000  }
0x54: {  	_ =	swait.ge [sflag:s18], $0x4000  }
0x55: {  	[sflag:s18] =	ssyncset.done $0x0  }
0x56: {  	s23 =	simm.s32 $0x0;
	[sflag:s18] =	ssyncadd.s32 $0xFFFFC000  }
0x57: {  	v0 =	vld [tilespmem:s23+$0x210]  }
0x58: {  	v2 =	vld [tilespmem:s23+$0x4210]  }
0x59: {  	v1 =	vld [tilespmem:s23+$0x200]  }
0x5a: {  	v3 =	vld [tilespmem:s23+$0x4200]  }
0x5b: {  	s24 =	simm.s32 $0x200  }
.LBB2_6:
0x5c: {  	s25 =	sshra.s32 s24, $0x2;
	p0 =	sne.s32 s24, $0xFE00  }
.Ltmp2:
0x5d: {  	s24 =	sadd.s32 $0x200, s24;
	v4 =	vsub.f32 v2, v0;
	v0 =	vld [tilespmem:s25+$0x210];
	(pc) =	sbr.rel @p0 .LBB2_6-.Ltmp2, $4  }
0x5e: {  	v2 =	vld [tilespmem:s25+$0x4210]  }
0x5f: {  	v5 =	vsub.f32 v3, v1;
	v1 =	vld [tilespmem:s25+$0x200];
	[tilespmem:s23+$0x8210] =	vst v4  }
0x60: {  	v3 =	vld [tilespmem:s25+$0x4200]  }
0x61: {  	[tilespmem:s23+$0x8200] =	vst v5;
	s23 =	smov.u32 s25  }
0x62: {  	_ =	sdelay $0x1  }
0x63: {  	v0 =	vsub.f32 v2, v0  }
0x64: {  	v1 =	vsub.f32 v3, v1  }
0x65: {  	[tilespmem:s23+$0x8210] =	vst v0  }
0x66: {  	s31 =	simm.s32 $0x0;
	[tilespmem:s23+$0x8200] =	vst v1  }
0x67: {  	[hbm4b:s10+s31] =	stream.linear.scatter [tilespmem:s19], [sflag:$0x2], $0x4000, $0x38;
	[tilespmem:$0xC200] =	vst v63  }
0x68: {  	_ =	swait.ge [sflag:s14], $0x4000  }
0x69: {  	[sflag:s14] =	ssyncset.done $0x0  }
0x6a: {  	[sflag:s14] =	ssyncadd.s32 $0xFFFFC000  }
0x6b: {  	[tilespmem:s16], [sflag:$0x1] =	stream.indirect.gather [hbm4b:s3+s15], $0x80, s21, s15, $0xb8;
	[tilespmem:$0xC200] =	vst v63  }
0x6c: {  	_ = 	snop  }
0x6d: {  	[tilespmem:s17], [sflag:$0x2] =	stream.linear.gather [hbm4b:s11+s31], $0x4000, $0x38;
	[tilespmem:$0xC200] =	vst v63  }
0x6e: {  	_ =	swait.ge [sflag:s14], $0x4000  }
0x6f: {  	[sflag:s14] =	ssyncset.done $0x0  }
0x70: {  	[sflag:s14] =	ssyncadd.s32 $0xFFFFC000  }
0x71: {  	_ =	swait.ge [sflag:s18], $0x4000  }
0x72: {  	[sflag:s18] =	ssyncset.done $0x0  }
0x73: {  	s23 =	simm.s32 $0x0;
	[sflag:s18] =	ssyncadd.s32 $0xFFFFC000  }
0x74: {  	v0 =	vld [tilespmem:s23+$0x210]  }
0x75: {  	v2 =	vld [tilespmem:s23+$0x4210]  }
0x76: {  	v1 =	vld [tilespmem:s23+$0x200]  }
0x77: {  	v3 =	vld [tilespmem:s23+$0x4200]  }
0x78: {  	s24 =	simm.s32 $0x200  }
.LBB2_8:
0x79: {  	s25 =	sshra.s32 s24, $0x2;
	p0 =	sne.s32 s24, $0xFE00  }
.Ltmp3:
0x7a: {  	s24 =	sadd.s32 $0x200, s24;
	v4 =	vsub.f32 v2, v0;
	v0 =	vld [tilespmem:s25+$0x210];
	(pc) =	sbr.rel @p0 .LBB2_8-.Ltmp3, $4  }
0x7b: {  	v2 =	vld [tilespmem:s25+$0x4210]  }
0x7c: {  	v5 =	vsub.f32 v3, v1;
	v1 =	vld [tilespmem:s25+$0x200];
	[tilespmem:s23+$0x8210] =	vst v4  }
0x7d: {  	v3 =	vld [tilespmem:s25+$0x4200]  }
0x7e: {  	[tilespmem:s23+$0x8200] =	vst v5;
	s23 =	smov.u32 s25  }
0x7f: {  	_ =	sdelay $0x1  }
0x80: {  	v0 =	vsub.f32 v2, v0  }
0x81: {  	s22 =	sadd.s32 $0x1, s22;
	v1 =	vsub.f32 v3, v1  }
0x82: {  	p0 =	sne.s32 s22, s13;
	[tilespmem:s23+$0x8210] =	vst v0  }
.Ltmp4:
0x83: {  	[tilespmem:s23+$0x8200] =	vst v1;
	(pc) =	sbr.rel @p0 .LBB2_1-.Ltmp4, $4  }
0x84: {  	[hbm4b:s12+s2] =	stream.linear.scatter [tilespmem:s19], [sflag:$0x2], $0x4000, $0x38;
	[tilespmem:$0xC200] =	vst v63  }
0x85: {  	_ =	swait.ge [sflag:s14], $0x4000  }
0x86: {  	[sflag:s14] =	ssyncset.done $0x0  }
0x87: {  	[sflag:s14] =	ssyncadd.s32 $0xFFFFC000  }
0x88: {  	_ =	sfence.sel $0x180000  }
0x89: {  	[bflag:$0x0] =	sbarrier.arrive $0xFFFF  }
0x8a: {  	p0 =	sne.s32 s1, $0x0;
	_ =	strace $0x90000056  }
0x8b: {  	s0 =	sadd.s32 @!p0 $0x100000, s0;
	[bflag:$0x2] =	sbarrier.arrive $0xFFFF  }
0x8c: {  	[sflag:s0] =	ssyncadd.tile.s32 @!p0 $0x1;
	_ =	shalt  }
.Lfunc_end2:
_tile_overlayer_lowered:
.L_overlay_start_2:
0x8d: {  	(tag) =	ssettag $0x2  }
0x8e: {  	s0 =	rddreg [dreg:$0x0];
	s2 =	stileid.u32  }
0x8f: {  	s1 =	rddreg [dreg:$0x1];
	p0 =	sne.s32 s2, $0x0  }
0x90: {  	s3 =	rddreg [dreg:$0x2];
	[bflag:$0x3] =	sbarrier.arrive $0xFFFF;
	s2 =	simm.s32 @!p0 $0x1C02  }
0x91: {  	[timem:s3], [sflag:s2] =	dma.local @!p0 [hbm:s0], s1  }
0x92: {  	s0 =	simm.s32 @!p0 $0x2  }
0x93: {  	_ =	swait.ge @!p0 [sflag:s0], s1  }
0x94: {  	s1 =	ssub.s32 @!p0 $0x0, s1;
	[sflag:s0] =	ssyncset.done @!p0 $0x0  }
0x95: {  	[sflag:s0] =	ssyncadd.s32 @!p0 s1  }
0x96: {  	[bflag:$0x3] =	sbarrier.arrive $0xFFFF  }
0x97: {  	_ =	shalt  }

// kernel: kernel.36.cloned.1.call-start
scs
__scs_entry_jumppad:
0x0: {  	(pc) =	sbr.rel $0x88, $3  }
0x1: {  	(tag) =	ssettag $0x0;
	lr =	simm.s32 $0x1  }
0x2: {  	[smem:$0x3F9F] =	sst lr;
	_ =	strace $0xD0000000  }
0x3: {  	_ = 	snop  }
0x4: {  	_ = 	snop  }
0x5: {  	_ = 	snop  }
0x6: {  	_ = 	snop  }
0x7: {  	_ = 	snop  }
__scs_overlays_trampoline_lowered:
0x8: {  	[smem:$0x3FAE] =	sst s0  }
0x9: {  	[smem:$0x3FAF] =	sst s1  }
0xa: {  	[smem:$0x3FB0] =	sst s2  }
0xb: {  	[smem:$0x3FB1] =	sst s3  }
0xc: {  	[smem:$0x3FB2] =	sst s4  }
0xd: {  	[smem:$0x3FB3] =	sst s5  }
0xe: {  	[smem:$0x3FB4] =	sst s6  }
0xf: {  	[smem:$0x3FB5] =	sst s7  }
0x10: {  	[smem:$0x3FB6] =	sst s8  }
0x11: {  	[smem:$0x3FB7] =	sst s9;
	s0 =	simm.s32 @!p0 $0x0  }
0x12: {  	s1 =	sld [smem:$0x3F9D];
	s0 =	simm.s32 @p0 $0x1  }
0x13: {  	[smem:$0x3FB8] =	sst s0;
	s0 =	simm.s32 @!p1 $0x0  }
0x14: {  	s2 =	sld [smem:$0x3F9C];
	s0 =	simm.s32 @p1 $0x1  }
0x15: {  	[smem:$0x3FB9] =	sst s0;
	s0 =	simm.s32 @!p2 $0x0  }
0x16: {  	s3 =	sld [smem:$0x3FDB];
	s0 =	simm.s32 @p2 $0x1  }
0x17: {  	s4 =	simm.s32 $0x1BF5;
	[smem:$0x3FBB] =	sst s0  }
0x18: {  	s0 =	sld [smem:$0x3F9E];
	_ =	swait.ge [sflag:s4], $0x0  }
0x19: {  	s7 =	sld [smem:$0x3F9F]  }
0x1a: {  	s8 =	sadd.s32 $0xFFFFE003, lr  }
0x1b: {  	s9 =	sadd.s32 $0xFFFFFEF7, lr;
	s5 =	simm.s32 $0xFFFFFFFF;
	p2 =	slt.u32 s8, $0xFFFFF086  }
0x1c: {  	p1 =	slt.u32 s9, $0xF7A;
	s5 =	simm.s32 @!p2 $0x0  }
0x1d: {  	s5 =	simm.s32 @p1 $0x1;
	p0 =	seq.s32 s7, s2  }
0x1e: {  	s7 =	smul.u32 @!p0 $0xF7A, s2;
	p2 =	seq.s32 @!p0 s5, $0x0  }
0x1f: {  	s9 =	smul.u32 $0xF7A, s1;
	s8 =	simm.s32 @!p0 $0x1BF5;
	p2 =	por !p2, p0  }
0x20: {  	[sflag:s8] =	ssyncset.s32 @!p0 $0xFFFFF086;
	s6 =	sadd.s32 @!p0 s3, s7;
	s7 =	simm.s32 @!p0 $0x108  }
0x21: {  	s3 =	sadd.s32 s3, s9;
	s6 =	sadd.s32 @!p0 $0x88, s6;
	s7 =	simm.s32 @p2 $0x1082  }
0x22: {  	[simem:s7], [sflag:s8] =	dma.local @!p0 [hbm:s6], $0xF7A  }
0x23: {  	s9 =	sor.u32 $0xD0000000, s2;
	s6 =	simm.s32 $0x108;
	_ =	swait.ge @!p0 [sflag:s8], $0x0  }
0x24: {  	s3 =	sadd.s32 $0x88, s3;
	s6 =	simm.s32 @!p1 $0x1082;
	[sflag:s4] =	ssyncset.s32 $0xFFFFF086  }
0x25: {  	[simem:s6], [sflag:s4] =	dma.local [hbm:s3], $0xF7A  }
0x26: {  	[smem:$0x3F9F] =	sst s1;
	(tag) =	ssettag s2;
	_ =	strace s9  }
0x27: {  	s1 =	sld [smem:$0x3FAF]  }
0x28: {  	s2 =	sld [smem:$0x3FB0]  }
0x29: {  	s4 =	sld [smem:$0x3FB2]  }
0x2a: {  	p0 =	seq.s32 s5, $0x0;
	s5 =	sld [smem:$0x3FB3]  }
0x2b: {  	s6 =	sld [smem:$0x3FB4]  }
0x2c: {  	s7 =	sld [smem:$0x3FB5]  }
0x2d: {  	s3 =	simm.s32 $0x108;
	s8 =	sld [smem:$0x3FB6]  }
0x2e: {  	s3 =	simm.s32 @!p0 $0x1082;
	s9 =	sld [smem:$0x3FB7]  }
0x2f: {  	lr =	sadd.s32 s0, s3;
	s0 =	sld [smem:$0x3FAE]  }
0x30: {  	s3 =	sld [smem:$0x3FB1]  }
0x31: {  	[smem:$0x3FBA] =	sst s10  }
0x32: {  	s10 =	sld [smem:$0x3FB8];
	_ =	sdelay $0x3  }
0x33: {  	p0 =	seq.s32 s10, $0x1;
	s10 =	sld [smem:$0x3FBA];
	_ =	sdelay $0x3  }
0x34: {  	[smem:$0x3FBA] =	sst s10  }
0x35: {  	s10 =	sld [smem:$0x3FB9];
	_ =	sdelay $0x3  }
0x36: {  	p1 =	seq.s32 s10, $0x1;
	s10 =	sld [smem:$0x3FBA];
	_ =	sdelay $0x3  }
0x37: {  	[smem:$0x3FBA] =	sst s10  }
0x38: {  	s10 =	sld [smem:$0x3FBB]  }
0x39: {  	_ = 	snop;
	(pc) =	sbr.ind lr, $3  }
0x3a: {  	_ = 	snop  }
0x3b: {  	_ = 	snop  }
0x3c: {  	p2 =	seq.s32 s10, $0x1;
	s10 =	sld [smem:$0x3FBA]  }
0x3d: {  	_ =	shalt  }
0x3e: {  	_ =	shalt  }
0x3f: {  	_ =	shalt  }
0x40: {  	_ =	shalt  }
0x41: {  	_ =	shalt  }
0x42: {  	_ =	shalt  }
0x43: {  	_ =	shalt  }
0x44: {  	_ =	shalt  }
0x45: {  	_ =	shalt  }
0x46: {  	_ =	shalt  }
0x47: {  	_ =	shalt  }
0x48: {  	_ =	shalt  }
0x49: {  	_ =	shalt  }
0x4a: {  	_ =	shalt  }
0x4b: {  	_ =	shalt  }
0x4c: {  	_ =	shalt  }
0x4d: {  	_ =	shalt  }
0x4e: {  	_ =	shalt  }
0x4f: {  	_ =	shalt  }
0x50: {  	_ =	shalt  }
0x51: {  	_ =	shalt  }
0x52: {  	_ =	shalt  }
0x53: {  	_ =	shalt  }
0x54: {  	_ =	shalt  }
0x55: {  	_ =	shalt  }
0x56: {  	_ =	shalt  }
0x57: {  	_ =	shalt  }
0x58: {  	_ =	shalt  }
0x59: {  	_ =	shalt  }
0x5a: {  	_ =	shalt  }
0x5b: {  	_ =	shalt  }
0x5c: {  	_ =	shalt  }
0x5d: {  	_ =	shalt  }
0x5e: {  	_ =	shalt  }
0x5f: {  	_ =	shalt  }
0x60: {  	_ =	shalt  }
0x61: {  	_ =	shalt  }
0x62: {  	_ =	shalt  }
0x63: {  	_ =	shalt  }
0x64: {  	_ =	shalt  }
0x65: {  	_ =	shalt  }
0x66: {  	_ =	shalt  }
0x67: {  	_ =	shalt  }
0x68: {  	_ =	shalt  }
0x69: {  	_ =	shalt  }
0x6a: {  	_ =	shalt  }
0x6b: {  	_ =	shalt  }
0x6c: {  	_ =	shalt  }
0x6d: {  	_ =	shalt  }
0x6e: {  	_ =	shalt  }
0x6f: {  	_ =	shalt  }
0x70: {  	_ =	shalt  }
0x71: {  	_ =	shalt  }
0x72: {  	_ =	shalt  }
0x73: {  	_ =	shalt  }
0x74: {  	_ =	shalt  }
0x75: {  	_ =	shalt  }
0x76: {  	_ =	shalt  }
0x77: {  	_ =	shalt  }
0x78: {  	_ =	shalt  }
0x79: {  	_ =	shalt  }
0x7a: {  	_ =	shalt  }
0x7b: {  	_ =	shalt  }
0x7c: {  	_ =	shalt  }
0x7d: {  	_ =	shalt  }
0x7e: {  	_ =	shalt  }
0x7f: {  	_ =	shalt  }
0x80: {  	_ =	shalt  }
0x81: {  	_ =	shalt  }
0x82: {  	_ =	shalt  }
0x83: {  	_ =	shalt  }
0x84: {  	_ =	shalt  }
0x85: {  	_ =	shalt  }
0x86: {  	_ =	shalt  }
0x87: {  	_ =	shalt  }
.Lfunc_end0:
.L_simem_size_0:
called_computation.6_lowered:
.L_overlay_start_0:
0x88: {  	s2 =	sld [smem:$0x3FD9]  }
0x89: {  	s3 =	sld [smem:$0x3FFE];
	_ =	sdelay $0x1  }
0x8a: {  	s1 =	srdreg.scid  }
0x8b: {  	s0 =	sand.u32 $0x1, s1  }
0x8c: {  	s16 =	sshll.u32 s0, $0xA;
	s2 =	sadd.s32 s3, s2  }
0x8d: {  	s2 =	sadd.s32 s2, s16  }
0x8e: {  	[smem:$0x3FC6] =	sst s2  }
0x8f: {  	_ = 	snop  }
0x90: {  	(tm) =	ssettm $0x1  }
0x91: {  	s17 =	sld [smem:$0x3FFB];
	_ =	sdelay $0x3  }
0x92: {  	_ =	strace s17  }
0x93: {  	s2 =	sld [smem:$0x3FFC];
	_ =	sdelay $0x3  }
0x94: {  	_ =	strace s2  }
0x95: {  	s2 =	sld [smem:$0x3FFD];
	_ =	sdelay $0x3  }
0x96: {  	_ =	strace s2  }
0x97: {  	_ =	strace $0x8FFFFFFF  }
0x98: {  	s18 =	sld [smem:$0x3FDB];
	_ =	sdelay $0x1  }
0x99: {  	s19 =	simm.s32 $_scs_section_size  }
0x9a: {  	s4 =	simm.s32 $_size__tile_overlayer_lowered;
	s5 =	simm.s32 $_tile_overlayer_lowered  }
0x9b: {  	s22 =	simm.s32 $0x1BFF;
	s21 =	sshll.u32 s5, $0x1;
	s2 =	sadd.s32 s19, s18  }
0x9c: {  	s6 =	simm.s32 $0x0;
	s20 =	sshll.u32 s4, $0x1;
	s4 =	sadd.s32 s21, s2  }
0x9d: {  	[timem:s6], [sflag:s22] =	dma.local [hbm:s4], s20  }
0x9e: {  	_ =	swait.ge [sflag:s22], s20  }
0x9f: {  	s3 =	ssub.s32 $0x0, s20;
	[sflag:s22] =	ssyncset.done $0x0  }
0xa0: {  	[sflag:s22] =	ssyncadd.s32 s3;
	_ =	sdelay $0x1  }
0xa1: {  	s23 =	simm.s32 $0x1B8B  }
0xa2: {  	_ =	swait.ge [sflag:s23], $0x1  }
0xa3: {  	[sflag:s23] =	ssyncset.done $0x0  }
0xa4: {  	s25 =	simm.s32 $0x1B8E;
	s24 =	sld [smem:$0x3FFE];
	[sflag:s23] =	ssyncadd.s32 $0xFFFFFFFF  }
0xa5: {  	s26 =	simm.s32 $execute0_lowered;
	[smem:$0x3FD2] =	sst s25  }
0xa6: {  	s4 =	sshll.u32 s26, $0x1;
	_ =	strace $0x80000058;
	[dreg:$0x1] =	wrdreg $0xFFFFFFFF  }
0xa7: {  	s28 =	simm.s32 $_size_execute0_lowered;
	s2 =	sadd.s32 s2, s4;
	[dreg:$0x0] =	wrdreg $0x0  }
0xa8: {  	s4 =	sshll.u32 s28, $0x1;
	[dreg:$0x2] =	wrdreg s2  }
0xa9: {  	[dreg:$0x3] =	wrdreg s4  }
0xaa: {  	[dreg:$0x4] =	wrdreg $0xC0  }
0xab: {  	_ =	task [dreg:s6], $0x5FFFF  }
0xac: {  	[dreg:$0x1] =	wrdreg $0xFFFFFFFF  }
0xad: {  	[dreg:$0x0] =	wrdreg $0x60  }
0xae: {  	[dreg:$0x2] =	wrdreg s24  }
0xaf: {  	[dreg:$0x3] =	wrdreg $0x9  }
0xb0: {  	_ =	task.clear_ibuf [dreg:s6], $0x4FFFF;
	_ =	strace $0x90000058  }
0xb1: {  	s29 =	simm.s32 $0x9;
	_ =	strace $0x8000005A  }
0xb2: {  	_ =	swait.ge [sflag:s29], $0x1  }
0xb3: {  	[sflag:s29] =	ssyncadd.s32 $0xFFFFFFFF  }
0xb4: {  	_ =	strace $0x9000005A  }
0xb5: {  	_ =	sfence  }
0xb6: {  	s30 =	sld [smem:$0x0];
	_ =	sdelay $0x2  }
0xb7: {  	s31 =	sshll.u32 s1, $0xD;
	s1 =	sshrl.u32 s1, $0x2  }
0xb8: {  	s3 =	sand.u32 $0x4000, s31;
	s1 =	sadd.s32 s1, s30  }
0xb9: {  	s0 =	sor.u32 s3, s0;
	s1 =	sshll.u32 s1, $0x11  }
0xba: {  	s0 =	sor.u32 s1, s0  }
0xbb: {  	s0 =	sadd.s32 $0x8F2B, s0  }
0xbc: {  	[sflag:s0] =	ssyncadd.remote.s32 $0x1  }
0xbd: {  	_ =	sfence.sel $0xFFFF  }
0xbe: {  	[dreg:$0x0] =	wrdreg $0xFFFFFFFF;
	(pc) =	sbr.abs _section_cstart, $3  }
0xbf: {  	[dreg:$0x1] =	wrdreg $0xFFFFFFFF  }
0xc0: {  	_ =	task.clear_ibuf [dreg:s6], $0x2FFFF;
	_ =	strace $0x9FFFFFFF  }
0xc1: {  	(tm) =	ssettm $0x7FFFFFFF  }
tec
execute0_lowered:
.L_overlay_start_1:
0x0: {  	(tag) =	ssettag $0x1  }
0x1: {  	s4 =	rddreg [dreg:$0x0]  }
0x2: {  	s0 =	rddreg [dreg:$0x1]  }
0x3: {  	s3 =	srdreg.scid;
	s1 =	stileid.u32;
	s2 =	simm.s32 $0x0  }
0x4: {  	s15 =	simm.s32 $0x80;
	s16 =	simm.s32 $0x200;
	s17 =	simm.s32 $0x4200  }
0x5: {  	s18 =	simm.s32 $0x1;
	s19 =	simm.s32 $0x8200;
	s20 =	simm.s32 $0x100  }
0x6: {  	s21 =	simm.s32 $0x180;
	s22 =	simm.s32 $0x0;
	s5 =	sand.u32 $0x1, s3  }
0x7: {  	s30 =	sshll.u32 s1, $0x1;
	[smem:$0x7FF] =	sst s2;
	s3 =	sadd.s32 $0x204400, s4  }
0x8: {  	s11 =	sadd.s32 $0x95000, s4;
	s12 =	sadd.s32 $0xD5000, s4;
	s6 =	sor.u32 s5, s30  }
0x9: {  	_ =	strace $0x80000059;
	s5 =	ssub.s32 $0x2, s5;
	s7 =	sshll.u32 s6, $0x6  }
0xa: {  	s31 =	sshrl.u32 s5, $0x1;
	s14 =	sshll.u32 s6, $0xD;
	s7 =	sadd.s32 s7, s4  }
0xb: {  	s13 =	ssub.s32 s5, s31;
	s5 =	sadd.s32 s11, s14;
	s6 =	sadd.s32 s12, s14  }
0xc: {  	s8 =	sor.u32 $0x800, s14;
	s10 =	sor.u32 $0x1000, s14;
	s14 =	sor.u32 $0x1800, s14  }
0xd: {  	s4 =	sadd.s32 $0x44C00, s7;
	s7 =	sadd.s32 s11, s8;
	s8 =	sadd.s32 s12, s8  }
0xe: {  	s9 =	sadd.s32 s11, s10;
	s10 =	sadd.s32 s12, s10;
	s11 =	sadd.s32 s11, s14  }
0xf: {  	s12 =	sadd.s32 s12, s14;
	s13 =	smax.u32 s13, $0x1;
	s14 =	simm.s32 $0x2  }
.LBB2_1:
0x10: {  	[tilespmem:s2], [sflag:$0x2] =	stream.linear.gather [hbm4b:s4+s2], $0x200, $0x38;
	[tilespmem:$0xC200] =	vst v63  }
0x11: {  	_ =	swait.ge [sflag:s14], $0x200  }
0x12: {  	[sflag:s14] =	ssyncset.done $0x0  }
0x13: {  	[sflag:s14] =	ssyncadd.s32 $0xFFFFFE00  }
0x14: {  	[tilespmem:s16], [sflag:$0x1] =	stream.indirect.gather [hbm4b:s3+s15], $0x80, s2, s15, $0xb8;
	[tilespmem:$0xC200] =	vst v63  }
0x15: {  	_ = 	snop  }
0x16: {  	[tilespmem:s17], [sflag:$0x2] =	stream.linear.gather [hbm4b:s5+s2], $0x4000, $0x38;
	[tilespmem:$0xC200] =	vst v63  }
0x17: {  	_ =	swait.ge [sflag:s14], $0x4000  }
0x18: {  	[sflag:s14] =	ssyncset.done $0x0  }
0x19: {  	[sflag:s14] =	ssyncadd.s32 $0xFFFFC000  }
0x1a: {  	_ =	swait.ge [sflag:s18], $0x4000  }
0x1b: {  	[sflag:s18] =	ssyncset.done $0x0  }
0x1c: {  	s23 =	simm.s32 $0x0;
	[sflag:s18] =	ssyncadd.s32 $0xFFFFC000  }
0x1d: {  	v0 =	vld [tilespmem:s23+$0x210]  }
0x1e: {  	v2 =	vld [tilespmem:s23+$0x4210]  }
0x1f: {  	v1 =	vld [tilespmem:s23+$0x200]  }
0x20: {  	v3 =	vld [tilespmem:s23+$0x4200]  }
0x21: {  	s24 =	simm.s32 $0x200  }
.LBB2_2:
0x22: {  	s25 =	sshra.s32 s24, $0x2;
	p0 =	sne.s32 s24, $0xFE00  }
.Ltmp0:
0x23: {  	s24 =	sadd.s32 $0x200, s24;
	v4 =	vsub.f32 v2, v0;
	v0 =	vld [tilespmem:s25+$0x210];
	(pc) =	sbr.rel @p0 .LBB2_2-.Ltmp0, $4  }
0x24: {  	v2 =	vld [tilespmem:s25+$0x4210]  }
0x25: {  	v5 =	vsub.f32 v3, v1;
	v1 =	vld [tilespmem:s25+$0x200];
	[tilespmem:s23+$0x8210] =	vst v4  }
0x26: {  	v3 =	vld [tilespmem:s25+$0x4200]  }
0x27: {  	[tilespmem:s23+$0x8200] =	vst v5;
	s23 =	smov.u32 s25  }
0x28: {  	_ =	sdelay $0x1  }
0x29: {  	v0 =	vsub.f32 v2, v0  }
0x2a: {  	v1 =	vsub.f32 v3, v1  }
0x2b: {  	[tilespmem:s23+$0x8210] =	vst v0  }
0x2c: {  	s31 =	simm.s32 $0x0;
	[tilespmem:s23+$0x8200] =	vst v1  }
0x2d: {  	[hbm4b:s6+s31] =	stream.linear.scatter [tilespmem:s19], [sflag:$0x2], $0x4000, $0x38;
	[tilespmem:$0xC200] =	vst v63  }
0x2e: {  	_ =	swait.ge [sflag:s14], $0x4000  }
0x2f: {  	[sflag:s14] =	ssyncset.done $0x0  }
0x30: {  	[sflag:s14] =	ssyncadd.s32 $0xFFFFC000  }
0x31: {  	[tilespmem:s16], [sflag:$0x1] =	stream.indirect.gather [hbm4b:s3+s15], $0x80, s15, s15, $0xb8;
	[tilespmem:$0xC200] =	vst v63  }
0x32: {  	_ = 	snop  }
0x33: {  	[tilespmem:s17], [sflag:$0x2] =	stream.linear.gather [hbm4b:s7+s31], $0x4000, $0x38;
	[tilespmem:$0xC200] =	vst v63  }
0x34: {  	_ =	swait.ge [sflag:s14], $0x4000  }
0x35: {  	[sflag:s14] =	ssyncset.done $0x0  }
0x36: {  	[sflag:s14] =	ssyncadd.s32 $0xFFFFC000  }
0x37: {  	_ =	swait.ge [sflag:s18], $0x4000  }
0x38: {  	[sflag:s18] =	ssyncset.done $0x0  }
0x39: {  	s23 =	simm.s32 $0x0;
	[sflag:s18] =	ssyncadd.s32 $0xFFFFC000  }
0x3a: {  	v0 =	vld [tilespmem:s23+$0x210]  }
0x3b: {  	v2 =	vld [tilespmem:s23+$0x4210]  }
0x3c: {  	v1 =	vld [tilespmem:s23+$0x200]  }
0x3d: {  	v3 =	vld [tilespmem:s23+$0x4200]  }
0x3e: {  	s24 =	simm.s32 $0x200  }
.LBB2_4:
0x3f: {  	s25 =	sshra.s32 s24, $0x2;
	p0 =	sne.s32 s24, $0xFE00  }
.Ltmp1:
0x40: {  	s24 =	sadd.s32 $0x200, s24;
	v4 =	vsub.f32 v2, v0;
	v0 =	vld [tilespmem:s25+$0x210];
	(pc) =	sbr.rel @p0 .LBB2_4-.Ltmp1, $4  }
0x41: {  	v2 =	vld [tilespmem:s25+$0x4210]  }
0x42: {  	v5 =	vsub.f32 v3, v1;
	v1 =	vld [tilespmem:s25+$0x200];
	[tilespmem:s23+$0x8210] =	vst v4  }
0x43: {  	v3 =	vld [tilespmem:s25+$0x4200]  }
0x44: {  	[tilespmem:s23+$0x8200] =	vst v5;
	s23 =	smov.u32 s25  }
0x45: {  	_ =	sdelay $0x1  }
0x46: {  	v0 =	vsub.f32 v2, v0  }
0x47: {  	v1 =	vsub.f32 v3, v1  }
0x48: {  	[tilespmem:s23+$0x8210] =	vst v0  }
0x49: {  	s31 =	simm.s32 $0x0;
	[tilespmem:s23+$0x8200] =	vst v1  }
0x4a: {  	[hbm4b:s8+s31] =	stream.linear.scatter [tilespmem:s19], [sflag:$0x2], $0x4000, $0x38;
	[tilespmem:$0xC200] =	vst v63  }
0x4b: {  	_ =	swait.ge [sflag:s14], $0x4000  }
0x4c: {  	[sflag:s14] =	ssyncset.done $0x0  }
0x4d: {  	[sflag:s14] =	ssyncadd.s32 $0xFFFFC000  }
0x4e: {  	[tilespmem:s16], [sflag:$0x1] =	stream.indirect.gather [hbm4b:s3+s15], $0x80, s20, s15, $0xb8;
	[tilespmem:$0xC200] =	vst v63  }
0x4f: {  	_ = 	snop  }
0x50: {  	[tilespmem:s17], [sflag:$0x2] =	stream.linear.gather [hbm4b:s9+s31], $0x4000, $0x38;
	[tilespmem:$0xC200] =	vst v63  }
0x51: {  	_ =	swait.ge [sflag:s14], $0x4000  }
0x52: {  	[sflag:s14] =	ssyncset.done $0x0  }
0x53: {  	[sflag:s14] =	ssyncadd.s32 $0xFFFFC000  }
0x54: {  	_ =	swait.ge [sflag:s18], $0x4000  }
0x55: {  	[sflag:s18] =	ssyncset.done $0x0  }
0x56: {  	s23 =	simm.s32 $0x0;
	[sflag:s18] =	ssyncadd.s32 $0xFFFFC000  }
0x57: {  	v0 =	vld [tilespmem:s23+$0x210]  }
0x58: {  	v2 =	vld [tilespmem:s23+$0x4210]  }
0x59: {  	v1 =	vld [tilespmem:s23+$0x200]  }
0x5a: {  	v3 =	vld [tilespmem:s23+$0x4200]  }
0x5b: {  	s24 =	simm.s32 $0x200  }
.LBB2_6:
0x5c: {  	s25 =	sshra.s32 s24, $0x2;
	p0 =	sne.s32 s24, $0xFE00  }
.Ltmp2:
0x5d: {  	s24 =	sadd.s32 $0x200, s24;
	v4 =	vsub.f32 v2, v0;
	v0 =	vld [tilespmem:s25+$0x210];
	(pc) =	sbr.rel @p0 .LBB2_6-.Ltmp2, $4  }
0x5e: {  	v2 =	vld [tilespmem:s25+$0x4210]  }
0x5f: {  	v5 =	vsub.f32 v3, v1;
	v1 =	vld [tilespmem:s25+$0x200];
	[tilespmem:s23+$0x8210] =	vst v4  }
0x60: {  	v3 =	vld [tilespmem:s25+$0x4200]  }
0x61: {  	[tilespmem:s23+$0x8200] =	vst v5;
	s23 =	smov.u32 s25  }
0x62: {  	_ =	sdelay $0x1  }
0x63: {  	v0 =	vsub.f32 v2, v0  }
0x64: {  	v1 =	vsub.f32 v3, v1  }
0x65: {  	[tilespmem:s23+$0x8210] =	vst v0  }
0x66: {  	s31 =	simm.s32 $0x0;
	[tilespmem:s23+$0x8200] =	vst v1  }
0x67: {  	[hbm4b:s10+s31] =	stream.linear.scatter [tilespmem:s19], [sflag:$0x2], $0x4000, $0x38;
	[tilespmem:$0xC200] =	vst v63  }
0x68: {  	_ =	swait.ge [sflag:s14], $0x4000  }
0x69: {  	[sflag:s14] =	ssyncset.done $0x0  }
0x6a: {  	[sflag:s14] =	ssyncadd.s32 $0xFFFFC000  }
0x6b: {  	[tilespmem:s16], [sflag:$0x1] =	stream.indirect.gather [hbm4b:s3+s15], $0x80, s21, s15, $0xb8;
	[tilespmem:$0xC200] =	vst v63  }
0x6c: {  	_ = 	snop  }
0x6d: {  	[tilespmem:s17], [sflag:$0x2] =	stream.linear.gather [hbm4b:s11+s31], $0x4000, $0x38;
	[tilespmem:$0xC200] =	vst v63  }
0x6e: {  	_ =	swait.ge [sflag:s14], $0x4000  }
0x6f: {  	[sflag:s14] =	ssyncset.done $0x0  }
0x70: {  	[sflag:s14] =	ssyncadd.s32 $0xFFFFC000  }
0x71: {  	_ =	swait.ge [sflag:s18], $0x4000  }
0x72: {  	[sflag:s18] =	ssyncset.done $0x0  }
0x73: {  	s23 =	simm.s32 $0x0;
	[sflag:s18] =	ssyncadd.s32 $0xFFFFC000  }
0x74: {  	v0 =	vld [tilespmem:s23+$0x210]  }
0x75: {  	v2 =	vld [tilespmem:s23+$0x4210]  }
0x76: {  	v1 =	vld [tilespmem:s23+$0x200]  }
0x77: {  	v3 =	vld [tilespmem:s23+$0x4200]  }
0x78: {  	s24 =	simm.s32 $0x200  }
.LBB2_8:
0x79: {  	s25 =	sshra.s32 s24, $0x2;
	p0 =	sne.s32 s24, $0xFE00  }
.Ltmp3:
0x7a: {  	s24 =	sadd.s32 $0x200, s24;
	v4 =	vsub.f32 v2, v0;
	v0 =	vld [tilespmem:s25+$0x210];
	(pc) =	sbr.rel @p0 .LBB2_8-.Ltmp3, $4  }
0x7b: {  	v2 =	vld [tilespmem:s25+$0x4210]  }
0x7c: {  	v5 =	vsub.f32 v3, v1;
	v1 =	vld [tilespmem:s25+$0x200];
	[tilespmem:s23+$0x8210] =	vst v4  }
0x7d: {  	v3 =	vld [tilespmem:s25+$0x4200]  }
0x7e: {  	[tilespmem:s23+$0x8200] =	vst v5;
	s23 =	smov.u32 s25  }
0x7f: {  	_ =	sdelay $0x1  }
0x80: {  	v0 =	vsub.f32 v2, v0  }
0x81: {  	s22 =	sadd.s32 $0x1, s22;
	v1 =	vsub.f32 v3, v1  }
0x82: {  	p0 =	sne.s32 s22, s13;
	[tilespmem:s23+$0x8210] =	vst v0  }
.Ltmp4:
0x83: {  	[tilespmem:s23+$0x8200] =	vst v1;
	(pc) =	sbr.rel @p0 .LBB2_1-.Ltmp4, $4  }
0x84: {  	[hbm4b:s12+s2] =	stream.linear.scatter [tilespmem:s19], [sflag:$0x2], $0x4000, $0x38;
	[tilespmem:$0xC200] =	vst v63  }
0x85: {  	_ =	swait.ge [sflag:s14], $0x4000  }
0x86: {  	[sflag:s14] =	ssyncset.done $0x0  }
0x87: {  	[sflag:s14] =	ssyncadd.s32 $0xFFFFC000  }
0x88: {  	_ =	sfence.sel $0x180000  }
0x89: {  	[bflag:$0x0] =	sbarrier.arrive $0xFFFF  }
0x8a: {  	p0 =	sne.s32 s1, $0x0;
	_ =	strace $0x90000059  }
0x8b: {  	s0 =	sadd.s32 @!p0 $0x100000, s0;
	[bflag:$0x2] =	sbarrier.arrive $0xFFFF  }
0x8c: {  	[sflag:s0] =	ssyncadd.tile.s32 @!p0 $0x1;
	_ =	shalt  }
.Lfunc_end2:
_tile_overlayer_lowered:
.L_overlay_start_2:
0x8d: {  	(tag) =	ssettag $0x2  }
0x8e: {  	s0 =	rddreg [dreg:$0x0];
	s2 =	stileid.u32  }
0x8f: {  	s1 =	rddreg [dreg:$0x1];
	p0 =	sne.s32 s2, $0x0  }
0x90: {  	s3 =	rddreg [dreg:$0x2];
	[bflag:$0x3] =	sbarrier.arrive $0xFFFF;
	s2 =	simm.s32 @!p0 $0x1C02  }
0x91: {  	[timem:s3], [sflag:s2] =	dma.local @!p0 [hbm:s0], s1  }
0x92: {  	s0 =	simm.s32 @!p0 $0x2  }
0x93: {  	_ =	swait.ge @!p0 [sflag:s0], s1  }
0x94: {  	s1 =	ssub.s32 @!p0 $0x0, s1;
	[sflag:s0] =	ssyncset.done @!p0 $0x0  }
0x95: {  	[sflag:s0] =	ssyncadd.s32 @!p0 s1  }
0x96: {  	[bflag:$0x3] =	sbarrier.arrive $0xFFFF  }
0x97: {  	_ =	shalt  }

// kernel: kernel.39.cloned.1.call-start
scs
__scs_entry_jumppad:
0x0: {  	(pc) =	sbr.rel $0x88, $3  }
0x1: {  	(tag) =	ssettag $0x0;
	lr =	simm.s32 $0x1  }
0x2: {  	[smem:$0x3F9F] =	sst lr;
	_ =	strace $0xD0000000  }
0x3: {  	_ = 	snop  }
0x4: {  	_ = 	snop  }
0x5: {  	_ = 	snop  }
0x6: {  	_ = 	snop  }
0x7: {  	_ = 	snop  }
__scs_overlays_trampoline_lowered:
0x8: {  	[smem:$0x3FAE] =	sst s0  }
0x9: {  	[smem:$0x3FAF] =	sst s1  }
0xa: {  	[smem:$0x3FB0] =	sst s2  }
0xb: {  	[smem:$0x3FB1] =	sst s3  }
0xc: {  	[smem:$0x3FB2] =	sst s4  }
0xd: {  	[smem:$0x3FB3] =	sst s5  }
0xe: {  	[smem:$0x3FB4] =	sst s6  }
0xf: {  	[smem:$0x3FB5] =	sst s7  }
0x10: {  	[smem:$0x3FB6] =	sst s8  }
0x11: {  	[smem:$0x3FB7] =	sst s9;
	s0 =	simm.s32 @!p0 $0x0  }
0x12: {  	s1 =	sld [smem:$0x3F9D];
	s0 =	simm.s32 @p0 $0x1  }
0x13: {  	[smem:$0x3FB8] =	sst s0;
	s0 =	simm.s32 @!p1 $0x0  }
0x14: {  	s2 =	sld [smem:$0x3F9C];
	s0 =	simm.s32 @p1 $0x1  }
0x15: {  	[smem:$0x3FB9] =	sst s0;
	s0 =	simm.s32 @!p2 $0x0  }
0x16: {  	s3 =	sld [smem:$0x3FDB];
	s0 =	simm.s32 @p2 $0x1  }
0x17: {  	s4 =	simm.s32 $0x1BF5;
	[smem:$0x3FBB] =	sst s0  }
0x18: {  	s0 =	sld [smem:$0x3F9E];
	_ =	swait.ge [sflag:s4], $0x0  }
0x19: {  	s7 =	sld [smem:$0x3F9F]  }
0x1a: {  	s8 =	sadd.s32 $0xFFFFE003, lr  }
0x1b: {  	s9 =	sadd.s32 $0xFFFFFEF7, lr;
	s5 =	simm.s32 $0xFFFFFFFF;
	p2 =	slt.u32 s8, $0xFFFFF086  }
0x1c: {  	p1 =	slt.u32 s9, $0xF7A;
	s5 =	simm.s32 @!p2 $0x0  }
0x1d: {  	s5 =	simm.s32 @p1 $0x1;
	p0 =	seq.s32 s7, s2  }
0x1e: {  	s7 =	smul.u32 @!p0 $0xF7A, s2;
	p2 =	seq.s32 @!p0 s5, $0x0  }
0x1f: {  	s9 =	smul.u32 $0xF7A, s1;
	s8 =	simm.s32 @!p0 $0x1BF5;
	p2 =	por !p2, p0  }
0x20: {  	[sflag:s8] =	ssyncset.s32 @!p0 $0xFFFFF086;
	s6 =	sadd.s32 @!p0 s3, s7;
	s7 =	simm.s32 @!p0 $0x108  }
0x21: {  	s3 =	sadd.s32 s3, s9;
	s6 =	sadd.s32 @!p0 $0x88, s6;
	s7 =	simm.s32 @p2 $0x1082  }
0x22: {  	[simem:s7], [sflag:s8] =	dma.local @!p0 [hbm:s6], $0xF7A  }
0x23: {  	s9 =	sor.u32 $0xD0000000, s2;
	s6 =	simm.s32 $0x108;
	_ =	swait.ge @!p0 [sflag:s8], $0x0  }
0x24: {  	s3 =	sadd.s32 $0x88, s3;
	s6 =	simm.s32 @!p1 $0x1082;
	[sflag:s4] =	ssyncset.s32 $0xFFFFF086  }
0x25: {  	[simem:s6], [sflag:s4] =	dma.local [hbm:s3], $0xF7A  }
0x26: {  	[smem:$0x3F9F] =	sst s1;
	(tag) =	ssettag s2;
	_ =	strace s9  }
0x27: {  	s1 =	sld [smem:$0x3FAF]  }
0x28: {  	s2 =	sld [smem:$0x3FB0]  }
0x29: {  	s4 =	sld [smem:$0x3FB2]  }
0x2a: {  	p0 =	seq.s32 s5, $0x0;
	s5 =	sld [smem:$0x3FB3]  }
0x2b: {  	s6 =	sld [smem:$0x3FB4]  }
0x2c: {  	s7 =	sld [smem:$0x3FB5]  }
0x2d: {  	s3 =	simm.s32 $0x108;
	s8 =	sld [smem:$0x3FB6]  }
0x2e: {  	s3 =	simm.s32 @!p0 $0x1082;
	s9 =	sld [smem:$0x3FB7]  }
0x2f: {  	lr =	sadd.s32 s0, s3;
	s0 =	sld [smem:$0x3FAE]  }
0x30: {  	s3 =	sld [smem:$0x3FB1]  }
0x31: {  	[smem:$0x3FBA] =	sst s10  }
0x32: {  	s10 =	sld [smem:$0x3FB8];
	_ =	sdelay $0x3  }
0x33: {  	p0 =	seq.s32 s10, $0x1;
	s10 =	sld [smem:$0x3FBA];
	_ =	sdelay $0x3  }
0x34: {  	[smem:$0x3FBA] =	sst s10  }
0x35: {  	s10 =	sld [smem:$0x3FB9];
	_ =	sdelay $0x3  }
0x36: {  	p1 =	seq.s32 s10, $0x1;
	s10 =	sld [smem:$0x3FBA];
	_ =	sdelay $0x3  }
0x37: {  	[smem:$0x3FBA] =	sst s10  }
0x38: {  	s10 =	sld [smem:$0x3FBB]  }
0x39: {  	_ = 	snop;
	(pc) =	sbr.ind lr, $3  }
0x3a: {  	_ = 	snop  }
0x3b: {  	_ = 	snop  }
0x3c: {  	p2 =	seq.s32 s10, $0x1;
	s10 =	sld [smem:$0x3FBA]  }
0x3d: {  	_ =	shalt  }
0x3e: {  	_ =	shalt  }
0x3f: {  	_ =	shalt  }
0x40: {  	_ =	shalt  }
0x41: {  	_ =	shalt  }
0x42: {  	_ =	shalt  }
0x43: {  	_ =	shalt  }
0x44: {  	_ =	shalt  }
0x45: {  	_ =	shalt  }
0x46: {  	_ =	shalt  }
0x47: {  	_ =	shalt  }
0x48: {  	_ =	shalt  }
0x49: {  	_ =	shalt  }
0x4a: {  	_ =	shalt  }
0x4b: {  	_ =	shalt  }
0x4c: {  	_ =	shalt  }
0x4d: {  	_ =	shalt  }
0x4e: {  	_ =	shalt  }
0x4f: {  	_ =	shalt  }
0x50: {  	_ =	shalt  }
0x51: {  	_ =	shalt  }
0x52: {  	_ =	shalt  }
0x53: {  	_ =	shalt  }
0x54: {  	_ =	shalt  }
0x55: {  	_ =	shalt  }
0x56: {  	_ =	shalt  }
0x57: {  	_ =	shalt  }
0x58: {  	_ =	shalt  }
0x59: {  	_ =	shalt  }
0x5a: {  	_ =	shalt  }
0x5b: {  	_ =	shalt  }
0x5c: {  	_ =	shalt  }
0x5d: {  	_ =	shalt  }
0x5e: {  	_ =	shalt  }
0x5f: {  	_ =	shalt  }
0x60: {  	_ =	shalt  }
0x61: {  	_ =	shalt  }
0x62: {  	_ =	shalt  }
0x63: {  	_ =	shalt  }
0x64: {  	_ =	shalt  }
0x65: {  	_ =	shalt  }
0x66: {  	_ =	shalt  }
0x67: {  	_ =	shalt  }
0x68: {  	_ =	shalt  }
0x69: {  	_ =	shalt  }
0x6a: {  	_ =	shalt  }
0x6b: {  	_ =	shalt  }
0x6c: {  	_ =	shalt  }
0x6d: {  	_ =	shalt  }
0x6e: {  	_ =	shalt  }
0x6f: {  	_ =	shalt  }
0x70: {  	_ =	shalt  }
0x71: {  	_ =	shalt  }
0x72: {  	_ =	shalt  }
0x73: {  	_ =	shalt  }
0x74: {  	_ =	shalt  }
0x75: {  	_ =	shalt  }
0x76: {  	_ =	shalt  }
0x77: {  	_ =	shalt  }
0x78: {  	_ =	shalt  }
0x79: {  	_ =	shalt  }
0x7a: {  	_ =	shalt  }
0x7b: {  	_ =	shalt  }
0x7c: {  	_ =	shalt  }
0x7d: {  	_ =	shalt  }
0x7e: {  	_ =	shalt  }
0x7f: {  	_ =	shalt  }
0x80: {  	_ =	shalt  }
0x81: {  	_ =	shalt  }
0x82: {  	_ =	shalt  }
0x83: {  	_ =	shalt  }
0x84: {  	_ =	shalt  }
0x85: {  	_ =	shalt  }
0x86: {  	_ =	shalt  }
0x87: {  	_ =	shalt  }
.Lfunc_end0:
.L_simem_size_0:
called_computation.7_lowered:
.L_overlay_start_0:
0x88: {  	s2 =	sld [smem:$0x3FD9]  }
0x89: {  	s3 =	sld [smem:$0x3FFE];
	_ =	sdelay $0x1  }
0x8a: {  	s1 =	srdreg.scid  }
0x8b: {  	s0 =	sand.u32 $0x1, s1  }
0x8c: {  	s14 =	sshll.u32 s0, $0xA;
	s2 =	sadd.s32 s3, s2  }
0x8d: {  	s2 =	sadd.s32 s2, s14  }
0x8e: {  	[smem:$0x3FC6] =	sst s2  }
0x8f: {  	_ = 	snop  }
0x90: {  	s2 =	sld [smem:$0x3FD0];
	_ =	sdelay $0x2  }
0x91: {  	s15 =	simm.s32 $0xA;
	s4 =	simm.s32 $0x10  }
0x92: {  	[smem:s4], [sflag:s15] =	dma.local [hbm:s2], $0x1  }
0x93: {  	_ =	swait.eq [sflag:s15], $0x1  }
0x94: {  	[sflag:s15] =	ssyncset.done $0x0  }
0x95: {  	[sflag:s15] =	ssyncadd.s32 $0xFFFFFFFF  }
0x96: {  	s16 =	sld [smem:$0x10];
	(tm) =	ssettm $0x1  }
0x97: {  	s17 =	sld [smem:$0x3FFB];
	_ =	sdelay $0x3  }
0x98: {  	_ =	strace s17  }
0x99: {  	s3 =	sld [smem:$0x3FFC];
	_ =	sdelay $0x3  }
0x9a: {  	_ =	strace s3  }
0x9b: {  	s3 =	sld [smem:$0x3FFD];
	_ =	sdelay $0x3  }
0x9c: {  	_ =	strace s3  }
0x9d: {  	_ =	strace $0x8FFFFFFF  }
0x9e: {  	s18 =	sld [smem:$0x3FDB];
	_ =	sdelay $0x1  }
0x9f: {  	s19 =	simm.s32 $_scs_section_size  }
0xa0: {  	s5 =	simm.s32 $_size__tile_overlayer_lowered;
	s6 =	simm.s32 $_tile_overlayer_lowered  }
0xa1: {  	s22 =	simm.s32 $0x1BFF;
	s21 =	sshll.u32 s6, $0x1;
	s3 =	sadd.s32 s19, s18  }
0xa2: {  	s7 =	simm.s32 $0x0;
	s20 =	sshll.u32 s5, $0x1;
	s5 =	sadd.s32 s21, s3  }
0xa3: {  	[timem:s7], [sflag:s22] =	dma.local [hbm:s5], s20  }
0xa4: {  	_ =	swait.ge [sflag:s22], s20  }
0xa5: {  	s4 =	ssub.s32 $0x0, s20;
	[sflag:s22] =	ssyncset.done $0x0  }
0xa6: {  	[sflag:s22] =	ssyncadd.s32 s4;
	_ =	sdelay $0x1  }
0xa7: {  	s23 =	simm.s32 $0x1B8B  }
0xa8: {  	_ =	swait.ge [sflag:s23], $0x1  }
0xa9: {  	[sflag:s23] =	ssyncset.done $0x0  }
0xaa: {  	s25 =	simm.s32 $0x1B8E;
	s24 =	sld [smem:$0x3FFE];
	[sflag:s23] =	ssyncadd.s32 $0xFFFFFFFF  }
0xab: {  	s26 =	simm.s32 $execute0_lowered;
	[smem:$0x3FD2] =	sst s25  }
0xac: {  	s5 =	sshll.u32 s26, $0x1;
	_ =	strace $0x8000005B;
	[dreg:$0x1] =	wrdreg $0xFFFFFFFF  }
0xad: {  	s28 =	simm.s32 $_size_execute0_lowered;
	s3 =	sadd.s32 s3, s5;
	[dreg:$0x0] =	wrdreg $0x0  }
0xae: {  	s5 =	sshll.u32 s28, $0x1;
	[dreg:$0x2] =	wrdreg s3  }
0xaf: {  	[dreg:$0x3] =	wrdreg s5  }
0xb0: {  	[dreg:$0x4] =	wrdreg $0xC0  }
0xb1: {  	_ =	task [dreg:s7], $0x5FFFF  }
0xb2: {  	[dreg:$0x1] =	wrdreg $0xFFFFFFFF  }
0xb3: {  	[dreg:$0x0] =	wrdreg $0x60  }
0xb4: {  	[dreg:$0x2] =	wrdreg s24  }
0xb5: {  	[dreg:$0x3] =	wrdreg s16  }
0xb6: {  	[dreg:$0x4] =	wrdreg $0x9  }
0xb7: {  	_ =	task.clear_ibuf [dreg:s7], $0x5FFFF;
	_ =	strace $0x9000005B  }
0xb8: {  	s29 =	simm.s32 $0x9;
	_ =	strace $0x8000005D  }
0xb9: {  	_ =	swait.ge [sflag:s29], $0x1  }
0xba: {  	[sflag:s29] =	ssyncadd.s32 $0xFFFFFFFF  }
0xbb: {  	_ =	strace $0x9000005D  }
0xbc: {  	_ =	sfence  }
0xbd: {  	s30 =	sld [smem:$0x0];
	_ =	sdelay $0x2  }
0xbe: {  	s31 =	sshll.u32 s1, $0xD;
	s1 =	sshrl.u32 s1, $0x2  }
0xbf: {  	s3 =	sand.u32 $0x4000, s31;
	s1 =	sadd.s32 s1, s30  }
0xc0: {  	s0 =	sor.u32 s3, s0;
	s1 =	sshll.u32 s1, $0x11  }
0xc1: {  	s0 =	sor.u32 s1, s0  }
0xc2: {  	s0 =	sadd.s32 $0x8F2B, s0  }
0xc3: {  	[sflag:s0] =	ssyncadd.remote.s32 $0x1  }
0xc4: {  	_ =	sfence.sel $0xFFFF  }
0xc5: {  	[dreg:$0x0] =	wrdreg $0xFFFFFFFF;
	(pc) =	sbr.abs _section_cstart, $3  }
0xc6: {  	[dreg:$0x1] =	wrdreg $0xFFFFFFFF  }
0xc7: {  	_ =	task.clear_ibuf [dreg:s7], $0x2FFFF;
	_ =	strace $0x9FFFFFFF  }
0xc8: {  	(tm) =	ssettm $0x7FFFFFFF  }
0xc9: {  	_ =	shalt  }
tec
execute0_lowered:
.L_overlay_start_1:
0x0: {  	(tag) =	ssettag $0x1  }
0x1: {  	s4 =	rddreg [dreg:$0x0]  }
0x2: {  	s5 =	rddreg [dreg:$0x1];
	s1 =	simm.s32 $0x0;
	s6 =	srdreg.scid  }
0x3: {  	s2 =	stileid.u32;
	s20 =	simm.s32 $0x200;
	s21 =	simm.s32 $0x4200  }
0x4: {  	s22 =	simm.s32 $0x8200;
	s23 =	simm.s32 $0x1;
	s24 =	simm.s32 $0xC200  }
0x5: {  	s25 =	simm.s32 $0x100;
	s26 =	simm.s32 $0x180;
	s28 =	simm.s32 $0x0  }
0x6: {  	[smem:$0x7FF] =	sst s1;
	s3 =	sadd.s32 $0x224400, s4;
	s14 =	sadd.s32 $0xD5000, s4  }
0x7: {  	s6 =	sand.u32 $0x1, s6;
	s15 =	sadd.s32 $0x4400, s4;
	s8 =	sshll.u32 s2, $0x1  }
0x8: {  	s16 =	sadd.s32 $0x95000, s4;
	s7 =	ssub.s32 $0x2, s6;
	s6 =	sor.u32 s6, s8  }
0x9: {  	_ =	strace $0x8000005C;
	s30 =	sshrl.u32 s7, $0x1;
	s31 =	sshll.u32 s6, $0x6  }
0xa: {  	s13 =	sshll.u32 s6, $0xD;
	s17 =	ssub.s32 s7, s30;
	s4 =	sadd.s32 s5, s31  }
0xb: {  	s5 =	sadd.s32 s14, s13;
	s10 =	sor.u32 $0x800, s13;
	s6 =	sadd.s32 s15, s13  }
0xc: {  	s7 =	sadd.s32 s16, s13;
	s18 =	sor.u32 $0x1000, s13;
	s19 =	sor.u32 $0x1800, s13  }
0xd: {  	s8 =	sadd.s32 s14, s10;
	s9 =	sadd.s32 s15, s10;
	s10 =	sadd.s32 s16, s10  }
0xe: {  	s11 =	sadd.s32 s14, s18;
	s12 =	sadd.s32 s15, s18;
	s13 =	sadd.s32 s16, s18  }
0xf: {  	s14 =	sadd.s32 s14, s19;
	s15 =	sadd.s32 s15, s19;
	s16 =	sadd.s32 s16, s19  }
0x10: {  	s17 =	smax.u32 s17, $0x1;
	s18 =	simm.s32 $0x2;
	s19 =	simm.s32 $0x80  }
.LBB2_1:
0x11: {  	[tilespmem:s1], [sflag:$0x2] =	stream.linear.gather [hbm4b:s4+s1], $0x200, $0x38;
	[tilespmem:$0x10200] =	vst v63  }
0x12: {  	_ =	swait.ge [sflag:s18], $0x200  }
0x13: {  	[sflag:s18] =	ssyncset.done $0x0  }
0x14: {  	[sflag:s18] =	ssyncadd.s32 $0xFFFFFE00  }
0x15: {  	[tilespmem:s20], [sflag:$0x1] =	stream.indirect.gather [hbm4b:s3+s19], $0x80, s1, s19, $0xb8;
	[tilespmem:$0x10200] =	vst v63  }
0x16: {  	_ = 	snop  }
0x17: {  	[tilespmem:s21], [sflag:$0x2] =	stream.linear.gather [hbm4b:s5+s1], $0x4000, $0x38;
	[tilespmem:$0x10200] =	vst v63  }
0x18: {  	_ =	swait.ge [sflag:s18], $0x4000  }
0x19: {  	[sflag:s18] =	ssyncset.done $0x0  }
0x1a: {  	[sflag:s18] =	ssyncadd.s32 $0xFFFFC000  }
0x1b: {  	[tilespmem:s22], [sflag:$0x2] =	stream.linear.gather [hbm4b:s6+s1], $0x4000, $0x38;
	[tilespmem:$0x10200] =	vst v63  }
0x1c: {  	_ =	swait.ge [sflag:s18], $0x4000  }
0x1d: {  	[sflag:s18] =	ssyncset.done $0x0  }
0x1e: {  	[sflag:s18] =	ssyncadd.s32 $0xFFFFC000  }
0x1f: {  	_ =	swait.ge [sflag:s23], $0x4000  }
0x20: {  	[sflag:s23] =	ssyncset.done $0x0  }
0x21: {  	s29 =	simm.s32 $0x0;
	[sflag:s23] =	ssyncadd.s32 $0xFFFFC000  }
0x22: {  	v2 =	vld [tilespmem:s29+$0x8210]  }
0x23: {  	v3 =	vld [tilespmem:s29+$0x4210]  }
0x24: {  	v6 =	vld [tilespmem:s29+$0x8200]  }
0x25: {  	v5 =	vld [tilespmem:s29+$0x210]  }
0x26: {  	v7 =	vld [tilespmem:s29+$0x4200]  }
0x27: {  	s30 =	simm.s32 $0x80;
	v0 =	vld [tilespmem:s29+$0x200]  }
0x28: {  	v1 =	vld [tilespmem:s30+$0x8210];
	v2 =	vsub.f32 v2, v3  }
0x29: {  	v3 =	vld [tilespmem:s30+$0x4210]  }
0x2a: {  	v4 =	vld [tilespmem:s30+$0x8200];
	v8 =	vadd.f32 v2, v5  }
0x2b: {  	v6 =	vsub.f32 v6, v7;
	v2 =	vld [tilespmem:s30+$0x210]  }
0x2c: {  	s31 =	simm.s32 $0x400;
	v5 =	vld [tilespmem:s30+$0x4200];
	[tilespmem:s29+$0xC210] =	vst v8  }
.LBB2_2:
0x2d: {  	s0 =	sshra.s32 s31, $0x2;
	v8 =	vadd.f32 v6, v0;
	v0 =	vld [tilespmem:s30+$0x200];
	p0 =	sne.s32 s31, $0xFE00  }
.Ltmp0:
0x2e: {  	s31 =	sadd.s32 $0x200, s31;
	v7 =	vsub.f32 v1, v3;
	v1 =	vld [tilespmem:s0+$0x8210];
	(pc) =	sbr.rel @p0 .LBB2_2-.Ltmp0, $4  }
0x2f: {  	v3 =	vld [tilespmem:s0+$0x4210];
	[tilespmem:s29+$0xC200] =	vst v8;
	v6 =	vmov v4;
	s29 =	smov.u32 s30;
	s30 =	smov.u32 s0  }
0x30: {  	v4 =	vld [tilespmem:s30+$0x8200];
	v7 =	vadd.f32 v7, v2  }
0x31: {  	v2 =	vld [tilespmem:s30+$0x210];
	v6 =	vsub.f32 v6, v5  }
0x32: {  	v5 =	vld [tilespmem:s30+$0x4200];
	[tilespmem:s29+$0xC210] =	vst v7  }
0x33: {  	_ = 	snop  }
0x34: {  	v7 =	vld [tilespmem:s30+$0x200];
	_ =	sdelay $0x1  }
0x35: {  	v1 =	vsub.f32 v1, v3  }
0x36: {  	v0 =	vadd.f32 v6, v0;
	v3 =	vsub.f32 v4, v5  }
0x37: {  	v1 =	vadd.f32 v1, v2  }
0x38: {  	[tilespmem:s29+$0xC200] =	vst v0;
	v0 =	vadd.f32 v3, v7  }
0x39: {  	[tilespmem:s30+$0xC210] =	vst v1  }
0x3a: {  	s0 =	simm.s32 $0x0;
	[tilespmem:s30+$0xC200] =	vst v0  }
0x3b: {  	[hbm4b:s7+s0] =	stream.linear.scatter [tilespmem:s24], [sflag:$0x2], $0x4000, $0x38;
	[tilespmem:$0x10200] =	vst v63  }
0x3c: {  	_ =	swait.ge [sflag:s18], $0x4000  }
0x3d: {  	[sflag:s18] =	ssyncset.done $0x0  }
0x3e: {  	[sflag:s18] =	ssyncadd.s32 $0xFFFFC000  }
0x3f: {  	[tilespmem:s20], [sflag:$0x1] =	stream.indirect.gather [hbm4b:s3+s19], $0x80, s19, s19, $0xb8;
	[tilespmem:$0x10200] =	vst v63  }
0x40: {  	_ = 	snop  }
0x41: {  	[tilespmem:s21], [sflag:$0x2] =	stream.linear.gather [hbm4b:s8+s0], $0x4000, $0x38;
	[tilespmem:$0x10200] =	vst v63  }
0x42: {  	_ =	swait.ge [sflag:s18], $0x4000  }
0x43: {  	[sflag:s18] =	ssyncset.done $0x0  }
0x44: {  	[sflag:s18] =	ssyncadd.s32 $0xFFFFC000  }
0x45: {  	[tilespmem:s22], [sflag:$0x2] =	stream.linear.gather [hbm4b:s9+s0], $0x4000, $0x38;
	[tilespmem:$0x10200] =	vst v63  }
0x46: {  	_ =	swait.ge [sflag:s18], $0x4000  }
0x47: {  	[sflag:s18] =	ssyncset.done $0x0  }
0x48: {  	[sflag:s18] =	ssyncadd.s32 $0xFFFFC000  }
0x49: {  	_ =	swait.ge [sflag:s23], $0x4000  }
0x4a: {  	[sflag:s23] =	ssyncset.done $0x0  }
0x4b: {  	s29 =	simm.s32 $0x0;
	[sflag:s23] =	ssyncadd.s32 $0xFFFFC000  }
0x4c: {  	v2 =	vld [tilespmem:s29+$0x8210]  }
0x4d: {  	v3 =	vld [tilespmem:s29+$0x4210]  }
0x4e: {  	v6 =	vld [tilespmem:s29+$0x8200]  }
0x4f: {  	v5 =	vld [tilespmem:s29+$0x210]  }
0x50: {  	v7 =	vld [tilespmem:s29+$0x4200]  }
0x51: {  	s30 =	simm.s32 $0x80;
	v0 =	vld [tilespmem:s29+$0x200]  }
0x52: {  	v1 =	vld [tilespmem:s30+$0x8210];
	v2 =	vsub.f32 v2, v3  }
0x53: {  	v3 =	vld [tilespmem:s30+$0x4210]  }
0x54: {  	v4 =	vld [tilespmem:s30+$0x8200];
	v8 =	vadd.f32 v2, v5  }
0x55: {  	v6 =	vsub.f32 v6, v7;
	v2 =	vld [tilespmem:s30+$0x210]  }
0x56: {  	s31 =	simm.s32 $0x400;
	v5 =	vld [tilespmem:s30+$0x4200];
	[tilespmem:s29+$0xC210] =	vst v8  }
.LBB2_4:
0x57: {  	s0 =	sshra.s32 s31, $0x2;
	v8 =	vadd.f32 v6, v0;
	v0 =	vld [tilespmem:s30+$0x200];
	p0 =	sne.s32 s31, $0xFE00  }
.Ltmp1:
0x58: {  	s31 =	sadd.s32 $0x200, s31;
	v7 =	vsub.f32 v1, v3;
	v1 =	vld [tilespmem:s0+$0x8210];
	(pc) =	sbr.rel @p0 .LBB2_4-.Ltmp1, $4  }
0x59: {  	v3 =	vld [tilespmem:s0+$0x4210];
	[tilespmem:s29+$0xC200] =	vst v8;
	v6 =	vmov v4;
	s29 =	smov.u32 s30;
	s30 =	smov.u32 s0  }
0x5a: {  	v4 =	vld [tilespmem:s30+$0x8200];
	v7 =	vadd.f32 v7, v2  }
0x5b: {  	v2 =	vld [tilespmem:s30+$0x210];
	v6 =	vsub.f32 v6, v5  }
0x5c: {  	v5 =	vld [tilespmem:s30+$0x4200];
	[tilespmem:s29+$0xC210] =	vst v7  }
0x5d: {  	_ = 	snop  }
0x5e: {  	v7 =	vld [tilespmem:s30+$0x200];
	_ =	sdelay $0x1  }
0x5f: {  	v1 =	vsub.f32 v1, v3  }
0x60: {  	v0 =	vadd.f32 v6, v0;
	v3 =	vsub.f32 v4, v5  }
0x61: {  	v1 =	vadd.f32 v1, v2  }
0x62: {  	[tilespmem:s29+$0xC200] =	vst v0;
	v0 =	vadd.f32 v3, v7  }
0x63: {  	[tilespmem:s30+$0xC210] =	vst v1  }
0x64: {  	s0 =	simm.s32 $0x0;
	[tilespmem:s30+$0xC200] =	vst v0  }
0x65: {  	[hbm4b:s10+s0] =	stream.linear.scatter [tilespmem:s24], [sflag:$0x2], $0x4000, $0x38;
	[tilespmem:$0x10200] =	vst v63  }
0x66: {  	_ =	swait.ge [sflag:s18], $0x4000  }
0x67: {  	[sflag:s18] =	ssyncset.done $0x0  }
0x68: {  	[sflag:s18] =	ssyncadd.s32 $0xFFFFC000  }
0x69: {  	[tilespmem:s20], [sflag:$0x1] =	stream.indirect.gather [hbm4b:s3+s19], $0x80, s25, s19, $0xb8;
	[tilespmem:$0x10200] =	vst v63  }
0x6a: {  	_ = 	snop  }
0x6b: {  	[tilespmem:s21], [sflag:$0x2] =	stream.linear.gather [hbm4b:s11+s0], $0x4000, $0x38;
	[tilespmem:$0x10200] =	vst v63  }
0x6c: {  	_ =	swait.ge [sflag:s18], $0x4000  }
0x6d: {  	[sflag:s18] =	ssyncset.done $0x0  }
0x6e: {  	[sflag:s18] =	ssyncadd.s32 $0xFFFFC000  }
0x6f: {  	[tilespmem:s22], [sflag:$0x2] =	stream.linear.gather [hbm4b:s12+s0], $0x4000, $0x38;
	[tilespmem:$0x10200] =	vst v63  }
0x70: {  	_ =	swait.ge [sflag:s18], $0x4000  }
0x71: {  	[sflag:s18] =	ssyncset.done $0x0  }
0x72: {  	[sflag:s18] =	ssyncadd.s32 $0xFFFFC000  }
0x73: {  	_ =	swait.ge [sflag:s23], $0x4000  }
0x74: {  	[sflag:s23] =	ssyncset.done $0x0  }
0x75: {  	s29 =	simm.s32 $0x0;
	[sflag:s23] =	ssyncadd.s32 $0xFFFFC000  }
0x76: {  	v2 =	vld [tilespmem:s29+$0x8210]  }
0x77: {  	v3 =	vld [tilespmem:s29+$0x4210]  }
0x78: {  	v6 =	vld [tilespmem:s29+$0x8200]  }
0x79: {  	v5 =	vld [tilespmem:s29+$0x210]  }
0x7a: {  	v7 =	vld [tilespmem:s29+$0x4200]  }
0x7b: {  	s30 =	simm.s32 $0x80;
	v0 =	vld [tilespmem:s29+$0x200]  }
0x7c: {  	v1 =	vld [tilespmem:s30+$0x8210];
	v2 =	vsub.f32 v2, v3  }
0x7d: {  	v3 =	vld [tilespmem:s30+$0x4210]  }
0x7e: {  	v4 =	vld [tilespmem:s30+$0x8200];
	v8 =	vadd.f32 v2, v5  }
0x7f: {  	v6 =	vsub.f32 v6, v7;
	v2 =	vld [tilespmem:s30+$0x210]  }
0x80: {  	s31 =	simm.s32 $0x400;
	v5 =	vld [tilespmem:s30+$0x4200];
	[tilespmem:s29+$0xC210] =	vst v8  }
.LBB2_6:
0x81: {  	s0 =	sshra.s32 s31, $0x2;
	v8 =	vadd.f32 v6, v0;
	v0 =	vld [tilespmem:s30+$0x200];
	p0 =	sne.s32 s31, $0xFE00  }
.Ltmp2:
0x82: {  	s31 =	sadd.s32 $0x200, s31;
	v7 =	vsub.f32 v1, v3;
	v1 =	vld [tilespmem:s0+$0x8210];
	(pc) =	sbr.rel @p0 .LBB2_6-.Ltmp2, $4  }
0x83: {  	v3 =	vld [tilespmem:s0+$0x4210];
	[tilespmem:s29+$0xC200] =	vst v8;
	v6 =	vmov v4;
	s29 =	smov.u32 s30;
	s30 =	smov.u32 s0  }
0x84: {  	v4 =	vld [tilespmem:s30+$0x8200];
	v7 =	vadd.f32 v7, v2  }
0x85: {  	v2 =	vld [tilespmem:s30+$0x210];
	v6 =	vsub.f32 v6, v5  }
0x86: {  	v5 =	vld [tilespmem:s30+$0x4200];
	[tilespmem:s29+$0xC210] =	vst v7  }
0x87: {  	_ = 	snop  }
0x88: {  	v7 =	vld [tilespmem:s30+$0x200];
	_ =	sdelay $0x1  }
0x89: {  	v1 =	vsub.f32 v1, v3  }
0x8a: {  	v0 =	vadd.f32 v6, v0;
	v3 =	vsub.f32 v4, v5  }
0x8b: {  	v1 =	vadd.f32 v1, v2  }
0x8c: {  	[tilespmem:s29+$0xC200] =	vst v0;
	v0 =	vadd.f32 v3, v7  }
0x8d: {  	[tilespmem:s30+$0xC210] =	vst v1  }
0x8e: {  	s0 =	simm.s32 $0x0;
	[tilespmem:s30+$0xC200] =	vst v0  }
0x8f: {  	[hbm4b:s13+s0] =	stream.linear.scatter [tilespmem:s24], [sflag:$0x2], $0x4000, $0x38;
	[tilespmem:$0x10200] =	vst v63  }
0x90: {  	_ =	swait.ge [sflag:s18], $0x4000  }
0x91: {  	[sflag:s18] =	ssyncset.done $0x0  }
0x92: {  	[sflag:s18] =	ssyncadd.s32 $0xFFFFC000  }
0x93: {  	[tilespmem:s20], [sflag:$0x1] =	stream.indirect.gather [hbm4b:s3+s19], $0x80, s26, s19, $0xb8;
	[tilespmem:$0x10200] =	vst v63  }
0x94: {  	_ = 	snop  }
0x95: {  	[tilespmem:s21], [sflag:$0x2] =	stream.linear.gather [hbm4b:s14+s0], $0x4000, $0x38;
	[tilespmem:$0x10200] =	vst v63  }
0x96: {  	_ =	swait.ge [sflag:s18], $0x4000  }
0x97: {  	[sflag:s18] =	ssyncset.done $0x0  }
0x98: {  	[sflag:s18] =	ssyncadd.s32 $0xFFFFC000  }
0x99: {  	[tilespmem:s22], [sflag:$0x2] =	stream.linear.gather [hbm4b:s15+s0], $0x4000, $0x38;
	[tilespmem:$0x10200] =	vst v63  }
0x9a: {  	_ =	swait.ge [sflag:s18], $0x4000  }
0x9b: {  	[sflag:s18] =	ssyncset.done $0x0  }
0x9c: {  	[sflag:s18] =	ssyncadd.s32 $0xFFFFC000  }
0x9d: {  	_ =	swait.ge [sflag:s23], $0x4000  }
0x9e: {  	[sflag:s23] =	ssyncset.done $0x0  }
0x9f: {  	s29 =	simm.s32 $0x0;
	[sflag:s23] =	ssyncadd.s32 $0xFFFFC000  }
0xa0: {  	v2 =	vld [tilespmem:s29+$0x8210]  }
0xa1: {  	v3 =	vld [tilespmem:s29+$0x4210]  }
0xa2: {  	v6 =	vld [tilespmem:s29+$0x8200]  }
0xa3: {  	v5 =	vld [tilespmem:s29+$0x210]  }
0xa4: {  	v7 =	vld [tilespmem:s29+$0x4200]  }
0xa5: {  	s30 =	simm.s32 $0x80;
	v0 =	vld [tilespmem:s29+$0x200]  }
0xa6: {  	v1 =	vld [tilespmem:s30+$0x8210];
	v2 =	vsub.f32 v2, v3  }
0xa7: {  	v3 =	vld [tilespmem:s30+$0x4210]  }
0xa8: {  	v4 =	vld [tilespmem:s30+$0x8200];
	v8 =	vadd.f32 v2, v5  }
0xa9: {  	v6 =	vsub.f32 v6, v7;
	v2 =	vld [tilespmem:s30+$0x210]  }
0xaa: {  	s31 =	simm.s32 $0x400;
	v5 =	vld [tilespmem:s30+$0x4200];
	[tilespmem:s29+$0xC210] =	vst v8  }
.LBB2_8:
0xab: {  	s0 =	sshra.s32 s31, $0x2;
	v8 =	vadd.f32 v6, v0;
	v0 =	vld [tilespmem:s30+$0x200];
	p0 =	sne.s32 s31, $0xFE00  }
.Ltmp3:
0xac: {  	s31 =	sadd.s32 $0x200, s31;
	v7 =	vsub.f32 v1, v3;
	v1 =	vld [tilespmem:s0+$0x8210];
	(pc) =	sbr.rel @p0 .LBB2_8-.Ltmp3, $4  }
0xad: {  	v3 =	vld [tilespmem:s0+$0x4210];
	[tilespmem:s29+$0xC200] =	vst v8;
	v6 =	vmov v4;
	s29 =	smov.u32 s30;
	s30 =	smov.u32 s0  }
0xae: {  	v4 =	vld [tilespmem:s30+$0x8200];
	v7 =	vadd.f32 v7, v2  }
0xaf: {  	v2 =	vld [tilespmem:s30+$0x210];
	v6 =	vsub.f32 v6, v5  }
0xb0: {  	v5 =	vld [tilespmem:s30+$0x4200];
	[tilespmem:s29+$0xC210] =	vst v7  }
0xb1: {  	_ = 	snop  }
0xb2: {  	v7 =	vld [tilespmem:s30+$0x200];
	_ =	sdelay $0x1  }
0xb3: {  	v1 =	vsub.f32 v1, v3  }
0xb4: {  	v0 =	vadd.f32 v6, v0;
	v62 =	vsub.f32 v4, v5  }
0xb5: {  	v1 =	vadd.f32 v1, v2  }
0xb6: {  	s28 =	sadd.s32 $0x1, s28;
	[tilespmem:s29+$0xC200] =	vst v0;
	v63 =	vadd.f32 v62, v7  }
0xb7: {  	p0 =	sne.s32 s28, s17;
	[tilespmem:s30+$0xC210] =	vst v1  }
.Ltmp4:
0xb8: {  	[tilespmem:s30+$0xC200] =	vst v63;
	(pc) =	sbr.rel @p0 .LBB2_1-.Ltmp4, $4  }
0xb9: {  	[hbm4b:s16+s1] =	stream.linear.scatter [tilespmem:s24], [sflag:$0x2], $0x4000, $0x38;
	[tilespmem:$0x10200] =	vst v63  }
0xba: {  	_ =	swait.ge [sflag:s18], $0x4000  }
0xbb: {  	[sflag:s18] =	ssyncset.done $0x0  }
0xbc: {  	[sflag:s18] =	ssyncadd.s32 $0xFFFFC000  }
0xbd: {  	_ =	sfence.sel $0x180000  }
0xbe: {  	[bflag:$0x0] =	sbarrier.arrive $0xFFFF  }
0xbf: {  	_ =	strace $0x9000005C  }
0xc0: {  	[bflag:$0x2] =	sbarrier.arrive $0xFFFF  }
0xc1: {  	p0 =	sne.s32 s2, $0x0;
	s0 =	rddreg [dreg:$0x2]  }
0xc2: {  	s0 =	sadd.s32 @!p0 $0x100000, s0  }
0xc3: {  	[sflag:s0] =	ssyncadd.tile.s32 @!p0 $0x1;
	_ =	shalt  }
.Lfunc_end2:
_tile_overlayer_lowered:
.L_overlay_start_2:
0xc4: {  	(tag) =	ssettag $0x2  }
0xc5: {  	s0 =	rddreg [dreg:$0x0];
	s2 =	stileid.u32  }
0xc6: {  	s1 =	rddreg [dreg:$0x1];
	p0 =	sne.s32 s2, $0x0  }
0xc7: {  	s3 =	rddreg [dreg:$0x2];
	[bflag:$0x3] =	sbarrier.arrive $0xFFFF;
	s2 =	simm.s32 @!p0 $0x1C02  }
0xc8: {  	[timem:s3], [sflag:s2] =	dma.local @!p0 [hbm:s0], s1  }
0xc9: {  	s0 =	simm.s32 @!p0 $0x2  }
0xca: {  	_ =	swait.ge @!p0 [sflag:s0], s1  }
0xcb: {  	s1 =	ssub.s32 @!p0 $0x0, s1;
	[sflag:s0] =	ssyncset.done @!p0 $0x0  }
0xcc: {  	[sflag:s0] =	ssyncadd.s32 @!p0 s1  }
0xcd: {  	[bflag:$0x3] =	sbarrier.arrive $0xFFFF  }
0xce: {  	_ =	shalt  }

</sc_bundles>
